<compile_context>
chip_gen: v7x
topology: tpu7x:2x2x1
jax: 0.10.2.dev20260603
libtpu: 0.0.44.dev20260713+nightly
codegen_flags: <defaults>
</compile_context>

<pallas_src>
import functools
import jax
import jax.numpy as jnp
from jax import lax
from jax.experimental import pallas as pl
from jax.experimental.pallas import tpu as pltpu
from jax.experimental.pallas import tpu_sc as plsc

N = 10000
NPAD = 10240
E = 320000
F_IN = 128
HID = 8
HEADS = 8
CLS = 40

NW = 32
K = 80
NCH = 125
RPT = NPAD // 16
RB = 1280
W1R = 80
W2R = 48
DEN2 = 41

_f32 = jnp.float32


def _lrelu(v):
    return jnp.maximum(v, 0.2 * v)


def _stage_a_body(x_ref, wth_ref, wtd_ref, th_ref, td_ref):
    x = x_ref[...]
    th_ref[...] = jnp.dot(x, wth_ref[...], preferred_element_type=_f32)
    td_ref[...] = jnp.dot(x, wtd_ref[...], preferred_element_type=_f32)


def _stage_a(xp, w1_th, w1_td):
    grid = (NPAD // RB,)
    return pl.pallas_call(
        _stage_a_body,
        grid=grid,
        in_specs=[
            pl.BlockSpec((RB, F_IN), lambda i: (i, 0)),
            pl.BlockSpec((F_IN, W1R), lambda i: (0, 0)),
            pl.BlockSpec((F_IN, 16), lambda i: (0, 0)),
        ],
        out_specs=[
            pl.BlockSpec((RB, W1R), lambda i: (i, 0)),
            pl.BlockSpec((RB, 16), lambda i: (i, 0)),
        ],
        out_shape=[
            jax.ShapeDtypeStruct((NPAD, W1R), _f32),
            jax.ShapeDtypeStruct((NPAD, 16), _f32),
        ],
    )(xp, w1_th, w1_td)


def _make_edge_pass(width):
    nvec = width // 16
    alpha_lead = width == W1R
    nslots = 4
    mesh = plsc.VectorSubcoreMesh(core_axis_name="c", subcore_axis_name="s")

    @functools.partial(
        pl.kernel,
        mesh=mesh,
        compiler_params=pltpu.CompilerParams(use_tc_tiling_on_sc=False),
        out_type=jax.ShapeDtypeStruct((2, NPAD, width), _f32),
        scratch_types=[
            pltpu.VMEM((NCH, K), jnp.int32),
            pltpu.VMEM((NCH, K), jnp.int32),
            pltpu.VMEM((nslots, K, 16), _f32),
            pltpu.VMEM((nslots, K, width), _f32),
            pltpu.VMEM((nslots, K, width), _f32),
            pltpu.VMEM_SHARED((NPAD, width), _f32),
        ] + [pltpu.SemaphoreType.DMA] * (2 * nslots),
    )
    def edge_pass(ei_hbm, th_hbm, td_hbm,
                  acc_out, srcv, dstv, av, hv, mv, acc_sh, *sems):
        cid = lax.axis_index("c")
        sid = lax.axis_index("s")
        wid = cid * 16 + sid
        gs = sems[:nslots]
        ss = sems[nslots:]

        def _z(k, carry):
            for j in range(nvec):
                mv[0, k, pl.ds(j * 16, 16)] = jnp.zeros((16,), _f32)
            return carry
        lax.fori_loop(0, K, _z, 0)
        for i in range(RPT // K):
            pltpu.sync_copy(mv.at[0], acc_sh.at[pl.ds(sid * RPT + i * K, K)])
        plsc.subcore_barrier()

        pltpu.sync_copy(ei_hbm.at[0, wid], srcv)
        pltpu.sync_copy(ei_hbm.at[1, wid], dstv)

        for b in range(nslots):
            pltpu.async_copy(th_hbm.at[srcv.at[b]], hv.at[b], gs[b])
            pltpu.async_copy(td_hbm.at[dstv.at[b]], av.at[b], gs[b])

        lane = lax.iota(jnp.int32, 16)
        splat40 = jnp.full((16,), 8, jnp.int32)

        def _compute(b, ci):
            def _edge(k, c2):
                if alpha_lead:
                    s = hv[b, k, pl.ds(0, 16)] + av[b, k, :]
                    w = jnp.exp(jnp.maximum(s, 0.2 * s))
                    mv[b, k, pl.ds(0, 16)] = w
                    for j in range(1, nvec):
                        o = j * 16
                        mv[b, k, pl.ds(o, 16)] = hv[b, k, pl.ds(o, 16)] * w
                else:
                    v2 = hv[b, k, pl.ds(32, 16)]
                    s = v2[splat40] + av[b, k, :]
                    w = jnp.exp(jnp.maximum(s, 0.2 * s))
                    mv[b, k, pl.ds(0, 16)] = hv[b, k, pl.ds(0, 16)] * w
                    mv[b, k, pl.ds(16, 16)] = hv[b, k, pl.ds(16, 16)] * w
                    mv[b, k, pl.ds(32, 16)] = jnp.where(
                        lane == (DEN2 - 32), w, v2 * w)
                return c2
            lax.fori_loop(0, K, _edge, 0)
            pltpu.async_copy(mv.at[b], acc_sh.at[dstv.at[ci]], ss[b],
                             add=True)

        def _round(ii, carry):
            for b in range(nslots):
                ci = ii * nslots + b
                pltpu.make_async_copy(th_hbm.at[srcv.at[ci]], hv.at[b],
                                      gs[b]).wait()
                pltpu.make_async_copy(td_hbm.at[dstv.at[ci]], av.at[b],
                                      gs[b]).wait()
                @pl.when(ii > 0)
                def _():
                    pltpu.make_async_copy(
                        mv.at[b], acc_sh.at[dstv.at[0]], ss[b]).wait()

                _compute(b, ci)

                @pl.when(ci + nslots < NCH)
                def _():
                    pltpu.async_copy(th_hbm.at[srcv.at[ci + nslots]],
                                     hv.at[b], gs[b])
                    pltpu.async_copy(td_hbm.at[dstv.at[ci + nslots]],
                                     av.at[b], gs[b])
            return carry
        nrounds = NCH // nslots
        lax.fori_loop(0, nrounds, _round, 0)

        for b in range(NCH % nslots):
            ci = nrounds * nslots + b
            pltpu.make_async_copy(th_hbm.at[srcv.at[ci]], hv.at[b],
                                  gs[b]).wait()
            pltpu.make_async_copy(td_hbm.at[dstv.at[ci]], av.at[b],
                                  gs[b]).wait()
            pltpu.make_async_copy(mv.at[b], acc_sh.at[dstv.at[0]],
                                  ss[b]).wait()
            _compute(b, ci)

        for b in range(nslots):
            pltpu.make_async_copy(mv.at[b], acc_sh.at[dstv.at[0]],
                                  ss[b]).wait()
        plsc.subcore_barrier()

        for i in range(RPT // K):
            r0 = sid * RPT + i * K
            pltpu.sync_copy(acc_sh.at[pl.ds(r0, K)], mv.at[0])
            pltpu.sync_copy(mv.at[0], acc_out.at[cid, pl.ds(r0, K)])

    return edge_pass


_edge_pass_l1 = _make_edge_pass(W1R)
_edge_pass_l2 = _make_edge_pass(W2R)


def _stage_c_body(acc0_ref, acc1_ref, th_ref, td_ref, b1t_ref, t8_ref,
                  w2th_ref, w2td_ref, th2_ref, td2_ref):
    ws = jnp.exp(_lrelu(th_ref[:, :8] + td_ref[:, :8]))
    den = acc0_ref[:, :8] + acc1_ref[:, :8] + ws
    wden = jnp.dot(jnp.concatenate([ws, den], axis=1), t8_ref[...],
                   preferred_element_type=_f32)
    wst = wden[:, :64]
    dent = wden[:, 64:]
    acc = acc0_ref[:, 16:] + acc1_ref[:, 16:] + th_ref[:, 16:] * wst
    outt = acc / (dent + 1e-16) + b1t_ref[...]
    x2 = jnp.where(outt > 0, outt, jnp.exp(jnp.minimum(outt, 0.0)) - 1.0)
    th2_ref[...] = jnp.dot(x2, w2th_ref[...], preferred_element_type=_f32)
    td2_ref[...] = jnp.dot(x2, w2td_ref[...], preferred_element_type=_f32)


def _stage_c(acc0, acc1, th, td, b1t, t8, w2_th2, w2_td2):
    grid = (NPAD // RB,)
    row = lambda i: (i, 0)
    fixed = lambda i: (0, 0)
    return pl.pallas_call(
        _stage_c_body,
        grid=grid,
        in_specs=[
            pl.BlockSpec((RB, W1R), row),
            pl.BlockSpec((RB, W1R), row),
            pl.BlockSpec((RB, W1R), row),
            pl.BlockSpec((RB, 16), row),
            pl.BlockSpec((1, 64), fixed),
            pl.BlockSpec((16, 128), fixed),
            pl.BlockSpec((64, W2R), fixed),
            pl.BlockSpec((64, 16), fixed),
        ],
        out_specs=[
            pl.BlockSpec((RB, W2R), row),
            pl.BlockSpec((RB, 16), row),
        ],
        out_shape=[
            jax.ShapeDtypeStruct((NPAD, W2R), _f32),
            jax.ShapeDtypeStruct((NPAD, 16), _f32),
        ],
    )(acc0, acc1, th, td, b1t, t8, w2_th2, w2_td2)


def _stage_e_body(acc0_ref, acc1_ref, th2_ref, td2_ref, b2_ref, o_ref):
    ws2 = jnp.exp(_lrelu(th2_ref[:, CLS:CLS + 1] + td2_ref[:, :1]))
    den2 = acc0_ref[:, DEN2:DEN2 + 1] + acc1_ref[:, DEN2:DEN2 + 1] + ws2
    acc2 = (acc0_ref[:, :CLS] + acc1_ref[:, :CLS]
            + th2_ref[:, :CLS] * ws2)
    out2 = acc2 / (den2 + 1e-16) + b2_ref[...]
    m = jnp.max(out2, axis=1, keepdims=True)
    sh = out2 - m
    o_ref[...] = sh - jnp.log(jnp.sum(jnp.exp(sh), axis=1, keepdims=True))


def _stage_e(acc0, acc1, th2, td2, b2r):
    grid = (NPAD // RB,)
    row = lambda i: (i, 0)
    fixed = lambda i: (0, 0)
    return pl.pallas_call(
        _stage_e_body,
        grid=grid,
        in_specs=[
            pl.BlockSpec((RB, W2R), row),
            pl.BlockSpec((RB, W2R), row),
            pl.BlockSpec((RB, W2R), row),
            pl.BlockSpec((RB, 16), row),
            pl.BlockSpec((1, CLS), fixed),
        ],
        out_specs=pl.BlockSpec((RB, CLS), row),
        out_shape=jax.ShapeDtypeStruct((NPAD, CLS), _f32),
    )(acc0, acc1, th2, td2, b2r)


def kernel(x, edge_index, W1, att_src1, att_dst1, b1, W2, att_src2,
           att_dst2, b2):
    perm_t = jnp.arange(64, dtype=jnp.int32)
    perm_t = (perm_t % 8) * 8 + perm_t // 8
    w1t = W1[:, perm_t]
    eye8 = jnp.eye(8, dtype=_f32)
    ast = att_src1.T.reshape(64, 1) * jnp.tile(eye8, (8, 1))
    adt = att_dst1.T.reshape(64, 1) * jnp.tile(eye8, (8, 1))
    e2 = jnp.tile(eye8, (1, 2))
    w1_th = jnp.concatenate([w1t @ ast @ e2, w1t], axis=1)
    w1_td = w1t @ adt @ e2
    b1t = b1[perm_t].reshape(1, 64)
    t8 = jnp.tile(eye8, (1, 8))
    z8 = jnp.zeros((8, 64), _f32)
    t8d = jnp.concatenate(
        [jnp.concatenate([t8, z8], axis=1),
         jnp.concatenate([z8, t8], axis=1)], axis=0)
    w2t = W2[perm_t, :]
    ones16 = jnp.ones((1, 16), _f32)
    w2_th2 = jnp.concatenate(
        [w2t, w2t @ att_src2.T,
         jnp.zeros((64, W2R - CLS - 1), _f32)], axis=1)
    w2_td2 = w2t @ att_dst2.T @ ones16
    b2r = b2.reshape(1, CLS)

    xp = jnp.pad(x, ((0, NPAD - N), (0, 0)))
    ei4 = edge_index.reshape(2, NW, NCH, K)

    th, td = _stage_a(xp, w1_th, w1_td)
    acc_p = _edge_pass_l1(ei4, th, td)
    th2, td2 = _stage_c(acc_p[0], acc_p[1], th, td, b1t, t8d, w2_th2, w2_td2)
    acc2_p = _edge_pass_l2(ei4, th2, td2)
    out = _stage_e(acc2_p[0], acc2_p[1], th2, td2, b2r)
    return out[:N]

# --- scband reference (transcript-rebuilt; emitter-appended) ---
"""Pipeline reference for scband-gat-net-52261162057815 (READ-ONLY COPY).

The authoritative reference and input builder live on the scoring server;
editing this copy changes nothing except your own understanding.
"""

import jax, jax.numpy as jnp
import numpy as np

N = 10000
E = 320000
F_IN = 128
HID = 8
HEADS = 8
CLS = 40
NEG_SLOPE = 0.2


def setup_inputs(seed: int = 0) -> dict:
    key = jax.random.key(seed)
    ks = jax.random.split(key, 12)
    x = jax.random.normal(ks[0], (N, F_IN), dtype=jnp.float32)
    edge_index = jax.random.randint(ks[1], (2, E), 0, N, dtype=jnp.int32)
    # GATConv 1: in=128, out_per_head=8, heads=8, concat=True
    W1 = jax.random.normal(ks[2], (F_IN, HEADS * HID), dtype=jnp.float32) * (1.0 / np.sqrt(F_IN))
    att_src1 = jax.random.normal(ks[3], (HEADS, HID), dtype=jnp.float32) * 0.1
    att_dst1 = jax.random.normal(ks[4], (HEADS, HID), dtype=jnp.float32) * 0.1
    b1 = jnp.zeros((HEADS * HID,), dtype=jnp.float32)
    # GATConv 2: in=64, out=40, heads=1, concat=False
    W2 = jax.random.normal(ks[5], (HEADS * HID, CLS), dtype=jnp.float32) * (1.0 / np.sqrt(HEADS * HID))
    att_src2 = jax.random.normal(ks[6], (1, CLS), dtype=jnp.float32) * 0.1
    att_dst2 = jax.random.normal(ks[7], (1, CLS), dtype=jnp.float32) * 0.1
    b2 = jnp.zeros((CLS,), dtype=jnp.float32)
    return {"x": x, "edge_index": edge_index, "W1": W1, "att_src1": att_src1,
            "att_dst1": att_dst1, "b1": b1, "W2": W2, "att_src2": att_src2,
            "att_dst2": att_dst2, "b2": b2}


def gat_conv(x, edge_index, W, att_src, att_dst, bias, heads, out_ch, concat):
    n = x.shape[0]
    # PyG GATConv adds self-loops by default
    loop = jnp.arange(n, dtype=edge_index.dtype)
    src = jnp.concatenate([edge_index[0], loop])
    dst = jnp.concatenate([edge_index[1], loop])
    h = (x @ W).reshape(n, heads, out_ch)
    alpha_src = (h * att_src[None, :, :]).sum(axis=-1)  # [N, H]
    alpha_dst = (h * att_dst[None, :, :]).sum(axis=-1)  # [N, H]
    e = jax.nn.leaky_relu(alpha_src[src] + alpha_dst[dst], negative_slope=NEG_SLOPE)  # [E', H]
    # softmax over incoming edges of each destination node
    e_max = jax.ops.segment_max(e, dst, num_segments=n)
    e_exp = jnp.exp(e - e_max[dst])
    denom = jax.ops.segment_sum(e_exp, dst, num_segments=n)
    alpha = e_exp / (denom[dst] + 1e-16)  # [E', H]
    msg = h[src] * alpha[:, :, None]  # [E', H, C]
    out = jax.ops.segment_sum(msg, dst, num_segments=n)  # [N, H, C]
    if concat:
        out = out.reshape(n, heads * out_ch)
    else:
        out = out.mean(axis=1)
    return out + bias


def reference(x, edge_index, W1, att_src1, att_dst1, b1, W2, att_src2, att_dst2, b2):
    # eval mode: dropout is identity
    h = gat_conv(x, edge_index, W1, att_src1, att_dst1, b1, HEADS, HID, True)
    h = jax.nn.elu(h)
    h = gat_conv(h, edge_index, W2, att_src2, att_dst2, b2, 1, CLS, False)
    return jax.nn.log_softmax(h, axis=1)

if __name__ == "__main__":
    import jax
    _d = setup_inputs()
    print(jax.jit(kernel)(*tuple(_d.values())))

</pallas_src>

<mosaic_0001>
#map = affine_map<(d0, d1) -> (0, 0, 0, 0)>
#map1 = affine_map<(d0, d1) -> (0, 0)>
#map2 = affine_map<(d0, d1) -> (0, 0, 0)>
module attributes {stable_mosaic.version = 14 : i64} {
  func.func @edge_pass(%arg0: i32, %arg1: i32, %arg2: memref<2x32x125x80xi32, #tpu.memory_space<hbm>>, %arg3: memref<10240x48xf32, #tpu.memory_space<hbm>>, %arg4: memref<10240x16xf32, #tpu.memory_space<hbm>>, %arg5: memref<2x10240x48xf32, #tpu.memory_space<hbm>>, %arg6: memref<125x80xi32, #tpu.memory_space<vmem>>, %arg7: memref<125x80xi32, #tpu.memory_space<vmem>>, %arg8: memref<4x80x16xf32, #tpu.memory_space<vmem>>, %arg9: memref<4x80x48xf32, #tpu.memory_space<vmem>>, %arg10: memref<4x80x48xf32, #tpu.memory_space<vmem>>, %arg11: memref<10240x48xf32, #tpu.memory_space<vmem_shared>>, %arg12: memref<!tpu.dma_semaphore, #tpu.memory_space<semaphore_mem>>, %arg13: memref<!tpu.dma_semaphore, #tpu.memory_space<semaphore_mem>>, %arg14: memref<!tpu.dma_semaphore, #tpu.memory_space<semaphore_mem>>, %arg15: memref<!tpu.dma_semaphore, #tpu.memory_space<semaphore_mem>>, %arg16: memref<!tpu.dma_semaphore, #tpu.memory_space<semaphore_mem>>, %arg17: memref<!tpu.dma_semaphore, #tpu.memory_space<semaphore_mem>>, %arg18: memref<!tpu.dma_semaphore, #tpu.memory_space<semaphore_mem>>, %arg19: memref<!tpu.dma_semaphore, #tpu.memory_space<semaphore_mem>>) attributes {dimension_semantics = [#tpu.dimension_semantics<core_parallel>, #tpu.dimension_semantics<subcore_parallel>], iteration_bounds = array<i64: 2, 16>, scalar_prefetch = 0 : i64, scratch_operands = 14 : i64, tpu.core_type = #tpu.core_type<sc_vector_subcore>, window_params = [{transform_indices = #map}, {transform_indices = #map1}, {transform_indices = #map1}, {transform_indices = #map2}]} {
    %mul3A = arith.constant 16 : i32
    %mul3A_0 = arith.muli %arg0, %mul3A : i32
    %add3A = arith.addi %mul3A_0, %arg1 : i32
    %scan3A = arith.constant 0 : i32
    %scan3A_1 = arith.constant 0 : i32
    %scan3A_2 = arith.constant 80 : i32
    %scan3A_3 = arith.addi %scan3A_1, %scan3A_2 : i32
    %scan3A_4 = arith.constant 1 : i32
    scf.for %scan3A_299 = %scan3A_1 to %scan3A_3 step %scan3A_4  : i32 {
      %broadcast_in_dim3A_300 = arith.constant 0.000000e+00 : f32
      %broadcast_in_dim3A_301 = vector.broadcast %broadcast_in_dim3A_300 : f32 to vector<16xf32>
      %swap3A = arith.constant 0 : i32
      %swap3A_302 = arith.index_cast %swap3A : i32 to index
      %swap3A_303 = arith.index_cast %scan3A_299 : i32 to index
      %swap3A_304 = arith.constant 0 : index
      %swap3A_305 = tpu.vector_load %arg10[%swap3A_302, %swap3A_303, %swap3A_304] {strides = array<i32>} : memref<4x80x48xf32, #tpu.memory_space<vmem>>, vector<1x1x16xf32>,
      %swap3A_306 = vector.shape_cast %swap3A_305 : vector<1x1x16xf32> to vector<16xf32>
      %swap3A_307 = vector.shape_cast %broadcast_in_dim3A_301 : vector<16xf32> to vector<1x1x16xf32>
      tpu.vector_store %arg10[%swap3A_302, %swap3A_303, %swap3A_304], %swap3A_307 {strides = array<i32>} : memref<4x80x48xf32, #tpu.memory_space<vmem>>, vector<1x1x16xf32>,
      %broadcast_in_dim3A_308 = arith.constant 0.000000e+00 : f32
      %broadcast_in_dim3A_309 = vector.broadcast %broadcast_in_dim3A_308 : f32 to vector<16xf32>
      %swap3A_310 = arith.constant 0 : i32
      %swap3A_311 = arith.index_cast %swap3A_310 : i32 to index
      %swap3A_312 = arith.index_cast %scan3A_299 : i32 to index
      %swap3A_313 = arith.constant 16 : index
      %swap3A_314 = tpu.vector_load %arg10[%swap3A_311, %swap3A_312, %swap3A_313] {strides = array<i32>} : memref<4x80x48xf32, #tpu.memory_space<vmem>>, vector<1x1x16xf32>,
      %swap3A_315 = vector.shape_cast %swap3A_314 : vector<1x1x16xf32> to vector<16xf32>
      %swap3A_316 = vector.shape_cast %broadcast_in_dim3A_309 : vector<16xf32> to vector<1x1x16xf32>
      tpu.vector_store %arg10[%swap3A_311, %swap3A_312, %swap3A_313], %swap3A_316 {strides = array<i32>} : memref<4x80x48xf32, #tpu.memory_space<vmem>>, vector<1x1x16xf32>,
      %broadcast_in_dim3A_317 = arith.constant 0.000000e+00 : f32
      %broadcast_in_dim3A_318 = vector.broadcast %broadcast_in_dim3A_317 : f32 to vector<16xf32>
      %swap3A_319 = arith.constant 0 : i32
      %swap3A_320 = arith.index_cast %swap3A_319 : i32 to index
      %swap3A_321 = arith.index_cast %scan3A_299 : i32 to index
      %swap3A_322 = arith.constant 32 : index
      %swap3A_323 = tpu.vector_load %arg10[%swap3A_320, %swap3A_321, %swap3A_322] {strides = array<i32>} : memref<4x80x48xf32, #tpu.memory_space<vmem>>, vector<1x1x16xf32>,
      %swap3A_324 = vector.shape_cast %swap3A_323 : vector<1x1x16xf32> to vector<16xf32>
      %swap3A_325 = vector.shape_cast %broadcast_in_dim3A_318 : vector<16xf32> to vector<1x1x16xf32>
      tpu.vector_store %arg10[%swap3A_320, %swap3A_321, %swap3A_322], %swap3A_325 {strides = array<i32>} : memref<4x80x48xf32, #tpu.memory_space<vmem>>, vector<1x1x16xf32>,
    }
    %scan3A_5 = arith.constant 80 : i32
    %mul3A_6 = arith.constant 640 : i32
    %mul3A_7 = arith.muli %arg1, %mul3A_6 : i32
    %add3A_8 = arith.constant 0 : i32
    %add3A_9 = arith.addi %mul3A_7, %add3A_8 : i32
    %run_scoped3A = arith.constant 0 : i32
    "tpu.region"() ({
      %run_scoped3A_299 = tpu.sem_alloc : memref<!tpu.dma_semaphore, #tpu.memory_space<semaphore_mem>>
      %dma_start3A_300 = arith.constant 0 : i32
      %dma_start3A_301 = arith.constant 0 : i32
      %dma_start3A_302 = tpu.memref_slice %arg10[%run_scoped3A, %dma_start3A_300, %dma_start3A_301] : memref<4x80x48xf32, #tpu.memory_space<vmem>> -> memref<1x80x48xf32, #tpu.memory_space<vmem>>
      %dma_start3A_303 = tpu.memref_squeeze %dma_start3A_302 : memref<1x80x48xf32, #tpu.memory_space<vmem>> -> memref<80x48xf32, #tpu.memory_space<vmem>>
      %dma_start3A_304 = arith.constant 0 : i32
      %dma_start3A_305 = tpu.memref_slice %arg11[%add3A_9, %dma_start3A_304] : memref<10240x48xf32, #tpu.memory_space<vmem_shared>> -> memref<80x48xf32, #tpu.memory_space<vmem_shared>>
      %dma_start3A_306 = arith.constant 0 : i32
      %dma_start3A_307 = tpu.memref_slice %arg11[%add3A_9, %dma_start3A_306] : memref<10240x48xf32, #tpu.memory_space<vmem_shared>> -> memref<80x48xf32, #tpu.memory_space<vmem_shared>>
      %dma_start3A_308 = arith.constant 0 : i32
      %dma_start3A_309 = arith.constant 0 : i32
      %dma_start3A_310 = tpu.memref_slice %arg10[%run_scoped3A, %dma_start3A_308, %dma_start3A_309] : memref<4x80x48xf32, #tpu.memory_space<vmem>> -> memref<1x80x48xf32, #tpu.memory_space<vmem>>
      %dma_start3A_311 = tpu.memref_squeeze %dma_start3A_310 : memref<1x80x48xf32, #tpu.memory_space<vmem>> -> memref<80x48xf32, #tpu.memory_space<vmem>>
      tpu.enqueue_dma source(%dma_start3A_311 : memref<80x48xf32, #tpu.memory_space<vmem>>) target(%dma_start3A_307 : memref<80x48xf32, #tpu.memory_space<vmem_shared>>) target_semaphore(%run_scoped3A_299 : memref<!tpu.dma_semaphore, #tpu.memory_space<semaphore_mem>>)
      %dma_wait3A_312 = arith.constant 0 : i32
      %dma_wait3A_313 = arith.constant 0 : i32
      %dma_wait3A_314 = tpu.memref_slice %arg10[%run_scoped3A, %dma_wait3A_312, %dma_wait3A_313] : memref<4x80x48xf32, #tpu.memory_space<vmem>> -> memref<1x80x48xf32, #tpu.memory_space<vmem>>
      %dma_wait3A_315 = tpu.memref_squeeze %dma_wait3A_314 : memref<1x80x48xf32, #tpu.memory_space<vmem>> -> memref<80x48xf32, #tpu.memory_space<vmem>>
      %dma_wait3A_316 = arith.constant 0 : i32
      %dma_wait3A_317 = tpu.memref_slice %arg11[%add3A_9, %dma_wait3A_316] : memref<10240x48xf32, #tpu.memory_space<vmem_shared>> -> memref<80x48xf32, #tpu.memory_space<vmem_shared>>
      %dma_wait3A_318 = arith.constant 0 : i32
      %dma_wait3A_319 = tpu.memref_slice %arg11[%add3A_9, %dma_wait3A_318] : memref<10240x48xf32, #tpu.memory_space<vmem_shared>> -> memref<80x48xf32, #tpu.memory_space<vmem_shared>>
      %dma_wait3A_320 = arith.constant 0 : i32
      %dma_wait3A_321 = arith.constant 0 : i32
      %dma_wait3A_322 = tpu.memref_slice %arg10[%run_scoped3A, %dma_wait3A_320, %dma_wait3A_321] : memref<4x80x48xf32, #tpu.memory_space<vmem>> -> memref<1x80x48xf32, #tpu.memory_space<vmem>>
      %dma_wait3A_323 = tpu.memref_squeeze %dma_wait3A_322 : memref<1x80x48xf32, #tpu.memory_space<vmem>> -> memref<80x48xf32, #tpu.memory_space<vmem>>
      tpu.wait_dma2 semaphore(%run_scoped3A_299 : memref<!tpu.dma_semaphore, #tpu.memory_space<semaphore_mem>>) src(%dma_wait3A_323 : memref<80x48xf32, #tpu.memory_space<vmem>>) dst(%dma_wait3A_319 : memref<80x48xf32, #tpu.memory_space<vmem_shared>>)
      tpu.yield
    }) : () -> ()
    %mul3A_10 = arith.constant 640 : i32
    %mul3A_11 = arith.muli %arg1, %mul3A_10 : i32
    %add3A_12 = arith.constant 80 : i32
    %add3A_13 = arith.addi %mul3A_11, %add3A_12 : i32
    %run_scoped3A_14 = arith.constant 0 : i32
    "tpu.region"() ({
      %run_scoped3A_299 = tpu.sem_alloc : memref<!tpu.dma_semaphore, #tpu.memory_space<semaphore_mem>>
      %dma_start3A_300 = arith.constant 0 : i32
      %dma_start3A_301 = arith.constant 0 : i32
      %dma_start3A_302 = tpu.memref_slice %arg10[%run_scoped3A_14, %dma_start3A_300, %dma_start3A_301] : memref<4x80x48xf32, #tpu.memory_space<vmem>> -> memref<1x80x48xf32, #tpu.memory_space<vmem>>
      %dma_start3A_303 = tpu.memref_squeeze %dma_start3A_302 : memref<1x80x48xf32, #tpu.memory_space<vmem>> -> memref<80x48xf32, #tpu.memory_space<vmem>>
      %dma_start3A_304 = arith.constant 0 : i32
      %dma_start3A_305 = tpu.memref_slice %arg11[%add3A_13, %dma_start3A_304] : memref<10240x48xf32, #tpu.memory_space<vmem_shared>> -> memref<80x48xf32, #tpu.memory_space<vmem_shared>>
      %dma_start3A_306 = arith.constant 0 : i32
      %dma_start3A_307 = tpu.memref_slice %arg11[%add3A_13, %dma_start3A_306] : memref<10240x48xf32, #tpu.memory_space<vmem_shared>> -> memref<80x48xf32, #tpu.memory_space<vmem_shared>>
      %dma_start3A_308 = arith.constant 0 : i32
      %dma_start3A_309 = arith.constant 0 : i32
      %dma_start3A_310 = tpu.memref_slice %arg10[%run_scoped3A_14, %dma_start3A_308, %dma_start3A_309] : memref<4x80x48xf32, #tpu.memory_space<vmem>> -> memref<1x80x48xf32, #tpu.memory_space<vmem>>
      %dma_start3A_311 = tpu.memref_squeeze %dma_start3A_310 : memref<1x80x48xf32, #tpu.memory_space<vmem>> -> memref<80x48xf32, #tpu.memory_space<vmem>>
      tpu.enqueue_dma source(%dma_start3A_311 : memref<80x48xf32, #tpu.memory_space<vmem>>) target(%dma_start3A_307 : memref<80x48xf32, #tpu.memory_space<vmem_shared>>) target_semaphore(%run_scoped3A_299 : memref<!tpu.dma_semaphore, #tpu.memory_space<semaphore_mem>>)
      %dma_wait3A_312 = arith.constant 0 : i32
      %dma_wait3A_313 = arith.constant 0 : i32
      %dma_wait3A_314 = tpu.memref_slice %arg10[%run_scoped3A_14, %dma_wait3A_312, %dma_wait3A_313] : memref<4x80x48xf32, #tpu.memory_space<vmem>> -> memref<1x80x48xf32, #tpu.memory_space<vmem>>
      %dma_wait3A_315 = tpu.memref_squeeze %dma_wait3A_314 : memref<1x80x48xf32, #tpu.memory_space<vmem>> -> memref<80x48xf32, #tpu.memory_space<vmem>>
      %dma_wait3A_316 = arith.constant 0 : i32
      %dma_wait3A_317 = tpu.memref_slice %arg11[%add3A_13, %dma_wait3A_316] : memref<10240x48xf32, #tpu.memory_space<vmem_shared>> -> memref<80x48xf32, #tpu.memory_space<vmem_shared>>
      %dma_wait3A_318 = arith.constant 0 : i32
      %dma_wait3A_319 = tpu.memref_slice %arg11[%add3A_13, %dma_wait3A_318] : memref<10240x48xf32, #tpu.memory_space<vmem_shared>> -> memref<80x48xf32, #tpu.memory_space<vmem_shared>>
      %dma_wait3A_320 = arith.constant 0 : i32
      %dma_wait3A_321 = arith.constant 0 : i32
      %dma_wait3A_322 = tpu.memref_slice %arg10[%run_scoped3A_14, %dma_wait3A_320, %dma_wait3A_321] : memref<4x80x48xf32, #tpu.memory_space<vmem>> -> memref<1x80x48xf32, #tpu.memory_space<vmem>>
      %dma_wait3A_323 = tpu.memref_squeeze %dma_wait3A_322 : memref<1x80x48xf32, #tpu.memory_space<vmem>> -> memref<80x48xf32, #tpu.memory_space<vmem>>
      tpu.wait_dma2 semaphore(%run_scoped3A_299 : memref<!tpu.dma_semaphore, #tpu.memory_space<semaphore_mem>>) src(%dma_wait3A_323 : memref<80x48xf32, #tpu.memory_space<vmem>>) dst(%dma_wait3A_319 : memref<80x48xf32, #tpu.memory_space<vmem_shared>>)
      tpu.yield
    }) : () -> ()
    %mul3A_15 = arith.constant 640 : i32
    %mul3A_16 = arith.muli %arg1, %mul3A_15 : i32
    %add3A_17 = arith.constant 160 : i32
    %add3A_18 = arith.addi %mul3A_16, %add3A_17 : i32
    %run_scoped3A_19 = arith.constant 0 : i32
    "tpu.region"() ({
      %run_scoped3A_299 = tpu.sem_alloc : memref<!tpu.dma_semaphore, #tpu.memory_space<semaphore_mem>>
      %dma_start3A_300 = arith.constant 0 : i32
      %dma_start3A_301 = arith.constant 0 : i32
      %dma_start3A_302 = tpu.memref_slice %arg10[%run_scoped3A_19, %dma_start3A_300, %dma_start3A_301] : memref<4x80x48xf32, #tpu.memory_space<vmem>> -> memref<1x80x48xf32, #tpu.memory_space<vmem>>
      %dma_start3A_303 = tpu.memref_squeeze %dma_start3A_302 : memref<1x80x48xf32, #tpu.memory_space<vmem>> -> memref<80x48xf32, #tpu.memory_space<vmem>>
      %dma_start3A_304 = arith.constant 0 : i32
      %dma_start3A_305 = tpu.memref_slice %arg11[%add3A_18, %dma_start3A_304] : memref<10240x48xf32, #tpu.memory_space<vmem_shared>> -> memref<80x48xf32, #tpu.memory_space<vmem_shared>>
      %dma_start3A_306 = arith.constant 0 : i32
      %dma_start3A_307 = tpu.memref_slice %arg11[%add3A_18, %dma_start3A_306] : memref<10240x48xf32, #tpu.memory_space<vmem_shared>> -> memref<80x48xf32, #tpu.memory_space<vmem_shared>>
      %dma_start3A_308 = arith.constant 0 : i32
      %dma_start3A_309 = arith.constant 0 : i32
      %dma_start3A_310 = tpu.memref_slice %arg10[%run_scoped3A_19, %dma_start3A_308, %dma_start3A_309] : memref<4x80x48xf32, #tpu.memory_space<vmem>> -> memref<1x80x48xf32, #tpu.memory_space<vmem>>
      %dma_start3A_311 = tpu.memref_squeeze %dma_start3A_310 : memref<1x80x48xf32, #tpu.memory_space<vmem>> -> memref<80x48xf32, #tpu.memory_space<vmem>>
      tpu.enqueue_dma source(%dma_start3A_311 : memref<80x48xf32, #tpu.memory_space<vmem>>) target(%dma_start3A_307 : memref<80x48xf32, #tpu.memory_space<vmem_shared>>) target_semaphore(%run_scoped3A_299 : memref<!tpu.dma_semaphore, #tpu.memory_space<semaphore_mem>>)
      %dma_wait3A_312 = arith.constant 0 : i32
      %dma_wait3A_313 = arith.constant 0 : i32
      %dma_wait3A_314 = tpu.memref_slice %arg10[%run_scoped3A_19, %dma_wait3A_312, %dma_wait3A_313] : memref<4x80x48xf32, #tpu.memory_space<vmem>> -> memref<1x80x48xf32, #tpu.memory_space<vmem>>
      %dma_wait3A_315 = tpu.memref_squeeze %dma_wait3A_314 : memref<1x80x48xf32, #tpu.memory_space<vmem>> -> memref<80x48xf32, #tpu.memory_space<vmem>>
      %dma_wait3A_316 = arith.constant 0 : i32
      %dma_wait3A_317 = tpu.memref_slice %arg11[%add3A_18, %dma_wait3A_316] : memref<10240x48xf32, #tpu.memory_space<vmem_shared>> -> memref<80x48xf32, #tpu.memory_space<vmem_shared>>
      %dma_wait3A_318 = arith.constant 0 : i32
      %dma_wait3A_319 = tpu.memref_slice %arg11[%add3A_18, %dma_wait3A_318] : memref<10240x48xf32, #tpu.memory_space<vmem_shared>> -> memref<80x48xf32, #tpu.memory_space<vmem_shared>>
      %dma_wait3A_320 = arith.constant 0 : i32
      %dma_wait3A_321 = arith.constant 0 : i32
      %dma_wait3A_322 = tpu.memref_slice %arg10[%run_scoped3A_19, %dma_wait3A_320, %dma_wait3A_321] : memref<4x80x48xf32, #tpu.memory_space<vmem>> -> memref<1x80x48xf32, #tpu.memory_space<vmem>>
      %dma_wait3A_323 = tpu.memref_squeeze %dma_wait3A_322 : memref<1x80x48xf32, #tpu.memory_space<vmem>> -> memref<80x48xf32, #tpu.memory_space<vmem>>
      tpu.wait_dma2 semaphore(%run_scoped3A_299 : memref<!tpu.dma_semaphore, #tpu.memory_space<semaphore_mem>>) src(%dma_wait3A_323 : memref<80x48xf32, #tpu.memory_space<vmem>>) dst(%dma_wait3A_319 : memref<80x48xf32, #tpu.memory_space<vmem_shared>>)
      tpu.yield
    }) : () -> ()
    %mul3A_20 = arith.constant 640 : i32
    %mul3A_21 = arith.muli %arg1, %mul3A_20 : i32
    %add3A_22 = arith.constant 240 : i32
    %add3A_23 = arith.addi %mul3A_21, %add3A_22 : i32
    %run_scoped3A_24 = arith.constant 0 : i32
    "tpu.region"() ({
      %run_scoped3A_299 = tpu.sem_alloc : memref<!tpu.dma_semaphore, #tpu.memory_space<semaphore_mem>>
      %dma_start3A_300 = arith.constant 0 : i32
      %dma_start3A_301 = arith.constant 0 : i32
      %dma_start3A_302 = tpu.memref_slice %arg10[%run_scoped3A_24, %dma_start3A_300, %dma_start3A_301] : memref<4x80x48xf32, #tpu.memory_space<vmem>> -> memref<1x80x48xf32, #tpu.memory_space<vmem>>
      %dma_start3A_303 = tpu.memref_squeeze %dma_start3A_302 : memref<1x80x48xf32, #tpu.memory_space<vmem>> -> memref<80x48xf32, #tpu.memory_space<vmem>>
      %dma_start3A_304 = arith.constant 0 : i32
      %dma_start3A_305 = tpu.memref_slice %arg11[%add3A_23, %dma_start3A_304] : memref<10240x48xf32, #tpu.memory_space<vmem_shared>> -> memref<80x48xf32, #tpu.memory_space<vmem_shared>>
      %dma_start3A_306 = arith.constant 0 : i32
      %dma_start3A_307 = tpu.memref_slice %arg11[%add3A_23, %dma_start3A_306] : memref<10240x48xf32, #tpu.memory_space<vmem_shared>> -> memref<80x48xf32, #tpu.memory_space<vmem_shared>>
      %dma_start3A_308 = arith.constant 0 : i32
      %dma_start3A_309 = arith.constant 0 : i32
      %dma_start3A_310 = tpu.memref_slice %arg10[%run_scoped3A_24, %dma_start3A_308, %dma_start3A_309] : memref<4x80x48xf32, #tpu.memory_space<vmem>> -> memref<1x80x48xf32, #tpu.memory_space<vmem>>
      %dma_start3A_311 = tpu.memref_squeeze %dma_start3A_310 : memref<1x80x48xf32, #tpu.memory_space<vmem>> -> memref<80x48xf32, #tpu.memory_space<vmem>>
      tpu.enqueue_dma source(%dma_start3A_311 : memref<80x48xf32, #tpu.memory_space<vmem>>) target(%dma_start3A_307 : memref<80x48xf32, #tpu.memory_space<vmem_shared>>) target_semaphore(%run_scoped3A_299 : memref<!tpu.dma_semaphore, #tpu.memory_space<semaphore_mem>>)
      %dma_wait3A_312 = arith.constant 0 : i32
      %dma_wait3A_313 = arith.constant 0 : i32
      %dma_wait3A_314 = tpu.memref_slice %arg10[%run_scoped3A_24, %dma_wait3A_312, %dma_wait3A_313] : memref<4x80x48xf32, #tpu.memory_space<vmem>> -> memref<1x80x48xf32, #tpu.memory_space<vmem>>
      %dma_wait3A_315 = tpu.memref_squeeze %dma_wait3A_314 : memref<1x80x48xf32, #tpu.memory_space<vmem>> -> memref<80x48xf32, #tpu.memory_space<vmem>>
      %dma_wait3A_316 = arith.constant 0 : i32
      %dma_wait3A_317 = tpu.memref_slice %arg11[%add3A_23, %dma_wait3A_316] : memref<10240x48xf32, #tpu.memory_space<vmem_shared>> -> memref<80x48xf32, #tpu.memory_space<vmem_shared>>
      %dma_wait3A_318 = arith.constant 0 : i32
      %dma_wait3A_319 = tpu.memref_slice %arg11[%add3A_23, %dma_wait3A_318] : memref<10240x48xf32, #tpu.memory_space<vmem_shared>> -> memref<80x48xf32, #tpu.memory_space<vmem_shared>>
      %dma_wait3A_320 = arith.constant 0 : i32
      %dma_wait3A_321 = arith.constant 0 : i32
      %dma_wait3A_322 = tpu.memref_slice %arg10[%run_scoped3A_24, %dma_wait3A_320, %dma_wait3A_321] : memref<4x80x48xf32, #tpu.memory_space<vmem>> -> memref<1x80x48xf32, #tpu.memory_space<vmem>>
      %dma_wait3A_323 = tpu.memref_squeeze %dma_wait3A_322 : memref<1x80x48xf32, #tpu.memory_space<vmem>> -> memref<80x48xf32, #tpu.memory_space<vmem>>
      tpu.wait_dma2 semaphore(%run_scoped3A_299 : memref<!tpu.dma_semaphore, #tpu.memory_space<semaphore_mem>>) src(%dma_wait3A_323 : memref<80x48xf32, #tpu.memory_space<vmem>>) dst(%dma_wait3A_319 : memref<80x48xf32, #tpu.memory_space<vmem_shared>>)
      tpu.yield
    }) : () -> ()
    %mul3A_25 = arith.constant 640 : i32
    %mul3A_26 = arith.muli %arg1, %mul3A_25 : i32
    %add3A_27 = arith.constant 320 : i32
    %add3A_28 = arith.addi %mul3A_26, %add3A_27 : i32
    %run_scoped3A_29 = arith.constant 0 : i32
    "tpu.region"() ({
      %run_scoped3A_299 = tpu.sem_alloc : memref<!tpu.dma_semaphore, #tpu.memory_space<semaphore_mem>>
      %dma_start3A_300 = arith.constant 0 : i32
      %dma_start3A_301 = arith.constant 0 : i32
      %dma_start3A_302 = tpu.memref_slice %arg10[%run_scoped3A_29, %dma_start3A_300, %dma_start3A_301] : memref<4x80x48xf32, #tpu.memory_space<vmem>> -> memref<1x80x48xf32, #tpu.memory_space<vmem>>
      %dma_start3A_303 = tpu.memref_squeeze %dma_start3A_302 : memref<1x80x48xf32, #tpu.memory_space<vmem>> -> memref<80x48xf32, #tpu.memory_space<vmem>>
      %dma_start3A_304 = arith.constant 0 : i32
      %dma_start3A_305 = tpu.memref_slice %arg11[%add3A_28, %dma_start3A_304] : memref<10240x48xf32, #tpu.memory_space<vmem_shared>> -> memref<80x48xf32, #tpu.memory_space<vmem_shared>>
      %dma_start3A_306 = arith.constant 0 : i32
      %dma_start3A_307 = tpu.memref_slice %arg11[%add3A_28, %dma_start3A_306] : memref<10240x48xf32, #tpu.memory_space<vmem_shared>> -> memref<80x48xf32, #tpu.memory_space<vmem_shared>>
      %dma_start3A_308 = arith.constant 0 : i32
      %dma_start3A_309 = arith.constant 0 : i32
      %dma_start3A_310 = tpu.memref_slice %arg10[%run_scoped3A_29, %dma_start3A_308, %dma_start3A_309] : memref<4x80x48xf32, #tpu.memory_space<vmem>> -> memref<1x80x48xf32, #tpu.memory_space<vmem>>
      %dma_start3A_311 = tpu.memref_squeeze %dma_start3A_310 : memref<1x80x48xf32, #tpu.memory_space<vmem>> -> memref<80x48xf32, #tpu.memory_space<vmem>>
      tpu.enqueue_dma source(%dma_start3A_311 : memref<80x48xf32, #tpu.memory_space<vmem>>) target(%dma_start3A_307 : memref<80x48xf32, #tpu.memory_space<vmem_shared>>) target_semaphore(%run_scoped3A_299 : memref<!tpu.dma_semaphore, #tpu.memory_space<semaphore_mem>>)
      %dma_wait3A_312 = arith.constant 0 : i32
      %dma_wait3A_313 = arith.constant 0 : i32
      %dma_wait3A_314 = tpu.memref_slice %arg10[%run_scoped3A_29, %dma_wait3A_312, %dma_wait3A_313] : memref<4x80x48xf32, #tpu.memory_space<vmem>> -> memref<1x80x48xf32, #tpu.memory_space<vmem>>
      %dma_wait3A_315 = tpu.memref_squeeze %dma_wait3A_314 : memref<1x80x48xf32, #tpu.memory_space<vmem>> -> memref<80x48xf32, #tpu.memory_space<vmem>>
      %dma_wait3A_316 = arith.constant 0 : i32
      %dma_wait3A_317 = tpu.memref_slice %arg11[%add3A_28, %dma_wait3A_316] : memref<10240x48xf32, #tpu.memory_space<vmem_shared>> -> memref<80x48xf32, #tpu.memory_space<vmem_shared>>
      %dma_wait3A_318 = arith.constant 0 : i32
      %dma_wait3A_319 = tpu.memref_slice %arg11[%add3A_28, %dma_wait3A_318] : memref<10240x48xf32, #tpu.memory_space<vmem_shared>> -> memref<80x48xf32, #tpu.memory_space<vmem_shared>>
      %dma_wait3A_320 = arith.constant 0 : i32
      %dma_wait3A_321 = arith.constant 0 : i32
      %dma_wait3A_322 = tpu.memref_slice %arg10[%run_scoped3A_29, %dma_wait3A_320, %dma_wait3A_321] : memref<4x80x48xf32, #tpu.memory_space<vmem>> -> memref<1x80x48xf32, #tpu.memory_space<vmem>>
      %dma_wait3A_323 = tpu.memref_squeeze %dma_wait3A_322 : memref<1x80x48xf32, #tpu.memory_space<vmem>> -> memref<80x48xf32, #tpu.memory_space<vmem>>
      tpu.wait_dma2 semaphore(%run_scoped3A_299 : memref<!tpu.dma_semaphore, #tpu.memory_space<semaphore_mem>>) src(%dma_wait3A_323 : memref<80x48xf32, #tpu.memory_space<vmem>>) dst(%dma_wait3A_319 : memref<80x48xf32, #tpu.memory_space<vmem_shared>>)
      tpu.yield
    }) : () -> ()
    %mul3A_30 = arith.constant 640 : i32
    %mul3A_31 = arith.muli %arg1, %mul3A_30 : i32
    %add3A_32 = arith.constant 400 : i32
    %add3A_33 = arith.addi %mul3A_31, %add3A_32 : i32
    %run_scoped3A_34 = arith.constant 0 : i32
    "tpu.region"() ({
      %run_scoped3A_299 = tpu.sem_alloc : memref<!tpu.dma_semaphore, #tpu.memory_space<semaphore_mem>>
      %dma_start3A_300 = arith.constant 0 : i32
      %dma_start3A_301 = arith.constant 0 : i32
      %dma_start3A_302 = tpu.memref_slice %arg10[%run_scoped3A_34, %dma_start3A_300, %dma_start3A_301] : memref<4x80x48xf32, #tpu.memory_space<vmem>> -> memref<1x80x48xf32, #tpu.memory_space<vmem>>
      %dma_start3A_303 = tpu.memref_squeeze %dma_start3A_302 : memref<1x80x48xf32, #tpu.memory_space<vmem>> -> memref<80x48xf32, #tpu.memory_space<vmem>>
      %dma_start3A_304 = arith.constant 0 : i32
      %dma_start3A_305 = tpu.memref_slice %arg11[%add3A_33, %dma_start3A_304] : memref<10240x48xf32, #tpu.memory_space<vmem_shared>> -> memref<80x48xf32, #tpu.memory_space<vmem_shared>>
      %dma_start3A_306 = arith.constant 0 : i32
      %dma_start3A_307 = tpu.memref_slice %arg11[%add3A_33, %dma_start3A_306] : memref<10240x48xf32, #tpu.memory_space<vmem_shared>> -> memref<80x48xf32, #tpu.memory_space<vmem_shared>>
      %dma_start3A_308 = arith.constant 0 : i32
      %dma_start3A_309 = arith.constant 0 : i32
      %dma_start3A_310 = tpu.memref_slice %arg10[%run_scoped3A_34, %dma_start3A_308, %dma_start3A_309] : memref<4x80x48xf32, #tpu.memory_space<vmem>> -> memref<1x80x48xf32, #tpu.memory_space<vmem>>
      %dma_start3A_311 = tpu.memref_squeeze %dma_start3A_310 : memref<1x80x48xf32, #tpu.memory_space<vmem>> -> memref<80x48xf32, #tpu.memory_space<vmem>>
      tpu.enqueue_dma source(%dma_start3A_311 : memref<80x48xf32, #tpu.memory_space<vmem>>) target(%dma_start3A_307 : memref<80x48xf32, #tpu.memory_space<vmem_shared>>) target_semaphore(%run_scoped3A_299 : memref<!tpu.dma_semaphore, #tpu.memory_space<semaphore_mem>>)
      %dma_wait3A_312 = arith.constant 0 : i32
      %dma_wait3A_313 = arith.constant 0 : i32
      %dma_wait3A_314 = tpu.memref_slice %arg10[%run_scoped3A_34, %dma_wait3A_312, %dma_wait3A_313] : memref<4x80x48xf32, #tpu.memory_space<vmem>> -> memref<1x80x48xf32, #tpu.memory_space<vmem>>
      %dma_wait3A_315 = tpu.memref_squeeze %dma_wait3A_314 : memref<1x80x48xf32, #tpu.memory_space<vmem>> -> memref<80x48xf32, #tpu.memory_space<vmem>>
      %dma_wait3A_316 = arith.constant 0 : i32
      %dma_wait3A_317 = tpu.memref_slice %arg11[%add3A_33, %dma_wait3A_316] : memref<10240x48xf32, #tpu.memory_space<vmem_shared>> -> memref<80x48xf32, #tpu.memory_space<vmem_shared>>
      %dma_wait3A_318 = arith.constant 0 : i32
      %dma_wait3A_319 = tpu.memref_slice %arg11[%add3A_33, %dma_wait3A_318] : memref<10240x48xf32, #tpu.memory_space<vmem_shared>> -> memref<80x48xf32, #tpu.memory_space<vmem_shared>>
      %dma_wait3A_320 = arith.constant 0 : i32
      %dma_wait3A_321 = arith.constant 0 : i32
      %dma_wait3A_322 = tpu.memref_slice %arg10[%run_scoped3A_34, %dma_wait3A_320, %dma_wait3A_321] : memref<4x80x48xf32, #tpu.memory_space<vmem>> -> memref<1x80x48xf32, #tpu.memory_space<vmem>>
      %dma_wait3A_323 = tpu.memref_squeeze %dma_wait3A_322 : memref<1x80x48xf32, #tpu.memory_space<vmem>> -> memref<80x48xf32, #tpu.memory_space<vmem>>
      tpu.wait_dma2 semaphore(%run_scoped3A_299 : memref<!tpu.dma_semaphore, #tpu.memory_space<semaphore_mem>>) src(%dma_wait3A_323 : memref<80x48xf32, #tpu.memory_space<vmem>>) dst(%dma_wait3A_319 : memref<80x48xf32, #tpu.memory_space<vmem_shared>>)
      tpu.yield
    }) : () -> ()
    %mul3A_35 = arith.constant 640 : i32
    %mul3A_36 = arith.muli %arg1, %mul3A_35 : i32
    %add3A_37 = arith.constant 480 : i32
    %add3A_38 = arith.addi %mul3A_36, %add3A_37 : i32
    %run_scoped3A_39 = arith.constant 0 : i32
    "tpu.region"() ({
      %run_scoped3A_299 = tpu.sem_alloc : memref<!tpu.dma_semaphore, #tpu.memory_space<semaphore_mem>>
      %dma_start3A_300 = arith.constant 0 : i32
      %dma_start3A_301 = arith.constant 0 : i32
      %dma_start3A_302 = tpu.memref_slice %arg10[%run_scoped3A_39, %dma_start3A_300, %dma_start3A_301] : memref<4x80x48xf32, #tpu.memory_space<vmem>> -> memref<1x80x48xf32, #tpu.memory_space<vmem>>
      %dma_start3A_303 = tpu.memref_squeeze %dma_start3A_302 : memref<1x80x48xf32, #tpu.memory_space<vmem>> -> memref<80x48xf32, #tpu.memory_space<vmem>>
      %dma_start3A_304 = arith.constant 0 : i32
      %dma_start3A_305 = tpu.memref_slice %arg11[%add3A_38, %dma_start3A_304] : memref<10240x48xf32, #tpu.memory_space<vmem_shared>> -> memref<80x48xf32, #tpu.memory_space<vmem_shared>>
      %dma_start3A_306 = arith.constant 0 : i32
      %dma_start3A_307 = tpu.memref_slice %arg11[%add3A_38, %dma_start3A_306] : memref<10240x48xf32, #tpu.memory_space<vmem_shared>> -> memref<80x48xf32, #tpu.memory_space<vmem_shared>>
      %dma_start3A_308 = arith.constant 0 : i32
      %dma_start3A_309 = arith.constant 0 : i32
      %dma_start3A_310 = tpu.memref_slice %arg10[%run_scoped3A_39, %dma_start3A_308, %dma_start3A_309] : memref<4x80x48xf32, #tpu.memory_space<vmem>> -> memref<1x80x48xf32, #tpu.memory_space<vmem>>
      %dma_start3A_311 = tpu.memref_squeeze %dma_start3A_310 : memref<1x80x48xf32, #tpu.memory_space<vmem>> -> memref<80x48xf32, #tpu.memory_space<vmem>>
      tpu.enqueue_dma source(%dma_start3A_311 : memref<80x48xf32, #tpu.memory_space<vmem>>) target(%dma_start3A_307 : memref<80x48xf32, #tpu.memory_space<vmem_shared>>) target_semaphore(%run_scoped3A_299 : memref<!tpu.dma_semaphore, #tpu.memory_space<semaphore_mem>>)
      %dma_wait3A_312 = arith.constant 0 : i32
      %dma_wait3A_313 = arith.constant 0 : i32
      %dma_wait3A_314 = tpu.memref_slice %arg10[%run_scoped3A_39, %dma_wait3A_312, %dma_wait3A_313] : memref<4x80x48xf32, #tpu.memory_space<vmem>> -> memref<1x80x48xf32, #tpu.memory_space<vmem>>
      %dma_wait3A_315 = tpu.memref_squeeze %dma_wait3A_314 : memref<1x80x48xf32, #tpu.memory_space<vmem>> -> memref<80x48xf32, #tpu.memory_space<vmem>>
      %dma_wait3A_316 = arith.constant 0 : i32
      %dma_wait3A_317 = tpu.memref_slice %arg11[%add3A_38, %dma_wait3A_316] : memref<10240x48xf32, #tpu.memory_space<vmem_shared>> -> memref<80x48xf32, #tpu.memory_space<vmem_shared>>
      %dma_wait3A_318 = arith.constant 0 : i32
      %dma_wait3A_319 = tpu.memref_slice %arg11[%add3A_38, %dma_wait3A_318] : memref<10240x48xf32, #tpu.memory_space<vmem_shared>> -> memref<80x48xf32, #tpu.memory_space<vmem_shared>>
      %dma_wait3A_320 = arith.constant 0 : i32
      %dma_wait3A_321 = arith.constant 0 : i32
      %dma_wait3A_322 = tpu.memref_slice %arg10[%run_scoped3A_39, %dma_wait3A_320, %dma_wait3A_321] : memref<4x80x48xf32, #tpu.memory_space<vmem>> -> memref<1x80x48xf32, #tpu.memory_space<vmem>>
      %dma_wait3A_323 = tpu.memref_squeeze %dma_wait3A_322 : memref<1x80x48xf32, #tpu.memory_space<vmem>> -> memref<80x48xf32, #tpu.memory_space<vmem>>
      tpu.wait_dma2 semaphore(%run_scoped3A_299 : memref<!tpu.dma_semaphore, #tpu.memory_space<semaphore_mem>>) src(%dma_wait3A_323 : memref<80x48xf32, #tpu.memory_space<vmem>>) dst(%dma_wait3A_319 : memref<80x48xf32, #tpu.memory_space<vmem_shared>>)
      tpu.yield
    }) : () -> ()
    %mul3A_40 = arith.constant 640 : i32
    %mul3A_41 = arith.muli %arg1, %mul3A_40 : i32
    %add3A_42 = arith.constant 560 : i32
    %add3A_43 = arith.addi %mul3A_41, %add3A_42 : i32
    %run_scoped3A_44 = arith.constant 0 : i32
    "tpu.region"() ({
      %run_scoped3A_299 = tpu.sem_alloc : memref<!tpu.dma_semaphore, #tpu.memory_space<semaphore_mem>>
      %dma_start3A_300 = arith.constant 0 : i32
      %dma_start3A_301 = arith.constant 0 : i32
      %dma_start3A_302 = tpu.memref_slice %arg10[%run_scoped3A_44, %dma_start3A_300, %dma_start3A_301] : memref<4x80x48xf32, #tpu.memory_space<vmem>> -> memref<1x80x48xf32, #tpu.memory_space<vmem>>
      %dma_start3A_303 = tpu.memref_squeeze %dma_start3A_302 : memref<1x80x48xf32, #tpu.memory_space<vmem>> -> memref<80x48xf32, #tpu.memory_space<vmem>>
      %dma_start3A_304 = arith.constant 0 : i32
      %dma_start3A_305 = tpu.memref_slice %arg11[%add3A_43, %dma_start3A_304] : memref<10240x48xf32, #tpu.memory_space<vmem_shared>> -> memref<80x48xf32, #tpu.memory_space<vmem_shared>>
      %dma_start3A_306 = arith.constant 0 : i32
      %dma_start3A_307 = tpu.memref_slice %arg11[%add3A_43, %dma_start3A_306] : memref<10240x48xf32, #tpu.memory_space<vmem_shared>> -> memref<80x48xf32, #tpu.memory_space<vmem_shared>>
      %dma_start3A_308 = arith.constant 0 : i32
      %dma_start3A_309 = arith.constant 0 : i32
      %dma_start3A_310 = tpu.memref_slice %arg10[%run_scoped3A_44, %dma_start3A_308, %dma_start3A_309] : memref<4x80x48xf32, #tpu.memory_space<vmem>> -> memref<1x80x48xf32, #tpu.memory_space<vmem>>
      %dma_start3A_311 = tpu.memref_squeeze %dma_start3A_310 : memref<1x80x48xf32, #tpu.memory_space<vmem>> -> memref<80x48xf32, #tpu.memory_space<vmem>>
      tpu.enqueue_dma source(%dma_start3A_311 : memref<80x48xf32, #tpu.memory_space<vmem>>) target(%dma_start3A_307 : memref<80x48xf32, #tpu.memory_space<vmem_shared>>) target_semaphore(%run_scoped3A_299 : memref<!tpu.dma_semaphore, #tpu.memory_space<semaphore_mem>>)
      %dma_wait3A_312 = arith.constant 0 : i32
      %dma_wait3A_313 = arith.constant 0 : i32
      %dma_wait3A_314 = tpu.memref_slice %arg10[%run_scoped3A_44, %dma_wait3A_312, %dma_wait3A_313] : memref<4x80x48xf32, #tpu.memory_space<vmem>> -> memref<1x80x48xf32, #tpu.memory_space<vmem>>
      %dma_wait3A_315 = tpu.memref_squeeze %dma_wait3A_314 : memref<1x80x48xf32, #tpu.memory_space<vmem>> -> memref<80x48xf32, #tpu.memory_space<vmem>>
      %dma_wait3A_316 = arith.constant 0 : i32
      %dma_wait3A_317 = tpu.memref_slice %arg11[%add3A_43, %dma_wait3A_316] : memref<10240x48xf32, #tpu.memory_space<vmem_shared>> -> memref<80x48xf32, #tpu.memory_space<vmem_shared>>
      %dma_wait3A_318 = arith.constant 0 : i32
      %dma_wait3A_319 = tpu.memref_slice %arg11[%add3A_43, %dma_wait3A_318] : memref<10240x48xf32, #tpu.memory_space<vmem_shared>> -> memref<80x48xf32, #tpu.memory_space<vmem_shared>>
      %dma_wait3A_320 = arith.constant 0 : i32
      %dma_wait3A_321 = arith.constant 0 : i32
      %dma_wait3A_322 = tpu.memref_slice %arg10[%run_scoped3A_44, %dma_wait3A_320, %dma_wait3A_321] : memref<4x80x48xf32, #tpu.memory_space<vmem>> -> memref<1x80x48xf32, #tpu.memory_space<vmem>>
      %dma_wait3A_323 = tpu.memref_squeeze %dma_wait3A_322 : memref<1x80x48xf32, #tpu.memory_space<vmem>> -> memref<80x48xf32, #tpu.memory_space<vmem>>
      tpu.wait_dma2 semaphore(%run_scoped3A_299 : memref<!tpu.dma_semaphore, #tpu.memory_space<semaphore_mem>>) src(%dma_wait3A_323 : memref<80x48xf32, #tpu.memory_space<vmem>>) dst(%dma_wait3A_319 : memref<80x48xf32, #tpu.memory_space<vmem_shared>>)
      tpu.yield
    }) : () -> ()
    %barrier3A = arith.constant 0 : index
    tpu.barrier barrier_id(%barrier3A)
    %run_scoped3A_45 = arith.constant 0 : i32
    "tpu.region"() ({
      %run_scoped3A_299 = tpu.sem_alloc : memref<!tpu.dma_semaphore, #tpu.memory_space<semaphore_mem>>
      %dma_start3A_300 = arith.constant 0 : i32
      %dma_start3A_301 = arith.constant 0 : i32
      %dma_start3A_302 = tpu.memref_slice %arg2[%run_scoped3A_45, %add3A, %dma_start3A_300, %dma_start3A_301] : memref<2x32x125x80xi32, #tpu.memory_space<hbm>> -> memref<1x1x125x80xi32, #tpu.memory_space<hbm>>
      %dma_start3A_303 = tpu.memref_squeeze %dma_start3A_302 : memref<1x1x125x80xi32, #tpu.memory_space<hbm>> -> memref<125x80xi32, #tpu.memory_space<hbm>>
      %dma_start3A_304 = arith.constant 0 : i32
      %dma_start3A_305 = arith.constant 0 : i32
      %dma_start3A_306 = tpu.memref_slice %arg2[%run_scoped3A_45, %add3A, %dma_start3A_304, %dma_start3A_305] : memref<2x32x125x80xi32, #tpu.memory_space<hbm>> -> memref<1x1x125x80xi32, #tpu.memory_space<hbm>>
      %dma_start3A_307 = tpu.memref_squeeze %dma_start3A_306 : memref<1x1x125x80xi32, #tpu.memory_space<hbm>> -> memref<125x80xi32, #tpu.memory_space<hbm>>
      tpu.enqueue_dma source(%dma_start3A_307 : memref<125x80xi32, #tpu.memory_space<hbm>>) target(%arg6 : memref<125x80xi32, #tpu.memory_space<vmem>>) target_semaphore(%run_scoped3A_299 : memref<!tpu.dma_semaphore, #tpu.memory_space<semaphore_mem>>)
      %dma_wait3A_308 = arith.constant 0 : i32
      %dma_wait3A_309 = arith.constant 0 : i32
      %dma_wait3A_310 = tpu.memref_slice %arg2[%run_scoped3A_45, %add3A, %dma_wait3A_308, %dma_wait3A_309] : memref<2x32x125x80xi32, #tpu.memory_space<hbm>> -> memref<1x1x125x80xi32, #tpu.memory_space<hbm>>
      %dma_wait3A_311 = tpu.memref_squeeze %dma_wait3A_310 : memref<1x1x125x80xi32, #tpu.memory_space<hbm>> -> memref<125x80xi32, #tpu.memory_space<hbm>>
      %dma_wait3A_312 = arith.constant 0 : i32
      %dma_wait3A_313 = arith.constant 0 : i32
      %dma_wait3A_314 = tpu.memref_slice %arg2[%run_scoped3A_45, %add3A, %dma_wait3A_312, %dma_wait3A_313] : memref<2x32x125x80xi32, #tpu.memory_space<hbm>> -> memref<1x1x125x80xi32, #tpu.memory_space<hbm>>
      %dma_wait3A_315 = tpu.memref_squeeze %dma_wait3A_314 : memref<1x1x125x80xi32, #tpu.memory_space<hbm>> -> memref<125x80xi32, #tpu.memory_space<hbm>>
      tpu.wait_dma2 semaphore(%run_scoped3A_299 : memref<!tpu.dma_semaphore, #tpu.memory_space<semaphore_mem>>) src(%dma_wait3A_315 : memref<125x80xi32, #tpu.memory_space<hbm>>) dst(%arg6 : memref<125x80xi32, #tpu.memory_space<vmem>>)
      tpu.yield
    }) : () -> ()
    %run_scoped3A_46 = arith.constant 1 : i32
    "tpu.region"() ({
      %run_scoped3A_299 = tpu.sem_alloc : memref<!tpu.dma_semaphore, #tpu.memory_space<semaphore_mem>>
      %dma_start3A_300 = arith.constant 0 : i32
      %dma_start3A_301 = arith.constant 0 : i32
      %dma_start3A_302 = tpu.memref_slice %arg2[%run_scoped3A_46, %add3A, %dma_start3A_300, %dma_start3A_301] : memref<2x32x125x80xi32, #tpu.memory_space<hbm>> -> memref<1x1x125x80xi32, #tpu.memory_space<hbm>>
      %dma_start3A_303 = tpu.memref_squeeze %dma_start3A_302 : memref<1x1x125x80xi32, #tpu.memory_space<hbm>> -> memref<125x80xi32, #tpu.memory_space<hbm>>
      %dma_start3A_304 = arith.constant 0 : i32
      %dma_start3A_305 = arith.constant 0 : i32
      %dma_start3A_306 = tpu.memref_slice %arg2[%run_scoped3A_46, %add3A, %dma_start3A_304, %dma_start3A_305] : memref<2x32x125x80xi32, #tpu.memory_space<hbm>> -> memref<1x1x125x80xi32, #tpu.memory_space<hbm>>
      %dma_start3A_307 = tpu.memref_squeeze %dma_start3A_306 : memref<1x1x125x80xi32, #tpu.memory_space<hbm>> -> memref<125x80xi32, #tpu.memory_space<hbm>>
      tpu.enqueue_dma source(%dma_start3A_307 : memref<125x80xi32, #tpu.memory_space<hbm>>) target(%arg7 : memref<125x80xi32, #tpu.memory_space<vmem>>) target_semaphore(%run_scoped3A_299 : memref<!tpu.dma_semaphore, #tpu.memory_space<semaphore_mem>>)
      %dma_wait3A_308 = arith.constant 0 : i32
      %dma_wait3A_309 = arith.constant 0 : i32
      %dma_wait3A_310 = tpu.memref_slice %arg2[%run_scoped3A_46, %add3A, %dma_wait3A_308, %dma_wait3A_309] : memref<2x32x125x80xi32, #tpu.memory_space<hbm>> -> memref<1x1x125x80xi32, #tpu.memory_space<hbm>>
      %dma_wait3A_311 = tpu.memref_squeeze %dma_wait3A_310 : memref<1x1x125x80xi32, #tpu.memory_space<hbm>> -> memref<125x80xi32, #tpu.memory_space<hbm>>
      %dma_wait3A_312 = arith.constant 0 : i32
      %dma_wait3A_313 = arith.constant 0 : i32
      %dma_wait3A_314 = tpu.memref_slice %arg2[%run_scoped3A_46, %add3A, %dma_wait3A_312, %dma_wait3A_313] : memref<2x32x125x80xi32, #tpu.memory_space<hbm>> -> memref<1x1x125x80xi32, #tpu.memory_space<hbm>>
      %dma_wait3A_315 = tpu.memref_squeeze %dma_wait3A_314 : memref<1x1x125x80xi32, #tpu.memory_space<hbm>> -> memref<125x80xi32, #tpu.memory_space<hbm>>
      tpu.wait_dma2 semaphore(%run_scoped3A_299 : memref<!tpu.dma_semaphore, #tpu.memory_space<semaphore_mem>>) src(%dma_wait3A_315 : memref<125x80xi32, #tpu.memory_space<hbm>>) dst(%arg7 : memref<125x80xi32, #tpu.memory_space<vmem>>)
      tpu.yield
    }) : () -> ()
    %dma_start3A = arith.constant 0 : i32
    %dma_start3A_47 = arith.constant 0 : i32
    %dma_start3A_48 = arith.constant 0 : i32
    %dma_start3A_49 = arith.constant 0 : i32
    %dma_start3A_50 = tpu.memref_slice %arg9[%dma_start3A_47, %dma_start3A_48, %dma_start3A_49] : memref<4x80x48xf32, #tpu.memory_space<vmem>> -> memref<1x80x48xf32, #tpu.memory_space<vmem>>
    %dma_start3A_51 = tpu.memref_squeeze %dma_start3A_50 : memref<1x80x48xf32, #tpu.memory_space<vmem>> -> memref<80x48xf32, #tpu.memory_space<vmem>>
    %dma_start3A_52 = arith.constant 0 : i32
    %dma_start3A_53 = tpu.memref_slice %arg6[%dma_start3A, %dma_start3A_52] : memref<125x80xi32, #tpu.memory_space<vmem>> -> memref<1x80xi32, #tpu.memory_space<vmem>>
    %dma_start3A_54 = tpu.memref_squeeze %dma_start3A_53 : memref<1x80xi32, #tpu.memory_space<vmem>> -> memref<80xi32, #tpu.memory_space<vmem>>
    %dma_start3A_55 = arith.constant 0 : i32
    %dma_start3A_56 = arith.constant 0 : i32
    %dma_start3A_57 = tpu.memref_slice %arg3[%dma_start3A_55, %dma_start3A_56] : memref<10240x48xf32, #tpu.memory_space<hbm>> -> memref<10240x48xf32, #tpu.memory_space<hbm>>
    tpu.enqueue_indirect_dma source(%dma_start3A_57 : memref<10240x48xf32, #tpu.memory_space<hbm>>) target(%dma_start3A_51 : memref<80x48xf32, #tpu.memory_space<vmem>>) offsets(%dma_start3A_54 : memref<80xi32, #tpu.memory_space<vmem>>) semaphore(%arg12 : memref<!tpu.dma_semaphore, #tpu.memory_space<semaphore_mem>>)
    %dma_start3A_58 = arith.constant 0 : i32
    %dma_start3A_59 = arith.constant 0 : i32
    %dma_start3A_60 = arith.constant 0 : i32
    %dma_start3A_61 = arith.constant 0 : i32
    %dma_start3A_62 = tpu.memref_slice %arg8[%dma_start3A_59, %dma_start3A_60, %dma_start3A_61] : memref<4x80x16xf32, #tpu.memory_space<vmem>> -> memref<1x80x16xf32, #tpu.memory_space<vmem>>
    %dma_start3A_63 = tpu.memref_squeeze %dma_start3A_62 : memref<1x80x16xf32, #tpu.memory_space<vmem>> -> memref<80x16xf32, #tpu.memory_space<vmem>>
    %dma_start3A_64 = arith.constant 0 : i32
    %dma_start3A_65 = tpu.memref_slice %arg7[%dma_start3A_58, %dma_start3A_64] : memref<125x80xi32, #tpu.memory_space<vmem>> -> memref<1x80xi32, #tpu.memory_space<vmem>>
    %dma_start3A_66 = tpu.memref_squeeze %dma_start3A_65 : memref<1x80xi32, #tpu.memory_space<vmem>> -> memref<80xi32, #tpu.memory_space<vmem>>
    %dma_start3A_67 = arith.constant 0 : i32
    %dma_start3A_68 = arith.constant 0 : i32
    %dma_start3A_69 = tpu.memref_slice %arg4[%dma_start3A_67, %dma_start3A_68] : memref<10240x16xf32, #tpu.memory_space<hbm>> -> memref<10240x16xf32, #tpu.memory_space<hbm>>
    tpu.enqueue_indirect_dma source(%dma_start3A_69 : memref<10240x16xf32, #tpu.memory_space<hbm>>) target(%dma_start3A_63 : memref<80x16xf32, #tpu.memory_space<vmem>>) offsets(%dma_start3A_66 : memref<80xi32, #tpu.memory_space<vmem>>) semaphore(%arg12 : memref<!tpu.dma_semaphore, #tpu.memory_space<semaphore_mem>>)
    %dma_start3A_70 = arith.constant 1 : i32
    %dma_start3A_71 = arith.constant 1 : i32
    %dma_start3A_72 = arith.constant 0 : i32
    %dma_start3A_73 = arith.constant 0 : i32
    %dma_start3A_74 = tpu.memref_slice %arg9[%dma_start3A_71, %dma_start3A_72, %dma_start3A_73] : memref<4x80x48xf32, #tpu.memory_space<vmem>> -> memref<1x80x48xf32, #tpu.memory_space<vmem>>
    %dma_start3A_75 = tpu.memref_squeeze %dma_start3A_74 : memref<1x80x48xf32, #tpu.memory_space<vmem>> -> memref<80x48xf32, #tpu.memory_space<vmem>>
    %dma_start3A_76 = arith.constant 0 : i32
    %dma_start3A_77 = tpu.memref_slice %arg6[%dma_start3A_70, %dma_start3A_76] : memref<125x80xi32, #tpu.memory_space<vmem>> -> memref<1x80xi32, #tpu.memory_space<vmem>>
    %dma_start3A_78 = tpu.memref_squeeze %dma_start3A_77 : memref<1x80xi32, #tpu.memory_space<vmem>> -> memref<80xi32, #tpu.memory_space<vmem>>
    %dma_start3A_79 = arith.constant 0 : i32
    %dma_start3A_80 = arith.constant 0 : i32
    %dma_start3A_81 = tpu.memref_slice %arg3[%dma_start3A_79, %dma_start3A_80] : memref<10240x48xf32, #tpu.memory_space<hbm>> -> memref<10240x48xf32, #tpu.memory_space<hbm>>
    tpu.enqueue_indirect_dma source(%dma_start3A_81 : memref<10240x48xf32, #tpu.memory_space<hbm>>) target(%dma_start3A_75 : memref<80x48xf32, #tpu.memory_space<vmem>>) offsets(%dma_start3A_78 : memref<80xi32, #tpu.memory_space<vmem>>) semaphore(%arg13 : memref<!tpu.dma_semaphore, #tpu.memory_space<semaphore_mem>>)
    %dma_start3A_82 = arith.constant 1 : i32
    %dma_start3A_83 = arith.constant 1 : i32
    %dma_start3A_84 = arith.constant 0 : i32
    %dma_start3A_85 = arith.constant 0 : i32
    %dma_start3A_86 = tpu.memref_slice %arg8[%dma_start3A_83, %dma_start3A_84, %dma_start3A_85] : memref<4x80x16xf32, #tpu.memory_space<vmem>> -> memref<1x80x16xf32, #tpu.memory_space<vmem>>
    %dma_start3A_87 = tpu.memref_squeeze %dma_start3A_86 : memref<1x80x16xf32, #tpu.memory_space<vmem>> -> memref<80x16xf32, #tpu.memory_space<vmem>>
    %dma_start3A_88 = arith.constant 0 : i32
    %dma_start3A_89 = tpu.memref_slice %arg7[%dma_start3A_82, %dma_start3A_88] : memref<125x80xi32, #tpu.memory_space<vmem>> -> memref<1x80xi32, #tpu.memory_space<vmem>>
    %dma_start3A_90 = tpu.memref_squeeze %dma_start3A_89 : memref<1x80xi32, #tpu.memory_space<vmem>> -> memref<80xi32, #tpu.memory_space<vmem>>
    %dma_start3A_91 = arith.constant 0 : i32
    %dma_start3A_92 = arith.constant 0 : i32
    %dma_start3A_93 = tpu.memref_slice %arg4[%dma_start3A_91, %dma_start3A_92] : memref<10240x16xf32, #tpu.memory_space<hbm>> -> memref<10240x16xf32, #tpu.memory_space<hbm>>
    tpu.enqueue_indirect_dma source(%dma_start3A_93 : memref<10240x16xf32, #tpu.memory_space<hbm>>) target(%dma_start3A_87 : memref<80x16xf32, #tpu.memory_space<vmem>>) offsets(%dma_start3A_90 : memref<80xi32, #tpu.memory_space<vmem>>) semaphore(%arg13 : memref<!tpu.dma_semaphore, #tpu.memory_space<semaphore_mem>>)
    %dma_start3A_94 = arith.constant 2 : i32
    %dma_start3A_95 = arith.constant 2 : i32
    %dma_start3A_96 = arith.constant 0 : i32
    %dma_start3A_97 = arith.constant 0 : i32
    %dma_start3A_98 = tpu.memref_slice %arg9[%dma_start3A_95, %dma_start3A_96, %dma_start3A_97] : memref<4x80x48xf32, #tpu.memory_space<vmem>> -> memref<1x80x48xf32, #tpu.memory_space<vmem>>
    %dma_start3A_99 = tpu.memref_squeeze %dma_start3A_98 : memref<1x80x48xf32, #tpu.memory_space<vmem>> -> memref<80x48xf32, #tpu.memory_space<vmem>>
    %dma_start3A_100 = arith.constant 0 : i32
    %dma_start3A_101 = tpu.memref_slice %arg6[%dma_start3A_94, %dma_start3A_100] : memref<125x80xi32, #tpu.memory_space<vmem>> -> memref<1x80xi32, #tpu.memory_space<vmem>>
    %dma_start3A_102 = tpu.memref_squeeze %dma_start3A_101 : memref<1x80xi32, #tpu.memory_space<vmem>> -> memref<80xi32, #tpu.memory_space<vmem>>
    %dma_start3A_103 = arith.constant 0 : i32
    %dma_start3A_104 = arith.constant 0 : i32
    %dma_start3A_105 = tpu.memref_slice %arg3[%dma_start3A_103, %dma_start3A_104] : memref<10240x48xf32, #tpu.memory_space<hbm>> -> memref<10240x48xf32, #tpu.memory_space<hbm>>
    tpu.enqueue_indirect_dma source(%dma_start3A_105 : memref<10240x48xf32, #tpu.memory_space<hbm>>) target(%dma_start3A_99 : memref<80x48xf32, #tpu.memory_space<vmem>>) offsets(%dma_start3A_102 : memref<80xi32, #tpu.memory_space<vmem>>) semaphore(%arg14 : memref<!tpu.dma_semaphore, #tpu.memory_space<semaphore_mem>>)
    %dma_start3A_106 = arith.constant 2 : i32
    %dma_start3A_107 = arith.constant 2 : i32
    %dma_start3A_108 = arith.constant 0 : i32
    %dma_start3A_109 = arith.constant 0 : i32
    %dma_start3A_110 = tpu.memref_slice %arg8[%dma_start3A_107, %dma_start3A_108, %dma_start3A_109] : memref<4x80x16xf32, #tpu.memory_space<vmem>> -> memref<1x80x16xf32, #tpu.memory_space<vmem>>
    %dma_start3A_111 = tpu.memref_squeeze %dma_start3A_110 : memref<1x80x16xf32, #tpu.memory_space<vmem>> -> memref<80x16xf32, #tpu.memory_space<vmem>>
    %dma_start3A_112 = arith.constant 0 : i32
    %dma_start3A_113 = tpu.memref_slice %arg7[%dma_start3A_106, %dma_start3A_112] : memref<125x80xi32, #tpu.memory_space<vmem>> -> memref<1x80xi32, #tpu.memory_space<vmem>>
    %dma_start3A_114 = tpu.memref_squeeze %dma_start3A_113 : memref<1x80xi32, #tpu.memory_space<vmem>> -> memref<80xi32, #tpu.memory_space<vmem>>
    %dma_start3A_115 = arith.constant 0 : i32
    %dma_start3A_116 = arith.constant 0 : i32
    %dma_start3A_117 = tpu.memref_slice %arg4[%dma_start3A_115, %dma_start3A_116] : memref<10240x16xf32, #tpu.memory_space<hbm>> -> memref<10240x16xf32, #tpu.memory_space<hbm>>
    tpu.enqueue_indirect_dma source(%dma_start3A_117 : memref<10240x16xf32, #tpu.memory_space<hbm>>) target(%dma_start3A_111 : memref<80x16xf32, #tpu.memory_space<vmem>>) offsets(%dma_start3A_114 : memref<80xi32, #tpu.memory_space<vmem>>) semaphore(%arg14 : memref<!tpu.dma_semaphore, #tpu.memory_space<semaphore_mem>>)
    %dma_start3A_118 = arith.constant 3 : i32
    %dma_start3A_119 = arith.constant 3 : i32
    %dma_start3A_120 = arith.constant 0 : i32
    %dma_start3A_121 = arith.constant 0 : i32
    %dma_start3A_122 = tpu.memref_slice %arg9[%dma_start3A_119, %dma_start3A_120, %dma_start3A_121] : memref<4x80x48xf32, #tpu.memory_space<vmem>> -> memref<1x80x48xf32, #tpu.memory_space<vmem>>
    %dma_start3A_123 = tpu.memref_squeeze %dma_start3A_122 : memref<1x80x48xf32, #tpu.memory_space<vmem>> -> memref<80x48xf32, #tpu.memory_space<vmem>>
    %dma_start3A_124 = arith.constant 0 : i32
    %dma_start3A_125 = tpu.memref_slice %arg6[%dma_start3A_118, %dma_start3A_124] : memref<125x80xi32, #tpu.memory_space<vmem>> -> memref<1x80xi32, #tpu.memory_space<vmem>>
    %dma_start3A_126 = tpu.memref_squeeze %dma_start3A_125 : memref<1x80xi32, #tpu.memory_space<vmem>> -> memref<80xi32, #tpu.memory_space<vmem>>
    %dma_start3A_127 = arith.constant 0 : i32
    %dma_start3A_128 = arith.constant 0 : i32
    %dma_start3A_129 = tpu.memref_slice %arg3[%dma_start3A_127, %dma_start3A_128] : memref<10240x48xf32, #tpu.memory_space<hbm>> -> memref<10240x48xf32, #tpu.memory_space<hbm>>
    tpu.enqueue_indirect_dma source(%dma_start3A_129 : memref<10240x48xf32, #tpu.memory_space<hbm>>) target(%dma_start3A_123 : memref<80x48xf32, #tpu.memory_space<vmem>>) offsets(%dma_start3A_126 : memref<80xi32, #tpu.memory_space<vmem>>) semaphore(%arg15 : memref<!tpu.dma_semaphore, #tpu.memory_space<semaphore_mem>>)
    %dma_start3A_130 = arith.constant 3 : i32
    %dma_start3A_131 = arith.constant 3 : i32
    %dma_start3A_132 = arith.constant 0 : i32
    %dma_start3A_133 = arith.constant 0 : i32
    %dma_start3A_134 = tpu.memref_slice %arg8[%dma_start3A_131, %dma_start3A_132, %dma_start3A_133] : memref<4x80x16xf32, #tpu.memory_space<vmem>> -> memref<1x80x16xf32, #tpu.memory_space<vmem>>
    %dma_start3A_135 = tpu.memref_squeeze %dma_start3A_134 : memref<1x80x16xf32, #tpu.memory_space<vmem>> -> memref<80x16xf32, #tpu.memory_space<vmem>>
    %dma_start3A_136 = arith.constant 0 : i32
    %dma_start3A_137 = tpu.memref_slice %arg7[%dma_start3A_130, %dma_start3A_136] : memref<125x80xi32, #tpu.memory_space<vmem>> -> memref<1x80xi32, #tpu.memory_space<vmem>>
    %dma_start3A_138 = tpu.memref_squeeze %dma_start3A_137 : memref<1x80xi32, #tpu.memory_space<vmem>> -> memref<80xi32, #tpu.memory_space<vmem>>
    %dma_start3A_139 = arith.constant 0 : i32
    %dma_start3A_140 = arith.constant 0 : i32
    %dma_start3A_141 = tpu.memref_slice %arg4[%dma_start3A_139, %dma_start3A_140] : memref<10240x16xf32, #tpu.memory_space<hbm>> -> memref<10240x16xf32, #tpu.memory_space<hbm>>
    tpu.enqueue_indirect_dma source(%dma_start3A_141 : memref<10240x16xf32, #tpu.memory_space<hbm>>) target(%dma_start3A_135 : memref<80x16xf32, #tpu.memory_space<vmem>>) offsets(%dma_start3A_138 : memref<80xi32, #tpu.memory_space<vmem>>) semaphore(%arg15 : memref<!tpu.dma_semaphore, #tpu.memory_space<semaphore_mem>>)
    %iota3A = tpu.iota {dimensions = array<i32: 0>} : vector<16xi32>
    %broadcast_in_dim3A = arith.constant 8 : i32
    %broadcast_in_dim3A_142 = vector.broadcast %broadcast_in_dim3A : i32 to vector<16xi32>
    %scan3A_143 = arith.constant 0 : i32
    %scan3A_144 = arith.constant 0 : i32
    %scan3A_145 = arith.constant 31 : i32
    %scan3A_146 = arith.addi %scan3A_144, %scan3A_145 : i32
    %scan3A_147 = arith.constant 1 : i32
    scf.for %scan3A_299 = %scan3A_144 to %scan3A_146 step %scan3A_147  : i32 {
      %mul3A_300 = arith.constant 4 : i32
      %mul3A_301 = arith.muli %scan3A_299, %mul3A_300 : i32
      %add3A_302 = arith.constant 0 : i32
      %add3A_303 = arith.addi %mul3A_301, %add3A_302 : i32
      %dma_wait3A_304 = arith.constant 0 : i32
      %dma_wait3A_305 = arith.constant 0 : i32
      %dma_wait3A_306 = arith.constant 0 : i32
      %dma_wait3A_307 = tpu.memref_slice %arg9[%dma_wait3A_304, %dma_wait3A_305, %dma_wait3A_306] : memref<4x80x48xf32, #tpu.memory_space<vmem>> -> memref<1x80x48xf32, #tpu.memory_space<vmem>>
      %dma_wait3A_308 = tpu.memref_squeeze %dma_wait3A_307 : memref<1x80x48xf32, #tpu.memory_space<vmem>> -> memref<80x48xf32, #tpu.memory_space<vmem>>
      %dma_wait3A_309 = arith.constant 0 : i32
      %dma_wait3A_310 = tpu.memref_slice %arg6[%add3A_303, %dma_wait3A_309] : memref<125x80xi32, #tpu.memory_space<vmem>> -> memref<1x80xi32, #tpu.memory_space<vmem>>
      %dma_wait3A_311 = tpu.memref_squeeze %dma_wait3A_310 : memref<1x80xi32, #tpu.memory_space<vmem>> -> memref<80xi32, #tpu.memory_space<vmem>>
      %dma_wait3A_312 = arith.constant 0 : i32
      %dma_wait3A_313 = arith.constant 0 : i32
      %dma_wait3A_314 = tpu.memref_slice %arg3[%dma_wait3A_312, %dma_wait3A_313] : memref<10240x48xf32, #tpu.memory_space<hbm>> -> memref<10240x48xf32, #tpu.memory_space<hbm>>
      tpu.wait_indirect_dma semaphore(%arg12 : memref<!tpu.dma_semaphore, #tpu.memory_space<semaphore_mem>>) src(%dma_wait3A_314 : memref<10240x48xf32, #tpu.memory_space<hbm>>) dst(%dma_wait3A_308 : memref<80x48xf32, #tpu.memory_space<vmem>>)
      %dma_wait3A_315 = arith.constant 0 : i32
      %dma_wait3A_316 = arith.constant 0 : i32
      %dma_wait3A_317 = arith.constant 0 : i32
      %dma_wait3A_318 = tpu.memref_slice %arg8[%dma_wait3A_315, %dma_wait3A_316, %dma_wait3A_317] : memref<4x80x16xf32, #tpu.memory_space<vmem>> -> memref<1x80x16xf32, #tpu.memory_space<vmem>>
      %dma_wait3A_319 = tpu.memref_squeeze %dma_wait3A_318 : memref<1x80x16xf32, #tpu.memory_space<vmem>> -> memref<80x16xf32, #tpu.memory_space<vmem>>
      %dma_wait3A_320 = arith.constant 0 : i32
      %dma_wait3A_321 = tpu.memref_slice %arg7[%add3A_303, %dma_wait3A_320] : memref<125x80xi32, #tpu.memory_space<vmem>> -> memref<1x80xi32, #tpu.memory_space<vmem>>
      %dma_wait3A_322 = tpu.memref_squeeze %dma_wait3A_321 : memref<1x80xi32, #tpu.memory_space<vmem>> -> memref<80xi32, #tpu.memory_space<vmem>>
      %dma_wait3A_323 = arith.constant 0 : i32
      %dma_wait3A_324 = arith.constant 0 : i32
      %dma_wait3A_325 = tpu.memref_slice %arg4[%dma_wait3A_323, %dma_wait3A_324] : memref<10240x16xf32, #tpu.memory_space<hbm>> -> memref<10240x16xf32, #tpu.memory_space<hbm>>
      tpu.wait_indirect_dma semaphore(%arg12 : memref<!tpu.dma_semaphore, #tpu.memory_space<semaphore_mem>>) src(%dma_wait3A_325 : memref<10240x16xf32, #tpu.memory_space<hbm>>) dst(%dma_wait3A_319 : memref<80x16xf32, #tpu.memory_space<vmem>>)
      %gt3A = arith.constant 0 : i32
      %gt3A_326 = arith.cmpi sgt, %scan3A_299, %gt3A : i32
      %convert_element_type3A = arith.extui %gt3A_326 : i1 to i32
      %cond3A = arith.constant 0 : i32
      %cond3A_327 = arith.cmpi ne, %convert_element_type3A, %cond3A : i32
      scf.if %cond3A_327 {
        %dma_wait3A_516 = arith.constant 0 : i32
        %dma_wait3A_517 = arith.constant 0 : i32
        %dma_wait3A_518 = arith.constant 0 : i32
        %dma_wait3A_519 = arith.constant 0 : i32
        %dma_wait3A_520 = tpu.memref_slice %arg10[%dma_wait3A_516, %dma_wait3A_518, %dma_wait3A_519] : memref<4x80x48xf32, #tpu.memory_space<vmem>> -> memref<1x80x48xf32, #tpu.memory_space<vmem>>
        %dma_wait3A_521 = tpu.memref_squeeze %dma_wait3A_520 : memref<1x80x48xf32, #tpu.memory_space<vmem>> -> memref<80x48xf32, #tpu.memory_space<vmem>>
        %dma_wait3A_522 = arith.constant 0 : i32
        %dma_wait3A_523 = tpu.memref_slice %arg7[%dma_wait3A_517, %dma_wait3A_522] : memref<125x80xi32, #tpu.memory_space<vmem>> -> memref<1x80xi32, #tpu.memory_space<vmem>>
        %dma_wait3A_524 = tpu.memref_squeeze %dma_wait3A_523 : memref<1x80xi32, #tpu.memory_space<vmem>> -> memref<80xi32, #tpu.memory_space<vmem>>
        %dma_wait3A_525 = arith.constant 0 : i32
        %dma_wait3A_526 = arith.constant 0 : i32
        %dma_wait3A_527 = tpu.memref_slice %arg11[%dma_wait3A_525, %dma_wait3A_526] : memref<10240x48xf32, #tpu.memory_space<vmem_shared>> -> memref<10240x48xf32, #tpu.memory_space<vmem_shared>>
        tpu.wait_indirect_dma semaphore(%arg16 : memref<!tpu.dma_semaphore, #tpu.memory_space<semaphore_mem>>) src(%dma_wait3A_521 : memref<80x48xf32, #tpu.memory_space<vmem>>) dst(%dma_wait3A_527 : memref<10240x48xf32, #tpu.memory_space<vmem_shared>>)
      } else {
      }
      %scan3A_328 = arith.constant 0 : i32
      %scan3A_329 = arith.constant 0 : i32
      %scan3A_330 = arith.constant 80 : i32
      %scan3A_331 = arith.addi %scan3A_329, %scan3A_330 : i32
      %scan3A_332 = arith.constant 1 : i32
      scf.for %scan3A_516 = %scan3A_329 to %scan3A_331 step %scan3A_332  : i32 {
        %get3A = arith.constant 0 : i32
        %get3A_517 = arith.index_cast %get3A : i32 to index
        %get3A_518 = arith.index_cast %scan3A_516 : i32 to index
        %get3A_519 = arith.constant 32 : index
        %get3A_520 = tpu.vector_load %arg9[%get3A_517, %get3A_518, %get3A_519] {strides = array<i32>} : memref<4x80x48xf32, #tpu.memory_space<vmem>>, vector<1x1x16xf32>,
        %get3A_521 = vector.shape_cast %get3A_520 : vector<1x1x16xf32> to vector<16xf32>
        %lt3A_522 = arith.constant 0 : i32
        %lt3A_523 = vector.broadcast %lt3A_522 : i32 to vector<16xi32>
        %lt3A_524 = arith.cmpi slt, %broadcast_in_dim3A_142, %lt3A_523 : vector<16xi32>
        %add3A_525 = arith.constant 16 : i32
        %add3A_526 = vector.broadcast %add3A_525 : i32 to vector<16xi32>
        %add3A_527 = arith.addi %broadcast_in_dim3A_142, %add3A_526 : vector<16xi32>
        %select_n3A = arith.select %lt3A_524, %add3A_527, %broadcast_in_dim3A_142 : vector<16xi1>, vector<16xi32>
        %broadcast_in_dim3A_528 = vector.shape_cast %select_n3A : vector<16xi32> to vector<16x1xi32>
        %gather3A = vector.shape_cast %broadcast_in_dim3A_528 : vector<16x1xi32> to vector<16xi32>
        %gather3A_529 = tpu.dynamic_gather %get3A_521[%gather3A] in [0] : vector<16xf32>, vector<16xi32> -> vector<16xf32>
        %get3A_530 = arith.constant 0 : i32
        %get3A_531 = arith.index_cast %get3A_530 : i32 to index
        %get3A_532 = arith.index_cast %scan3A_516 : i32 to index
        %get3A_533 = arith.constant 0 : index
        %get3A_534 = tpu.vector_load %arg8[%get3A_531, %get3A_532, %get3A_533] {strides = array<i32>} : memref<4x80x16xf32, #tpu.memory_space<vmem>>, vector<1x1x16xf32>,
        %get3A_535 = vector.shape_cast %get3A_534 : vector<1x1x16xf32> to vector<16xf32>
        %add3A_536 = arith.addf %gather3A_529, %get3A_535 : vector<16xf32>
        %mul3A_537 = arith.constant 2.000000e-01 : f32
        %mul3A_538 = vector.broadcast %mul3A_537 : f32 to vector<16xf32>
        %mul3A_539 = arith.mulf %mul3A_538, %add3A_536 : vector<16xf32>
        %max3A = arith.maximumf %add3A_536, %mul3A_539 : vector<16xf32>
        %exp3A = math.exp %max3A : vector<16xf32>
        %get3A_540 = arith.constant 0 : i32
        %get3A_541 = arith.index_cast %get3A_540 : i32 to index
        %get3A_542 = arith.index_cast %scan3A_516 : i32 to index
        %get3A_543 = arith.constant 0 : index
        %get3A_544 = tpu.vector_load %arg9[%get3A_541, %get3A_542, %get3A_543] {strides = array<i32>} : memref<4x80x48xf32, #tpu.memory_space<vmem>>, vector<1x1x16xf32>,
        %get3A_545 = vector.shape_cast %get3A_544 : vector<1x1x16xf32> to vector<16xf32>
        %mul3A_546 = arith.mulf %get3A_545, %exp3A : vector<16xf32>
        %swap3A = arith.constant 0 : i32
        %swap3A_547 = arith.index_cast %swap3A : i32 to index
        %swap3A_548 = arith.index_cast %scan3A_516 : i32 to index
        %swap3A_549 = arith.constant 0 : index
        %swap3A_550 = tpu.vector_load %arg10[%swap3A_547, %swap3A_548, %swap3A_549] {strides = array<i32>} : memref<4x80x48xf32, #tpu.memory_space<vmem>>, vector<1x1x16xf32>,
        %swap3A_551 = vector.shape_cast %swap3A_550 : vector<1x1x16xf32> to vector<16xf32>
        %swap3A_552 = vector.shape_cast %mul3A_546 : vector<16xf32> to vector<1x1x16xf32>
        tpu.vector_store %arg10[%swap3A_547, %swap3A_548, %swap3A_549], %swap3A_552 {strides = array<i32>} : memref<4x80x48xf32, #tpu.memory_space<vmem>>, vector<1x1x16xf32>,
        %get3A_553 = arith.constant 0 : i32
        %get3A_554 = arith.index_cast %get3A_553 : i32 to index
        %get3A_555 = arith.index_cast %scan3A_516 : i32 to index
        %get3A_556 = arith.constant 16 : index
        %get3A_557 = tpu.vector_load %arg9[%get3A_554, %get3A_555, %get3A_556] {strides = array<i32>} : memref<4x80x48xf32, #tpu.memory_space<vmem>>, vector<1x1x16xf32>,
        %get3A_558 = vector.shape_cast %get3A_557 : vector<1x1x16xf32> to vector<16xf32>
        %mul3A_559 = arith.mulf %get3A_558, %exp3A : vector<16xf32>
        %swap3A_560 = arith.constant 0 : i32
        %swap3A_561 = arith.index_cast %swap3A_560 : i32 to index
        %swap3A_562 = arith.index_cast %scan3A_516 : i32 to index
        %swap3A_563 = arith.constant 16 : index
        %swap3A_564 = tpu.vector_load %arg10[%swap3A_561, %swap3A_562, %swap3A_563] {strides = array<i32>} : memref<4x80x48xf32, #tpu.memory_space<vmem>>, vector<1x1x16xf32>,
        %swap3A_565 = vector.shape_cast %swap3A_564 : vector<1x1x16xf32> to vector<16xf32>
        %swap3A_566 = vector.shape_cast %mul3A_559 : vector<16xf32> to vector<1x1x16xf32>
        tpu.vector_store %arg10[%swap3A_561, %swap3A_562, %swap3A_563], %swap3A_566 {strides = array<i32>} : memref<4x80x48xf32, #tpu.memory_space<vmem>>, vector<1x1x16xf32>,
        %eq3A = arith.constant 9 : i32
        %eq3A_567 = vector.broadcast %eq3A : i32 to vector<16xi32>
        %eq3A_568 = arith.cmpi eq, %iota3A, %eq3A_567 : vector<16xi32>
        %mul3A_569 = arith.mulf %get3A_521, %exp3A : vector<16xf32>
        %select_n3A_570 = arith.select %eq3A_568, %exp3A, %mul3A_569 : vector<16xi1>, vector<16xf32>
        %swap3A_571 = arith.constant 0 : i32
        %swap3A_572 = arith.index_cast %swap3A_571 : i32 to index
        %swap3A_573 = arith.index_cast %scan3A_516 : i32 to index
        %swap3A_574 = arith.constant 32 : index
        %swap3A_575 = tpu.vector_load %arg10[%swap3A_572, %swap3A_573, %swap3A_574] {strides = array<i32>} : memref<4x80x48xf32, #tpu.memory_space<vmem>>, vector<1x1x16xf32>,
        %swap3A_576 = vector.shape_cast %swap3A_575 : vector<1x1x16xf32> to vector<16xf32>
        %swap3A_577 = vector.shape_cast %select_n3A_570 : vector<16xf32> to vector<1x1x16xf32>
        tpu.vector_store %arg10[%swap3A_572, %swap3A_573, %swap3A_574], %swap3A_577 {strides = array<i32>} : memref<4x80x48xf32, #tpu.memory_space<vmem>>, vector<1x1x16xf32>,
      }
      %scan3A_333 = arith.constant 80 : i32
      %dma_start3A_334 = arith.constant 0 : i32
      %dma_start3A_335 = arith.constant 0 : i32
      %dma_start3A_336 = arith.constant 0 : i32
      %dma_start3A_337 = tpu.memref_slice %arg10[%dma_start3A_334, %dma_start3A_335, %dma_start3A_336] : memref<4x80x48xf32, #tpu.memory_space<vmem>> -> memref<1x80x48xf32, #tpu.memory_space<vmem>>
      %dma_start3A_338 = tpu.memref_squeeze %dma_start3A_337 : memref<1x80x48xf32, #tpu.memory_space<vmem>> -> memref<80x48xf32, #tpu.memory_space<vmem>>
      %dma_start3A_339 = arith.constant 0 : i32
      %dma_start3A_340 = tpu.memref_slice %arg7[%add3A_303, %dma_start3A_339] : memref<125x80xi32, #tpu.memory_space<vmem>> -> memref<1x80xi32, #tpu.memory_space<vmem>>
      %dma_start3A_341 = tpu.memref_squeeze %dma_start3A_340 : memref<1x80xi32, #tpu.memory_space<vmem>> -> memref<80xi32, #tpu.memory_space<vmem>>
      %dma_start3A_342 = arith.constant 0 : i32
      %dma_start3A_343 = arith.constant 0 : i32
      %dma_start3A_344 = tpu.memref_slice %arg11[%dma_start3A_342, %dma_start3A_343] : memref<10240x48xf32, #tpu.memory_space<vmem_shared>> -> memref<10240x48xf32, #tpu.memory_space<vmem_shared>>
      tpu.enqueue_indirect_dma source(%dma_start3A_338 : memref<80x48xf32, #tpu.memory_space<vmem>>) target(%dma_start3A_344 : memref<10240x48xf32, #tpu.memory_space<vmem_shared>>) offsets(%dma_start3A_341 : memref<80xi32, #tpu.memory_space<vmem>>) semaphore(%arg16 : memref<!tpu.dma_semaphore, #tpu.memory_space<semaphore_mem>>) {add = true}
      %add3A_345 = arith.constant 4 : i32
      %add3A_346 = arith.addi %add3A_303, %add3A_345 : i32
      %lt3A = arith.constant 125 : i32
      %lt3A_347 = arith.cmpi slt, %add3A_346, %lt3A : i32
      %convert_element_type3A_348 = arith.extui %lt3A_347 : i1 to i32
      %cond3A_349 = arith.constant 0 : i32
      %cond3A_350 = arith.cmpi ne, %convert_element_type3A_348, %cond3A_349 : i32
      scf.if %cond3A_350 {
        %add3A_516 = arith.constant 4 : i32
        %add3A_517 = arith.addi %add3A_303, %add3A_516 : i32
        %dma_start3A_518 = arith.constant 0 : i32
        %dma_start3A_519 = arith.constant 0 : i32
        %dma_start3A_520 = arith.constant 0 : i32
        %dma_start3A_521 = tpu.memref_slice %arg9[%dma_start3A_518, %dma_start3A_519, %dma_start3A_520] : memref<4x80x48xf32, #tpu.memory_space<vmem>> -> memref<1x80x48xf32, #tpu.memory_space<vmem>>
        %dma_start3A_522 = tpu.memref_squeeze %dma_start3A_521 : memref<1x80x48xf32, #tpu.memory_space<vmem>> -> memref<80x48xf32, #tpu.memory_space<vmem>>
        %dma_start3A_523 = arith.constant 0 : i32
        %dma_start3A_524 = tpu.memref_slice %arg6[%add3A_517, %dma_start3A_523] : memref<125x80xi32, #tpu.memory_space<vmem>> -> memref<1x80xi32, #tpu.memory_space<vmem>>
        %dma_start3A_525 = tpu.memref_squeeze %dma_start3A_524 : memref<1x80xi32, #tpu.memory_space<vmem>> -> memref<80xi32, #tpu.memory_space<vmem>>
        %dma_start3A_526 = arith.constant 0 : i32
        %dma_start3A_527 = arith.constant 0 : i32
        %dma_start3A_528 = tpu.memref_slice %arg3[%dma_start3A_526, %dma_start3A_527] : memref<10240x48xf32, #tpu.memory_space<hbm>> -> memref<10240x48xf32, #tpu.memory_space<hbm>>
        tpu.enqueue_indirect_dma source(%dma_start3A_528 : memref<10240x48xf32, #tpu.memory_space<hbm>>) target(%dma_start3A_522 : memref<80x48xf32, #tpu.memory_space<vmem>>) offsets(%dma_start3A_525 : memref<80xi32, #tpu.memory_space<vmem>>) semaphore(%arg12 : memref<!tpu.dma_semaphore, #tpu.memory_space<semaphore_mem>>)
        %add3A_529 = arith.constant 4 : i32
        %add3A_530 = arith.addi %add3A_303, %add3A_529 : i32
        %dma_start3A_531 = arith.constant 0 : i32
        %dma_start3A_532 = arith.constant 0 : i32
        %dma_start3A_533 = arith.constant 0 : i32
        %dma_start3A_534 = tpu.memref_slice %arg8[%dma_start3A_531, %dma_start3A_532, %dma_start3A_533] : memref<4x80x16xf32, #tpu.memory_space<vmem>> -> memref<1x80x16xf32, #tpu.memory_space<vmem>>
        %dma_start3A_535 = tpu.memref_squeeze %dma_start3A_534 : memref<1x80x16xf32, #tpu.memory_space<vmem>> -> memref<80x16xf32, #tpu.memory_space<vmem>>
        %dma_start3A_536 = arith.constant 0 : i32
        %dma_start3A_537 = tpu.memref_slice %arg7[%add3A_530, %dma_start3A_536] : memref<125x80xi32, #tpu.memory_space<vmem>> -> memref<1x80xi32, #tpu.memory_space<vmem>>
        %dma_start3A_538 = tpu.memref_squeeze %dma_start3A_537 : memref<1x80xi32, #tpu.memory_space<vmem>> -> memref<80xi32, #tpu.memory_space<vmem>>
        %dma_start3A_539 = arith.constant 0 : i32
        %dma_start3A_540 = arith.constant 0 : i32
        %dma_start3A_541 = tpu.memref_slice %arg4[%dma_start3A_539, %dma_start3A_540] : memref<10240x16xf32, #tpu.memory_space<hbm>> -> memref<10240x16xf32, #tpu.memory_space<hbm>>
        tpu.enqueue_indirect_dma source(%dma_start3A_541 : memref<10240x16xf32, #tpu.memory_space<hbm>>) target(%dma_start3A_535 : memref<80x16xf32, #tpu.memory_space<vmem>>) offsets(%dma_start3A_538 : memref<80xi32, #tpu.memory_space<vmem>>) semaphore(%arg12 : memref<!tpu.dma_semaphore, #tpu.memory_space<semaphore_mem>>)
      } else {
      }
      %mul3A_351 = arith.constant 4 : i32
      %mul3A_352 = arith.muli %scan3A_299, %mul3A_351 : i32
      %add3A_353 = arith.constant 1 : i32
      %add3A_354 = arith.addi %mul3A_352, %add3A_353 : i32
      %dma_wait3A_355 = arith.constant 1 : i32
      %dma_wait3A_356 = arith.constant 0 : i32
      %dma_wait3A_357 = arith.constant 0 : i32
      %dma_wait3A_358 = tpu.memref_slice %arg9[%dma_wait3A_355, %dma_wait3A_356, %dma_wait3A_357] : memref<4x80x48xf32, #tpu.memory_space<vmem>> -> memref<1x80x48xf32, #tpu.memory_space<vmem>>
      %dma_wait3A_359 = tpu.memref_squeeze %dma_wait3A_358 : memref<1x80x48xf32, #tpu.memory_space<vmem>> -> memref<80x48xf32, #tpu.memory_space<vmem>>
      %dma_wait3A_360 = arith.constant 0 : i32
      %dma_wait3A_361 = tpu.memref_slice %arg6[%add3A_354, %dma_wait3A_360] : memref<125x80xi32, #tpu.memory_space<vmem>> -> memref<1x80xi32, #tpu.memory_space<vmem>>
      %dma_wait3A_362 = tpu.memref_squeeze %dma_wait3A_361 : memref<1x80xi32, #tpu.memory_space<vmem>> -> memref<80xi32, #tpu.memory_space<vmem>>
      %dma_wait3A_363 = arith.constant 0 : i32
      %dma_wait3A_364 = arith.constant 0 : i32
      %dma_wait3A_365 = tpu.memref_slice %arg3[%dma_wait3A_363, %dma_wait3A_364] : memref<10240x48xf32, #tpu.memory_space<hbm>> -> memref<10240x48xf32, #tpu.memory_space<hbm>>
      tpu.wait_indirect_dma semaphore(%arg13 : memref<!tpu.dma_semaphore, #tpu.memory_space<semaphore_mem>>) src(%dma_wait3A_365 : memref<10240x48xf32, #tpu.memory_space<hbm>>) dst(%dma_wait3A_359 : memref<80x48xf32, #tpu.memory_space<vmem>>)
      %dma_wait3A_366 = arith.constant 1 : i32
      %dma_wait3A_367 = arith.constant 0 : i32
      %dma_wait3A_368 = arith.constant 0 : i32
      %dma_wait3A_369 = tpu.memref_slice %arg8[%dma_wait3A_366, %dma_wait3A_367, %dma_wait3A_368] : memref<4x80x16xf32, #tpu.memory_space<vmem>> -> memref<1x80x16xf32, #tpu.memory_space<vmem>>
      %dma_wait3A_370 = tpu.memref_squeeze %dma_wait3A_369 : memref<1x80x16xf32, #tpu.memory_space<vmem>> -> memref<80x16xf32, #tpu.memory_space<vmem>>
      %dma_wait3A_371 = arith.constant 0 : i32
      %dma_wait3A_372 = tpu.memref_slice %arg7[%add3A_354, %dma_wait3A_371] : memref<125x80xi32, #tpu.memory_space<vmem>> -> memref<1x80xi32, #tpu.memory_space<vmem>>
      %dma_wait3A_373 = tpu.memref_squeeze %dma_wait3A_372 : memref<1x80xi32, #tpu.memory_space<vmem>> -> memref<80xi32, #tpu.memory_space<vmem>>
      %dma_wait3A_374 = arith.constant 0 : i32
      %dma_wait3A_375 = arith.constant 0 : i32
      %dma_wait3A_376 = tpu.memref_slice %arg4[%dma_wait3A_374, %dma_wait3A_375] : memref<10240x16xf32, #tpu.memory_space<hbm>> -> memref<10240x16xf32, #tpu.memory_space<hbm>>
      tpu.wait_indirect_dma semaphore(%arg13 : memref<!tpu.dma_semaphore, #tpu.memory_space<semaphore_mem>>) src(%dma_wait3A_376 : memref<10240x16xf32, #tpu.memory_space<hbm>>) dst(%dma_wait3A_370 : memref<80x16xf32, #tpu.memory_space<vmem>>)
      %gt3A_377 = arith.constant 0 : i32
      %gt3A_378 = arith.cmpi sgt, %scan3A_299, %gt3A_377 : i32
      %convert_element_type3A_379 = arith.extui %gt3A_378 : i1 to i32
      %cond3A_380 = arith.constant 0 : i32
      %cond3A_381 = arith.cmpi ne, %convert_element_type3A_379, %cond3A_380 : i32
      scf.if %cond3A_381 {
        %dma_wait3A_516 = arith.constant 1 : i32
        %dma_wait3A_517 = arith.constant 0 : i32
        %dma_wait3A_518 = arith.constant 0 : i32
        %dma_wait3A_519 = arith.constant 0 : i32
        %dma_wait3A_520 = tpu.memref_slice %arg10[%dma_wait3A_516, %dma_wait3A_518, %dma_wait3A_519] : memref<4x80x48xf32, #tpu.memory_space<vmem>> -> memref<1x80x48xf32, #tpu.memory_space<vmem>>
        %dma_wait3A_521 = tpu.memref_squeeze %dma_wait3A_520 : memref<1x80x48xf32, #tpu.memory_space<vmem>> -> memref<80x48xf32, #tpu.memory_space<vmem>>
        %dma_wait3A_522 = arith.constant 0 : i32
        %dma_wait3A_523 = tpu.memref_slice %arg7[%dma_wait3A_517, %dma_wait3A_522] : memref<125x80xi32, #tpu.memory_space<vmem>> -> memref<1x80xi32, #tpu.memory_space<vmem>>
        %dma_wait3A_524 = tpu.memref_squeeze %dma_wait3A_523 : memref<1x80xi32, #tpu.memory_space<vmem>> -> memref<80xi32, #tpu.memory_space<vmem>>
        %dma_wait3A_525 = arith.constant 0 : i32
        %dma_wait3A_526 = arith.constant 0 : i32
        %dma_wait3A_527 = tpu.memref_slice %arg11[%dma_wait3A_525, %dma_wait3A_526] : memref<10240x48xf32, #tpu.memory_space<vmem_shared>> -> memref<10240x48xf32, #tpu.memory_space<vmem_shared>>
        tpu.wait_indirect_dma semaphore(%arg17 : memref<!tpu.dma_semaphore, #tpu.memory_space<semaphore_mem>>) src(%dma_wait3A_521 : memref<80x48xf32, #tpu.memory_space<vmem>>) dst(%dma_wait3A_527 : memref<10240x48xf32, #tpu.memory_space<vmem_shared>>)
      } else {
      }
      %scan3A_382 = arith.constant 0 : i32
      %scan3A_383 = arith.constant 0 : i32
      %scan3A_384 = arith.constant 80 : i32
      %scan3A_385 = arith.addi %scan3A_383, %scan3A_384 : i32
      %scan3A_386 = arith.constant 1 : i32
      scf.for %scan3A_516 = %scan3A_383 to %scan3A_385 step %scan3A_386  : i32 {
        %get3A = arith.constant 1 : i32
        %get3A_517 = arith.index_cast %get3A : i32 to index
        %get3A_518 = arith.index_cast %scan3A_516 : i32 to index
        %get3A_519 = arith.constant 32 : index
        %get3A_520 = tpu.vector_load %arg9[%get3A_517, %get3A_518, %get3A_519] {strides = array<i32>} : memref<4x80x48xf32, #tpu.memory_space<vmem>>, vector<1x1x16xf32>,
        %get3A_521 = vector.shape_cast %get3A_520 : vector<1x1x16xf32> to vector<16xf32>
        %lt3A_522 = arith.constant 0 : i32
        %lt3A_523 = vector.broadcast %lt3A_522 : i32 to vector<16xi32>
        %lt3A_524 = arith.cmpi slt, %broadcast_in_dim3A_142, %lt3A_523 : vector<16xi32>
        %add3A_525 = arith.constant 16 : i32
        %add3A_526 = vector.broadcast %add3A_525 : i32 to vector<16xi32>
        %add3A_527 = arith.addi %broadcast_in_dim3A_142, %add3A_526 : vector<16xi32>
        %select_n3A = arith.select %lt3A_524, %add3A_527, %broadcast_in_dim3A_142 : vector<16xi1>, vector<16xi32>
        %broadcast_in_dim3A_528 = vector.shape_cast %select_n3A : vector<16xi32> to vector<16x1xi32>
        %gather3A = vector.shape_cast %broadcast_in_dim3A_528 : vector<16x1xi32> to vector<16xi32>
        %gather3A_529 = tpu.dynamic_gather %get3A_521[%gather3A] in [0] : vector<16xf32>, vector<16xi32> -> vector<16xf32>
        %get3A_530 = arith.constant 1 : i32
        %get3A_531 = arith.index_cast %get3A_530 : i32 to index
        %get3A_532 = arith.index_cast %scan3A_516 : i32 to index
        %get3A_533 = arith.constant 0 : index
        %get3A_534 = tpu.vector_load %arg8[%get3A_531, %get3A_532, %get3A_533] {strides = array<i32>} : memref<4x80x16xf32, #tpu.memory_space<vmem>>, vector<1x1x16xf32>,
        %get3A_535 = vector.shape_cast %get3A_534 : vector<1x1x16xf32> to vector<16xf32>
        %add3A_536 = arith.addf %gather3A_529, %get3A_535 : vector<16xf32>
        %mul3A_537 = arith.constant 2.000000e-01 : f32
        %mul3A_538 = vector.broadcast %mul3A_537 : f32 to vector<16xf32>
        %mul3A_539 = arith.mulf %mul3A_538, %add3A_536 : vector<16xf32>
        %max3A = arith.maximumf %add3A_536, %mul3A_539 : vector<16xf32>
        %exp3A = math.exp %max3A : vector<16xf32>
        %get3A_540 = arith.constant 1 : i32
        %get3A_541 = arith.index_cast %get3A_540 : i32 to index
        %get3A_542 = arith.index_cast %scan3A_516 : i32 to index
        %get3A_543 = arith.constant 0 : index
        %get3A_544 = tpu.vector_load %arg9[%get3A_541, %get3A_542, %get3A_543] {strides = array<i32>} : memref<4x80x48xf32, #tpu.memory_space<vmem>>, vector<1x1x16xf32>,
        %get3A_545 = vector.shape_cast %get3A_544 : vector<1x1x16xf32> to vector<16xf32>
        %mul3A_546 = arith.mulf %get3A_545, %exp3A : vector<16xf32>
        %swap3A = arith.constant 1 : i32
        %swap3A_547 = arith.index_cast %swap3A : i32 to index
        %swap3A_548 = arith.index_cast %scan3A_516 : i32 to index
        %swap3A_549 = arith.constant 0 : index
        %swap3A_550 = tpu.vector_load %arg10[%swap3A_547, %swap3A_548, %swap3A_549] {strides = array<i32>} : memref<4x80x48xf32, #tpu.memory_space<vmem>>, vector<1x1x16xf32>,
        %swap3A_551 = vector.shape_cast %swap3A_550 : vector<1x1x16xf32> to vector<16xf32>
        %swap3A_552 = vector.shape_cast %mul3A_546 : vector<16xf32> to vector<1x1x16xf32>
        tpu.vector_store %arg10[%swap3A_547, %swap3A_548, %swap3A_549], %swap3A_552 {strides = array<i32>} : memref<4x80x48xf32, #tpu.memory_space<vmem>>, vector<1x1x16xf32>,
        %get3A_553 = arith.constant 1 : i32
        %get3A_554 = arith.index_cast %get3A_553 : i32 to index
        %get3A_555 = arith.index_cast %scan3A_516 : i32 to index
        %get3A_556 = arith.constant 16 : index
        %get3A_557 = tpu.vector_load %arg9[%get3A_554, %get3A_555, %get3A_556] {strides = array<i32>} : memref<4x80x48xf32, #tpu.memory_space<vmem>>, vector<1x1x16xf32>,
        %get3A_558 = vector.shape_cast %get3A_557 : vector<1x1x16xf32> to vector<16xf32>
        %mul3A_559 = arith.mulf %get3A_558, %exp3A : vector<16xf32>
        %swap3A_560 = arith.constant 1 : i32
        %swap3A_561 = arith.index_cast %swap3A_560 : i32 to index
        %swap3A_562 = arith.index_cast %scan3A_516 : i32 to index
        %swap3A_563 = arith.constant 16 : index
        %swap3A_564 = tpu.vector_load %arg10[%swap3A_561, %swap3A_562, %swap3A_563] {strides = array<i32>} : memref<4x80x48xf32, #tpu.memory_space<vmem>>, vector<1x1x16xf32>,
        %swap3A_565 = vector.shape_cast %swap3A_564 : vector<1x1x16xf32> to vector<16xf32>
        %swap3A_566 = vector.shape_cast %mul3A_559 : vector<16xf32> to vector<1x1x16xf32>
        tpu.vector_store %arg10[%swap3A_561, %swap3A_562, %swap3A_563], %swap3A_566 {strides = array<i32>} : memref<4x80x48xf32, #tpu.memory_space<vmem>>, vector<1x1x16xf32>,
        %eq3A = arith.constant 9 : i32
        %eq3A_567 = vector.broadcast %eq3A : i32 to vector<16xi32>
        %eq3A_568 = arith.cmpi eq, %iota3A, %eq3A_567 : vector<16xi32>
        %mul3A_569 = arith.mulf %get3A_521, %exp3A : vector<16xf32>
        %select_n3A_570 = arith.select %eq3A_568, %exp3A, %mul3A_569 : vector<16xi1>, vector<16xf32>
        %swap3A_571 = arith.constant 1 : i32
        %swap3A_572 = arith.index_cast %swap3A_571 : i32 to index
        %swap3A_573 = arith.index_cast %scan3A_516 : i32 to index
        %swap3A_574 = arith.constant 32 : index
        %swap3A_575 = tpu.vector_load %arg10[%swap3A_572, %swap3A_573, %swap3A_574] {strides = array<i32>} : memref<4x80x48xf32, #tpu.memory_space<vmem>>, vector<1x1x16xf32>,
        %swap3A_576 = vector.shape_cast %swap3A_575 : vector<1x1x16xf32> to vector<16xf32>
        %swap3A_577 = vector.shape_cast %select_n3A_570 : vector<16xf32> to vector<1x1x16xf32>
        tpu.vector_store %arg10[%swap3A_572, %swap3A_573, %swap3A_574], %swap3A_577 {strides = array<i32>} : memref<4x80x48xf32, #tpu.memory_space<vmem>>, vector<1x1x16xf32>,
      }
      %scan3A_387 = arith.constant 80 : i32
      %dma_start3A_388 = arith.constant 1 : i32
      %dma_start3A_389 = arith.constant 0 : i32
      %dma_start3A_390 = arith.constant 0 : i32
      %dma_start3A_391 = tpu.memref_slice %arg10[%dma_start3A_388, %dma_start3A_389, %dma_start3A_390] : memref<4x80x48xf32, #tpu.memory_space<vmem>> -> memref<1x80x48xf32, #tpu.memory_space<vmem>>
      %dma_start3A_392 = tpu.memref_squeeze %dma_start3A_391 : memref<1x80x48xf32, #tpu.memory_space<vmem>> -> memref<80x48xf32, #tpu.memory_space<vmem>>
      %dma_start3A_393 = arith.constant 0 : i32
      %dma_start3A_394 = tpu.memref_slice %arg7[%add3A_354, %dma_start3A_393] : memref<125x80xi32, #tpu.memory_space<vmem>> -> memref<1x80xi32, #tpu.memory_space<vmem>>
      %dma_start3A_395 = tpu.memref_squeeze %dma_start3A_394 : memref<1x80xi32, #tpu.memory_space<vmem>> -> memref<80xi32, #tpu.memory_space<vmem>>
      %dma_start3A_396 = arith.constant 0 : i32
      %dma_start3A_397 = arith.constant 0 : i32
      %dma_start3A_398 = tpu.memref_slice %arg11[%dma_start3A_396, %dma_start3A_397] : memref<10240x48xf32, #tpu.memory_space<vmem_shared>> -> memref<10240x48xf32, #tpu.memory_space<vmem_shared>>
      tpu.enqueue_indirect_dma source(%dma_start3A_392 : memref<80x48xf32, #tpu.memory_space<vmem>>) target(%dma_start3A_398 : memref<10240x48xf32, #tpu.memory_space<vmem_shared>>) offsets(%dma_start3A_395 : memref<80xi32, #tpu.memory_space<vmem>>) semaphore(%arg17 : memref<!tpu.dma_semaphore, #tpu.memory_space<semaphore_mem>>) {add = true}
      %add3A_399 = arith.constant 4 : i32
      %add3A_400 = arith.addi %add3A_354, %add3A_399 : i32
      %lt3A_401 = arith.constant 125 : i32
      %lt3A_402 = arith.cmpi slt, %add3A_400, %lt3A_401 : i32
      %convert_element_type3A_403 = arith.extui %lt3A_402 : i1 to i32
      %cond3A_404 = arith.constant 0 : i32
      %cond3A_405 = arith.cmpi ne, %convert_element_type3A_403, %cond3A_404 : i32
      scf.if %cond3A_405 {
        %add3A_516 = arith.constant 4 : i32
        %add3A_517 = arith.addi %add3A_354, %add3A_516 : i32
        %dma_start3A_518 = arith.constant 1 : i32
        %dma_start3A_519 = arith.constant 0 : i32
        %dma_start3A_520 = arith.constant 0 : i32
        %dma_start3A_521 = tpu.memref_slice %arg9[%dma_start3A_518, %dma_start3A_519, %dma_start3A_520] : memref<4x80x48xf32, #tpu.memory_space<vmem>> -> memref<1x80x48xf32, #tpu.memory_space<vmem>>
        %dma_start3A_522 = tpu.memref_squeeze %dma_start3A_521 : memref<1x80x48xf32, #tpu.memory_space<vmem>> -> memref<80x48xf32, #tpu.memory_space<vmem>>
        %dma_start3A_523 = arith.constant 0 : i32
        %dma_start3A_524 = tpu.memref_slice %arg6[%add3A_517, %dma_start3A_523] : memref<125x80xi32, #tpu.memory_space<vmem>> -> memref<1x80xi32, #tpu.memory_space<vmem>>
        %dma_start3A_525 = tpu.memref_squeeze %dma_start3A_524 : memref<1x80xi32, #tpu.memory_space<vmem>> -> memref<80xi32, #tpu.memory_space<vmem>>
        %dma_start3A_526 = arith.constant 0 : i32
        %dma_start3A_527 = arith.constant 0 : i32
        %dma_start3A_528 = tpu.memref_slice %arg3[%dma_start3A_526, %dma_start3A_527] : memref<10240x48xf32, #tpu.memory_space<hbm>> -> memref<10240x48xf32, #tpu.memory_space<hbm>>
        tpu.enqueue_indirect_dma source(%dma_start3A_528 : memref<10240x48xf32, #tpu.memory_space<hbm>>) target(%dma_start3A_522 : memref<80x48xf32, #tpu.memory_space<vmem>>) offsets(%dma_start3A_525 : memref<80xi32, #tpu.memory_space<vmem>>) semaphore(%arg13 : memref<!tpu.dma_semaphore, #tpu.memory_space<semaphore_mem>>)
        %add3A_529 = arith.constant 4 : i32
        %add3A_530 = arith.addi %add3A_354, %add3A_529 : i32
        %dma_start3A_531 = arith.constant 1 : i32
        %dma_start3A_532 = arith.constant 0 : i32
        %dma_start3A_533 = arith.constant 0 : i32
        %dma_start3A_534 = tpu.memref_slice %arg8[%dma_start3A_531, %dma_start3A_532, %dma_start3A_533] : memref<4x80x16xf32, #tpu.memory_space<vmem>> -> memref<1x80x16xf32, #tpu.memory_space<vmem>>
        %dma_start3A_535 = tpu.memref_squeeze %dma_start3A_534 : memref<1x80x16xf32, #tpu.memory_space<vmem>> -> memref<80x16xf32, #tpu.memory_space<vmem>>
        %dma_start3A_536 = arith.constant 0 : i32
        %dma_start3A_537 = tpu.memref_slice %arg7[%add3A_530, %dma_start3A_536] : memref<125x80xi32, #tpu.memory_space<vmem>> -> memref<1x80xi32, #tpu.memory_space<vmem>>
        %dma_start3A_538 = tpu.memref_squeeze %dma_start3A_537 : memref<1x80xi32, #tpu.memory_space<vmem>> -> memref<80xi32, #tpu.memory_space<vmem>>
        %dma_start3A_539 = arith.constant 0 : i32
        %dma_start3A_540 = arith.constant 0 : i32
        %dma_start3A_541 = tpu.memref_slice %arg4[%dma_start3A_539, %dma_start3A_540] : memref<10240x16xf32, #tpu.memory_space<hbm>> -> memref<10240x16xf32, #tpu.memory_space<hbm>>
        tpu.enqueue_indirect_dma source(%dma_start3A_541 : memref<10240x16xf32, #tpu.memory_space<hbm>>) target(%dma_start3A_535 : memref<80x16xf32, #tpu.memory_space<vmem>>) offsets(%dma_start3A_538 : memref<80xi32, #tpu.memory_space<vmem>>) semaphore(%arg13 : memref<!tpu.dma_semaphore, #tpu.memory_space<semaphore_mem>>)
      } else {
      }
      %mul3A_406 = arith.constant 4 : i32
      %mul3A_407 = arith.muli %scan3A_299, %mul3A_406 : i32
      %add3A_408 = arith.constant 2 : i32
      %add3A_409 = arith.addi %mul3A_407, %add3A_408 : i32
      %dma_wait3A_410 = arith.constant 2 : i32
      %dma_wait3A_411 = arith.constant 0 : i32
      %dma_wait3A_412 = arith.constant 0 : i32
      %dma_wait3A_413 = tpu.memref_slice %arg9[%dma_wait3A_410, %dma_wait3A_411, %dma_wait3A_412] : memref<4x80x48xf32, #tpu.memory_space<vmem>> -> memref<1x80x48xf32, #tpu.memory_space<vmem>>
      %dma_wait3A_414 = tpu.memref_squeeze %dma_wait3A_413 : memref<1x80x48xf32, #tpu.memory_space<vmem>> -> memref<80x48xf32, #tpu.memory_space<vmem>>
      %dma_wait3A_415 = arith.constant 0 : i32
      %dma_wait3A_416 = tpu.memref_slice %arg6[%add3A_409, %dma_wait3A_415] : memref<125x80xi32, #tpu.memory_space<vmem>> -> memref<1x80xi32, #tpu.memory_space<vmem>>
      %dma_wait3A_417 = tpu.memref_squeeze %dma_wait3A_416 : memref<1x80xi32, #tpu.memory_space<vmem>> -> memref<80xi32, #tpu.memory_space<vmem>>
      %dma_wait3A_418 = arith.constant 0 : i32
      %dma_wait3A_419 = arith.constant 0 : i32
      %dma_wait3A_420 = tpu.memref_slice %arg3[%dma_wait3A_418, %dma_wait3A_419] : memref<10240x48xf32, #tpu.memory_space<hbm>> -> memref<10240x48xf32, #tpu.memory_space<hbm>>
      tpu.wait_indirect_dma semaphore(%arg14 : memref<!tpu.dma_semaphore, #tpu.memory_space<semaphore_mem>>) src(%dma_wait3A_420 : memref<10240x48xf32, #tpu.memory_space<hbm>>) dst(%dma_wait3A_414 : memref<80x48xf32, #tpu.memory_space<vmem>>)
      %dma_wait3A_421 = arith.constant 2 : i32
      %dma_wait3A_422 = arith.constant 0 : i32
      %dma_wait3A_423 = arith.constant 0 : i32
      %dma_wait3A_424 = tpu.memref_slice %arg8[%dma_wait3A_421, %dma_wait3A_422, %dma_wait3A_423] : memref<4x80x16xf32, #tpu.memory_space<vmem>> -> memref<1x80x16xf32, #tpu.memory_space<vmem>>
      %dma_wait3A_425 = tpu.memref_squeeze %dma_wait3A_424 : memref<1x80x16xf32, #tpu.memory_space<vmem>> -> memref<80x16xf32, #tpu.memory_space<vmem>>
      %dma_wait3A_426 = arith.constant 0 : i32
      %dma_wait3A_427 = tpu.memref_slice %arg7[%add3A_409, %dma_wait3A_426] : memref<125x80xi32, #tpu.memory_space<vmem>> -> memref<1x80xi32, #tpu.memory_space<vmem>>
      %dma_wait3A_428 = tpu.memref_squeeze %dma_wait3A_427 : memref<1x80xi32, #tpu.memory_space<vmem>> -> memref<80xi32, #tpu.memory_space<vmem>>
      %dma_wait3A_429 = arith.constant 0 : i32
      %dma_wait3A_430 = arith.constant 0 : i32
      %dma_wait3A_431 = tpu.memref_slice %arg4[%dma_wait3A_429, %dma_wait3A_430] : memref<10240x16xf32, #tpu.memory_space<hbm>> -> memref<10240x16xf32, #tpu.memory_space<hbm>>
      tpu.wait_indirect_dma semaphore(%arg14 : memref<!tpu.dma_semaphore, #tpu.memory_space<semaphore_mem>>) src(%dma_wait3A_431 : memref<10240x16xf32, #tpu.memory_space<hbm>>) dst(%dma_wait3A_425 : memref<80x16xf32, #tpu.memory_space<vmem>>)
      %gt3A_432 = arith.constant 0 : i32
      %gt3A_433 = arith.cmpi sgt, %scan3A_299, %gt3A_432 : i32
      %convert_element_type3A_434 = arith.extui %gt3A_433 : i1 to i32
      %cond3A_435 = arith.constant 0 : i32
      %cond3A_436 = arith.cmpi ne, %convert_element_type3A_434, %cond3A_435 : i32
      scf.if %cond3A_436 {
        %dma_wait3A_516 = arith.constant 2 : i32
        %dma_wait3A_517 = arith.constant 0 : i32
        %dma_wait3A_518 = arith.constant 0 : i32
        %dma_wait3A_519 = arith.constant 0 : i32
        %dma_wait3A_520 = tpu.memref_slice %arg10[%dma_wait3A_516, %dma_wait3A_518, %dma_wait3A_519] : memref<4x80x48xf32, #tpu.memory_space<vmem>> -> memref<1x80x48xf32, #tpu.memory_space<vmem>>
        %dma_wait3A_521 = tpu.memref_squeeze %dma_wait3A_520 : memref<1x80x48xf32, #tpu.memory_space<vmem>> -> memref<80x48xf32, #tpu.memory_space<vmem>>
        %dma_wait3A_522 = arith.constant 0 : i32
        %dma_wait3A_523 = tpu.memref_slice %arg7[%dma_wait3A_517, %dma_wait3A_522] : memref<125x80xi32, #tpu.memory_space<vmem>> -> memref<1x80xi32, #tpu.memory_space<vmem>>
        %dma_wait3A_524 = tpu.memref_squeeze %dma_wait3A_523 : memref<1x80xi32, #tpu.memory_space<vmem>> -> memref<80xi32, #tpu.memory_space<vmem>>
        %dma_wait3A_525 = arith.constant 0 : i32
        %dma_wait3A_526 = arith.constant 0 : i32
        %dma_wait3A_527 = tpu.memref_slice %arg11[%dma_wait3A_525, %dma_wait3A_526] : memref<10240x48xf32, #tpu.memory_space<vmem_shared>> -> memref<10240x48xf32, #tpu.memory_space<vmem_shared>>
        tpu.wait_indirect_dma semaphore(%arg18 : memref<!tpu.dma_semaphore, #tpu.memory_space<semaphore_mem>>) src(%dma_wait3A_521 : memref<80x48xf32, #tpu.memory_space<vmem>>) dst(%dma_wait3A_527 : memref<10240x48xf32, #tpu.memory_space<vmem_shared>>)
      } else {
      }
      %scan3A_437 = arith.constant 0 : i32
      %scan3A_438 = arith.constant 0 : i32
      %scan3A_439 = arith.constant 80 : i32
      %scan3A_440 = arith.addi %scan3A_438, %scan3A_439 : i32
      %scan3A_441 = arith.constant 1 : i32
      scf.for %scan3A_516 = %scan3A_438 to %scan3A_440 step %scan3A_441  : i32 {
        %get3A = arith.constant 2 : i32
        %get3A_517 = arith.index_cast %get3A : i32 to index
        %get3A_518 = arith.index_cast %scan3A_516 : i32 to index
        %get3A_519 = arith.constant 32 : index
        %get3A_520 = tpu.vector_load %arg9[%get3A_517, %get3A_518, %get3A_519] {strides = array<i32>} : memref<4x80x48xf32, #tpu.memory_space<vmem>>, vector<1x1x16xf32>,
        %get3A_521 = vector.shape_cast %get3A_520 : vector<1x1x16xf32> to vector<16xf32>
        %lt3A_522 = arith.constant 0 : i32
        %lt3A_523 = vector.broadcast %lt3A_522 : i32 to vector<16xi32>
        %lt3A_524 = arith.cmpi slt, %broadcast_in_dim3A_142, %lt3A_523 : vector<16xi32>
        %add3A_525 = arith.constant 16 : i32
        %add3A_526 = vector.broadcast %add3A_525 : i32 to vector<16xi32>
        %add3A_527 = arith.addi %broadcast_in_dim3A_142, %add3A_526 : vector<16xi32>
        %select_n3A = arith.select %lt3A_524, %add3A_527, %broadcast_in_dim3A_142 : vector<16xi1>, vector<16xi32>
        %broadcast_in_dim3A_528 = vector.shape_cast %select_n3A : vector<16xi32> to vector<16x1xi32>
        %gather3A = vector.shape_cast %broadcast_in_dim3A_528 : vector<16x1xi32> to vector<16xi32>
        %gather3A_529 = tpu.dynamic_gather %get3A_521[%gather3A] in [0] : vector<16xf32>, vector<16xi32> -> vector<16xf32>
        %get3A_530 = arith.constant 2 : i32
        %get3A_531 = arith.index_cast %get3A_530 : i32 to index
        %get3A_532 = arith.index_cast %scan3A_516 : i32 to index
        %get3A_533 = arith.constant 0 : index
        %get3A_534 = tpu.vector_load %arg8[%get3A_531, %get3A_532, %get3A_533] {strides = array<i32>} : memref<4x80x16xf32, #tpu.memory_space<vmem>>, vector<1x1x16xf32>,
        %get3A_535 = vector.shape_cast %get3A_534 : vector<1x1x16xf32> to vector<16xf32>
        %add3A_536 = arith.addf %gather3A_529, %get3A_535 : vector<16xf32>
        %mul3A_537 = arith.constant 2.000000e-01 : f32
        %mul3A_538 = vector.broadcast %mul3A_537 : f32 to vector<16xf32>
        %mul3A_539 = arith.mulf %mul3A_538, %add3A_536 : vector<16xf32>
        %max3A = arith.maximumf %add3A_536, %mul3A_539 : vector<16xf32>
        %exp3A = math.exp %max3A : vector<16xf32>
        %get3A_540 = arith.constant 2 : i32
        %get3A_541 = arith.index_cast %get3A_540 : i32 to index
        %get3A_542 = arith.index_cast %scan3A_516 : i32 to index
        %get3A_543 = arith.constant 0 : index
        %get3A_544 = tpu.vector_load %arg9[%get3A_541, %get3A_542, %get3A_543] {strides = array<i32>} : memref<4x80x48xf32, #tpu.memory_space<vmem>>, vector<1x1x16xf32>,
        %get3A_545 = vector.shape_cast %get3A_544 : vector<1x1x16xf32> to vector<16xf32>
        %mul3A_546 = arith.mulf %get3A_545, %exp3A : vector<16xf32>
        %swap3A = arith.constant 2 : i32
        %swap3A_547 = arith.index_cast %swap3A : i32 to index
        %swap3A_548 = arith.index_cast %scan3A_516 : i32 to index
        %swap3A_549 = arith.constant 0 : index
        %swap3A_550 = tpu.vector_load %arg10[%swap3A_547, %swap3A_548, %swap3A_549] {strides = array<i32>} : memref<4x80x48xf32, #tpu.memory_space<vmem>>, vector<1x1x16xf32>,
        %swap3A_551 = vector.shape_cast %swap3A_550 : vector<1x1x16xf32> to vector<16xf32>
        %swap3A_552 = vector.shape_cast %mul3A_546 : vector<16xf32> to vector<1x1x16xf32>
        tpu.vector_store %arg10[%swap3A_547, %swap3A_548, %swap3A_549], %swap3A_552 {strides = array<i32>} : memref<4x80x48xf32, #tpu.memory_space<vmem>>, vector<1x1x16xf32>,
        %get3A_553 = arith.constant 2 : i32
        %get3A_554 = arith.index_cast %get3A_553 : i32 to index
        %get3A_555 = arith.index_cast %scan3A_516 : i32 to index
        %get3A_556 = arith.constant 16 : index
        %get3A_557 = tpu.vector_load %arg9[%get3A_554, %get3A_555, %get3A_556] {strides = array<i32>} : memref<4x80x48xf32, #tpu.memory_space<vmem>>, vector<1x1x16xf32>,
        %get3A_558 = vector.shape_cast %get3A_557 : vector<1x1x16xf32> to vector<16xf32>
        %mul3A_559 = arith.mulf %get3A_558, %exp3A : vector<16xf32>
        %swap3A_560 = arith.constant 2 : i32
        %swap3A_561 = arith.index_cast %swap3A_560 : i32 to index
        %swap3A_562 = arith.index_cast %scan3A_516 : i32 to index
        %swap3A_563 = arith.constant 16 : index
        %swap3A_564 = tpu.vector_load %arg10[%swap3A_561, %swap3A_562, %swap3A_563] {strides = array<i32>} : memref<4x80x48xf32, #tpu.memory_space<vmem>>, vector<1x1x16xf32>,
        %swap3A_565 = vector.shape_cast %swap3A_564 : vector<1x1x16xf32> to vector<16xf32>
        %swap3A_566 = vector.shape_cast %mul3A_559 : vector<16xf32> to vector<1x1x16xf32>
        tpu.vector_store %arg10[%swap3A_561, %swap3A_562, %swap3A_563], %swap3A_566 {strides = array<i32>} : memref<4x80x48xf32, #tpu.memory_space<vmem>>, vector<1x1x16xf32>,
        %eq3A = arith.constant 9 : i32
        %eq3A_567 = vector.broadcast %eq3A : i32 to vector<16xi32>
        %eq3A_568 = arith.cmpi eq, %iota3A, %eq3A_567 : vector<16xi32>
        %mul3A_569 = arith.mulf %get3A_521, %exp3A : vector<16xf32>
        %select_n3A_570 = arith.select %eq3A_568, %exp3A, %mul3A_569 : vector<16xi1>, vector<16xf32>
        %swap3A_571 = arith.constant 2 : i32
        %swap3A_572 = arith.index_cast %swap3A_571 : i32 to index
        %swap3A_573 = arith.index_cast %scan3A_516 : i32 to index
        %swap3A_574 = arith.constant 32 : index
        %swap3A_575 = tpu.vector_load %arg10[%swap3A_572, %swap3A_573, %swap3A_574] {strides = array<i32>} : memref<4x80x48xf32, #tpu.memory_space<vmem>>, vector<1x1x16xf32>,
        %swap3A_576 = vector.shape_cast %swap3A_575 : vector<1x1x16xf32> to vector<16xf32>
        %swap3A_577 = vector.shape_cast %select_n3A_570 : vector<16xf32> to vector<1x1x16xf32>
        tpu.vector_store %arg10[%swap3A_572, %swap3A_573, %swap3A_574], %swap3A_577 {strides = array<i32>} : memref<4x80x48xf32, #tpu.memory_space<vmem>>, vector<1x1x16xf32>,
      }
      %scan3A_442 = arith.constant 80 : i32
      %dma_start3A_443 = arith.constant 2 : i32
      %dma_start3A_444 = arith.constant 0 : i32
      %dma_start3A_445 = arith.constant 0 : i32
      %dma_start3A_446 = tpu.memref_slice %arg10[%dma_start3A_443, %dma_start3A_444, %dma_start3A_445] : memref<4x80x48xf32, #tpu.memory_space<vmem>> -> memref<1x80x48xf32, #tpu.memory_space<vmem>>
      %dma_start3A_447 = tpu.memref_squeeze %dma_start3A_446 : memref<1x80x48xf32, #tpu.memory_space<vmem>> -> memref<80x48xf32, #tpu.memory_space<vmem>>
      %dma_start3A_448 = arith.constant 0 : i32
      %dma_start3A_449 = tpu.memref_slice %arg7[%add3A_409, %dma_start3A_448] : memref<125x80xi32, #tpu.memory_space<vmem>> -> memref<1x80xi32, #tpu.memory_space<vmem>>
      %dma_start3A_450 = tpu.memref_squeeze %dma_start3A_449 : memref<1x80xi32, #tpu.memory_space<vmem>> -> memref<80xi32, #tpu.memory_space<vmem>>
      %dma_start3A_451 = arith.constant 0 : i32
      %dma_start3A_452 = arith.constant 0 : i32
      %dma_start3A_453 = tpu.memref_slice %arg11[%dma_start3A_451, %dma_start3A_452] : memref<10240x48xf32, #tpu.memory_space<vmem_shared>> -> memref<10240x48xf32, #tpu.memory_space<vmem_shared>>
      tpu.enqueue_indirect_dma source(%dma_start3A_447 : memref<80x48xf32, #tpu.memory_space<vmem>>) target(%dma_start3A_453 : memref<10240x48xf32, #tpu.memory_space<vmem_shared>>) offsets(%dma_start3A_450 : memref<80xi32, #tpu.memory_space<vmem>>) semaphore(%arg18 : memref<!tpu.dma_semaphore, #tpu.memory_space<semaphore_mem>>) {add = true}
      %add3A_454 = arith.constant 4 : i32
      %add3A_455 = arith.addi %add3A_409, %add3A_454 : i32
      %lt3A_456 = arith.constant 125 : i32
      %lt3A_457 = arith.cmpi slt, %add3A_455, %lt3A_456 : i32
      %convert_element_type3A_458 = arith.extui %lt3A_457 : i1 to i32
      %cond3A_459 = arith.constant 0 : i32
      %cond3A_460 = arith.cmpi ne, %convert_element_type3A_458, %cond3A_459 : i32
      scf.if %cond3A_460 {
        %add3A_516 = arith.constant 4 : i32
        %add3A_517 = arith.addi %add3A_409, %add3A_516 : i32
        %dma_start3A_518 = arith.constant 2 : i32
        %dma_start3A_519 = arith.constant 0 : i32
        %dma_start3A_520 = arith.constant 0 : i32
        %dma_start3A_521 = tpu.memref_slice %arg9[%dma_start3A_518, %dma_start3A_519, %dma_start3A_520] : memref<4x80x48xf32, #tpu.memory_space<vmem>> -> memref<1x80x48xf32, #tpu.memory_space<vmem>>
        %dma_start3A_522 = tpu.memref_squeeze %dma_start3A_521 : memref<1x80x48xf32, #tpu.memory_space<vmem>> -> memref<80x48xf32, #tpu.memory_space<vmem>>
        %dma_start3A_523 = arith.constant 0 : i32
        %dma_start3A_524 = tpu.memref_slice %arg6[%add3A_517, %dma_start3A_523] : memref<125x80xi32, #tpu.memory_space<vmem>> -> memref<1x80xi32, #tpu.memory_space<vmem>>
        %dma_start3A_525 = tpu.memref_squeeze %dma_start3A_524 : memref<1x80xi32, #tpu.memory_space<vmem>> -> memref<80xi32, #tpu.memory_space<vmem>>
        %dma_start3A_526 = arith.constant 0 : i32
        %dma_start3A_527 = arith.constant 0 : i32
        %dma_start3A_528 = tpu.memref_slice %arg3[%dma_start3A_526, %dma_start3A_527] : memref<10240x48xf32, #tpu.memory_space<hbm>> -> memref<10240x48xf32, #tpu.memory_space<hbm>>
        tpu.enqueue_indirect_dma source(%dma_start3A_528 : memref<10240x48xf32, #tpu.memory_space<hbm>>) target(%dma_start3A_522 : memref<80x48xf32, #tpu.memory_space<vmem>>) offsets(%dma_start3A_525 : memref<80xi32, #tpu.memory_space<vmem>>) semaphore(%arg14 : memref<!tpu.dma_semaphore, #tpu.memory_space<semaphore_mem>>)
        %add3A_529 = arith.constant 4 : i32
        %add3A_530 = arith.addi %add3A_409, %add3A_529 : i32
        %dma_start3A_531 = arith.constant 2 : i32
        %dma_start3A_532 = arith.constant 0 : i32
        %dma_start3A_533 = arith.constant 0 : i32
        %dma_start3A_534 = tpu.memref_slice %arg8[%dma_start3A_531, %dma_start3A_532, %dma_start3A_533] : memref<4x80x16xf32, #tpu.memory_space<vmem>> -> memref<1x80x16xf32, #tpu.memory_space<vmem>>
        %dma_start3A_535 = tpu.memref_squeeze %dma_start3A_534 : memref<1x80x16xf32, #tpu.memory_space<vmem>> -> memref<80x16xf32, #tpu.memory_space<vmem>>
        %dma_start3A_536 = arith.constant 0 : i32
        %dma_start3A_537 = tpu.memref_slice %arg7[%add3A_530, %dma_start3A_536] : memref<125x80xi32, #tpu.memory_space<vmem>> -> memref<1x80xi32, #tpu.memory_space<vmem>>
        %dma_start3A_538 = tpu.memref_squeeze %dma_start3A_537 : memref<1x80xi32, #tpu.memory_space<vmem>> -> memref<80xi32, #tpu.memory_space<vmem>>
        %dma_start3A_539 = arith.constant 0 : i32
        %dma_start3A_540 = arith.constant 0 : i32
        %dma_start3A_541 = tpu.memref_slice %arg4[%dma_start3A_539, %dma_start3A_540] : memref<10240x16xf32, #tpu.memory_space<hbm>> -> memref<10240x16xf32, #tpu.memory_space<hbm>>
        tpu.enqueue_indirect_dma source(%dma_start3A_541 : memref<10240x16xf32, #tpu.memory_space<hbm>>) target(%dma_start3A_535 : memref<80x16xf32, #tpu.memory_space<vmem>>) offsets(%dma_start3A_538 : memref<80xi32, #tpu.memory_space<vmem>>) semaphore(%arg14 : memref<!tpu.dma_semaphore, #tpu.memory_space<semaphore_mem>>)
      } else {
      }
      %mul3A_461 = arith.constant 4 : i32
      %mul3A_462 = arith.muli %scan3A_299, %mul3A_461 : i32
      %add3A_463 = arith.constant 3 : i32
      %add3A_464 = arith.addi %mul3A_462, %add3A_463 : i32
      %dma_wait3A_465 = arith.constant 3 : i32
      %dma_wait3A_466 = arith.constant 0 : i32
      %dma_wait3A_467 = arith.constant 0 : i32
      %dma_wait3A_468 = tpu.memref_slice %arg9[%dma_wait3A_465, %dma_wait3A_466, %dma_wait3A_467] : memref<4x80x48xf32, #tpu.memory_space<vmem>> -> memref<1x80x48xf32, #tpu.memory_space<vmem>>
      %dma_wait3A_469 = tpu.memref_squeeze %dma_wait3A_468 : memref<1x80x48xf32, #tpu.memory_space<vmem>> -> memref<80x48xf32, #tpu.memory_space<vmem>>
      %dma_wait3A_470 = arith.constant 0 : i32
      %dma_wait3A_471 = tpu.memref_slice %arg6[%add3A_464, %dma_wait3A_470] : memref<125x80xi32, #tpu.memory_space<vmem>> -> memref<1x80xi32, #tpu.memory_space<vmem>>
      %dma_wait3A_472 = tpu.memref_squeeze %dma_wait3A_471 : memref<1x80xi32, #tpu.memory_space<vmem>> -> memref<80xi32, #tpu.memory_space<vmem>>
      %dma_wait3A_473 = arith.constant 0 : i32
      %dma_wait3A_474 = arith.constant 0 : i32
      %dma_wait3A_475 = tpu.memref_slice %arg3[%dma_wait3A_473, %dma_wait3A_474] : memref<10240x48xf32, #tpu.memory_space<hbm>> -> memref<10240x48xf32, #tpu.memory_space<hbm>>
      tpu.wait_indirect_dma semaphore(%arg15 : memref<!tpu.dma_semaphore, #tpu.memory_space<semaphore_mem>>) src(%dma_wait3A_475 : memref<10240x48xf32, #tpu.memory_space<hbm>>) dst(%dma_wait3A_469 : memref<80x48xf32, #tpu.memory_space<vmem>>)
      %dma_wait3A_476 = arith.constant 3 : i32
      %dma_wait3A_477 = arith.constant 0 : i32
      %dma_wait3A_478 = arith.constant 0 : i32
      %dma_wait3A_479 = tpu.memref_slice %arg8[%dma_wait3A_476, %dma_wait3A_477, %dma_wait3A_478] : memref<4x80x16xf32, #tpu.memory_space<vmem>> -> memref<1x80x16xf32, #tpu.memory_space<vmem>>
      %dma_wait3A_480 = tpu.memref_squeeze %dma_wait3A_479 : memref<1x80x16xf32, #tpu.memory_space<vmem>> -> memref<80x16xf32, #tpu.memory_space<vmem>>
      %dma_wait3A_481 = arith.constant 0 : i32
      %dma_wait3A_482 = tpu.memref_slice %arg7[%add3A_464, %dma_wait3A_481] : memref<125x80xi32, #tpu.memory_space<vmem>> -> memref<1x80xi32, #tpu.memory_space<vmem>>
      %dma_wait3A_483 = tpu.memref_squeeze %dma_wait3A_482 : memref<1x80xi32, #tpu.memory_space<vmem>> -> memref<80xi32, #tpu.memory_space<vmem>>
      %dma_wait3A_484 = arith.constant 0 : i32
      %dma_wait3A_485 = arith.constant 0 : i32
      %dma_wait3A_486 = tpu.memref_slice %arg4[%dma_wait3A_484, %dma_wait3A_485] : memref<10240x16xf32, #tpu.memory_space<hbm>> -> memref<10240x16xf32, #tpu.memory_space<hbm>>
      tpu.wait_indirect_dma semaphore(%arg15 : memref<!tpu.dma_semaphore, #tpu.memory_space<semaphore_mem>>) src(%dma_wait3A_486 : memref<10240x16xf32, #tpu.memory_space<hbm>>) dst(%dma_wait3A_480 : memref<80x16xf32, #tpu.memory_space<vmem>>)
      %gt3A_487 = arith.constant 0 : i32
      %gt3A_488 = arith.cmpi sgt, %scan3A_299, %gt3A_487 : i32
      %convert_element_type3A_489 = arith.extui %gt3A_488 : i1 to i32
      %cond3A_490 = arith.constant 0 : i32
      %cond3A_491 = arith.cmpi ne, %convert_element_type3A_489, %cond3A_490 : i32
      scf.if %cond3A_491 {
        %dma_wait3A_516 = arith.constant 3 : i32
        %dma_wait3A_517 = arith.constant 0 : i32
        %dma_wait3A_518 = arith.constant 0 : i32
        %dma_wait3A_519 = arith.constant 0 : i32
        %dma_wait3A_520 = tpu.memref_slice %arg10[%dma_wait3A_516, %dma_wait3A_518, %dma_wait3A_519] : memref<4x80x48xf32, #tpu.memory_space<vmem>> -> memref<1x80x48xf32, #tpu.memory_space<vmem>>
        %dma_wait3A_521 = tpu.memref_squeeze %dma_wait3A_520 : memref<1x80x48xf32, #tpu.memory_space<vmem>> -> memref<80x48xf32, #tpu.memory_space<vmem>>
        %dma_wait3A_522 = arith.constant 0 : i32
        %dma_wait3A_523 = tpu.memref_slice %arg7[%dma_wait3A_517, %dma_wait3A_522] : memref<125x80xi32, #tpu.memory_space<vmem>> -> memref<1x80xi32, #tpu.memory_space<vmem>>
        %dma_wait3A_524 = tpu.memref_squeeze %dma_wait3A_523 : memref<1x80xi32, #tpu.memory_space<vmem>> -> memref<80xi32, #tpu.memory_space<vmem>>
        %dma_wait3A_525 = arith.constant 0 : i32
        %dma_wait3A_526 = arith.constant 0 : i32
        %dma_wait3A_527 = tpu.memref_slice %arg11[%dma_wait3A_525, %dma_wait3A_526] : memref<10240x48xf32, #tpu.memory_space<vmem_shared>> -> memref<10240x48xf32, #tpu.memory_space<vmem_shared>>
        tpu.wait_indirect_dma semaphore(%arg19 : memref<!tpu.dma_semaphore, #tpu.memory_space<semaphore_mem>>) src(%dma_wait3A_521 : memref<80x48xf32, #tpu.memory_space<vmem>>) dst(%dma_wait3A_527 : memref<10240x48xf32, #tpu.memory_space<vmem_shared>>)
      } else {
      }
      %scan3A_492 = arith.constant 0 : i32
      %scan3A_493 = arith.constant 0 : i32
      %scan3A_494 = arith.constant 80 : i32
      %scan3A_495 = arith.addi %scan3A_493, %scan3A_494 : i32
      %scan3A_496 = arith.constant 1 : i32
      scf.for %scan3A_516 = %scan3A_493 to %scan3A_495 step %scan3A_496  : i32 {
        %get3A = arith.constant 3 : i32
        %get3A_517 = arith.index_cast %get3A : i32 to index
        %get3A_518 = arith.index_cast %scan3A_516 : i32 to index
        %get3A_519 = arith.constant 32 : index
        %get3A_520 = tpu.vector_load %arg9[%get3A_517, %get3A_518, %get3A_519] {strides = array<i32>} : memref<4x80x48xf32, #tpu.memory_space<vmem>>, vector<1x1x16xf32>,
        %get3A_521 = vector.shape_cast %get3A_520 : vector<1x1x16xf32> to vector<16xf32>
        %lt3A_522 = arith.constant 0 : i32
        %lt3A_523 = vector.broadcast %lt3A_522 : i32 to vector<16xi32>
        %lt3A_524 = arith.cmpi slt, %broadcast_in_dim3A_142, %lt3A_523 : vector<16xi32>
        %add3A_525 = arith.constant 16 : i32
        %add3A_526 = vector.broadcast %add3A_525 : i32 to vector<16xi32>
        %add3A_527 = arith.addi %broadcast_in_dim3A_142, %add3A_526 : vector<16xi32>
        %select_n3A = arith.select %lt3A_524, %add3A_527, %broadcast_in_dim3A_142 : vector<16xi1>, vector<16xi32>
        %broadcast_in_dim3A_528 = vector.shape_cast %select_n3A : vector<16xi32> to vector<16x1xi32>
        %gather3A = vector.shape_cast %broadcast_in_dim3A_528 : vector<16x1xi32> to vector<16xi32>
        %gather3A_529 = tpu.dynamic_gather %get3A_521[%gather3A] in [0] : vector<16xf32>, vector<16xi32> -> vector<16xf32>
        %get3A_530 = arith.constant 3 : i32
        %get3A_531 = arith.index_cast %get3A_530 : i32 to index
        %get3A_532 = arith.index_cast %scan3A_516 : i32 to index
        %get3A_533 = arith.constant 0 : index
        %get3A_534 = tpu.vector_load %arg8[%get3A_531, %get3A_532, %get3A_533] {strides = array<i32>} : memref<4x80x16xf32, #tpu.memory_space<vmem>>, vector<1x1x16xf32>,
        %get3A_535 = vector.shape_cast %get3A_534 : vector<1x1x16xf32> to vector<16xf32>
        %add3A_536 = arith.addf %gather3A_529, %get3A_535 : vector<16xf32>
        %mul3A_537 = arith.constant 2.000000e-01 : f32
        %mul3A_538 = vector.broadcast %mul3A_537 : f32 to vector<16xf32>
        %mul3A_539 = arith.mulf %mul3A_538, %add3A_536 : vector<16xf32>
        %max3A = arith.maximumf %add3A_536, %mul3A_539 : vector<16xf32>
        %exp3A = math.exp %max3A : vector<16xf32>
        %get3A_540 = arith.constant 3 : i32
        %get3A_541 = arith.index_cast %get3A_540 : i32 to index
        %get3A_542 = arith.index_cast %scan3A_516 : i32 to index
        %get3A_543 = arith.constant 0 : index
        %get3A_544 = tpu.vector_load %arg9[%get3A_541, %get3A_542, %get3A_543] {strides = array<i32>} : memref<4x80x48xf32, #tpu.memory_space<vmem>>, vector<1x1x16xf32>,
        %get3A_545 = vector.shape_cast %get3A_544 : vector<1x1x16xf32> to vector<16xf32>
        %mul3A_546 = arith.mulf %get3A_545, %exp3A : vector<16xf32>
        %swap3A = arith.constant 3 : i32
        %swap3A_547 = arith.index_cast %swap3A : i32 to index
        %swap3A_548 = arith.index_cast %scan3A_516 : i32 to index
        %swap3A_549 = arith.constant 0 : index
        %swap3A_550 = tpu.vector_load %arg10[%swap3A_547, %swap3A_548, %swap3A_549] {strides = array<i32>} : memref<4x80x48xf32, #tpu.memory_space<vmem>>, vector<1x1x16xf32>,
        %swap3A_551 = vector.shape_cast %swap3A_550 : vector<1x1x16xf32> to vector<16xf32>
        %swap3A_552 = vector.shape_cast %mul3A_546 : vector<16xf32> to vector<1x1x16xf32>
        tpu.vector_store %arg10[%swap3A_547, %swap3A_548, %swap3A_549], %swap3A_552 {strides = array<i32>} : memref<4x80x48xf32, #tpu.memory_space<vmem>>, vector<1x1x16xf32>,
        %get3A_553 = arith.constant 3 : i32
        %get3A_554 = arith.index_cast %get3A_553 : i32 to index
        %get3A_555 = arith.index_cast %scan3A_516 : i32 to index
        %get3A_556 = arith.constant 16 : index
        %get3A_557 = tpu.vector_load %arg9[%get3A_554, %get3A_555, %get3A_556] {strides = array<i32>} : memref<4x80x48xf32, #tpu.memory_space<vmem>>, vector<1x1x16xf32>,
        %get3A_558 = vector.shape_cast %get3A_557 : vector<1x1x16xf32> to vector<16xf32>
        %mul3A_559 = arith.mulf %get3A_558, %exp3A : vector<16xf32>
        %swap3A_560 = arith.constant 3 : i32
        %swap3A_561 = arith.index_cast %swap3A_560 : i32 to index
        %swap3A_562 = arith.index_cast %scan3A_516 : i32 to index
        %swap3A_563 = arith.constant 16 : index
        %swap3A_564 = tpu.vector_load %arg10[%swap3A_561, %swap3A_562, %swap3A_563] {strides = array<i32>} : memref<4x80x48xf32, #tpu.memory_space<vmem>>, vector<1x1x16xf32>,
        %swap3A_565 = vector.shape_cast %swap3A_564 : vector<1x1x16xf32> to vector<16xf32>
        %swap3A_566 = vector.shape_cast %mul3A_559 : vector<16xf32> to vector<1x1x16xf32>
        tpu.vector_store %arg10[%swap3A_561, %swap3A_562, %swap3A_563], %swap3A_566 {strides = array<i32>} : memref<4x80x48xf32, #tpu.memory_space<vmem>>, vector<1x1x16xf32>,
        %eq3A = arith.constant 9 : i32
        %eq3A_567 = vector.broadcast %eq3A : i32 to vector<16xi32>
        %eq3A_568 = arith.cmpi eq, %iota3A, %eq3A_567 : vector<16xi32>
        %mul3A_569 = arith.mulf %get3A_521, %exp3A : vector<16xf32>
        %select_n3A_570 = arith.select %eq3A_568, %exp3A, %mul3A_569 : vector<16xi1>, vector<16xf32>
        %swap3A_571 = arith.constant 3 : i32
        %swap3A_572 = arith.index_cast %swap3A_571 : i32 to index
        %swap3A_573 = arith.index_cast %scan3A_516 : i32 to index
        %swap3A_574 = arith.constant 32 : index
        %swap3A_575 = tpu.vector_load %arg10[%swap3A_572, %swap3A_573, %swap3A_574] {strides = array<i32>} : memref<4x80x48xf32, #tpu.memory_space<vmem>>, vector<1x1x16xf32>,
        %swap3A_576 = vector.shape_cast %swap3A_575 : vector<1x1x16xf32> to vector<16xf32>
        %swap3A_577 = vector.shape_cast %select_n3A_570 : vector<16xf32> to vector<1x1x16xf32>
        tpu.vector_store %arg10[%swap3A_572, %swap3A_573, %swap3A_574], %swap3A_577 {strides = array<i32>} : memref<4x80x48xf32, #tpu.memory_space<vmem>>, vector<1x1x16xf32>,
      }
      %scan3A_497 = arith.constant 80 : i32
      %dma_start3A_498 = arith.constant 3 : i32
      %dma_start3A_499 = arith.constant 0 : i32
      %dma_start3A_500 = arith.constant 0 : i32
      %dma_start3A_501 = tpu.memref_slice %arg10[%dma_start3A_498, %dma_start3A_499, %dma_start3A_500] : memref<4x80x48xf32, #tpu.memory_space<vmem>> -> memref<1x80x48xf32, #tpu.memory_space<vmem>>
      %dma_start3A_502 = tpu.memref_squeeze %dma_start3A_501 : memref<1x80x48xf32, #tpu.memory_space<vmem>> -> memref<80x48xf32, #tpu.memory_space<vmem>>
      %dma_start3A_503 = arith.constant 0 : i32
      %dma_start3A_504 = tpu.memref_slice %arg7[%add3A_464, %dma_start3A_503] : memref<125x80xi32, #tpu.memory_space<vmem>> -> memref<1x80xi32, #tpu.memory_space<vmem>>
      %dma_start3A_505 = tpu.memref_squeeze %dma_start3A_504 : memref<1x80xi32, #tpu.memory_space<vmem>> -> memref<80xi32, #tpu.memory_space<vmem>>
      %dma_start3A_506 = arith.constant 0 : i32
      %dma_start3A_507 = arith.constant 0 : i32
      %dma_start3A_508 = tpu.memref_slice %arg11[%dma_start3A_506, %dma_start3A_507] : memref<10240x48xf32, #tpu.memory_space<vmem_shared>> -> memref<10240x48xf32, #tpu.memory_space<vmem_shared>>
      tpu.enqueue_indirect_dma source(%dma_start3A_502 : memref<80x48xf32, #tpu.memory_space<vmem>>) target(%dma_start3A_508 : memref<10240x48xf32, #tpu.memory_space<vmem_shared>>) offsets(%dma_start3A_505 : memref<80xi32, #tpu.memory_space<vmem>>) semaphore(%arg19 : memref<!tpu.dma_semaphore, #tpu.memory_space<semaphore_mem>>) {add = true}
      %add3A_509 = arith.constant 4 : i32
      %add3A_510 = arith.addi %add3A_464, %add3A_509 : i32
      %lt3A_511 = arith.constant 125 : i32
      %lt3A_512 = arith.cmpi slt, %add3A_510, %lt3A_511 : i32
      %convert_element_type3A_513 = arith.extui %lt3A_512 : i1 to i32
      %cond3A_514 = arith.constant 0 : i32
      %cond3A_515 = arith.cmpi ne, %convert_element_type3A_513, %cond3A_514 : i32
      scf.if %cond3A_515 {
        %add3A_516 = arith.constant 4 : i32
        %add3A_517 = arith.addi %add3A_464, %add3A_516 : i32
        %dma_start3A_518 = arith.constant 3 : i32
        %dma_start3A_519 = arith.constant 0 : i32
        %dma_start3A_520 = arith.constant 0 : i32
        %dma_start3A_521 = tpu.memref_slice %arg9[%dma_start3A_518, %dma_start3A_519, %dma_start3A_520] : memref<4x80x48xf32, #tpu.memory_space<vmem>> -> memref<1x80x48xf32, #tpu.memory_space<vmem>>
        %dma_start3A_522 = tpu.memref_squeeze %dma_start3A_521 : memref<1x80x48xf32, #tpu.memory_space<vmem>> -> memref<80x48xf32, #tpu.memory_space<vmem>>
        %dma_start3A_523 = arith.constant 0 : i32
        %dma_start3A_524 = tpu.memref_slice %arg6[%add3A_517, %dma_start3A_523] : memref<125x80xi32, #tpu.memory_space<vmem>> -> memref<1x80xi32, #tpu.memory_space<vmem>>
        %dma_start3A_525 = tpu.memref_squeeze %dma_start3A_524 : memref<1x80xi32, #tpu.memory_space<vmem>> -> memref<80xi32, #tpu.memory_space<vmem>>
        %dma_start3A_526 = arith.constant 0 : i32
        %dma_start3A_527 = arith.constant 0 : i32
        %dma_start3A_528 = tpu.memref_slice %arg3[%dma_start3A_526, %dma_start3A_527] : memref<10240x48xf32, #tpu.memory_space<hbm>> -> memref<10240x48xf32, #tpu.memory_space<hbm>>
        tpu.enqueue_indirect_dma source(%dma_start3A_528 : memref<10240x48xf32, #tpu.memory_space<hbm>>) target(%dma_start3A_522 : memref<80x48xf32, #tpu.memory_space<vmem>>) offsets(%dma_start3A_525 : memref<80xi32, #tpu.memory_space<vmem>>) semaphore(%arg15 : memref<!tpu.dma_semaphore, #tpu.memory_space<semaphore_mem>>)
        %add3A_529 = arith.constant 4 : i32
        %add3A_530 = arith.addi %add3A_464, %add3A_529 : i32
        %dma_start3A_531 = arith.constant 3 : i32
        %dma_start3A_532 = arith.constant 0 : i32
        %dma_start3A_533 = arith.constant 0 : i32
        %dma_start3A_534 = tpu.memref_slice %arg8[%dma_start3A_531, %dma_start3A_532, %dma_start3A_533] : memref<4x80x16xf32, #tpu.memory_space<vmem>> -> memref<1x80x16xf32, #tpu.memory_space<vmem>>
        %dma_start3A_535 = tpu.memref_squeeze %dma_start3A_534 : memref<1x80x16xf32, #tpu.memory_space<vmem>> -> memref<80x16xf32, #tpu.memory_space<vmem>>
        %dma_start3A_536 = arith.constant 0 : i32
        %dma_start3A_537 = tpu.memref_slice %arg7[%add3A_530, %dma_start3A_536] : memref<125x80xi32, #tpu.memory_space<vmem>> -> memref<1x80xi32, #tpu.memory_space<vmem>>
        %dma_start3A_538 = tpu.memref_squeeze %dma_start3A_537 : memref<1x80xi32, #tpu.memory_space<vmem>> -> memref<80xi32, #tpu.memory_space<vmem>>
        %dma_start3A_539 = arith.constant 0 : i32
        %dma_start3A_540 = arith.constant 0 : i32
        %dma_start3A_541 = tpu.memref_slice %arg4[%dma_start3A_539, %dma_start3A_540] : memref<10240x16xf32, #tpu.memory_space<hbm>> -> memref<10240x16xf32, #tpu.memory_space<hbm>>
        tpu.enqueue_indirect_dma source(%dma_start3A_541 : memref<10240x16xf32, #tpu.memory_space<hbm>>) target(%dma_start3A_535 : memref<80x16xf32, #tpu.memory_space<vmem>>) offsets(%dma_start3A_538 : memref<80xi32, #tpu.memory_space<vmem>>) semaphore(%arg15 : memref<!tpu.dma_semaphore, #tpu.memory_space<semaphore_mem>>)
      } else {
      }
    }
    %scan3A_148 = arith.constant 31 : i32
    %dma_wait3A = arith.constant 124 : i32
    %dma_wait3A_149 = arith.constant 0 : i32
    %dma_wait3A_150 = arith.constant 0 : i32
    %dma_wait3A_151 = arith.constant 0 : i32
    %dma_wait3A_152 = tpu.memref_slice %arg9[%dma_wait3A_149, %dma_wait3A_150, %dma_wait3A_151] : memref<4x80x48xf32, #tpu.memory_space<vmem>> -> memref<1x80x48xf32, #tpu.memory_space<vmem>>
    %dma_wait3A_153 = tpu.memref_squeeze %dma_wait3A_152 : memref<1x80x48xf32, #tpu.memory_space<vmem>> -> memref<80x48xf32, #tpu.memory_space<vmem>>
    %dma_wait3A_154 = arith.constant 0 : i32
    %dma_wait3A_155 = tpu.memref_slice %arg6[%dma_wait3A, %dma_wait3A_154] : memref<125x80xi32, #tpu.memory_space<vmem>> -> memref<1x80xi32, #tpu.memory_space<vmem>>
    %dma_wait3A_156 = tpu.memref_squeeze %dma_wait3A_155 : memref<1x80xi32, #tpu.memory_space<vmem>> -> memref<80xi32, #tpu.memory_space<vmem>>
    %dma_wait3A_157 = arith.constant 0 : i32
    %dma_wait3A_158 = arith.constant 0 : i32
    %dma_wait3A_159 = tpu.memref_slice %arg3[%dma_wait3A_157, %dma_wait3A_158] : memref<10240x48xf32, #tpu.memory_space<hbm>> -> memref<10240x48xf32, #tpu.memory_space<hbm>>
    tpu.wait_indirect_dma semaphore(%arg12 : memref<!tpu.dma_semaphore, #tpu.memory_space<semaphore_mem>>) src(%dma_wait3A_159 : memref<10240x48xf32, #tpu.memory_space<hbm>>) dst(%dma_wait3A_153 : memref<80x48xf32, #tpu.memory_space<vmem>>)
    %dma_wait3A_160 = arith.constant 124 : i32
    %dma_wait3A_161 = arith.constant 0 : i32
    %dma_wait3A_162 = arith.constant 0 : i32
    %dma_wait3A_163 = arith.constant 0 : i32
    %dma_wait3A_164 = tpu.memref_slice %arg8[%dma_wait3A_161, %dma_wait3A_162, %dma_wait3A_163] : memref<4x80x16xf32, #tpu.memory_space<vmem>> -> memref<1x80x16xf32, #tpu.memory_space<vmem>>
    %dma_wait3A_165 = tpu.memref_squeeze %dma_wait3A_164 : memref<1x80x16xf32, #tpu.memory_space<vmem>> -> memref<80x16xf32, #tpu.memory_space<vmem>>
    %dma_wait3A_166 = arith.constant 0 : i32
    %dma_wait3A_167 = tpu.memref_slice %arg7[%dma_wait3A_160, %dma_wait3A_166] : memref<125x80xi32, #tpu.memory_space<vmem>> -> memref<1x80xi32, #tpu.memory_space<vmem>>
    %dma_wait3A_168 = tpu.memref_squeeze %dma_wait3A_167 : memref<1x80xi32, #tpu.memory_space<vmem>> -> memref<80xi32, #tpu.memory_space<vmem>>
    %dma_wait3A_169 = arith.constant 0 : i32
    %dma_wait3A_170 = arith.constant 0 : i32
    %dma_wait3A_171 = tpu.memref_slice %arg4[%dma_wait3A_169, %dma_wait3A_170] : memref<10240x16xf32, #tpu.memory_space<hbm>> -> memref<10240x16xf32, #tpu.memory_space<hbm>>
    tpu.wait_indirect_dma semaphore(%arg12 : memref<!tpu.dma_semaphore, #tpu.memory_space<semaphore_mem>>) src(%dma_wait3A_171 : memref<10240x16xf32, #tpu.memory_space<hbm>>) dst(%dma_wait3A_165 : memref<80x16xf32, #tpu.memory_space<vmem>>)
    %dma_wait3A_172 = arith.constant 0 : i32
    %dma_wait3A_173 = arith.constant 0 : i32
    %dma_wait3A_174 = arith.constant 0 : i32
    %dma_wait3A_175 = arith.constant 0 : i32
    %dma_wait3A_176 = tpu.memref_slice %arg10[%dma_wait3A_172, %dma_wait3A_174, %dma_wait3A_175] : memref<4x80x48xf32, #tpu.memory_space<vmem>> -> memref<1x80x48xf32, #tpu.memory_space<vmem>>
    %dma_wait3A_177 = tpu.memref_squeeze %dma_wait3A_176 : memref<1x80x48xf32, #tpu.memory_space<vmem>> -> memref<80x48xf32, #tpu.memory_space<vmem>>
    %dma_wait3A_178 = arith.constant 0 : i32
    %dma_wait3A_179 = tpu.memref_slice %arg7[%dma_wait3A_173, %dma_wait3A_178] : memref<125x80xi32, #tpu.memory_space<vmem>> -> memref<1x80xi32, #tpu.memory_space<vmem>>
    %dma_wait3A_180 = tpu.memref_squeeze %dma_wait3A_179 : memref<1x80xi32, #tpu.memory_space<vmem>> -> memref<80xi32, #tpu.memory_space<vmem>>
    %dma_wait3A_181 = arith.constant 0 : i32
    %dma_wait3A_182 = arith.constant 0 : i32
    %dma_wait3A_183 = tpu.memref_slice %arg11[%dma_wait3A_181, %dma_wait3A_182] : memref<10240x48xf32, #tpu.memory_space<vmem_shared>> -> memref<10240x48xf32, #tpu.memory_space<vmem_shared>>
    tpu.wait_indirect_dma semaphore(%arg16 : memref<!tpu.dma_semaphore, #tpu.memory_space<semaphore_mem>>) src(%dma_wait3A_177 : memref<80x48xf32, #tpu.memory_space<vmem>>) dst(%dma_wait3A_183 : memref<10240x48xf32, #tpu.memory_space<vmem_shared>>)
    %scan3A_184 = arith.constant 0 : i32
    %scan3A_185 = arith.constant 0 : i32
    %scan3A_186 = arith.constant 80 : i32
    %scan3A_187 = arith.addi %scan3A_185, %scan3A_186 : i32
    %scan3A_188 = arith.constant 1 : i32
    scf.for %scan3A_299 = %scan3A_185 to %scan3A_187 step %scan3A_188  : i32 {
      %get3A = arith.constant 0 : i32
      %get3A_300 = arith.index_cast %get3A : i32 to index
      %get3A_301 = arith.index_cast %scan3A_299 : i32 to index
      %get3A_302 = arith.constant 32 : index
      %get3A_303 = tpu.vector_load %arg9[%get3A_300, %get3A_301, %get3A_302] {strides = array<i32>} : memref<4x80x48xf32, #tpu.memory_space<vmem>>, vector<1x1x16xf32>,
      %get3A_304 = vector.shape_cast %get3A_303 : vector<1x1x16xf32> to vector<16xf32>
      %lt3A = arith.constant 0 : i32
      %lt3A_305 = vector.broadcast %lt3A : i32 to vector<16xi32>
      %lt3A_306 = arith.cmpi slt, %broadcast_in_dim3A_142, %lt3A_305 : vector<16xi32>
      %add3A_307 = arith.constant 16 : i32
      %add3A_308 = vector.broadcast %add3A_307 : i32 to vector<16xi32>
      %add3A_309 = arith.addi %broadcast_in_dim3A_142, %add3A_308 : vector<16xi32>
      %select_n3A = arith.select %lt3A_306, %add3A_309, %broadcast_in_dim3A_142 : vector<16xi1>, vector<16xi32>
      %broadcast_in_dim3A_310 = vector.shape_cast %select_n3A : vector<16xi32> to vector<16x1xi32>
      %gather3A = vector.shape_cast %broadcast_in_dim3A_310 : vector<16x1xi32> to vector<16xi32>
      %gather3A_311 = tpu.dynamic_gather %get3A_304[%gather3A] in [0] : vector<16xf32>, vector<16xi32> -> vector<16xf32>
      %get3A_312 = arith.constant 0 : i32
      %get3A_313 = arith.index_cast %get3A_312 : i32 to index
      %get3A_314 = arith.index_cast %scan3A_299 : i32 to index
      %get3A_315 = arith.constant 0 : index
      %get3A_316 = tpu.vector_load %arg8[%get3A_313, %get3A_314, %get3A_315] {strides = array<i32>} : memref<4x80x16xf32, #tpu.memory_space<vmem>>, vector<1x1x16xf32>,
      %get3A_317 = vector.shape_cast %get3A_316 : vector<1x1x16xf32> to vector<16xf32>
      %add3A_318 = arith.addf %gather3A_311, %get3A_317 : vector<16xf32>
      %mul3A_319 = arith.constant 2.000000e-01 : f32
      %mul3A_320 = vector.broadcast %mul3A_319 : f32 to vector<16xf32>
      %mul3A_321 = arith.mulf %mul3A_320, %add3A_318 : vector<16xf32>
      %max3A = arith.maximumf %add3A_318, %mul3A_321 : vector<16xf32>
      %exp3A = math.exp %max3A : vector<16xf32>
      %get3A_322 = arith.constant 0 : i32
      %get3A_323 = arith.index_cast %get3A_322 : i32 to index
      %get3A_324 = arith.index_cast %scan3A_299 : i32 to index
      %get3A_325 = arith.constant 0 : index
      %get3A_326 = tpu.vector_load %arg9[%get3A_323, %get3A_324, %get3A_325] {strides = array<i32>} : memref<4x80x48xf32, #tpu.memory_space<vmem>>, vector<1x1x16xf32>,
      %get3A_327 = vector.shape_cast %get3A_326 : vector<1x1x16xf32> to vector<16xf32>
      %mul3A_328 = arith.mulf %get3A_327, %exp3A : vector<16xf32>
      %swap3A = arith.constant 0 : i32
      %swap3A_329 = arith.index_cast %swap3A : i32 to index
      %swap3A_330 = arith.index_cast %scan3A_299 : i32 to index
      %swap3A_331 = arith.constant 0 : index
      %swap3A_332 = tpu.vector_load %arg10[%swap3A_329, %swap3A_330, %swap3A_331] {strides = array<i32>} : memref<4x80x48xf32, #tpu.memory_space<vmem>>, vector<1x1x16xf32>,
      %swap3A_333 = vector.shape_cast %swap3A_332 : vector<1x1x16xf32> to vector<16xf32>
      %swap3A_334 = vector.shape_cast %mul3A_328 : vector<16xf32> to vector<1x1x16xf32>
      tpu.vector_store %arg10[%swap3A_329, %swap3A_330, %swap3A_331], %swap3A_334 {strides = array<i32>} : memref<4x80x48xf32, #tpu.memory_space<vmem>>, vector<1x1x16xf32>,
      %get3A_335 = arith.constant 0 : i32
      %get3A_336 = arith.index_cast %get3A_335 : i32 to index
      %get3A_337 = arith.index_cast %scan3A_299 : i32 to index
      %get3A_338 = arith.constant 16 : index
      %get3A_339 = tpu.vector_load %arg9[%get3A_336, %get3A_337, %get3A_338] {strides = array<i32>} : memref<4x80x48xf32, #tpu.memory_space<vmem>>, vector<1x1x16xf32>,
      %get3A_340 = vector.shape_cast %get3A_339 : vector<1x1x16xf32> to vector<16xf32>
      %mul3A_341 = arith.mulf %get3A_340, %exp3A : vector<16xf32>
      %swap3A_342 = arith.constant 0 : i32
      %swap3A_343 = arith.index_cast %swap3A_342 : i32 to index
      %swap3A_344 = arith.index_cast %scan3A_299 : i32 to index
      %swap3A_345 = arith.constant 16 : index
      %swap3A_346 = tpu.vector_load %arg10[%swap3A_343, %swap3A_344, %swap3A_345] {strides = array<i32>} : memref<4x80x48xf32, #tpu.memory_space<vmem>>, vector<1x1x16xf32>,
      %swap3A_347 = vector.shape_cast %swap3A_346 : vector<1x1x16xf32> to vector<16xf32>
      %swap3A_348 = vector.shape_cast %mul3A_341 : vector<16xf32> to vector<1x1x16xf32>
      tpu.vector_store %arg10[%swap3A_343, %swap3A_344, %swap3A_345], %swap3A_348 {strides = array<i32>} : memref<4x80x48xf32, #tpu.memory_space<vmem>>, vector<1x1x16xf32>,
      %eq3A = arith.constant 9 : i32
      %eq3A_349 = vector.broadcast %eq3A : i32 to vector<16xi32>
      %eq3A_350 = arith.cmpi eq, %iota3A, %eq3A_349 : vector<16xi32>
      %mul3A_351 = arith.mulf %get3A_304, %exp3A : vector<16xf32>
      %select_n3A_352 = arith.select %eq3A_350, %exp3A, %mul3A_351 : vector<16xi1>, vector<16xf32>
      %swap3A_353 = arith.constant 0 : i32
      %swap3A_354 = arith.index_cast %swap3A_353 : i32 to index
      %swap3A_355 = arith.index_cast %scan3A_299 : i32 to index
      %swap3A_356 = arith.constant 32 : index
      %swap3A_357 = tpu.vector_load %arg10[%swap3A_354, %swap3A_355, %swap3A_356] {strides = array<i32>} : memref<4x80x48xf32, #tpu.memory_space<vmem>>, vector<1x1x16xf32>,
      %swap3A_358 = vector.shape_cast %swap3A_357 : vector<1x1x16xf32> to vector<16xf32>
      %swap3A_359 = vector.shape_cast %select_n3A_352 : vector<16xf32> to vector<1x1x16xf32>
      tpu.vector_store %arg10[%swap3A_354, %swap3A_355, %swap3A_356], %swap3A_359 {strides = array<i32>} : memref<4x80x48xf32, #tpu.memory_space<vmem>>, vector<1x1x16xf32>,
    }
    %scan3A_189 = arith.constant 80 : i32
    %dma_start3A_190 = arith.constant 0 : i32
    %dma_start3A_191 = arith.constant 124 : i32
    %dma_start3A_192 = arith.constant 0 : i32
    %dma_start3A_193 = arith.constant 0 : i32
    %dma_start3A_194 = tpu.memref_slice %arg10[%dma_start3A_190, %dma_start3A_192, %dma_start3A_193] : memref<4x80x48xf32, #tpu.memory_space<vmem>> -> memref<1x80x48xf32, #tpu.memory_space<vmem>>
    %dma_start3A_195 = tpu.memref_squeeze %dma_start3A_194 : memref<1x80x48xf32, #tpu.memory_space<vmem>> -> memref<80x48xf32, #tpu.memory_space<vmem>>
    %dma_start3A_196 = arith.constant 0 : i32
    %dma_start3A_197 = tpu.memref_slice %arg7[%dma_start3A_191, %dma_start3A_196] : memref<125x80xi32, #tpu.memory_space<vmem>> -> memref<1x80xi32, #tpu.memory_space<vmem>>
    %dma_start3A_198 = tpu.memref_squeeze %dma_start3A_197 : memref<1x80xi32, #tpu.memory_space<vmem>> -> memref<80xi32, #tpu.memory_space<vmem>>
    %dma_start3A_199 = arith.constant 0 : i32
    %dma_start3A_200 = arith.constant 0 : i32
    %dma_start3A_201 = tpu.memref_slice %arg11[%dma_start3A_199, %dma_start3A_200] : memref<10240x48xf32, #tpu.memory_space<vmem_shared>> -> memref<10240x48xf32, #tpu.memory_space<vmem_shared>>
    tpu.enqueue_indirect_dma source(%dma_start3A_195 : memref<80x48xf32, #tpu.memory_space<vmem>>) target(%dma_start3A_201 : memref<10240x48xf32, #tpu.memory_space<vmem_shared>>) offsets(%dma_start3A_198 : memref<80xi32, #tpu.memory_space<vmem>>) semaphore(%arg16 : memref<!tpu.dma_semaphore, #tpu.memory_space<semaphore_mem>>) {add = true}
    %dma_wait3A_202 = arith.constant 0 : i32
    %dma_wait3A_203 = arith.constant 0 : i32
    %dma_wait3A_204 = arith.constant 0 : i32
    %dma_wait3A_205 = arith.constant 0 : i32
    %dma_wait3A_206 = tpu.memref_slice %arg10[%dma_wait3A_202, %dma_wait3A_204, %dma_wait3A_205] : memref<4x80x48xf32, #tpu.memory_space<vmem>> -> memref<1x80x48xf32, #tpu.memory_space<vmem>>
    %dma_wait3A_207 = tpu.memref_squeeze %dma_wait3A_206 : memref<1x80x48xf32, #tpu.memory_space<vmem>> -> memref<80x48xf32, #tpu.memory_space<vmem>>
    %dma_wait3A_208 = arith.constant 0 : i32
    %dma_wait3A_209 = tpu.memref_slice %arg7[%dma_wait3A_203, %dma_wait3A_208] : memref<125x80xi32, #tpu.memory_space<vmem>> -> memref<1x80xi32, #tpu.memory_space<vmem>>
    %dma_wait3A_210 = tpu.memref_squeeze %dma_wait3A_209 : memref<1x80xi32, #tpu.memory_space<vmem>> -> memref<80xi32, #tpu.memory_space<vmem>>
    %dma_wait3A_211 = arith.constant 0 : i32
    %dma_wait3A_212 = arith.constant 0 : i32
    %dma_wait3A_213 = tpu.memref_slice %arg11[%dma_wait3A_211, %dma_wait3A_212] : memref<10240x48xf32, #tpu.memory_space<vmem_shared>> -> memref<10240x48xf32, #tpu.memory_space<vmem_shared>>
    tpu.wait_indirect_dma semaphore(%arg16 : memref<!tpu.dma_semaphore, #tpu.memory_space<semaphore_mem>>) src(%dma_wait3A_207 : memref<80x48xf32, #tpu.memory_space<vmem>>) dst(%dma_wait3A_213 : memref<10240x48xf32, #tpu.memory_space<vmem_shared>>)
    %dma_wait3A_214 = arith.constant 1 : i32
    %dma_wait3A_215 = arith.constant 0 : i32
    %dma_wait3A_216 = arith.constant 0 : i32
    %dma_wait3A_217 = arith.constant 0 : i32
    %dma_wait3A_218 = tpu.memref_slice %arg10[%dma_wait3A_214, %dma_wait3A_216, %dma_wait3A_217] : memref<4x80x48xf32, #tpu.memory_space<vmem>> -> memref<1x80x48xf32, #tpu.memory_space<vmem>>
    %dma_wait3A_219 = tpu.memref_squeeze %dma_wait3A_218 : memref<1x80x48xf32, #tpu.memory_space<vmem>> -> memref<80x48xf32, #tpu.memory_space<vmem>>
    %dma_wait3A_220 = arith.constant 0 : i32
    %dma_wait3A_221 = tpu.memref_slice %arg7[%dma_wait3A_215, %dma_wait3A_220] : memref<125x80xi32, #tpu.memory_space<vmem>> -> memref<1x80xi32, #tpu.memory_space<vmem>>
    %dma_wait3A_222 = tpu.memref_squeeze %dma_wait3A_221 : memref<1x80xi32, #tpu.memory_space<vmem>> -> memref<80xi32, #tpu.memory_space<vmem>>
    %dma_wait3A_223 = arith.constant 0 : i32
    %dma_wait3A_224 = arith.constant 0 : i32
    %dma_wait3A_225 = tpu.memref_slice %arg11[%dma_wait3A_223, %dma_wait3A_224] : memref<10240x48xf32, #tpu.memory_space<vmem_shared>> -> memref<10240x48xf32, #tpu.memory_space<vmem_shared>>
    tpu.wait_indirect_dma semaphore(%arg17 : memref<!tpu.dma_semaphore, #tpu.memory_space<semaphore_mem>>) src(%dma_wait3A_219 : memref<80x48xf32, #tpu.memory_space<vmem>>) dst(%dma_wait3A_225 : memref<10240x48xf32, #tpu.memory_space<vmem_shared>>)
    %dma_wait3A_226 = arith.constant 2 : i32
    %dma_wait3A_227 = arith.constant 0 : i32
    %dma_wait3A_228 = arith.constant 0 : i32
    %dma_wait3A_229 = arith.constant 0 : i32
    %dma_wait3A_230 = tpu.memref_slice %arg10[%dma_wait3A_226, %dma_wait3A_228, %dma_wait3A_229] : memref<4x80x48xf32, #tpu.memory_space<vmem>> -> memref<1x80x48xf32, #tpu.memory_space<vmem>>
    %dma_wait3A_231 = tpu.memref_squeeze %dma_wait3A_230 : memref<1x80x48xf32, #tpu.memory_space<vmem>> -> memref<80x48xf32, #tpu.memory_space<vmem>>
    %dma_wait3A_232 = arith.constant 0 : i32
    %dma_wait3A_233 = tpu.memref_slice %arg7[%dma_wait3A_227, %dma_wait3A_232] : memref<125x80xi32, #tpu.memory_space<vmem>> -> memref<1x80xi32, #tpu.memory_space<vmem>>
    %dma_wait3A_234 = tpu.memref_squeeze %dma_wait3A_233 : memref<1x80xi32, #tpu.memory_space<vmem>> -> memref<80xi32, #tpu.memory_space<vmem>>
    %dma_wait3A_235 = arith.constant 0 : i32
    %dma_wait3A_236 = arith.constant 0 : i32
    %dma_wait3A_237 = tpu.memref_slice %arg11[%dma_wait3A_235, %dma_wait3A_236] : memref<10240x48xf32, #tpu.memory_space<vmem_shared>> -> memref<10240x48xf32, #tpu.memory_space<vmem_shared>>
    tpu.wait_indirect_dma semaphore(%arg18 : memref<!tpu.dma_semaphore, #tpu.memory_space<semaphore_mem>>) src(%dma_wait3A_231 : memref<80x48xf32, #tpu.memory_space<vmem>>) dst(%dma_wait3A_237 : memref<10240x48xf32, #tpu.memory_space<vmem_shared>>)
    %dma_wait3A_238 = arith.constant 3 : i32
    %dma_wait3A_239 = arith.constant 0 : i32
    %dma_wait3A_240 = arith.constant 0 : i32
    %dma_wait3A_241 = arith.constant 0 : i32
    %dma_wait3A_242 = tpu.memref_slice %arg10[%dma_wait3A_238, %dma_wait3A_240, %dma_wait3A_241] : memref<4x80x48xf32, #tpu.memory_space<vmem>> -> memref<1x80x48xf32, #tpu.memory_space<vmem>>
    %dma_wait3A_243 = tpu.memref_squeeze %dma_wait3A_242 : memref<1x80x48xf32, #tpu.memory_space<vmem>> -> memref<80x48xf32, #tpu.memory_space<vmem>>
    %dma_wait3A_244 = arith.constant 0 : i32
    %dma_wait3A_245 = tpu.memref_slice %arg7[%dma_wait3A_239, %dma_wait3A_244] : memref<125x80xi32, #tpu.memory_space<vmem>> -> memref<1x80xi32, #tpu.memory_space<vmem>>
    %dma_wait3A_246 = tpu.memref_squeeze %dma_wait3A_245 : memref<1x80xi32, #tpu.memory_space<vmem>> -> memref<80xi32, #tpu.memory_space<vmem>>
    %dma_wait3A_247 = arith.constant 0 : i32
    %dma_wait3A_248 = arith.constant 0 : i32
    %dma_wait3A_249 = tpu.memref_slice %arg11[%dma_wait3A_247, %dma_wait3A_248] : memref<10240x48xf32, #tpu.memory_space<vmem_shared>> -> memref<10240x48xf32, #tpu.memory_space<vmem_shared>>
    tpu.wait_indirect_dma semaphore(%arg19 : memref<!tpu.dma_semaphore, #tpu.memory_space<semaphore_mem>>) src(%dma_wait3A_243 : memref<80x48xf32, #tpu.memory_space<vmem>>) dst(%dma_wait3A_249 : memref<10240x48xf32, #tpu.memory_space<vmem_shared>>)
    %barrier3A_250 = arith.constant 0 : index
    tpu.barrier barrier_id(%barrier3A_250)
    %mul3A_251 = arith.constant 640 : i32
    %mul3A_252 = arith.muli %arg1, %mul3A_251 : i32
    %add3A_253 = arith.constant 0 : i32
    %add3A_254 = arith.addi %mul3A_252, %add3A_253 : i32
    %run_scoped3A_255 = arith.constant 0 : i32
    "tpu.region"() ({
      %run_scoped3A_299 = tpu.sem_alloc : memref<!tpu.dma_semaphore, #tpu.memory_space<semaphore_mem>>
      %dma_start3A_300 = arith.constant 0 : i32
      %dma_start3A_301 = arith.constant 0 : i32
      %dma_start3A_302 = tpu.memref_slice %arg10[%run_scoped3A_255, %dma_start3A_300, %dma_start3A_301] : memref<4x80x48xf32, #tpu.memory_space<vmem>> -> memref<1x80x48xf32, #tpu.memory_space<vmem>>
      %dma_start3A_303 = tpu.memref_squeeze %dma_start3A_302 : memref<1x80x48xf32, #tpu.memory_space<vmem>> -> memref<80x48xf32, #tpu.memory_space<vmem>>
      %dma_start3A_304 = arith.constant 0 : i32
      %dma_start3A_305 = tpu.memref_slice %arg11[%add3A_254, %dma_start3A_304] : memref<10240x48xf32, #tpu.memory_space<vmem_shared>> -> memref<80x48xf32, #tpu.memory_space<vmem_shared>>
      %dma_start3A_306 = arith.constant 0 : i32
      %dma_start3A_307 = arith.constant 0 : i32
      %dma_start3A_308 = tpu.memref_slice %arg10[%run_scoped3A_255, %dma_start3A_306, %dma_start3A_307] : memref<4x80x48xf32, #tpu.memory_space<vmem>> -> memref<1x80x48xf32, #tpu.memory_space<vmem>>
      %dma_start3A_309 = tpu.memref_squeeze %dma_start3A_308 : memref<1x80x48xf32, #tpu.memory_space<vmem>> -> memref<80x48xf32, #tpu.memory_space<vmem>>
      %dma_start3A_310 = arith.constant 0 : i32
      %dma_start3A_311 = tpu.memref_slice %arg11[%add3A_254, %dma_start3A_310] : memref<10240x48xf32, #tpu.memory_space<vmem_shared>> -> memref<80x48xf32, #tpu.memory_space<vmem_shared>>
      tpu.enqueue_dma source(%dma_start3A_311 : memref<80x48xf32, #tpu.memory_space<vmem_shared>>) target(%dma_start3A_309 : memref<80x48xf32, #tpu.memory_space<vmem>>) target_semaphore(%run_scoped3A_299 : memref<!tpu.dma_semaphore, #tpu.memory_space<semaphore_mem>>)
      %dma_wait3A_312 = arith.constant 0 : i32
      %dma_wait3A_313 = arith.constant 0 : i32
      %dma_wait3A_314 = tpu.memref_slice %arg10[%run_scoped3A_255, %dma_wait3A_312, %dma_wait3A_313] : memref<4x80x48xf32, #tpu.memory_space<vmem>> -> memref<1x80x48xf32, #tpu.memory_space<vmem>>
      %dma_wait3A_315 = tpu.memref_squeeze %dma_wait3A_314 : memref<1x80x48xf32, #tpu.memory_space<vmem>> -> memref<80x48xf32, #tpu.memory_space<vmem>>
      %dma_wait3A_316 = arith.constant 0 : i32
      %dma_wait3A_317 = tpu.memref_slice %arg11[%add3A_254, %dma_wait3A_316] : memref<10240x48xf32, #tpu.memory_space<vmem_shared>> -> memref<80x48xf32, #tpu.memory_space<vmem_shared>>
      %dma_wait3A_318 = arith.constant 0 : i32
      %dma_wait3A_319 = arith.constant 0 : i32
      %dma_wait3A_320 = tpu.memref_slice %arg10[%run_scoped3A_255, %dma_wait3A_318, %dma_wait3A_319] : memref<4x80x48xf32, #tpu.memory_space<vmem>> -> memref<1x80x48xf32, #tpu.memory_space<vmem>>
      %dma_wait3A_321 = tpu.memref_squeeze %dma_wait3A_320 : memref<1x80x48xf32, #tpu.memory_space<vmem>> -> memref<80x48xf32, #tpu.memory_space<vmem>>
      %dma_wait3A_322 = arith.constant 0 : i32
      %dma_wait3A_323 = tpu.memref_slice %arg11[%add3A_254, %dma_wait3A_322] : memref<10240x48xf32, #tpu.memory_space<vmem_shared>> -> memref<80x48xf32, #tpu.memory_space<vmem_shared>>
      tpu.wait_dma2 semaphore(%run_scoped3A_299 : memref<!tpu.dma_semaphore, #tpu.memory_space<semaphore_mem>>) src(%dma_wait3A_323 : memref<80x48xf32, #tpu.memory_space<vmem_shared>>) dst(%dma_wait3A_321 : memref<80x48xf32, #tpu.memory_space<vmem>>)
      tpu.yield
    }) : () -> ()
    %run_scoped3A_256 = arith.constant 0 : i32
    "tpu.region"() ({
      %run_scoped3A_299 = tpu.sem_alloc : memref<!tpu.dma_semaphore, #tpu.memory_space<semaphore_mem>>
      %dma_start3A_300 = arith.constant 0 : i32
      %dma_start3A_301 = arith.constant 0 : i32
      %dma_start3A_302 = tpu.memref_slice %arg10[%run_scoped3A_256, %dma_start3A_300, %dma_start3A_301] : memref<4x80x48xf32, #tpu.memory_space<vmem>> -> memref<1x80x48xf32, #tpu.memory_space<vmem>>
      %dma_start3A_303 = tpu.memref_squeeze %dma_start3A_302 : memref<1x80x48xf32, #tpu.memory_space<vmem>> -> memref<80x48xf32, #tpu.memory_space<vmem>>
      %dma_start3A_304 = arith.constant 0 : i32
      %dma_start3A_305 = tpu.memref_slice %arg5[%arg0, %add3A_254, %dma_start3A_304] : memref<2x10240x48xf32, #tpu.memory_space<hbm>> -> memref<1x80x48xf32, #tpu.memory_space<hbm>>
      %dma_start3A_306 = tpu.memref_squeeze %dma_start3A_305 : memref<1x80x48xf32, #tpu.memory_space<hbm>> -> memref<80x48xf32, #tpu.memory_space<hbm>>
      %dma_start3A_307 = arith.constant 0 : i32
      %dma_start3A_308 = tpu.memref_slice %arg5[%arg0, %add3A_254, %dma_start3A_307] : memref<2x10240x48xf32, #tpu.memory_space<hbm>> -> memref<1x80x48xf32, #tpu.memory_space<hbm>>
      %dma_start3A_309 = tpu.memref_squeeze %dma_start3A_308 : memref<1x80x48xf32, #tpu.memory_space<hbm>> -> memref<80x48xf32, #tpu.memory_space<hbm>>
      %dma_start3A_310 = arith.constant 0 : i32
      %dma_start3A_311 = arith.constant 0 : i32
      %dma_start3A_312 = tpu.memref_slice %arg10[%run_scoped3A_256, %dma_start3A_310, %dma_start3A_311] : memref<4x80x48xf32, #tpu.memory_space<vmem>> -> memref<1x80x48xf32, #tpu.memory_space<vmem>>
      %dma_start3A_313 = tpu.memref_squeeze %dma_start3A_312 : memref<1x80x48xf32, #tpu.memory_space<vmem>> -> memref<80x48xf32, #tpu.memory_space<vmem>>
      tpu.enqueue_dma source(%dma_start3A_313 : memref<80x48xf32, #tpu.memory_space<vmem>>) target(%dma_start3A_309 : memref<80x48xf32, #tpu.memory_space<hbm>>) target_semaphore(%run_scoped3A_299 : memref<!tpu.dma_semaphore, #tpu.memory_space<semaphore_mem>>)
      %dma_wait3A_314 = arith.constant 0 : i32
      %dma_wait3A_315 = arith.constant 0 : i32
      %dma_wait3A_316 = tpu.memref_slice %arg10[%run_scoped3A_256, %dma_wait3A_314, %dma_wait3A_315] : memref<4x80x48xf32, #tpu.memory_space<vmem>> -> memref<1x80x48xf32, #tpu.memory_space<vmem>>
      %dma_wait3A_317 = tpu.memref_squeeze %dma_wait3A_316 : memref<1x80x48xf32, #tpu.memory_space<vmem>> -> memref<80x48xf32, #tpu.memory_space<vmem>>
      %dma_wait3A_318 = arith.constant 0 : i32
      %dma_wait3A_319 = tpu.memref_slice %arg5[%arg0, %add3A_254, %dma_wait3A_318] : memref<2x10240x48xf32, #tpu.memory_space<hbm>> -> memref<1x80x48xf32, #tpu.memory_space<hbm>>
      %dma_wait3A_320 = tpu.memref_squeeze %dma_wait3A_319 : memref<1x80x48xf32, #tpu.memory_space<hbm>> -> memref<80x48xf32, #tpu.memory_space<hbm>>
      %dma_wait3A_321 = arith.constant 0 : i32
      %dma_wait3A_322 = tpu.memref_slice %arg5[%arg0, %add3A_254, %dma_wait3A_321] : memref<2x10240x48xf32, #tpu.memory_space<hbm>> -> memref<1x80x48xf32, #tpu.memory_space<hbm>>
      %dma_wait3A_323 = tpu.memref_squeeze %dma_wait3A_322 : memref<1x80x48xf32, #tpu.memory_space<hbm>> -> memref<80x48xf32, #tpu.memory_space<hbm>>
      %dma_wait3A_324 = arith.constant 0 : i32
      %dma_wait3A_325 = arith.constant 0 : i32
      %dma_wait3A_326 = tpu.memref_slice %arg10[%run_scoped3A_256, %dma_wait3A_324, %dma_wait3A_325] : memref<4x80x48xf32, #tpu.memory_space<vmem>> -> memref<1x80x48xf32, #tpu.memory_space<vmem>>
      %dma_wait3A_327 = tpu.memref_squeeze %dma_wait3A_326 : memref<1x80x48xf32, #tpu.memory_space<vmem>> -> memref<80x48xf32, #tpu.memory_space<vmem>>
      tpu.wait_dma2 semaphore(%run_scoped3A_299 : memref<!tpu.dma_semaphore, #tpu.memory_space<semaphore_mem>>) src(%dma_wait3A_327 : memref<80x48xf32, #tpu.memory_space<vmem>>) dst(%dma_wait3A_323 : memref<80x48xf32, #tpu.memory_space<hbm>>)
      tpu.yield
    }) : () -> ()
    %mul3A_257 = arith.constant 640 : i32
    %mul3A_258 = arith.muli %arg1, %mul3A_257 : i32
    %add3A_259 = arith.constant 80 : i32
    %add3A_260 = arith.addi %mul3A_258, %add3A_259 : i32
    %run_scoped3A_261 = arith.constant 0 : i32
    "tpu.region"() ({
      %run_scoped3A_299 = tpu.sem_alloc : memref<!tpu.dma_semaphore, #tpu.memory_space<semaphore_mem>>
      %dma_start3A_300 = arith.constant 0 : i32
      %dma_start3A_301 = arith.constant 0 : i32
      %dma_start3A_302 = tpu.memref_slice %arg10[%run_scoped3A_261, %dma_start3A_300, %dma_start3A_301] : memref<4x80x48xf32, #tpu.memory_space<vmem>> -> memref<1x80x48xf32, #tpu.memory_space<vmem>>
      %dma_start3A_303 = tpu.memref_squeeze %dma_start3A_302 : memref<1x80x48xf32, #tpu.memory_space<vmem>> -> memref<80x48xf32, #tpu.memory_space<vmem>>
      %dma_start3A_304 = arith.constant 0 : i32
      %dma_start3A_305 = tpu.memref_slice %arg11[%add3A_260, %dma_start3A_304] : memref<10240x48xf32, #tpu.memory_space<vmem_shared>> -> memref<80x48xf32, #tpu.memory_space<vmem_shared>>
      %dma_start3A_306 = arith.constant 0 : i32
      %dma_start3A_307 = arith.constant 0 : i32
      %dma_start3A_308 = tpu.memref_slice %arg10[%run_scoped3A_261, %dma_start3A_306, %dma_start3A_307] : memref<4x80x48xf32, #tpu.memory_space<vmem>> -> memref<1x80x48xf32, #tpu.memory_space<vmem>>
      %dma_start3A_309 = tpu.memref_squeeze %dma_start3A_308 : memref<1x80x48xf32, #tpu.memory_space<vmem>> -> memref<80x48xf32, #tpu.memory_space<vmem>>
      %dma_start3A_310 = arith.constant 0 : i32
      %dma_start3A_311 = tpu.memref_slice %arg11[%add3A_260, %dma_start3A_310] : memref<10240x48xf32, #tpu.memory_space<vmem_shared>> -> memref<80x48xf32, #tpu.memory_space<vmem_shared>>
      tpu.enqueue_dma source(%dma_start3A_311 : memref<80x48xf32, #tpu.memory_space<vmem_shared>>) target(%dma_start3A_309 : memref<80x48xf32, #tpu.memory_space<vmem>>) target_semaphore(%run_scoped3A_299 : memref<!tpu.dma_semaphore, #tpu.memory_space<semaphore_mem>>)
      %dma_wait3A_312 = arith.constant 0 : i32
      %dma_wait3A_313 = arith.constant 0 : i32
      %dma_wait3A_314 = tpu.memref_slice %arg10[%run_scoped3A_261, %dma_wait3A_312, %dma_wait3A_313] : memref<4x80x48xf32, #tpu.memory_space<vmem>> -> memref<1x80x48xf32, #tpu.memory_space<vmem>>
      %dma_wait3A_315 = tpu.memref_squeeze %dma_wait3A_314 : memref<1x80x48xf32, #tpu.memory_space<vmem>> -> memref<80x48xf32, #tpu.memory_space<vmem>>
      %dma_wait3A_316 = arith.constant 0 : i32
      %dma_wait3A_317 = tpu.memref_slice %arg11[%add3A_260, %dma_wait3A_316] : memref<10240x48xf32, #tpu.memory_space<vmem_shared>> -> memref<80x48xf32, #tpu.memory_space<vmem_shared>>
      %dma_wait3A_318 = arith.constant 0 : i32
      %dma_wait3A_319 = arith.constant 0 : i32
      %dma_wait3A_320 = tpu.memref_slice %arg10[%run_scoped3A_261, %dma_wait3A_318, %dma_wait3A_319] : memref<4x80x48xf32, #tpu.memory_space<vmem>> -> memref<1x80x48xf32, #tpu.memory_space<vmem>>
      %dma_wait3A_321 = tpu.memref_squeeze %dma_wait3A_320 : memref<1x80x48xf32, #tpu.memory_space<vmem>> -> memref<80x48xf32, #tpu.memory_space<vmem>>
      %dma_wait3A_322 = arith.constant 0 : i32
      %dma_wait3A_323 = tpu.memref_slice %arg11[%add3A_260, %dma_wait3A_322] : memref<10240x48xf32, #tpu.memory_space<vmem_shared>> -> memref<80x48xf32, #tpu.memory_space<vmem_shared>>
      tpu.wait_dma2 semaphore(%run_scoped3A_299 : memref<!tpu.dma_semaphore, #tpu.memory_space<semaphore_mem>>) src(%dma_wait3A_323 : memref<80x48xf32, #tpu.memory_space<vmem_shared>>) dst(%dma_wait3A_321 : memref<80x48xf32, #tpu.memory_space<vmem>>)
      tpu.yield
    }) : () -> ()
    %run_scoped3A_262 = arith.constant 0 : i32
    "tpu.region"() ({
      %run_scoped3A_299 = tpu.sem_alloc : memref<!tpu.dma_semaphore, #tpu.memory_space<semaphore_mem>>
      %dma_start3A_300 = arith.constant 0 : i32
      %dma_start3A_301 = arith.constant 0 : i32
      %dma_start3A_302 = tpu.memref_slice %arg10[%run_scoped3A_262, %dma_start3A_300, %dma_start3A_301] : memref<4x80x48xf32, #tpu.memory_space<vmem>> -> memref<1x80x48xf32, #tpu.memory_space<vmem>>
      %dma_start3A_303 = tpu.memref_squeeze %dma_start3A_302 : memref<1x80x48xf32, #tpu.memory_space<vmem>> -> memref<80x48xf32, #tpu.memory_space<vmem>>
      %dma_start3A_304 = arith.constant 0 : i32
      %dma_start3A_305 = tpu.memref_slice %arg5[%arg0, %add3A_260, %dma_start3A_304] : memref<2x10240x48xf32, #tpu.memory_space<hbm>> -> memref<1x80x48xf32, #tpu.memory_space<hbm>>
      %dma_start3A_306 = tpu.memref_squeeze %dma_start3A_305 : memref<1x80x48xf32, #tpu.memory_space<hbm>> -> memref<80x48xf32, #tpu.memory_space<hbm>>
      %dma_start3A_307 = arith.constant 0 : i32
      %dma_start3A_308 = tpu.memref_slice %arg5[%arg0, %add3A_260, %dma_start3A_307] : memref<2x10240x48xf32, #tpu.memory_space<hbm>> -> memref<1x80x48xf32, #tpu.memory_space<hbm>>
      %dma_start3A_309 = tpu.memref_squeeze %dma_start3A_308 : memref<1x80x48xf32, #tpu.memory_space<hbm>> -> memref<80x48xf32, #tpu.memory_space<hbm>>
      %dma_start3A_310 = arith.constant 0 : i32
      %dma_start3A_311 = arith.constant 0 : i32
      %dma_start3A_312 = tpu.memref_slice %arg10[%run_scoped3A_262, %dma_start3A_310, %dma_start3A_311] : memref<4x80x48xf32, #tpu.memory_space<vmem>> -> memref<1x80x48xf32, #tpu.memory_space<vmem>>
      %dma_start3A_313 = tpu.memref_squeeze %dma_start3A_312 : memref<1x80x48xf32, #tpu.memory_space<vmem>> -> memref<80x48xf32, #tpu.memory_space<vmem>>
      tpu.enqueue_dma source(%dma_start3A_313 : memref<80x48xf32, #tpu.memory_space<vmem>>) target(%dma_start3A_309 : memref<80x48xf32, #tpu.memory_space<hbm>>) target_semaphore(%run_scoped3A_299 : memref<!tpu.dma_semaphore, #tpu.memory_space<semaphore_mem>>)
      %dma_wait3A_314 = arith.constant 0 : i32
      %dma_wait3A_315 = arith.constant 0 : i32
      %dma_wait3A_316 = tpu.memref_slice %arg10[%run_scoped3A_262, %dma_wait3A_314, %dma_wait3A_315] : memref<4x80x48xf32, #tpu.memory_space<vmem>> -> memref<1x80x48xf32, #tpu.memory_space<vmem>>
      %dma_wait3A_317 = tpu.memref_squeeze %dma_wait3A_316 : memref<1x80x48xf32, #tpu.memory_space<vmem>> -> memref<80x48xf32, #tpu.memory_space<vmem>>
      %dma_wait3A_318 = arith.constant 0 : i32
      %dma_wait3A_319 = tpu.memref_slice %arg5[%arg0, %add3A_260, %dma_wait3A_318] : memref<2x10240x48xf32, #tpu.memory_space<hbm>> -> memref<1x80x48xf32, #tpu.memory_space<hbm>>
      %dma_wait3A_320 = tpu.memref_squeeze %dma_wait3A_319 : memref<1x80x48xf32, #tpu.memory_space<hbm>> -> memref<80x48xf32, #tpu.memory_space<hbm>>
      %dma_wait3A_321 = arith.constant 0 : i32
      %dma_wait3A_322 = tpu.memref_slice %arg5[%arg0, %add3A_260, %dma_wait3A_321] : memref<2x10240x48xf32, #tpu.memory_space<hbm>> -> memref<1x80x48xf32, #tpu.memory_space<hbm>>
      %dma_wait3A_323 = tpu.memref_squeeze %dma_wait3A_322 : memref<1x80x48xf32, #tpu.memory_space<hbm>> -> memref<80x48xf32, #tpu.memory_space<hbm>>
      %dma_wait3A_324 = arith.constant 0 : i32
      %dma_wait3A_325 = arith.constant 0 : i32
      %dma_wait3A_326 = tpu.memref_slice %arg10[%run_scoped3A_262, %dma_wait3A_324, %dma_wait3A_325] : memref<4x80x48xf32, #tpu.memory_space<vmem>> -> memref<1x80x48xf32, #tpu.memory_space<vmem>>
      %dma_wait3A_327 = tpu.memref_squeeze %dma_wait3A_326 : memref<1x80x48xf32, #tpu.memory_space<vmem>> -> memref<80x48xf32, #tpu.memory_space<vmem>>
      tpu.wait_dma2 semaphore(%run_scoped3A_299 : memref<!tpu.dma_semaphore, #tpu.memory_space<semaphore_mem>>) src(%dma_wait3A_327 : memref<80x48xf32, #tpu.memory_space<vmem>>) dst(%dma_wait3A_323 : memref<80x48xf32, #tpu.memory_space<hbm>>)
      tpu.yield
    }) : () -> ()
    %mul3A_263 = arith.constant 640 : i32
    %mul3A_264 = arith.muli %arg1, %mul3A_263 : i32
    %add3A_265 = arith.constant 160 : i32
    %add3A_266 = arith.addi %mul3A_264, %add3A_265 : i32
    %run_scoped3A_267 = arith.constant 0 : i32
    "tpu.region"() ({
      %run_scoped3A_299 = tpu.sem_alloc : memref<!tpu.dma_semaphore, #tpu.memory_space<semaphore_mem>>
      %dma_start3A_300 = arith.constant 0 : i32
      %dma_start3A_301 = arith.constant 0 : i32
      %dma_start3A_302 = tpu.memref_slice %arg10[%run_scoped3A_267, %dma_start3A_300, %dma_start3A_301] : memref<4x80x48xf32, #tpu.memory_space<vmem>> -> memref<1x80x48xf32, #tpu.memory_space<vmem>>
      %dma_start3A_303 = tpu.memref_squeeze %dma_start3A_302 : memref<1x80x48xf32, #tpu.memory_space<vmem>> -> memref<80x48xf32, #tpu.memory_space<vmem>>
      %dma_start3A_304 = arith.constant 0 : i32
      %dma_start3A_305 = tpu.memref_slice %arg11[%add3A_266, %dma_start3A_304] : memref<10240x48xf32, #tpu.memory_space<vmem_shared>> -> memref<80x48xf32, #tpu.memory_space<vmem_shared>>
      %dma_start3A_306 = arith.constant 0 : i32
      %dma_start3A_307 = arith.constant 0 : i32
      %dma_start3A_308 = tpu.memref_slice %arg10[%run_scoped3A_267, %dma_start3A_306, %dma_start3A_307] : memref<4x80x48xf32, #tpu.memory_space<vmem>> -> memref<1x80x48xf32, #tpu.memory_space<vmem>>
      %dma_start3A_309 = tpu.memref_squeeze %dma_start3A_308 : memref<1x80x48xf32, #tpu.memory_space<vmem>> -> memref<80x48xf32, #tpu.memory_space<vmem>>
      %dma_start3A_310 = arith.constant 0 : i32
      %dma_start3A_311 = tpu.memref_slice %arg11[%add3A_266, %dma_start3A_310] : memref<10240x48xf32, #tpu.memory_space<vmem_shared>> -> memref<80x48xf32, #tpu.memory_space<vmem_shared>>
      tpu.enqueue_dma source(%dma_start3A_311 : memref<80x48xf32, #tpu.memory_space<vmem_shared>>) target(%dma_start3A_309 : memref<80x48xf32, #tpu.memory_space<vmem>>) target_semaphore(%run_scoped3A_299 : memref<!tpu.dma_semaphore, #tpu.memory_space<semaphore_mem>>)
      %dma_wait3A_312 = arith.constant 0 : i32
      %dma_wait3A_313 = arith.constant 0 : i32
      %dma_wait3A_314 = tpu.memref_slice %arg10[%run_scoped3A_267, %dma_wait3A_312, %dma_wait3A_313] : memref<4x80x48xf32, #tpu.memory_space<vmem>> -> memref<1x80x48xf32, #tpu.memory_space<vmem>>
      %dma_wait3A_315 = tpu.memref_squeeze %dma_wait3A_314 : memref<1x80x48xf32, #tpu.memory_space<vmem>> -> memref<80x48xf32, #tpu.memory_space<vmem>>
      %dma_wait3A_316 = arith.constant 0 : i32
      %dma_wait3A_317 = tpu.memref_slice %arg11[%add3A_266, %dma_wait3A_316] : memref<10240x48xf32, #tpu.memory_space<vmem_shared>> -> memref<80x48xf32, #tpu.memory_space<vmem_shared>>
      %dma_wait3A_318 = arith.constant 0 : i32
      %dma_wait3A_319 = arith.constant 0 : i32
      %dma_wait3A_320 = tpu.memref_slice %arg10[%run_scoped3A_267, %dma_wait3A_318, %dma_wait3A_319] : memref<4x80x48xf32, #tpu.memory_space<vmem>> -> memref<1x80x48xf32, #tpu.memory_space<vmem>>
      %dma_wait3A_321 = tpu.memref_squeeze %dma_wait3A_320 : memref<1x80x48xf32, #tpu.memory_space<vmem>> -> memref<80x48xf32, #tpu.memory_space<vmem>>
      %dma_wait3A_322 = arith.constant 0 : i32
      %dma_wait3A_323 = tpu.memref_slice %arg11[%add3A_266, %dma_wait3A_322] : memref<10240x48xf32, #tpu.memory_space<vmem_shared>> -> memref<80x48xf32, #tpu.memory_space<vmem_shared>>
      tpu.wait_dma2 semaphore(%run_scoped3A_299 : memref<!tpu.dma_semaphore, #tpu.memory_space<semaphore_mem>>) src(%dma_wait3A_323 : memref<80x48xf32, #tpu.memory_space<vmem_shared>>) dst(%dma_wait3A_321 : memref<80x48xf32, #tpu.memory_space<vmem>>)
      tpu.yield
    }) : () -> ()
    %run_scoped3A_268 = arith.constant 0 : i32
    "tpu.region"() ({
      %run_scoped3A_299 = tpu.sem_alloc : memref<!tpu.dma_semaphore, #tpu.memory_space<semaphore_mem>>
      %dma_start3A_300 = arith.constant 0 : i32
      %dma_start3A_301 = arith.constant 0 : i32
      %dma_start3A_302 = tpu.memref_slice %arg10[%run_scoped3A_268, %dma_start3A_300, %dma_start3A_301] : memref<4x80x48xf32, #tpu.memory_space<vmem>> -> memref<1x80x48xf32, #tpu.memory_space<vmem>>
      %dma_start3A_303 = tpu.memref_squeeze %dma_start3A_302 : memref<1x80x48xf32, #tpu.memory_space<vmem>> -> memref<80x48xf32, #tpu.memory_space<vmem>>
      %dma_start3A_304 = arith.constant 0 : i32
      %dma_start3A_305 = tpu.memref_slice %arg5[%arg0, %add3A_266, %dma_start3A_304] : memref<2x10240x48xf32, #tpu.memory_space<hbm>> -> memref<1x80x48xf32, #tpu.memory_space<hbm>>
      %dma_start3A_306 = tpu.memref_squeeze %dma_start3A_305 : memref<1x80x48xf32, #tpu.memory_space<hbm>> -> memref<80x48xf32, #tpu.memory_space<hbm>>
      %dma_start3A_307 = arith.constant 0 : i32
      %dma_start3A_308 = tpu.memref_slice %arg5[%arg0, %add3A_266, %dma_start3A_307] : memref<2x10240x48xf32, #tpu.memory_space<hbm>> -> memref<1x80x48xf32, #tpu.memory_space<hbm>>
      %dma_start3A_309 = tpu.memref_squeeze %dma_start3A_308 : memref<1x80x48xf32, #tpu.memory_space<hbm>> -> memref<80x48xf32, #tpu.memory_space<hbm>>
      %dma_start3A_310 = arith.constant 0 : i32
      %dma_start3A_311 = arith.constant 0 : i32
      %dma_start3A_312 = tpu.memref_slice %arg10[%run_scoped3A_268, %dma_start3A_310, %dma_start3A_311] : memref<4x80x48xf32, #tpu.memory_space<vmem>> -> memref<1x80x48xf32, #tpu.memory_space<vmem>>
      %dma_start3A_313 = tpu.memref_squeeze %dma_start3A_312 : memref<1x80x48xf32, #tpu.memory_space<vmem>> -> memref<80x48xf32, #tpu.memory_space<vmem>>
      tpu.enqueue_dma source(%dma_start3A_313 : memref<80x48xf32, #tpu.memory_space<vmem>>) target(%dma_start3A_309 : memref<80x48xf32, #tpu.memory_space<hbm>>) target_semaphore(%run_scoped3A_299 : memref<!tpu.dma_semaphore, #tpu.memory_space<semaphore_mem>>)
      %dma_wait3A_314 = arith.constant 0 : i32
      %dma_wait3A_315 = arith.constant 0 : i32
      %dma_wait3A_316 = tpu.memref_slice %arg10[%run_scoped3A_268, %dma_wait3A_314, %dma_wait3A_315] : memref<4x80x48xf32, #tpu.memory_space<vmem>> -> memref<1x80x48xf32, #tpu.memory_space<vmem>>
      %dma_wait3A_317 = tpu.memref_squeeze %dma_wait3A_316 : memref<1x80x48xf32, #tpu.memory_space<vmem>> -> memref<80x48xf32, #tpu.memory_space<vmem>>
      %dma_wait3A_318 = arith.constant 0 : i32
      %dma_wait3A_319 = tpu.memref_slice %arg5[%arg0, %add3A_266, %dma_wait3A_318] : memref<2x10240x48xf32, #tpu.memory_space<hbm>> -> memref<1x80x48xf32, #tpu.memory_space<hbm>>
      %dma_wait3A_320 = tpu.memref_squeeze %dma_wait3A_319 : memref<1x80x48xf32, #tpu.memory_space<hbm>> -> memref<80x48xf32, #tpu.memory_space<hbm>>
      %dma_wait3A_321 = arith.constant 0 : i32
      %dma_wait3A_322 = tpu.memref_slice %arg5[%arg0, %add3A_266, %dma_wait3A_321] : memref<2x10240x48xf32, #tpu.memory_space<hbm>> -> memref<1x80x48xf32, #tpu.memory_space<hbm>>
      %dma_wait3A_323 = tpu.memref_squeeze %dma_wait3A_322 : memref<1x80x48xf32, #tpu.memory_space<hbm>> -> memref<80x48xf32, #tpu.memory_space<hbm>>
      %dma_wait3A_324 = arith.constant 0 : i32
      %dma_wait3A_325 = arith.constant 0 : i32
      %dma_wait3A_326 = tpu.memref_slice %arg10[%run_scoped3A_268, %dma_wait3A_324, %dma_wait3A_325] : memref<4x80x48xf32, #tpu.memory_space<vmem>> -> memref<1x80x48xf32, #tpu.memory_space<vmem>>
      %dma_wait3A_327 = tpu.memref_squeeze %dma_wait3A_326 : memref<1x80x48xf32, #tpu.memory_space<vmem>> -> memref<80x48xf32, #tpu.memory_space<vmem>>
      tpu.wait_dma2 semaphore(%run_scoped3A_299 : memref<!tpu.dma_semaphore, #tpu.memory_space<semaphore_mem>>) src(%dma_wait3A_327 : memref<80x48xf32, #tpu.memory_space<vmem>>) dst(%dma_wait3A_323 : memref<80x48xf32, #tpu.memory_space<hbm>>)
      tpu.yield
    }) : () -> ()
    %mul3A_269 = arith.constant 640 : i32
    %mul3A_270 = arith.muli %arg1, %mul3A_269 : i32
    %add3A_271 = arith.constant 240 : i32
    %add3A_272 = arith.addi %mul3A_270, %add3A_271 : i32
    %run_scoped3A_273 = arith.constant 0 : i32
    "tpu.region"() ({
      %run_scoped3A_299 = tpu.sem_alloc : memref<!tpu.dma_semaphore, #tpu.memory_space<semaphore_mem>>
      %dma_start3A_300 = arith.constant 0 : i32
      %dma_start3A_301 = arith.constant 0 : i32
      %dma_start3A_302 = tpu.memref_slice %arg10[%run_scoped3A_273, %dma_start3A_300, %dma_start3A_301] : memref<4x80x48xf32, #tpu.memory_space<vmem>> -> memref<1x80x48xf32, #tpu.memory_space<vmem>>
      %dma_start3A_303 = tpu.memref_squeeze %dma_start3A_302 : memref<1x80x48xf32, #tpu.memory_space<vmem>> -> memref<80x48xf32, #tpu.memory_space<vmem>>
      %dma_start3A_304 = arith.constant 0 : i32
      %dma_start3A_305 = tpu.memref_slice %arg11[%add3A_272, %dma_start3A_304] : memref<10240x48xf32, #tpu.memory_space<vmem_shared>> -> memref<80x48xf32, #tpu.memory_space<vmem_shared>>
      %dma_start3A_306 = arith.constant 0 : i32
      %dma_start3A_307 = arith.constant 0 : i32
      %dma_start3A_308 = tpu.memref_slice %arg10[%run_scoped3A_273, %dma_start3A_306, %dma_start3A_307] : memref<4x80x48xf32, #tpu.memory_space<vmem>> -> memref<1x80x48xf32, #tpu.memory_space<vmem>>
      %dma_start3A_309 = tpu.memref_squeeze %dma_start3A_308 : memref<1x80x48xf32, #tpu.memory_space<vmem>> -> memref<80x48xf32, #tpu.memory_space<vmem>>
      %dma_start3A_310 = arith.constant 0 : i32
      %dma_start3A_311 = tpu.memref_slice %arg11[%add3A_272, %dma_start3A_310] : memref<10240x48xf32, #tpu.memory_space<vmem_shared>> -> memref<80x48xf32, #tpu.memory_space<vmem_shared>>
      tpu.enqueue_dma source(%dma_start3A_311 : memref<80x48xf32, #tpu.memory_space<vmem_shared>>) target(%dma_start3A_309 : memref<80x48xf32, #tpu.memory_space<vmem>>) target_semaphore(%run_scoped3A_299 : memref<!tpu.dma_semaphore, #tpu.memory_space<semaphore_mem>>)
      %dma_wait3A_312 = arith.constant 0 : i32
      %dma_wait3A_313 = arith.constant 0 : i32
      %dma_wait3A_314 = tpu.memref_slice %arg10[%run_scoped3A_273, %dma_wait3A_312, %dma_wait3A_313] : memref<4x80x48xf32, #tpu.memory_space<vmem>> -> memref<1x80x48xf32, #tpu.memory_space<vmem>>
      %dma_wait3A_315 = tpu.memref_squeeze %dma_wait3A_314 : memref<1x80x48xf32, #tpu.memory_space<vmem>> -> memref<80x48xf32, #tpu.memory_space<vmem>>
      %dma_wait3A_316 = arith.constant 0 : i32
      %dma_wait3A_317 = tpu.memref_slice %arg11[%add3A_272, %dma_wait3A_316] : memref<10240x48xf32, #tpu.memory_space<vmem_shared>> -> memref<80x48xf32, #tpu.memory_space<vmem_shared>>
      %dma_wait3A_318 = arith.constant 0 : i32
      %dma_wait3A_319 = arith.constant 0 : i32
      %dma_wait3A_320 = tpu.memref_slice %arg10[%run_scoped3A_273, %dma_wait3A_318, %dma_wait3A_319] : memref<4x80x48xf32, #tpu.memory_space<vmem>> -> memref<1x80x48xf32, #tpu.memory_space<vmem>>
      %dma_wait3A_321 = tpu.memref_squeeze %dma_wait3A_320 : memref<1x80x48xf32, #tpu.memory_space<vmem>> -> memref<80x48xf32, #tpu.memory_space<vmem>>
      %dma_wait3A_322 = arith.constant 0 : i32
      %dma_wait3A_323 = tpu.memref_slice %arg11[%add3A_272, %dma_wait3A_322] : memref<10240x48xf32, #tpu.memory_space<vmem_shared>> -> memref<80x48xf32, #tpu.memory_space<vmem_shared>>
      tpu.wait_dma2 semaphore(%run_scoped3A_299 : memref<!tpu.dma_semaphore, #tpu.memory_space<semaphore_mem>>) src(%dma_wait3A_323 : memref<80x48xf32, #tpu.memory_space<vmem_shared>>) dst(%dma_wait3A_321 : memref<80x48xf32, #tpu.memory_space<vmem>>)
      tpu.yield
    }) : () -> ()
    %run_scoped3A_274 = arith.constant 0 : i32
    "tpu.region"() ({
      %run_scoped3A_299 = tpu.sem_alloc : memref<!tpu.dma_semaphore, #tpu.memory_space<semaphore_mem>>
      %dma_start3A_300 = arith.constant 0 : i32
      %dma_start3A_301 = arith.constant 0 : i32
      %dma_start3A_302 = tpu.memref_slice %arg10[%run_scoped3A_274, %dma_start3A_300, %dma_start3A_301] : memref<4x80x48xf32, #tpu.memory_space<vmem>> -> memref<1x80x48xf32, #tpu.memory_space<vmem>>
      %dma_start3A_303 = tpu.memref_squeeze %dma_start3A_302 : memref<1x80x48xf32, #tpu.memory_space<vmem>> -> memref<80x48xf32, #tpu.memory_space<vmem>>
      %dma_start3A_304 = arith.constant 0 : i32
      %dma_start3A_305 = tpu.memref_slice %arg5[%arg0, %add3A_272, %dma_start3A_304] : memref<2x10240x48xf32, #tpu.memory_space<hbm>> -> memref<1x80x48xf32, #tpu.memory_space<hbm>>
      %dma_start3A_306 = tpu.memref_squeeze %dma_start3A_305 : memref<1x80x48xf32, #tpu.memory_space<hbm>> -> memref<80x48xf32, #tpu.memory_space<hbm>>
      %dma_start3A_307 = arith.constant 0 : i32
      %dma_start3A_308 = tpu.memref_slice %arg5[%arg0, %add3A_272, %dma_start3A_307] : memref<2x10240x48xf32, #tpu.memory_space<hbm>> -> memref<1x80x48xf32, #tpu.memory_space<hbm>>
      %dma_start3A_309 = tpu.memref_squeeze %dma_start3A_308 : memref<1x80x48xf32, #tpu.memory_space<hbm>> -> memref<80x48xf32, #tpu.memory_space<hbm>>
      %dma_start3A_310 = arith.constant 0 : i32
      %dma_start3A_311 = arith.constant 0 : i32
      %dma_start3A_312 = tpu.memref_slice %arg10[%run_scoped3A_274, %dma_start3A_310, %dma_start3A_311] : memref<4x80x48xf32, #tpu.memory_space<vmem>> -> memref<1x80x48xf32, #tpu.memory_space<vmem>>
      %dma_start3A_313 = tpu.memref_squeeze %dma_start3A_312 : memref<1x80x48xf32, #tpu.memory_space<vmem>> -> memref<80x48xf32, #tpu.memory_space<vmem>>
      tpu.enqueue_dma source(%dma_start3A_313 : memref<80x48xf32, #tpu.memory_space<vmem>>) target(%dma_start3A_309 : memref<80x48xf32, #tpu.memory_space<hbm>>) target_semaphore(%run_scoped3A_299 : memref<!tpu.dma_semaphore, #tpu.memory_space<semaphore_mem>>)
      %dma_wait3A_314 = arith.constant 0 : i32
      %dma_wait3A_315 = arith.constant 0 : i32
      %dma_wait3A_316 = tpu.memref_slice %arg10[%run_scoped3A_274, %dma_wait3A_314, %dma_wait3A_315] : memref<4x80x48xf32, #tpu.memory_space<vmem>> -> memref<1x80x48xf32, #tpu.memory_space<vmem>>
      %dma_wait3A_317 = tpu.memref_squeeze %dma_wait3A_316 : memref<1x80x48xf32, #tpu.memory_space<vmem>> -> memref<80x48xf32, #tpu.memory_space<vmem>>
      %dma_wait3A_318 = arith.constant 0 : i32
      %dma_wait3A_319 = tpu.memref_slice %arg5[%arg0, %add3A_272, %dma_wait3A_318] : memref<2x10240x48xf32, #tpu.memory_space<hbm>> -> memref<1x80x48xf32, #tpu.memory_space<hbm>>
      %dma_wait3A_320 = tpu.memref_squeeze %dma_wait3A_319 : memref<1x80x48xf32, #tpu.memory_space<hbm>> -> memref<80x48xf32, #tpu.memory_space<hbm>>
      %dma_wait3A_321 = arith.constant 0 : i32
      %dma_wait3A_322 = tpu.memref_slice %arg5[%arg0, %add3A_272, %dma_wait3A_321] : memref<2x10240x48xf32, #tpu.memory_space<hbm>> -> memref<1x80x48xf32, #tpu.memory_space<hbm>>
      %dma_wait3A_323 = tpu.memref_squeeze %dma_wait3A_322 : memref<1x80x48xf32, #tpu.memory_space<hbm>> -> memref<80x48xf32, #tpu.memory_space<hbm>>
      %dma_wait3A_324 = arith.constant 0 : i32
      %dma_wait3A_325 = arith.constant 0 : i32
      %dma_wait3A_326 = tpu.memref_slice %arg10[%run_scoped3A_274, %dma_wait3A_324, %dma_wait3A_325] : memref<4x80x48xf32, #tpu.memory_space<vmem>> -> memref<1x80x48xf32, #tpu.memory_space<vmem>>
      %dma_wait3A_327 = tpu.memref_squeeze %dma_wait3A_326 : memref<1x80x48xf32, #tpu.memory_space<vmem>> -> memref<80x48xf32, #tpu.memory_space<vmem>>
      tpu.wait_dma2 semaphore(%run_scoped3A_299 : memref<!tpu.dma_semaphore, #tpu.memory_space<semaphore_mem>>) src(%dma_wait3A_327 : memref<80x48xf32, #tpu.memory_space<vmem>>) dst(%dma_wait3A_323 : memref<80x48xf32, #tpu.memory_space<hbm>>)
      tpu.yield
    }) : () -> ()
    %mul3A_275 = arith.constant 640 : i32
    %mul3A_276 = arith.muli %arg1, %mul3A_275 : i32
    %add3A_277 = arith.constant 320 : i32
    %add3A_278 = arith.addi %mul3A_276, %add3A_277 : i32
    %run_scoped3A_279 = arith.constant 0 : i32
    "tpu.region"() ({
      %run_scoped3A_299 = tpu.sem_alloc : memref<!tpu.dma_semaphore, #tpu.memory_space<semaphore_mem>>
      %dma_start3A_300 = arith.constant 0 : i32
      %dma_start3A_301 = arith.constant 0 : i32
      %dma_start3A_302 = tpu.memref_slice %arg10[%run_scoped3A_279, %dma_start3A_300, %dma_start3A_301] : memref<4x80x48xf32, #tpu.memory_space<vmem>> -> memref<1x80x48xf32, #tpu.memory_space<vmem>>
      %dma_start3A_303 = tpu.memref_squeeze %dma_start3A_302 : memref<1x80x48xf32, #tpu.memory_space<vmem>> -> memref<80x48xf32, #tpu.memory_space<vmem>>
      %dma_start3A_304 = arith.constant 0 : i32
      %dma_start3A_305 = tpu.memref_slice %arg11[%add3A_278, %dma_start3A_304] : memref<10240x48xf32, #tpu.memory_space<vmem_shared>> -> memref<80x48xf32, #tpu.memory_space<vmem_shared>>
      %dma_start3A_306 = arith.constant 0 : i32
      %dma_start3A_307 = arith.constant 0 : i32
      %dma_start3A_308 = tpu.memref_slice %arg10[%run_scoped3A_279, %dma_start3A_306, %dma_start3A_307] : memref<4x80x48xf32, #tpu.memory_space<vmem>> -> memref<1x80x48xf32, #tpu.memory_space<vmem>>
      %dma_start3A_309 = tpu.memref_squeeze %dma_start3A_308 : memref<1x80x48xf32, #tpu.memory_space<vmem>> -> memref<80x48xf32, #tpu.memory_space<vmem>>
      %dma_start3A_310 = arith.constant 0 : i32
      %dma_start3A_311 = tpu.memref_slice %arg11[%add3A_278, %dma_start3A_310] : memref<10240x48xf32, #tpu.memory_space<vmem_shared>> -> memref<80x48xf32, #tpu.memory_space<vmem_shared>>
      tpu.enqueue_dma source(%dma_start3A_311 : memref<80x48xf32, #tpu.memory_space<vmem_shared>>) target(%dma_start3A_309 : memref<80x48xf32, #tpu.memory_space<vmem>>) target_semaphore(%run_scoped3A_299 : memref<!tpu.dma_semaphore, #tpu.memory_space<semaphore_mem>>)
      %dma_wait3A_312 = arith.constant 0 : i32
      %dma_wait3A_313 = arith.constant 0 : i32
      %dma_wait3A_314 = tpu.memref_slice %arg10[%run_scoped3A_279, %dma_wait3A_312, %dma_wait3A_313] : memref<4x80x48xf32, #tpu.memory_space<vmem>> -> memref<1x80x48xf32, #tpu.memory_space<vmem>>
      %dma_wait3A_315 = tpu.memref_squeeze %dma_wait3A_314 : memref<1x80x48xf32, #tpu.memory_space<vmem>> -> memref<80x48xf32, #tpu.memory_space<vmem>>
      %dma_wait3A_316 = arith.constant 0 : i32
      %dma_wait3A_317 = tpu.memref_slice %arg11[%add3A_278, %dma_wait3A_316] : memref<10240x48xf32, #tpu.memory_space<vmem_shared>> -> memref<80x48xf32, #tpu.memory_space<vmem_shared>>
      %dma_wait3A_318 = arith.constant 0 : i32
      %dma_wait3A_319 = arith.constant 0 : i32
      %dma_wait3A_320 = tpu.memref_slice %arg10[%run_scoped3A_279, %dma_wait3A_318, %dma_wait3A_319] : memref<4x80x48xf32, #tpu.memory_space<vmem>> -> memref<1x80x48xf32, #tpu.memory_space<vmem>>
      %dma_wait3A_321 = tpu.memref_squeeze %dma_wait3A_320 : memref<1x80x48xf32, #tpu.memory_space<vmem>> -> memref<80x48xf32, #tpu.memory_space<vmem>>
      %dma_wait3A_322 = arith.constant 0 : i32
      %dma_wait3A_323 = tpu.memref_slice %arg11[%add3A_278, %dma_wait3A_322] : memref<10240x48xf32, #tpu.memory_space<vmem_shared>> -> memref<80x48xf32, #tpu.memory_space<vmem_shared>>
      tpu.wait_dma2 semaphore(%run_scoped3A_299 : memref<!tpu.dma_semaphore, #tpu.memory_space<semaphore_mem>>) src(%dma_wait3A_323 : memref<80x48xf32, #tpu.memory_space<vmem_shared>>) dst(%dma_wait3A_321 : memref<80x48xf32, #tpu.memory_space<vmem>>)
      tpu.yield
    }) : () -> ()
    %run_scoped3A_280 = arith.constant 0 : i32
    "tpu.region"() ({
      %run_scoped3A_299 = tpu.sem_alloc : memref<!tpu.dma_semaphore, #tpu.memory_space<semaphore_mem>>
      %dma_start3A_300 = arith.constant 0 : i32
      %dma_start3A_301 = arith.constant 0 : i32
      %dma_start3A_302 = tpu.memref_slice %arg10[%run_scoped3A_280, %dma_start3A_300, %dma_start3A_301] : memref<4x80x48xf32, #tpu.memory_space<vmem>> -> memref<1x80x48xf32, #tpu.memory_space<vmem>>
      %dma_start3A_303 = tpu.memref_squeeze %dma_start3A_302 : memref<1x80x48xf32, #tpu.memory_space<vmem>> -> memref<80x48xf32, #tpu.memory_space<vmem>>
      %dma_start3A_304 = arith.constant 0 : i32
      %dma_start3A_305 = tpu.memref_slice %arg5[%arg0, %add3A_278, %dma_start3A_304] : memref<2x10240x48xf32, #tpu.memory_space<hbm>> -> memref<1x80x48xf32, #tpu.memory_space<hbm>>
      %dma_start3A_306 = tpu.memref_squeeze %dma_start3A_305 : memref<1x80x48xf32, #tpu.memory_space<hbm>> -> memref<80x48xf32, #tpu.memory_space<hbm>>
      %dma_start3A_307 = arith.constant 0 : i32
      %dma_start3A_308 = tpu.memref_slice %arg5[%arg0, %add3A_278, %dma_start3A_307] : memref<2x10240x48xf32, #tpu.memory_space<hbm>> -> memref<1x80x48xf32, #tpu.memory_space<hbm>>
      %dma_start3A_309 = tpu.memref_squeeze %dma_start3A_308 : memref<1x80x48xf32, #tpu.memory_space<hbm>> -> memref<80x48xf32, #tpu.memory_space<hbm>>
      %dma_start3A_310 = arith.constant 0 : i32
      %dma_start3A_311 = arith.constant 0 : i32
      %dma_start3A_312 = tpu.memref_slice %arg10[%run_scoped3A_280, %dma_start3A_310, %dma_start3A_311] : memref<4x80x48xf32, #tpu.memory_space<vmem>> -> memref<1x80x48xf32, #tpu.memory_space<vmem>>
      %dma_start3A_313 = tpu.memref_squeeze %dma_start3A_312 : memref<1x80x48xf32, #tpu.memory_space<vmem>> -> memref<80x48xf32, #tpu.memory_space<vmem>>
      tpu.enqueue_dma source(%dma_start3A_313 : memref<80x48xf32, #tpu.memory_space<vmem>>) target(%dma_start3A_309 : memref<80x48xf32, #tpu.memory_space<hbm>>) target_semaphore(%run_scoped3A_299 : memref<!tpu.dma_semaphore, #tpu.memory_space<semaphore_mem>>)
      %dma_wait3A_314 = arith.constant 0 : i32
      %dma_wait3A_315 = arith.constant 0 : i32
      %dma_wait3A_316 = tpu.memref_slice %arg10[%run_scoped3A_280, %dma_wait3A_314, %dma_wait3A_315] : memref<4x80x48xf32, #tpu.memory_space<vmem>> -> memref<1x80x48xf32, #tpu.memory_space<vmem>>
      %dma_wait3A_317 = tpu.memref_squeeze %dma_wait3A_316 : memref<1x80x48xf32, #tpu.memory_space<vmem>> -> memref<80x48xf32, #tpu.memory_space<vmem>>
      %dma_wait3A_318 = arith.constant 0 : i32
      %dma_wait3A_319 = tpu.memref_slice %arg5[%arg0, %add3A_278, %dma_wait3A_318] : memref<2x10240x48xf32, #tpu.memory_space<hbm>> -> memref<1x80x48xf32, #tpu.memory_space<hbm>>
      %dma_wait3A_320 = tpu.memref_squeeze %dma_wait3A_319 : memref<1x80x48xf32, #tpu.memory_space<hbm>> -> memref<80x48xf32, #tpu.memory_space<hbm>>
      %dma_wait3A_321 = arith.constant 0 : i32
      %dma_wait3A_322 = tpu.memref_slice %arg5[%arg0, %add3A_278, %dma_wait3A_321] : memref<2x10240x48xf32, #tpu.memory_space<hbm>> -> memref<1x80x48xf32, #tpu.memory_space<hbm>>
      %dma_wait3A_323 = tpu.memref_squeeze %dma_wait3A_322 : memref<1x80x48xf32, #tpu.memory_space<hbm>> -> memref<80x48xf32, #tpu.memory_space<hbm>>
      %dma_wait3A_324 = arith.constant 0 : i32
      %dma_wait3A_325 = arith.constant 0 : i32
      %dma_wait3A_326 = tpu.memref_slice %arg10[%run_scoped3A_280, %dma_wait3A_324, %dma_wait3A_325] : memref<4x80x48xf32, #tpu.memory_space<vmem>> -> memref<1x80x48xf32, #tpu.memory_space<vmem>>
      %dma_wait3A_327 = tpu.memref_squeeze %dma_wait3A_326 : memref<1x80x48xf32, #tpu.memory_space<vmem>> -> memref<80x48xf32, #tpu.memory_space<vmem>>
      tpu.wait_dma2 semaphore(%run_scoped3A_299 : memref<!tpu.dma_semaphore, #tpu.memory_space<semaphore_mem>>) src(%dma_wait3A_327 : memref<80x48xf32, #tpu.memory_space<vmem>>) dst(%dma_wait3A_323 : memref<80x48xf32, #tpu.memory_space<hbm>>)
      tpu.yield
    }) : () -> ()
    %mul3A_281 = arith.constant 640 : i32
    %mul3A_282 = arith.muli %arg1, %mul3A_281 : i32
    %add3A_283 = arith.constant 400 : i32
    %add3A_284 = arith.addi %mul3A_282, %add3A_283 : i32
    %run_scoped3A_285 = arith.constant 0 : i32
    "tpu.region"() ({
      %run_scoped3A_299 = tpu.sem_alloc : memref<!tpu.dma_semaphore, #tpu.memory_space<semaphore_mem>>
      %dma_start3A_300 = arith.constant 0 : i32
      %dma_start3A_301 = arith.constant 0 : i32
      %dma_start3A_302 = tpu.memref_slice %arg10[%run_scoped3A_285, %dma_start3A_300, %dma_start3A_301] : memref<4x80x48xf32, #tpu.memory_space<vmem>> -> memref<1x80x48xf32, #tpu.memory_space<vmem>>
      %dma_start3A_303 = tpu.memref_squeeze %dma_start3A_302 : memref<1x80x48xf32, #tpu.memory_space<vmem>> -> memref<80x48xf32, #tpu.memory_space<vmem>>
      %dma_start3A_304 = arith.constant 0 : i32
      %dma_start3A_305 = tpu.memref_slice %arg11[%add3A_284, %dma_start3A_304] : memref<10240x48xf32, #tpu.memory_space<vmem_shared>> -> memref<80x48xf32, #tpu.memory_space<vmem_shared>>
      %dma_start3A_306 = arith.constant 0 : i32
      %dma_start3A_307 = arith.constant 0 : i32
      %dma_start3A_308 = tpu.memref_slice %arg10[%run_scoped3A_285, %dma_start3A_306, %dma_start3A_307] : memref<4x80x48xf32, #tpu.memory_space<vmem>> -> memref<1x80x48xf32, #tpu.memory_space<vmem>>
      %dma_start3A_309 = tpu.memref_squeeze %dma_start3A_308 : memref<1x80x48xf32, #tpu.memory_space<vmem>> -> memref<80x48xf32, #tpu.memory_space<vmem>>
      %dma_start3A_310 = arith.constant 0 : i32
      %dma_start3A_311 = tpu.memref_slice %arg11[%add3A_284, %dma_start3A_310] : memref<10240x48xf32, #tpu.memory_space<vmem_shared>> -> memref<80x48xf32, #tpu.memory_space<vmem_shared>>
      tpu.enqueue_dma source(%dma_start3A_311 : memref<80x48xf32, #tpu.memory_space<vmem_shared>>) target(%dma_start3A_309 : memref<80x48xf32, #tpu.memory_space<vmem>>) target_semaphore(%run_scoped3A_299 : memref<!tpu.dma_semaphore, #tpu.memory_space<semaphore_mem>>)
      %dma_wait3A_312 = arith.constant 0 : i32
      %dma_wait3A_313 = arith.constant 0 : i32
      %dma_wait3A_314 = tpu.memref_slice %arg10[%run_scoped3A_285, %dma_wait3A_312, %dma_wait3A_313] : memref<4x80x48xf32, #tpu.memory_space<vmem>> -> memref<1x80x48xf32, #tpu.memory_space<vmem>>
      %dma_wait3A_315 = tpu.memref_squeeze %dma_wait3A_314 : memref<1x80x48xf32, #tpu.memory_space<vmem>> -> memref<80x48xf32, #tpu.memory_space<vmem>>
      %dma_wait3A_316 = arith.constant 0 : i32
      %dma_wait3A_317 = tpu.memref_slice %arg11[%add3A_284, %dma_wait3A_316] : memref<10240x48xf32, #tpu.memory_space<vmem_shared>> -> memref<80x48xf32, #tpu.memory_space<vmem_shared>>
      %dma_wait3A_318 = arith.constant 0 : i32
      %dma_wait3A_319 = arith.constant 0 : i32
      %dma_wait3A_320 = tpu.memref_slice %arg10[%run_scoped3A_285, %dma_wait3A_318, %dma_wait3A_319] : memref<4x80x48xf32, #tpu.memory_space<vmem>> -> memref<1x80x48xf32, #tpu.memory_space<vmem>>
      %dma_wait3A_321 = tpu.memref_squeeze %dma_wait3A_320 : memref<1x80x48xf32, #tpu.memory_space<vmem>> -> memref<80x48xf32, #tpu.memory_space<vmem>>
      %dma_wait3A_322 = arith.constant 0 : i32
      %dma_wait3A_323 = tpu.memref_slice %arg11[%add3A_284, %dma_wait3A_322] : memref<10240x48xf32, #tpu.memory_space<vmem_shared>> -> memref<80x48xf32, #tpu.memory_space<vmem_shared>>
      tpu.wait_dma2 semaphore(%run_scoped3A_299 : memref<!tpu.dma_semaphore, #tpu.memory_space<semaphore_mem>>) src(%dma_wait3A_323 : memref<80x48xf32, #tpu.memory_space<vmem_shared>>) dst(%dma_wait3A_321 : memref<80x48xf32, #tpu.memory_space<vmem>>)
      tpu.yield
    }) : () -> ()
    %run_scoped3A_286 = arith.constant 0 : i32
    "tpu.region"() ({
      %run_scoped3A_299 = tpu.sem_alloc : memref<!tpu.dma_semaphore, #tpu.memory_space<semaphore_mem>>
      %dma_start3A_300 = arith.constant 0 : i32
      %dma_start3A_301 = arith.constant 0 : i32
      %dma_start3A_302 = tpu.memref_slice %arg10[%run_scoped3A_286, %dma_start3A_300, %dma_start3A_301] : memref<4x80x48xf32, #tpu.memory_space<vmem>> -> memref<1x80x48xf32, #tpu.memory_space<vmem>>
      %dma_start3A_303 = tpu.memref_squeeze %dma_start3A_302 : memref<1x80x48xf32, #tpu.memory_space<vmem>> -> memref<80x48xf32, #tpu.memory_space<vmem>>
      %dma_start3A_304 = arith.constant 0 : i32
      %dma_start3A_305 = tpu.memref_slice %arg5[%arg0, %add3A_284, %dma_start3A_304] : memref<2x10240x48xf32, #tpu.memory_space<hbm>> -> memref<1x80x48xf32, #tpu.memory_space<hbm>>
      %dma_start3A_306 = tpu.memref_squeeze %dma_start3A_305 : memref<1x80x48xf32, #tpu.memory_space<hbm>> -> memref<80x48xf32, #tpu.memory_space<hbm>>
      %dma_start3A_307 = arith.constant 0 : i32
      %dma_start3A_308 = tpu.memref_slice %arg5[%arg0, %add3A_284, %dma_start3A_307] : memref<2x10240x48xf32, #tpu.memory_space<hbm>> -> memref<1x80x48xf32, #tpu.memory_space<hbm>>
      %dma_start3A_309 = tpu.memref_squeeze %dma_start3A_308 : memref<1x80x48xf32, #tpu.memory_space<hbm>> -> memref<80x48xf32, #tpu.memory_space<hbm>>
      %dma_start3A_310 = arith.constant 0 : i32
      %dma_start3A_311 = arith.constant 0 : i32
      %dma_start3A_312 = tpu.memref_slice %arg10[%run_scoped3A_286, %dma_start3A_310, %dma_start3A_311] : memref<4x80x48xf32, #tpu.memory_space<vmem>> -> memref<1x80x48xf32, #tpu.memory_space<vmem>>
      %dma_start3A_313 = tpu.memref_squeeze %dma_start3A_312 : memref<1x80x48xf32, #tpu.memory_space<vmem>> -> memref<80x48xf32, #tpu.memory_space<vmem>>
      tpu.enqueue_dma source(%dma_start3A_313 : memref<80x48xf32, #tpu.memory_space<vmem>>) target(%dma_start3A_309 : memref<80x48xf32, #tpu.memory_space<hbm>>) target_semaphore(%run_scoped3A_299 : memref<!tpu.dma_semaphore, #tpu.memory_space<semaphore_mem>>)
      %dma_wait3A_314 = arith.constant 0 : i32
      %dma_wait3A_315 = arith.constant 0 : i32
      %dma_wait3A_316 = tpu.memref_slice %arg10[%run_scoped3A_286, %dma_wait3A_314, %dma_wait3A_315] : memref<4x80x48xf32, #tpu.memory_space<vmem>> -> memref<1x80x48xf32, #tpu.memory_space<vmem>>
      %dma_wait3A_317 = tpu.memref_squeeze %dma_wait3A_316 : memref<1x80x48xf32, #tpu.memory_space<vmem>> -> memref<80x48xf32, #tpu.memory_space<vmem>>
      %dma_wait3A_318 = arith.constant 0 : i32
      %dma_wait3A_319 = tpu.memref_slice %arg5[%arg0, %add3A_284, %dma_wait3A_318] : memref<2x10240x48xf32, #tpu.memory_space<hbm>> -> memref<1x80x48xf32, #tpu.memory_space<hbm>>
      %dma_wait3A_320 = tpu.memref_squeeze %dma_wait3A_319 : memref<1x80x48xf32, #tpu.memory_space<hbm>> -> memref<80x48xf32, #tpu.memory_space<hbm>>
      %dma_wait3A_321 = arith.constant 0 : i32
      %dma_wait3A_322 = tpu.memref_slice %arg5[%arg0, %add3A_284, %dma_wait3A_321] : memref<2x10240x48xf32, #tpu.memory_space<hbm>> -> memref<1x80x48xf32, #tpu.memory_space<hbm>>
      %dma_wait3A_323 = tpu.memref_squeeze %dma_wait3A_322 : memref<1x80x48xf32, #tpu.memory_space<hbm>> -> memref<80x48xf32, #tpu.memory_space<hbm>>
      %dma_wait3A_324 = arith.constant 0 : i32
      %dma_wait3A_325 = arith.constant 0 : i32
      %dma_wait3A_326 = tpu.memref_slice %arg10[%run_scoped3A_286, %dma_wait3A_324, %dma_wait3A_325] : memref<4x80x48xf32, #tpu.memory_space<vmem>> -> memref<1x80x48xf32, #tpu.memory_space<vmem>>
      %dma_wait3A_327 = tpu.memref_squeeze %dma_wait3A_326 : memref<1x80x48xf32, #tpu.memory_space<vmem>> -> memref<80x48xf32, #tpu.memory_space<vmem>>
      tpu.wait_dma2 semaphore(%run_scoped3A_299 : memref<!tpu.dma_semaphore, #tpu.memory_space<semaphore_mem>>) src(%dma_wait3A_327 : memref<80x48xf32, #tpu.memory_space<vmem>>) dst(%dma_wait3A_323 : memref<80x48xf32, #tpu.memory_space<hbm>>)
      tpu.yield
    }) : () -> ()
    %mul3A_287 = arith.constant 640 : i32
    %mul3A_288 = arith.muli %arg1, %mul3A_287 : i32
    %add3A_289 = arith.constant 480 : i32
    %add3A_290 = arith.addi %mul3A_288, %add3A_289 : i32
    %run_scoped3A_291 = arith.constant 0 : i32
    "tpu.region"() ({
      %run_scoped3A_299 = tpu.sem_alloc : memref<!tpu.dma_semaphore, #tpu.memory_space<semaphore_mem>>
      %dma_start3A_300 = arith.constant 0 : i32
      %dma_start3A_301 = arith.constant 0 : i32
      %dma_start3A_302 = tpu.memref_slice %arg10[%run_scoped3A_291, %dma_start3A_300, %dma_start3A_301] : memref<4x80x48xf32, #tpu.memory_space<vmem>> -> memref<1x80x48xf32, #tpu.memory_space<vmem>>
      %dma_start3A_303 = tpu.memref_squeeze %dma_start3A_302 : memref<1x80x48xf32, #tpu.memory_space<vmem>> -> memref<80x48xf32, #tpu.memory_space<vmem>>
      %dma_start3A_304 = arith.constant 0 : i32
      %dma_start3A_305 = tpu.memref_slice %arg11[%add3A_290, %dma_start3A_304] : memref<10240x48xf32, #tpu.memory_space<vmem_shared>> -> memref<80x48xf32, #tpu.memory_space<vmem_shared>>
      %dma_start3A_306 = arith.constant 0 : i32
      %dma_start3A_307 = arith.constant 0 : i32
      %dma_start3A_308 = tpu.memref_slice %arg10[%run_scoped3A_291, %dma_start3A_306, %dma_start3A_307] : memref<4x80x48xf32, #tpu.memory_space<vmem>> -> memref<1x80x48xf32, #tpu.memory_space<vmem>>
      %dma_start3A_309 = tpu.memref_squeeze %dma_start3A_308 : memref<1x80x48xf32, #tpu.memory_space<vmem>> -> memref<80x48xf32, #tpu.memory_space<vmem>>
      %dma_start3A_310 = arith.constant 0 : i32
      %dma_start3A_311 = tpu.memref_slice %arg11[%add3A_290, %dma_start3A_310] : memref<10240x48xf32, #tpu.memory_space<vmem_shared>> -> memref<80x48xf32, #tpu.memory_space<vmem_shared>>
      tpu.enqueue_dma source(%dma_start3A_311 : memref<80x48xf32, #tpu.memory_space<vmem_shared>>) target(%dma_start3A_309 : memref<80x48xf32, #tpu.memory_space<vmem>>) target_semaphore(%run_scoped3A_299 : memref<!tpu.dma_semaphore, #tpu.memory_space<semaphore_mem>>)
      %dma_wait3A_312 = arith.constant 0 : i32
      %dma_wait3A_313 = arith.constant 0 : i32
      %dma_wait3A_314 = tpu.memref_slice %arg10[%run_scoped3A_291, %dma_wait3A_312, %dma_wait3A_313] : memref<4x80x48xf32, #tpu.memory_space<vmem>> -> memref<1x80x48xf32, #tpu.memory_space<vmem>>
      %dma_wait3A_315 = tpu.memref_squeeze %dma_wait3A_314 : memref<1x80x48xf32, #tpu.memory_space<vmem>> -> memref<80x48xf32, #tpu.memory_space<vmem>>
      %dma_wait3A_316 = arith.constant 0 : i32
      %dma_wait3A_317 = tpu.memref_slice %arg11[%add3A_290, %dma_wait3A_316] : memref<10240x48xf32, #tpu.memory_space<vmem_shared>> -> memref<80x48xf32, #tpu.memory_space<vmem_shared>>
      %dma_wait3A_318 = arith.constant 0 : i32
      %dma_wait3A_319 = arith.constant 0 : i32
      %dma_wait3A_320 = tpu.memref_slice %arg10[%run_scoped3A_291, %dma_wait3A_318, %dma_wait3A_319] : memref<4x80x48xf32, #tpu.memory_space<vmem>> -> memref<1x80x48xf32, #tpu.memory_space<vmem>>
      %dma_wait3A_321 = tpu.memref_squeeze %dma_wait3A_320 : memref<1x80x48xf32, #tpu.memory_space<vmem>> -> memref<80x48xf32, #tpu.memory_space<vmem>>
      %dma_wait3A_322 = arith.constant 0 : i32
      %dma_wait3A_323 = tpu.memref_slice %arg11[%add3A_290, %dma_wait3A_322] : memref<10240x48xf32, #tpu.memory_space<vmem_shared>> -> memref<80x48xf32, #tpu.memory_space<vmem_shared>>
      tpu.wait_dma2 semaphore(%run_scoped3A_299 : memref<!tpu.dma_semaphore, #tpu.memory_space<semaphore_mem>>) src(%dma_wait3A_323 : memref<80x48xf32, #tpu.memory_space<vmem_shared>>) dst(%dma_wait3A_321 : memref<80x48xf32, #tpu.memory_space<vmem>>)
      tpu.yield
    }) : () -> ()
    %run_scoped3A_292 = arith.constant 0 : i32
    "tpu.region"() ({
      %run_scoped3A_299 = tpu.sem_alloc : memref<!tpu.dma_semaphore, #tpu.memory_space<semaphore_mem>>
      %dma_start3A_300 = arith.constant 0 : i32
      %dma_start3A_301 = arith.constant 0 : i32
      %dma_start3A_302 = tpu.memref_slice %arg10[%run_scoped3A_292, %dma_start3A_300, %dma_start3A_301] : memref<4x80x48xf32, #tpu.memory_space<vmem>> -> memref<1x80x48xf32, #tpu.memory_space<vmem>>
      %dma_start3A_303 = tpu.memref_squeeze %dma_start3A_302 : memref<1x80x48xf32, #tpu.memory_space<vmem>> -> memref<80x48xf32, #tpu.memory_space<vmem>>
      %dma_start3A_304 = arith.constant 0 : i32
      %dma_start3A_305 = tpu.memref_slice %arg5[%arg0, %add3A_290, %dma_start3A_304] : memref<2x10240x48xf32, #tpu.memory_space<hbm>> -> memref<1x80x48xf32, #tpu.memory_space<hbm>>
      %dma_start3A_306 = tpu.memref_squeeze %dma_start3A_305 : memref<1x80x48xf32, #tpu.memory_space<hbm>> -> memref<80x48xf32, #tpu.memory_space<hbm>>
      %dma_start3A_307 = arith.constant 0 : i32
      %dma_start3A_308 = tpu.memref_slice %arg5[%arg0, %add3A_290, %dma_start3A_307] : memref<2x10240x48xf32, #tpu.memory_space<hbm>> -> memref<1x80x48xf32, #tpu.memory_space<hbm>>
      %dma_start3A_309 = tpu.memref_squeeze %dma_start3A_308 : memref<1x80x48xf32, #tpu.memory_space<hbm>> -> memref<80x48xf32, #tpu.memory_space<hbm>>
      %dma_start3A_310 = arith.constant 0 : i32
      %dma_start3A_311 = arith.constant 0 : i32
      %dma_start3A_312 = tpu.memref_slice %arg10[%run_scoped3A_292, %dma_start3A_310, %dma_start3A_311] : memref<4x80x48xf32, #tpu.memory_space<vmem>> -> memref<1x80x48xf32, #tpu.memory_space<vmem>>
      %dma_start3A_313 = tpu.memref_squeeze %dma_start3A_312 : memref<1x80x48xf32, #tpu.memory_space<vmem>> -> memref<80x48xf32, #tpu.memory_space<vmem>>
      tpu.enqueue_dma source(%dma_start3A_313 : memref<80x48xf32, #tpu.memory_space<vmem>>) target(%dma_start3A_309 : memref<80x48xf32, #tpu.memory_space<hbm>>) target_semaphore(%run_scoped3A_299 : memref<!tpu.dma_semaphore, #tpu.memory_space<semaphore_mem>>)
      %dma_wait3A_314 = arith.constant 0 : i32
      %dma_wait3A_315 = arith.constant 0 : i32
      %dma_wait3A_316 = tpu.memref_slice %arg10[%run_scoped3A_292, %dma_wait3A_314, %dma_wait3A_315] : memref<4x80x48xf32, #tpu.memory_space<vmem>> -> memref<1x80x48xf32, #tpu.memory_space<vmem>>
      %dma_wait3A_317 = tpu.memref_squeeze %dma_wait3A_316 : memref<1x80x48xf32, #tpu.memory_space<vmem>> -> memref<80x48xf32, #tpu.memory_space<vmem>>
      %dma_wait3A_318 = arith.constant 0 : i32
      %dma_wait3A_319 = tpu.memref_slice %arg5[%arg0, %add3A_290, %dma_wait3A_318] : memref<2x10240x48xf32, #tpu.memory_space<hbm>> -> memref<1x80x48xf32, #tpu.memory_space<hbm>>
      %dma_wait3A_320 = tpu.memref_squeeze %dma_wait3A_319 : memref<1x80x48xf32, #tpu.memory_space<hbm>> -> memref<80x48xf32, #tpu.memory_space<hbm>>
      %dma_wait3A_321 = arith.constant 0 : i32
      %dma_wait3A_322 = tpu.memref_slice %arg5[%arg0, %add3A_290, %dma_wait3A_321] : memref<2x10240x48xf32, #tpu.memory_space<hbm>> -> memref<1x80x48xf32, #tpu.memory_space<hbm>>
      %dma_wait3A_323 = tpu.memref_squeeze %dma_wait3A_322 : memref<1x80x48xf32, #tpu.memory_space<hbm>> -> memref<80x48xf32, #tpu.memory_space<hbm>>
      %dma_wait3A_324 = arith.constant 0 : i32
      %dma_wait3A_325 = arith.constant 0 : i32
      %dma_wait3A_326 = tpu.memref_slice %arg10[%run_scoped3A_292, %dma_wait3A_324, %dma_wait3A_325] : memref<4x80x48xf32, #tpu.memory_space<vmem>> -> memref<1x80x48xf32, #tpu.memory_space<vmem>>
      %dma_wait3A_327 = tpu.memref_squeeze %dma_wait3A_326 : memref<1x80x48xf32, #tpu.memory_space<vmem>> -> memref<80x48xf32, #tpu.memory_space<vmem>>
      tpu.wait_dma2 semaphore(%run_scoped3A_299 : memref<!tpu.dma_semaphore, #tpu.memory_space<semaphore_mem>>) src(%dma_wait3A_327 : memref<80x48xf32, #tpu.memory_space<vmem>>) dst(%dma_wait3A_323 : memref<80x48xf32, #tpu.memory_space<hbm>>)
      tpu.yield
    }) : () -> ()
    %mul3A_293 = arith.constant 640 : i32
    %mul3A_294 = arith.muli %arg1, %mul3A_293 : i32
    %add3A_295 = arith.constant 560 : i32
    %add3A_296 = arith.addi %mul3A_294, %add3A_295 : i32
    %run_scoped3A_297 = arith.constant 0 : i32
    "tpu.region"() ({
      %run_scoped3A_299 = tpu.sem_alloc : memref<!tpu.dma_semaphore, #tpu.memory_space<semaphore_mem>>
      %dma_start3A_300 = arith.constant 0 : i32
      %dma_start3A_301 = arith.constant 0 : i32
      %dma_start3A_302 = tpu.memref_slice %arg10[%run_scoped3A_297, %dma_start3A_300, %dma_start3A_301] : memref<4x80x48xf32, #tpu.memory_space<vmem>> -> memref<1x80x48xf32, #tpu.memory_space<vmem>>
      %dma_start3A_303 = tpu.memref_squeeze %dma_start3A_302 : memref<1x80x48xf32, #tpu.memory_space<vmem>> -> memref<80x48xf32, #tpu.memory_space<vmem>>
      %dma_start3A_304 = arith.constant 0 : i32
      %dma_start3A_305 = tpu.memref_slice %arg11[%add3A_296, %dma_start3A_304] : memref<10240x48xf32, #tpu.memory_space<vmem_shared>> -> memref<80x48xf32, #tpu.memory_space<vmem_shared>>
      %dma_start3A_306 = arith.constant 0 : i32
      %dma_start3A_307 = arith.constant 0 : i32
      %dma_start3A_308 = tpu.memref_slice %arg10[%run_scoped3A_297, %dma_start3A_306, %dma_start3A_307] : memref<4x80x48xf32, #tpu.memory_space<vmem>> -> memref<1x80x48xf32, #tpu.memory_space<vmem>>
      %dma_start3A_309 = tpu.memref_squeeze %dma_start3A_308 : memref<1x80x48xf32, #tpu.memory_space<vmem>> -> memref<80x48xf32, #tpu.memory_space<vmem>>
      %dma_start3A_310 = arith.constant 0 : i32
      %dma_start3A_311 = tpu.memref_slice %arg11[%add3A_296, %dma_start3A_310] : memref<10240x48xf32, #tpu.memory_space<vmem_shared>> -> memref<80x48xf32, #tpu.memory_space<vmem_shared>>
      tpu.enqueue_dma source(%dma_start3A_311 : memref<80x48xf32, #tpu.memory_space<vmem_shared>>) target(%dma_start3A_309 : memref<80x48xf32, #tpu.memory_space<vmem>>) target_semaphore(%run_scoped3A_299 : memref<!tpu.dma_semaphore, #tpu.memory_space<semaphore_mem>>)
      %dma_wait3A_312 = arith.constant 0 : i32
      %dma_wait3A_313 = arith.constant 0 : i32
      %dma_wait3A_314 = tpu.memref_slice %arg10[%run_scoped3A_297, %dma_wait3A_312, %dma_wait3A_313] : memref<4x80x48xf32, #tpu.memory_space<vmem>> -> memref<1x80x48xf32, #tpu.memory_space<vmem>>
      %dma_wait3A_315 = tpu.memref_squeeze %dma_wait3A_314 : memref<1x80x48xf32, #tpu.memory_space<vmem>> -> memref<80x48xf32, #tpu.memory_space<vmem>>
      %dma_wait3A_316 = arith.constant 0 : i32
      %dma_wait3A_317 = tpu.memref_slice %arg11[%add3A_296, %dma_wait3A_316] : memref<10240x48xf32, #tpu.memory_space<vmem_shared>> -> memref<80x48xf32, #tpu.memory_space<vmem_shared>>
      %dma_wait3A_318 = arith.constant 0 : i32
      %dma_wait3A_319 = arith.constant 0 : i32
      %dma_wait3A_320 = tpu.memref_slice %arg10[%run_scoped3A_297, %dma_wait3A_318, %dma_wait3A_319] : memref<4x80x48xf32, #tpu.memory_space<vmem>> -> memref<1x80x48xf32, #tpu.memory_space<vmem>>
      %dma_wait3A_321 = tpu.memref_squeeze %dma_wait3A_320 : memref<1x80x48xf32, #tpu.memory_space<vmem>> -> memref<80x48xf32, #tpu.memory_space<vmem>>
      %dma_wait3A_322 = arith.constant 0 : i32
      %dma_wait3A_323 = tpu.memref_slice %arg11[%add3A_296, %dma_wait3A_322] : memref<10240x48xf32, #tpu.memory_space<vmem_shared>> -> memref<80x48xf32, #tpu.memory_space<vmem_shared>>
      tpu.wait_dma2 semaphore(%run_scoped3A_299 : memref<!tpu.dma_semaphore, #tpu.memory_space<semaphore_mem>>) src(%dma_wait3A_323 : memref<80x48xf32, #tpu.memory_space<vmem_shared>>) dst(%dma_wait3A_321 : memref<80x48xf32, #tpu.memory_space<vmem>>)
      tpu.yield
    }) : () -> ()
    %run_scoped3A_298 = arith.constant 0 : i32
    "tpu.region"() ({
      %run_scoped3A_299 = tpu.sem_alloc : memref<!tpu.dma_semaphore, #tpu.memory_space<semaphore_mem>>
      %dma_start3A_300 = arith.constant 0 : i32
      %dma_start3A_301 = arith.constant 0 : i32
      %dma_start3A_302 = tpu.memref_slice %arg10[%run_scoped3A_298, %dma_start3A_300, %dma_start3A_301] : memref<4x80x48xf32, #tpu.memory_space<vmem>> -> memref<1x80x48xf32, #tpu.memory_space<vmem>>
      %dma_start3A_303 = tpu.memref_squeeze %dma_start3A_302 : memref<1x80x48xf32, #tpu.memory_space<vmem>> -> memref<80x48xf32, #tpu.memory_space<vmem>>
      %dma_start3A_304 = arith.constant 0 : i32
      %dma_start3A_305 = tpu.memref_slice %arg5[%arg0, %add3A_296, %dma_start3A_304] : memref<2x10240x48xf32, #tpu.memory_space<hbm>> -> memref<1x80x48xf32, #tpu.memory_space<hbm>>
      %dma_start3A_306 = tpu.memref_squeeze %dma_start3A_305 : memref<1x80x48xf32, #tpu.memory_space<hbm>> -> memref<80x48xf32, #tpu.memory_space<hbm>>
      %dma_start3A_307 = arith.constant 0 : i32
      %dma_start3A_308 = tpu.memref_slice %arg5[%arg0, %add3A_296, %dma_start3A_307] : memref<2x10240x48xf32, #tpu.memory_space<hbm>> -> memref<1x80x48xf32, #tpu.memory_space<hbm>>
      %dma_start3A_309 = tpu.memref_squeeze %dma_start3A_308 : memref<1x80x48xf32, #tpu.memory_space<hbm>> -> memref<80x48xf32, #tpu.memory_space<hbm>>
      %dma_start3A_310 = arith.constant 0 : i32
      %dma_start3A_311 = arith.constant 0 : i32
      %dma_start3A_312 = tpu.memref_slice %arg10[%run_scoped3A_298, %dma_start3A_310, %dma_start3A_311] : memref<4x80x48xf32, #tpu.memory_space<vmem>> -> memref<1x80x48xf32, #tpu.memory_space<vmem>>
      %dma_start3A_313 = tpu.memref_squeeze %dma_start3A_312 : memref<1x80x48xf32, #tpu.memory_space<vmem>> -> memref<80x48xf32, #tpu.memory_space<vmem>>
      tpu.enqueue_dma source(%dma_start3A_313 : memref<80x48xf32, #tpu.memory_space<vmem>>) target(%dma_start3A_309 : memref<80x48xf32, #tpu.memory_space<hbm>>) target_semaphore(%run_scoped3A_299 : memref<!tpu.dma_semaphore, #tpu.memory_space<semaphore_mem>>)
      %dma_wait3A_314 = arith.constant 0 : i32
      %dma_wait3A_315 = arith.constant 0 : i32
      %dma_wait3A_316 = tpu.memref_slice %arg10[%run_scoped3A_298, %dma_wait3A_314, %dma_wait3A_315] : memref<4x80x48xf32, #tpu.memory_space<vmem>> -> memref<1x80x48xf32, #tpu.memory_space<vmem>>
      %dma_wait3A_317 = tpu.memref_squeeze %dma_wait3A_316 : memref<1x80x48xf32, #tpu.memory_space<vmem>> -> memref<80x48xf32, #tpu.memory_space<vmem>>
      %dma_wait3A_318 = arith.constant 0 : i32
      %dma_wait3A_319 = tpu.memref_slice %arg5[%arg0, %add3A_296, %dma_wait3A_318] : memref<2x10240x48xf32, #tpu.memory_space<hbm>> -> memref<1x80x48xf32, #tpu.memory_space<hbm>>
      %dma_wait3A_320 = tpu.memref_squeeze %dma_wait3A_319 : memref<1x80x48xf32, #tpu.memory_space<hbm>> -> memref<80x48xf32, #tpu.memory_space<hbm>>
      %dma_wait3A_321 = arith.constant 0 : i32
      %dma_wait3A_322 = tpu.memref_slice %arg5[%arg0, %add3A_296, %dma_wait3A_321] : memref<2x10240x48xf32, #tpu.memory_space<hbm>> -> memref<1x80x48xf32, #tpu.memory_space<hbm>>
      %dma_wait3A_323 = tpu.memref_squeeze %dma_wait3A_322 : memref<1x80x48xf32, #tpu.memory_space<hbm>> -> memref<80x48xf32, #tpu.memory_space<hbm>>
      %dma_wait3A_324 = arith.constant 0 : i32
      %dma_wait3A_325 = arith.constant 0 : i32
      %dma_wait3A_326 = tpu.memref_slice %arg10[%run_scoped3A_298, %dma_wait3A_324, %dma_wait3A_325] : memref<4x80x48xf32, #tpu.memory_space<vmem>> -> memref<1x80x48xf32, #tpu.memory_space<vmem>>
      %dma_wait3A_327 = tpu.memref_squeeze %dma_wait3A_326 : memref<1x80x48xf32, #tpu.memory_space<vmem>> -> memref<80x48xf32, #tpu.memory_space<vmem>>
      tpu.wait_dma2 semaphore(%run_scoped3A_299 : memref<!tpu.dma_semaphore, #tpu.memory_space<semaphore_mem>>) src(%dma_wait3A_327 : memref<80x48xf32, #tpu.memory_space<vmem>>) dst(%dma_wait3A_323 : memref<80x48xf32, #tpu.memory_space<hbm>>)
      tpu.yield
    }) : () -> ()
    return
  }
}

#map = affine_map<(d0, d1) -> (0, 0, 0, 0)>
#map1 = affine_map<(d0, d1) -> (0, 0)>
#map2 = affine_map<(d0, d1) -> (0, 0, 0)>
module attributes {stable_mosaic.version = 14 : i64} {
  func.func @edge_pass(%arg0: i32, %arg1: i32, %arg2: memref<2x32x125x80xi32, #tpu.memory_space<hbm>>, %arg3: memref<10240x80xf32, #tpu.memory_space<hbm>>, %arg4: memref<10240x16xf32, #tpu.memory_space<hbm>>, %arg5: memref<2x10240x80xf32, #tpu.memory_space<hbm>>, %arg6: memref<125x80xi32, #tpu.memory_space<vmem>>, %arg7: memref<125x80xi32, #tpu.memory_space<vmem>>, %arg8: memref<4x80x16xf32, #tpu.memory_space<vmem>>, %arg9: memref<4x80x80xf32, #tpu.memory_space<vmem>>, %arg10: memref<4x80x80xf32, #tpu.memory_space<vmem>>, %arg11: memref<10240x80xf32, #tpu.memory_space<vmem_shared>>, %arg12: memref<!tpu.dma_semaphore, #tpu.memory_space<semaphore_mem>>, %arg13: memref<!tpu.dma_semaphore, #tpu.memory_space<semaphore_mem>>, %arg14: memref<!tpu.dma_semaphore, #tpu.memory_space<semaphore_mem>>, %arg15: memref<!tpu.dma_semaphore, #tpu.memory_space<semaphore_mem>>, %arg16: memref<!tpu.dma_semaphore, #tpu.memory_space<semaphore_mem>>, %arg17: memref<!tpu.dma_semaphore, #tpu.memory_space<semaphore_mem>>, %arg18: memref<!tpu.dma_semaphore, #tpu.memory_space<semaphore_mem>>, %arg19: memref<!tpu.dma_semaphore, #tpu.memory_space<semaphore_mem>>) attributes {dimension_semantics = [#tpu.dimension_semantics<core_parallel>, #tpu.dimension_semantics<subcore_parallel>], iteration_bounds = array<i64: 2, 16>, scalar_prefetch = 0 : i64, scratch_operands = 14 : i64, tpu.core_type = #tpu.core_type<sc_vector_subcore>, window_params = [{transform_indices = #map}, {transform_indices = #map1}, {transform_indices = #map1}, {transform_indices = #map2}]} {
    %mul3A = arith.constant 16 : i32
    %mul3A_0 = arith.muli %arg0, %mul3A : i32
    %add3A = arith.addi %mul3A_0, %arg1 : i32
    %scan3A = arith.constant 0 : i32
    %scan3A_1 = arith.constant 0 : i32
    %scan3A_2 = arith.constant 80 : i32
    %scan3A_3 = arith.addi %scan3A_1, %scan3A_2 : i32
    %scan3A_4 = arith.constant 1 : i32
    scf.for %scan3A_299 = %scan3A_1 to %scan3A_3 step %scan3A_4  : i32 {
      %broadcast_in_dim3A_300 = arith.constant 0.000000e+00 : f32
      %broadcast_in_dim3A_301 = vector.broadcast %broadcast_in_dim3A_300 : f32 to vector<16xf32>
      %swap3A = arith.constant 0 : i32
      %swap3A_302 = arith.index_cast %swap3A : i32 to index
      %swap3A_303 = arith.index_cast %scan3A_299 : i32 to index
      %swap3A_304 = arith.constant 0 : index
      %swap3A_305 = tpu.vector_load %arg10[%swap3A_302, %swap3A_303, %swap3A_304] {strides = array<i32>} : memref<4x80x80xf32, #tpu.memory_space<vmem>>, vector<1x1x16xf32>,
      %swap3A_306 = vector.shape_cast %swap3A_305 : vector<1x1x16xf32> to vector<16xf32>
      %swap3A_307 = vector.shape_cast %broadcast_in_dim3A_301 : vector<16xf32> to vector<1x1x16xf32>
      tpu.vector_store %arg10[%swap3A_302, %swap3A_303, %swap3A_304], %swap3A_307 {strides = array<i32>} : memref<4x80x80xf32, #tpu.memory_space<vmem>>, vector<1x1x16xf32>,
      %broadcast_in_dim3A_308 = arith.constant 0.000000e+00 : f32
      %broadcast_in_dim3A_309 = vector.broadcast %broadcast_in_dim3A_308 : f32 to vector<16xf32>
      %swap3A_310 = arith.constant 0 : i32
      %swap3A_311 = arith.index_cast %swap3A_310 : i32 to index
      %swap3A_312 = arith.index_cast %scan3A_299 : i32 to index
      %swap3A_313 = arith.constant 16 : index
      %swap3A_314 = tpu.vector_load %arg10[%swap3A_311, %swap3A_312, %swap3A_313] {strides = array<i32>} : memref<4x80x80xf32, #tpu.memory_space<vmem>>, vector<1x1x16xf32>,
      %swap3A_315 = vector.shape_cast %swap3A_314 : vector<1x1x16xf32> to vector<16xf32>
      %swap3A_316 = vector.shape_cast %broadcast_in_dim3A_309 : vector<16xf32> to vector<1x1x16xf32>
      tpu.vector_store %arg10[%swap3A_311, %swap3A_312, %swap3A_313], %swap3A_316 {strides = array<i32>} : memref<4x80x80xf32, #tpu.memory_space<vmem>>, vector<1x1x16xf32>,
      %broadcast_in_dim3A_317 = arith.constant 0.000000e+00 : f32
      %broadcast_in_dim3A_318 = vector.broadcast %broadcast_in_dim3A_317 : f32 to vector<16xf32>
      %swap3A_319 = arith.constant 0 : i32
      %swap3A_320 = arith.index_cast %swap3A_319 : i32 to index
      %swap3A_321 = arith.index_cast %scan3A_299 : i32 to index
      %swap3A_322 = arith.constant 32 : index
      %swap3A_323 = tpu.vector_load %arg10[%swap3A_320, %swap3A_321, %swap3A_322] {strides = array<i32>} : memref<4x80x80xf32, #tpu.memory_space<vmem>>, vector<1x1x16xf32>,
      %swap3A_324 = vector.shape_cast %swap3A_323 : vector<1x1x16xf32> to vector<16xf32>
      %swap3A_325 = vector.shape_cast %broadcast_in_dim3A_318 : vector<16xf32> to vector<1x1x16xf32>
      tpu.vector_store %arg10[%swap3A_320, %swap3A_321, %swap3A_322], %swap3A_325 {strides = array<i32>} : memref<4x80x80xf32, #tpu.memory_space<vmem>>, vector<1x1x16xf32>,
      %broadcast_in_dim3A_326 = arith.constant 0.000000e+00 : f32
      %broadcast_in_dim3A_327 = vector.broadcast %broadcast_in_dim3A_326 : f32 to vector<16xf32>
      %swap3A_328 = arith.constant 0 : i32
      %swap3A_329 = arith.index_cast %swap3A_328 : i32 to index
      %swap3A_330 = arith.index_cast %scan3A_299 : i32 to index
      %swap3A_331 = arith.constant 48 : index
      %swap3A_332 = tpu.vector_load %arg10[%swap3A_329, %swap3A_330, %swap3A_331] {strides = array<i32>} : memref<4x80x80xf32, #tpu.memory_space<vmem>>, vector<1x1x16xf32>,
      %swap3A_333 = vector.shape_cast %swap3A_332 : vector<1x1x16xf32> to vector<16xf32>
      %swap3A_334 = vector.shape_cast %broadcast_in_dim3A_327 : vector<16xf32> to vector<1x1x16xf32>
      tpu.vector_store %arg10[%swap3A_329, %swap3A_330, %swap3A_331], %swap3A_334 {strides = array<i32>} : memref<4x80x80xf32, #tpu.memory_space<vmem>>, vector<1x1x16xf32>,
      %broadcast_in_dim3A_335 = arith.constant 0.000000e+00 : f32
      %broadcast_in_dim3A_336 = vector.broadcast %broadcast_in_dim3A_335 : f32 to vector<16xf32>
      %swap3A_337 = arith.constant 0 : i32
      %swap3A_338 = arith.index_cast %swap3A_337 : i32 to index
      %swap3A_339 = arith.index_cast %scan3A_299 : i32 to index
      %swap3A_340 = arith.constant 64 : index
      %swap3A_341 = tpu.vector_load %arg10[%swap3A_338, %swap3A_339, %swap3A_340] {strides = array<i32>} : memref<4x80x80xf32, #tpu.memory_space<vmem>>, vector<1x1x16xf32>,
      %swap3A_342 = vector.shape_cast %swap3A_341 : vector<1x1x16xf32> to vector<16xf32>
      %swap3A_343 = vector.shape_cast %broadcast_in_dim3A_336 : vector<16xf32> to vector<1x1x16xf32>
      tpu.vector_store %arg10[%swap3A_338, %swap3A_339, %swap3A_340], %swap3A_343 {strides = array<i32>} : memref<4x80x80xf32, #tpu.memory_space<vmem>>, vector<1x1x16xf32>,
    }
    %scan3A_5 = arith.constant 80 : i32
    %mul3A_6 = arith.constant 640 : i32
    %mul3A_7 = arith.muli %arg1, %mul3A_6 : i32
    %add3A_8 = arith.constant 0 : i32
    %add3A_9 = arith.addi %mul3A_7, %add3A_8 : i32
    %run_scoped3A = arith.constant 0 : i32
    "tpu.region"() ({
      %run_scoped3A_299 = tpu.sem_alloc : memref<!tpu.dma_semaphore, #tpu.memory_space<semaphore_mem>>
      %dma_start3A_300 = arith.constant 0 : i32
      %dma_start3A_301 = arith.constant 0 : i32
      %dma_start3A_302 = tpu.memref_slice %arg10[%run_scoped3A, %dma_start3A_300, %dma_start3A_301] : memref<4x80x80xf32, #tpu.memory_space<vmem>> -> memref<1x80x80xf32, #tpu.memory_space<vmem>>
      %dma_start3A_303 = tpu.memref_squeeze %dma_start3A_302 : memref<1x80x80xf32, #tpu.memory_space<vmem>> -> memref<80x80xf32, #tpu.memory_space<vmem>>
      %dma_start3A_304 = arith.constant 0 : i32
      %dma_start3A_305 = tpu.memref_slice %arg11[%add3A_9, %dma_start3A_304] : memref<10240x80xf32, #tpu.memory_space<vmem_shared>> -> memref<80x80xf32, #tpu.memory_space<vmem_shared>>
      %dma_start3A_306 = arith.constant 0 : i32
      %dma_start3A_307 = tpu.memref_slice %arg11[%add3A_9, %dma_start3A_306] : memref<10240x80xf32, #tpu.memory_space<vmem_shared>> -> memref<80x80xf32, #tpu.memory_space<vmem_shared>>
      %dma_start3A_308 = arith.constant 0 : i32
      %dma_start3A_309 = arith.constant 0 : i32
      %dma_start3A_310 = tpu.memref_slice %arg10[%run_scoped3A, %dma_start3A_308, %dma_start3A_309] : memref<4x80x80xf32, #tpu.memory_space<vmem>> -> memref<1x80x80xf32, #tpu.memory_space<vmem>>
      %dma_start3A_311 = tpu.memref_squeeze %dma_start3A_310 : memref<1x80x80xf32, #tpu.memory_space<vmem>> -> memref<80x80xf32, #tpu.memory_space<vmem>>
      tpu.enqueue_dma source(%dma_start3A_311 : memref<80x80xf32, #tpu.memory_space<vmem>>) target(%dma_start3A_307 : memref<80x80xf32, #tpu.memory_space<vmem_shared>>) target_semaphore(%run_scoped3A_299 : memref<!tpu.dma_semaphore, #tpu.memory_space<semaphore_mem>>)
      %dma_wait3A_312 = arith.constant 0 : i32
      %dma_wait3A_313 = arith.constant 0 : i32
      %dma_wait3A_314 = tpu.memref_slice %arg10[%run_scoped3A, %dma_wait3A_312, %dma_wait3A_313] : memref<4x80x80xf32, #tpu.memory_space<vmem>> -> memref<1x80x80xf32, #tpu.memory_space<vmem>>
      %dma_wait3A_315 = tpu.memref_squeeze %dma_wait3A_314 : memref<1x80x80xf32, #tpu.memory_space<vmem>> -> memref<80x80xf32, #tpu.memory_space<vmem>>
      %dma_wait3A_316 = arith.constant 0 : i32
      %dma_wait3A_317 = tpu.memref_slice %arg11[%add3A_9, %dma_wait3A_316] : memref<10240x80xf32, #tpu.memory_space<vmem_shared>> -> memref<80x80xf32, #tpu.memory_space<vmem_shared>>
      %dma_wait3A_318 = arith.constant 0 : i32
      %dma_wait3A_319 = tpu.memref_slice %arg11[%add3A_9, %dma_wait3A_318] : memref<10240x80xf32, #tpu.memory_space<vmem_shared>> -> memref<80x80xf32, #tpu.memory_space<vmem_shared>>
      %dma_wait3A_320 = arith.constant 0 : i32
      %dma_wait3A_321 = arith.constant 0 : i32
      %dma_wait3A_322 = tpu.memref_slice %arg10[%run_scoped3A, %dma_wait3A_320, %dma_wait3A_321] : memref<4x80x80xf32, #tpu.memory_space<vmem>> -> memref<1x80x80xf32, #tpu.memory_space<vmem>>
      %dma_wait3A_323 = tpu.memref_squeeze %dma_wait3A_322 : memref<1x80x80xf32, #tpu.memory_space<vmem>> -> memref<80x80xf32, #tpu.memory_space<vmem>>
      tpu.wait_dma2 semaphore(%run_scoped3A_299 : memref<!tpu.dma_semaphore, #tpu.memory_space<semaphore_mem>>) src(%dma_wait3A_323 : memref<80x80xf32, #tpu.memory_space<vmem>>) dst(%dma_wait3A_319 : memref<80x80xf32, #tpu.memory_space<vmem_shared>>)
      tpu.yield
    }) : () -> ()
    %mul3A_10 = arith.constant 640 : i32
    %mul3A_11 = arith.muli %arg1, %mul3A_10 : i32
    %add3A_12 = arith.constant 80 : i32
    %add3A_13 = arith.addi %mul3A_11, %add3A_12 : i32
    %run_scoped3A_14 = arith.constant 0 : i32
    "tpu.region"() ({
      %run_scoped3A_299 = tpu.sem_alloc : memref<!tpu.dma_semaphore, #tpu.memory_space<semaphore_mem>>
      %dma_start3A_300 = arith.constant 0 : i32
      %dma_start3A_301 = arith.constant 0 : i32
      %dma_start3A_302 = tpu.memref_slice %arg10[%run_scoped3A_14, %dma_start3A_300, %dma_start3A_301] : memref<4x80x80xf32, #tpu.memory_space<vmem>> -> memref<1x80x80xf32, #tpu.memory_space<vmem>>
      %dma_start3A_303 = tpu.memref_squeeze %dma_start3A_302 : memref<1x80x80xf32, #tpu.memory_space<vmem>> -> memref<80x80xf32, #tpu.memory_space<vmem>>
      %dma_start3A_304 = arith.constant 0 : i32
      %dma_start3A_305 = tpu.memref_slice %arg11[%add3A_13, %dma_start3A_304] : memref<10240x80xf32, #tpu.memory_space<vmem_shared>> -> memref<80x80xf32, #tpu.memory_space<vmem_shared>>
      %dma_start3A_306 = arith.constant 0 : i32
      %dma_start3A_307 = tpu.memref_slice %arg11[%add3A_13, %dma_start3A_306] : memref<10240x80xf32, #tpu.memory_space<vmem_shared>> -> memref<80x80xf32, #tpu.memory_space<vmem_shared>>
      %dma_start3A_308 = arith.constant 0 : i32
      %dma_start3A_309 = arith.constant 0 : i32
      %dma_start3A_310 = tpu.memref_slice %arg10[%run_scoped3A_14, %dma_start3A_308, %dma_start3A_309] : memref<4x80x80xf32, #tpu.memory_space<vmem>> -> memref<1x80x80xf32, #tpu.memory_space<vmem>>
      %dma_start3A_311 = tpu.memref_squeeze %dma_start3A_310 : memref<1x80x80xf32, #tpu.memory_space<vmem>> -> memref<80x80xf32, #tpu.memory_space<vmem>>
      tpu.enqueue_dma source(%dma_start3A_311 : memref<80x80xf32, #tpu.memory_space<vmem>>) target(%dma_start3A_307 : memref<80x80xf32, #tpu.memory_space<vmem_shared>>) target_semaphore(%run_scoped3A_299 : memref<!tpu.dma_semaphore, #tpu.memory_space<semaphore_mem>>)
      %dma_wait3A_312 = arith.constant 0 : i32
      %dma_wait3A_313 = arith.constant 0 : i32
      %dma_wait3A_314 = tpu.memref_slice %arg10[%run_scoped3A_14, %dma_wait3A_312, %dma_wait3A_313] : memref<4x80x80xf32, #tpu.memory_space<vmem>> -> memref<1x80x80xf32, #tpu.memory_space<vmem>>
      %dma_wait3A_315 = tpu.memref_squeeze %dma_wait3A_314 : memref<1x80x80xf32, #tpu.memory_space<vmem>> -> memref<80x80xf32, #tpu.memory_space<vmem>>
      %dma_wait3A_316 = arith.constant 0 : i32
      %dma_wait3A_317 = tpu.memref_slice %arg11[%add3A_13, %dma_wait3A_316] : memref<10240x80xf32, #tpu.memory_space<vmem_shared>> -> memref<80x80xf32, #tpu.memory_space<vmem_shared>>
      %dma_wait3A_318 = arith.constant 0 : i32
      %dma_wait3A_319 = tpu.memref_slice %arg11[%add3A_13, %dma_wait3A_318] : memref<10240x80xf32, #tpu.memory_space<vmem_shared>> -> memref<80x80xf32, #tpu.memory_space<vmem_shared>>
      %dma_wait3A_320 = arith.constant 0 : i32
      %dma_wait3A_321 = arith.constant 0 : i32
      %dma_wait3A_322 = tpu.memref_slice %arg10[%run_scoped3A_14, %dma_wait3A_320, %dma_wait3A_321] : memref<4x80x80xf32, #tpu.memory_space<vmem>> -> memref<1x80x80xf32, #tpu.memory_space<vmem>>
      %dma_wait3A_323 = tpu.memref_squeeze %dma_wait3A_322 : memref<1x80x80xf32, #tpu.memory_space<vmem>> -> memref<80x80xf32, #tpu.memory_space<vmem>>
      tpu.wait_dma2 semaphore(%run_scoped3A_299 : memref<!tpu.dma_semaphore, #tpu.memory_space<semaphore_mem>>) src(%dma_wait3A_323 : memref<80x80xf32, #tpu.memory_space<vmem>>) dst(%dma_wait3A_319 : memref<80x80xf32, #tpu.memory_space<vmem_shared>>)
      tpu.yield
    }) : () -> ()
    %mul3A_15 = arith.constant 640 : i32
    %mul3A_16 = arith.muli %arg1, %mul3A_15 : i32
    %add3A_17 = arith.constant 160 : i32
    %add3A_18 = arith.addi %mul3A_16, %add3A_17 : i32
    %run_scoped3A_19 = arith.constant 0 : i32
    "tpu.region"() ({
      %run_scoped3A_299 = tpu.sem_alloc : memref<!tpu.dma_semaphore, #tpu.memory_space<semaphore_mem>>
      %dma_start3A_300 = arith.constant 0 : i32
      %dma_start3A_301 = arith.constant 0 : i32
      %dma_start3A_302 = tpu.memref_slice %arg10[%run_scoped3A_19, %dma_start3A_300, %dma_start3A_301] : memref<4x80x80xf32, #tpu.memory_space<vmem>> -> memref<1x80x80xf32, #tpu.memory_space<vmem>>
      %dma_start3A_303 = tpu.memref_squeeze %dma_start3A_302 : memref<1x80x80xf32, #tpu.memory_space<vmem>> -> memref<80x80xf32, #tpu.memory_space<vmem>>
      %dma_start3A_304 = arith.constant 0 : i32
      %dma_start3A_305 = tpu.memref_slice %arg11[%add3A_18, %dma_start3A_304] : memref<10240x80xf32, #tpu.memory_space<vmem_shared>> -> memref<80x80xf32, #tpu.memory_space<vmem_shared>>
      %dma_start3A_306 = arith.constant 0 : i32
      %dma_start3A_307 = tpu.memref_slice %arg11[%add3A_18, %dma_start3A_306] : memref<10240x80xf32, #tpu.memory_space<vmem_shared>> -> memref<80x80xf32, #tpu.memory_space<vmem_shared>>
      %dma_start3A_308 = arith.constant 0 : i32
      %dma_start3A_309 = arith.constant 0 : i32
      %dma_start3A_310 = tpu.memref_slice %arg10[%run_scoped3A_19, %dma_start3A_308, %dma_start3A_309] : memref<4x80x80xf32, #tpu.memory_space<vmem>> -> memref<1x80x80xf32, #tpu.memory_space<vmem>>
      %dma_start3A_311 = tpu.memref_squeeze %dma_start3A_310 : memref<1x80x80xf32, #tpu.memory_space<vmem>> -> memref<80x80xf32, #tpu.memory_space<vmem>>
      tpu.enqueue_dma source(%dma_start3A_311 : memref<80x80xf32, #tpu.memory_space<vmem>>) target(%dma_start3A_307 : memref<80x80xf32, #tpu.memory_space<vmem_shared>>) target_semaphore(%run_scoped3A_299 : memref<!tpu.dma_semaphore, #tpu.memory_space<semaphore_mem>>)
      %dma_wait3A_312 = arith.constant 0 : i32
      %dma_wait3A_313 = arith.constant 0 : i32
      %dma_wait3A_314 = tpu.memref_slice %arg10[%run_scoped3A_19, %dma_wait3A_312, %dma_wait3A_313] : memref<4x80x80xf32, #tpu.memory_space<vmem>> -> memref<1x80x80xf32, #tpu.memory_space<vmem>>
      %dma_wait3A_315 = tpu.memref_squeeze %dma_wait3A_314 : memref<1x80x80xf32, #tpu.memory_space<vmem>> -> memref<80x80xf32, #tpu.memory_space<vmem>>
      %dma_wait3A_316 = arith.constant 0 : i32
      %dma_wait3A_317 = tpu.memref_slice %arg11[%add3A_18, %dma_wait3A_316] : memref<10240x80xf32, #tpu.memory_space<vmem_shared>> -> memref<80x80xf32, #tpu.memory_space<vmem_shared>>
      %dma_wait3A_318 = arith.constant 0 : i32
      %dma_wait3A_319 = tpu.memref_slice %arg11[%add3A_18, %dma_wait3A_318] : memref<10240x80xf32, #tpu.memory_space<vmem_shared>> -> memref<80x80xf32, #tpu.memory_space<vmem_shared>>
      %dma_wait3A_320 = arith.constant 0 : i32
      %dma_wait3A_321 = arith.constant 0 : i32
      %dma_wait3A_322 = tpu.memref_slice %arg10[%run_scoped3A_19, %dma_wait3A_320, %dma_wait3A_321] : memref<4x80x80xf32, #tpu.memory_space<vmem>> -> memref<1x80x80xf32, #tpu.memory_space<vmem>>
      %dma_wait3A_323 = tpu.memref_squeeze %dma_wait3A_322 : memref<1x80x80xf32, #tpu.memory_space<vmem>> -> memref<80x80xf32, #tpu.memory_space<vmem>>
      tpu.wait_dma2 semaphore(%run_scoped3A_299 : memref<!tpu.dma_semaphore, #tpu.memory_space<semaphore_mem>>) src(%dma_wait3A_323 : memref<80x80xf32, #tpu.memory_space<vmem>>) dst(%dma_wait3A_319 : memref<80x80xf32, #tpu.memory_space<vmem_shared>>)
      tpu.yield
    }) : () -> ()
    %mul3A_20 = arith.constant 640 : i32
    %mul3A_21 = arith.muli %arg1, %mul3A_20 : i32
    %add3A_22 = arith.constant 240 : i32
    %add3A_23 = arith.addi %mul3A_21, %add3A_22 : i32
    %run_scoped3A_24 = arith.constant 0 : i32
    "tpu.region"() ({
      %run_scoped3A_299 = tpu.sem_alloc : memref<!tpu.dma_semaphore, #tpu.memory_space<semaphore_mem>>
      %dma_start3A_300 = arith.constant 0 : i32
      %dma_start3A_301 = arith.constant 0 : i32
      %dma_start3A_302 = tpu.memref_slice %arg10[%run_scoped3A_24, %dma_start3A_300, %dma_start3A_301] : memref<4x80x80xf32, #tpu.memory_space<vmem>> -> memref<1x80x80xf32, #tpu.memory_space<vmem>>
      %dma_start3A_303 = tpu.memref_squeeze %dma_start3A_302 : memref<1x80x80xf32, #tpu.memory_space<vmem>> -> memref<80x80xf32, #tpu.memory_space<vmem>>
      %dma_start3A_304 = arith.constant 0 : i32
      %dma_start3A_305 = tpu.memref_slice %arg11[%add3A_23, %dma_start3A_304] : memref<10240x80xf32, #tpu.memory_space<vmem_shared>> -> memref<80x80xf32, #tpu.memory_space<vmem_shared>>
      %dma_start3A_306 = arith.constant 0 : i32
      %dma_start3A_307 = tpu.memref_slice %arg11[%add3A_23, %dma_start3A_306] : memref<10240x80xf32, #tpu.memory_space<vmem_shared>> -> memref<80x80xf32, #tpu.memory_space<vmem_shared>>
      %dma_start3A_308 = arith.constant 0 : i32
      %dma_start3A_309 = arith.constant 0 : i32
      %dma_start3A_310 = tpu.memref_slice %arg10[%run_scoped3A_24, %dma_start3A_308, %dma_start3A_309] : memref<4x80x80xf32, #tpu.memory_space<vmem>> -> memref<1x80x80xf32, #tpu.memory_space<vmem>>
      %dma_start3A_311 = tpu.memref_squeeze %dma_start3A_310 : memref<1x80x80xf32, #tpu.memory_space<vmem>> -> memref<80x80xf32, #tpu.memory_space<vmem>>
      tpu.enqueue_dma source(%dma_start3A_311 : memref<80x80xf32, #tpu.memory_space<vmem>>) target(%dma_start3A_307 : memref<80x80xf32, #tpu.memory_space<vmem_shared>>) target_semaphore(%run_scoped3A_299 : memref<!tpu.dma_semaphore, #tpu.memory_space<semaphore_mem>>)
      %dma_wait3A_312 = arith.constant 0 : i32
      %dma_wait3A_313 = arith.constant 0 : i32
      %dma_wait3A_314 = tpu.memref_slice %arg10[%run_scoped3A_24, %dma_wait3A_312, %dma_wait3A_313] : memref<4x80x80xf32, #tpu.memory_space<vmem>> -> memref<1x80x80xf32, #tpu.memory_space<vmem>>
      %dma_wait3A_315 = tpu.memref_squeeze %dma_wait3A_314 : memref<1x80x80xf32, #tpu.memory_space<vmem>> -> memref<80x80xf32, #tpu.memory_space<vmem>>
      %dma_wait3A_316 = arith.constant 0 : i32
      %dma_wait3A_317 = tpu.memref_slice %arg11[%add3A_23, %dma_wait3A_316] : memref<10240x80xf32, #tpu.memory_space<vmem_shared>> -> memref<80x80xf32, #tpu.memory_space<vmem_shared>>
      %dma_wait3A_318 = arith.constant 0 : i32
      %dma_wait3A_319 = tpu.memref_slice %arg11[%add3A_23, %dma_wait3A_318] : memref<10240x80xf32, #tpu.memory_space<vmem_shared>> -> memref<80x80xf32, #tpu.memory_space<vmem_shared>>
      %dma_wait3A_320 = arith.constant 0 : i32
      %dma_wait3A_321 = arith.constant 0 : i32
      %dma_wait3A_322 = tpu.memref_slice %arg10[%run_scoped3A_24, %dma_wait3A_320, %dma_wait3A_321] : memref<4x80x80xf32, #tpu.memory_space<vmem>> -> memref<1x80x80xf32, #tpu.memory_space<vmem>>
      %dma_wait3A_323 = tpu.memref_squeeze %dma_wait3A_322 : memref<1x80x80xf32, #tpu.memory_space<vmem>> -> memref<80x80xf32, #tpu.memory_space<vmem>>
      tpu.wait_dma2 semaphore(%run_scoped3A_299 : memref<!tpu.dma_semaphore, #tpu.memory_space<semaphore_mem>>) src(%dma_wait3A_323 : memref<80x80xf32, #tpu.memory_space<vmem>>) dst(%dma_wait3A_319 : memref<80x80xf32, #tpu.memory_space<vmem_shared>>)
      tpu.yield
    }) : () -> ()
    %mul3A_25 = arith.constant 640 : i32
    %mul3A_26 = arith.muli %arg1, %mul3A_25 : i32
    %add3A_27 = arith.constant 320 : i32
    %add3A_28 = arith.addi %mul3A_26, %add3A_27 : i32
    %run_scoped3A_29 = arith.constant 0 : i32
    "tpu.region"() ({
      %run_scoped3A_299 = tpu.sem_alloc : memref<!tpu.dma_semaphore, #tpu.memory_space<semaphore_mem>>
      %dma_start3A_300 = arith.constant 0 : i32
      %dma_start3A_301 = arith.constant 0 : i32
      %dma_start3A_302 = tpu.memref_slice %arg10[%run_scoped3A_29, %dma_start3A_300, %dma_start3A_301] : memref<4x80x80xf32, #tpu.memory_space<vmem>> -> memref<1x80x80xf32, #tpu.memory_space<vmem>>
      %dma_start3A_303 = tpu.memref_squeeze %dma_start3A_302 : memref<1x80x80xf32, #tpu.memory_space<vmem>> -> memref<80x80xf32, #tpu.memory_space<vmem>>
      %dma_start3A_304 = arith.constant 0 : i32
      %dma_start3A_305 = tpu.memref_slice %arg11[%add3A_28, %dma_start3A_304] : memref<10240x80xf32, #tpu.memory_space<vmem_shared>> -> memref<80x80xf32, #tpu.memory_space<vmem_shared>>
      %dma_start3A_306 = arith.constant 0 : i32
      %dma_start3A_307 = tpu.memref_slice %arg11[%add3A_28, %dma_start3A_306] : memref<10240x80xf32, #tpu.memory_space<vmem_shared>> -> memref<80x80xf32, #tpu.memory_space<vmem_shared>>
      %dma_start3A_308 = arith.constant 0 : i32
      %dma_start3A_309 = arith.constant 0 : i32
      %dma_start3A_310 = tpu.memref_slice %arg10[%run_scoped3A_29, %dma_start3A_308, %dma_start3A_309] : memref<4x80x80xf32, #tpu.memory_space<vmem>> -> memref<1x80x80xf32, #tpu.memory_space<vmem>>
      %dma_start3A_311 = tpu.memref_squeeze %dma_start3A_310 : memref<1x80x80xf32, #tpu.memory_space<vmem>> -> memref<80x80xf32, #tpu.memory_space<vmem>>
      tpu.enqueue_dma source(%dma_start3A_311 : memref<80x80xf32, #tpu.memory_space<vmem>>) target(%dma_start3A_307 : memref<80x80xf32, #tpu.memory_space<vmem_shared>>) target_semaphore(%run_scoped3A_299 : memref<!tpu.dma_semaphore, #tpu.memory_space<semaphore_mem>>)
      %dma_wait3A_312 = arith.constant 0 : i32
      %dma_wait3A_313 = arith.constant 0 : i32
      %dma_wait3A_314 = tpu.memref_slice %arg10[%run_scoped3A_29, %dma_wait3A_312, %dma_wait3A_313] : memref<4x80x80xf32, #tpu.memory_space<vmem>> -> memref<1x80x80xf32, #tpu.memory_space<vmem>>
      %dma_wait3A_315 = tpu.memref_squeeze %dma_wait3A_314 : memref<1x80x80xf32, #tpu.memory_space<vmem>> -> memref<80x80xf32, #tpu.memory_space<vmem>>
      %dma_wait3A_316 = arith.constant 0 : i32
      %dma_wait3A_317 = tpu.memref_slice %arg11[%add3A_28, %dma_wait3A_316] : memref<10240x80xf32, #tpu.memory_space<vmem_shared>> -> memref<80x80xf32, #tpu.memory_space<vmem_shared>>
      %dma_wait3A_318 = arith.constant 0 : i32
      %dma_wait3A_319 = tpu.memref_slice %arg11[%add3A_28, %dma_wait3A_318] : memref<10240x80xf32, #tpu.memory_space<vmem_shared>> -> memref<80x80xf32, #tpu.memory_space<vmem_shared>>
      %dma_wait3A_320 = arith.constant 0 : i32
      %dma_wait3A_321 = arith.constant 0 : i32
      %dma_wait3A_322 = tpu.memref_slice %arg10[%run_scoped3A_29, %dma_wait3A_320, %dma_wait3A_321] : memref<4x80x80xf32, #tpu.memory_space<vmem>> -> memref<1x80x80xf32, #tpu.memory_space<vmem>>
      %dma_wait3A_323 = tpu.memref_squeeze %dma_wait3A_322 : memref<1x80x80xf32, #tpu.memory_space<vmem>> -> memref<80x80xf32, #tpu.memory_space<vmem>>
      tpu.wait_dma2 semaphore(%run_scoped3A_299 : memref<!tpu.dma_semaphore, #tpu.memory_space<semaphore_mem>>) src(%dma_wait3A_323 : memref<80x80xf32, #tpu.memory_space<vmem>>) dst(%dma_wait3A_319 : memref<80x80xf32, #tpu.memory_space<vmem_shared>>)
      tpu.yield
    }) : () -> ()
    %mul3A_30 = arith.constant 640 : i32
    %mul3A_31 = arith.muli %arg1, %mul3A_30 : i32
    %add3A_32 = arith.constant 400 : i32
    %add3A_33 = arith.addi %mul3A_31, %add3A_32 : i32
    %run_scoped3A_34 = arith.constant 0 : i32
    "tpu.region"() ({
      %run_scoped3A_299 = tpu.sem_alloc : memref<!tpu.dma_semaphore, #tpu.memory_space<semaphore_mem>>
      %dma_start3A_300 = arith.constant 0 : i32
      %dma_start3A_301 = arith.constant 0 : i32
      %dma_start3A_302 = tpu.memref_slice %arg10[%run_scoped3A_34, %dma_start3A_300, %dma_start3A_301] : memref<4x80x80xf32, #tpu.memory_space<vmem>> -> memref<1x80x80xf32, #tpu.memory_space<vmem>>
      %dma_start3A_303 = tpu.memref_squeeze %dma_start3A_302 : memref<1x80x80xf32, #tpu.memory_space<vmem>> -> memref<80x80xf32, #tpu.memory_space<vmem>>
      %dma_start3A_304 = arith.constant 0 : i32
      %dma_start3A_305 = tpu.memref_slice %arg11[%add3A_33, %dma_start3A_304] : memref<10240x80xf32, #tpu.memory_space<vmem_shared>> -> memref<80x80xf32, #tpu.memory_space<vmem_shared>>
      %dma_start3A_306 = arith.constant 0 : i32
      %dma_start3A_307 = tpu.memref_slice %arg11[%add3A_33, %dma_start3A_306] : memref<10240x80xf32, #tpu.memory_space<vmem_shared>> -> memref<80x80xf32, #tpu.memory_space<vmem_shared>>
      %dma_start3A_308 = arith.constant 0 : i32
      %dma_start3A_309 = arith.constant 0 : i32
      %dma_start3A_310 = tpu.memref_slice %arg10[%run_scoped3A_34, %dma_start3A_308, %dma_start3A_309] : memref<4x80x80xf32, #tpu.memory_space<vmem>> -> memref<1x80x80xf32, #tpu.memory_space<vmem>>
      %dma_start3A_311 = tpu.memref_squeeze %dma_start3A_310 : memref<1x80x80xf32, #tpu.memory_space<vmem>> -> memref<80x80xf32, #tpu.memory_space<vmem>>
      tpu.enqueue_dma source(%dma_start3A_311 : memref<80x80xf32, #tpu.memory_space<vmem>>) target(%dma_start3A_307 : memref<80x80xf32, #tpu.memory_space<vmem_shared>>) target_semaphore(%run_scoped3A_299 : memref<!tpu.dma_semaphore, #tpu.memory_space<semaphore_mem>>)
      %dma_wait3A_312 = arith.constant 0 : i32
      %dma_wait3A_313 = arith.constant 0 : i32
      %dma_wait3A_314 = tpu.memref_slice %arg10[%run_scoped3A_34, %dma_wait3A_312, %dma_wait3A_313] : memref<4x80x80xf32, #tpu.memory_space<vmem>> -> memref<1x80x80xf32, #tpu.memory_space<vmem>>
      %dma_wait3A_315 = tpu.memref_squeeze %dma_wait3A_314 : memref<1x80x80xf32, #tpu.memory_space<vmem>> -> memref<80x80xf32, #tpu.memory_space<vmem>>
      %dma_wait3A_316 = arith.constant 0 : i32
      %dma_wait3A_317 = tpu.memref_slice %arg11[%add3A_33, %dma_wait3A_316] : memref<10240x80xf32, #tpu.memory_space<vmem_shared>> -> memref<80x80xf32, #tpu.memory_space<vmem_shared>>
      %dma_wait3A_318 = arith.constant 0 : i32
      %dma_wait3A_319 = tpu.memref_slice %arg11[%add3A_33, %dma_wait3A_318] : memref<10240x80xf32, #tpu.memory_space<vmem_shared>> -> memref<80x80xf32, #tpu.memory_space<vmem_shared>>
      %dma_wait3A_320 = arith.constant 0 : i32
      %dma_wait3A_321 = arith.constant 0 : i32
      %dma_wait3A_322 = tpu.memref_slice %arg10[%run_scoped3A_34, %dma_wait3A_320, %dma_wait3A_321] : memref<4x80x80xf32, #tpu.memory_space<vmem>> -> memref<1x80x80xf32, #tpu.memory_space<vmem>>
      %dma_wait3A_323 = tpu.memref_squeeze %dma_wait3A_322 : memref<1x80x80xf32, #tpu.memory_space<vmem>> -> memref<80x80xf32, #tpu.memory_space<vmem>>
      tpu.wait_dma2 semaphore(%run_scoped3A_299 : memref<!tpu.dma_semaphore, #tpu.memory_space<semaphore_mem>>) src(%dma_wait3A_323 : memref<80x80xf32, #tpu.memory_space<vmem>>) dst(%dma_wait3A_319 : memref<80x80xf32, #tpu.memory_space<vmem_shared>>)
      tpu.yield
    }) : () -> ()
    %mul3A_35 = arith.constant 640 : i32
    %mul3A_36 = arith.muli %arg1, %mul3A_35 : i32
    %add3A_37 = arith.constant 480 : i32
    %add3A_38 = arith.addi %mul3A_36, %add3A_37 : i32
    %run_scoped3A_39 = arith.constant 0 : i32
    "tpu.region"() ({
      %run_scoped3A_299 = tpu.sem_alloc : memref<!tpu.dma_semaphore, #tpu.memory_space<semaphore_mem>>
      %dma_start3A_300 = arith.constant 0 : i32
      %dma_start3A_301 = arith.constant 0 : i32
      %dma_start3A_302 = tpu.memref_slice %arg10[%run_scoped3A_39, %dma_start3A_300, %dma_start3A_301] : memref<4x80x80xf32, #tpu.memory_space<vmem>> -> memref<1x80x80xf32, #tpu.memory_space<vmem>>
      %dma_start3A_303 = tpu.memref_squeeze %dma_start3A_302 : memref<1x80x80xf32, #tpu.memory_space<vmem>> -> memref<80x80xf32, #tpu.memory_space<vmem>>
      %dma_start3A_304 = arith.constant 0 : i32
      %dma_start3A_305 = tpu.memref_slice %arg11[%add3A_38, %dma_start3A_304] : memref<10240x80xf32, #tpu.memory_space<vmem_shared>> -> memref<80x80xf32, #tpu.memory_space<vmem_shared>>
      %dma_start3A_306 = arith.constant 0 : i32
      %dma_start3A_307 = tpu.memref_slice %arg11[%add3A_38, %dma_start3A_306] : memref<10240x80xf32, #tpu.memory_space<vmem_shared>> -> memref<80x80xf32, #tpu.memory_space<vmem_shared>>
      %dma_start3A_308 = arith.constant 0 : i32
      %dma_start3A_309 = arith.constant 0 : i32
      %dma_start3A_310 = tpu.memref_slice %arg10[%run_scoped3A_39, %dma_start3A_308, %dma_start3A_309] : memref<4x80x80xf32, #tpu.memory_space<vmem>> -> memref<1x80x80xf32, #tpu.memory_space<vmem>>
      %dma_start3A_311 = tpu.memref_squeeze %dma_start3A_310 : memref<1x80x80xf32, #tpu.memory_space<vmem>> -> memref<80x80xf32, #tpu.memory_space<vmem>>
      tpu.enqueue_dma source(%dma_start3A_311 : memref<80x80xf32, #tpu.memory_space<vmem>>) target(%dma_start3A_307 : memref<80x80xf32, #tpu.memory_space<vmem_shared>>) target_semaphore(%run_scoped3A_299 : memref<!tpu.dma_semaphore, #tpu.memory_space<semaphore_mem>>)
      %dma_wait3A_312 = arith.constant 0 : i32
      %dma_wait3A_313 = arith.constant 0 : i32
      %dma_wait3A_314 = tpu.memref_slice %arg10[%run_scoped3A_39, %dma_wait3A_312, %dma_wait3A_313] : memref<4x80x80xf32, #tpu.memory_space<vmem>> -> memref<1x80x80xf32, #tpu.memory_space<vmem>>
      %dma_wait3A_315 = tpu.memref_squeeze %dma_wait3A_314 : memref<1x80x80xf32, #tpu.memory_space<vmem>> -> memref<80x80xf32, #tpu.memory_space<vmem>>
      %dma_wait3A_316 = arith.constant 0 : i32
      %dma_wait3A_317 = tpu.memref_slice %arg11[%add3A_38, %dma_wait3A_316] : memref<10240x80xf32, #tpu.memory_space<vmem_shared>> -> memref<80x80xf32, #tpu.memory_space<vmem_shared>>
      %dma_wait3A_318 = arith.constant 0 : i32
      %dma_wait3A_319 = tpu.memref_slice %arg11[%add3A_38, %dma_wait3A_318] : memref<10240x80xf32, #tpu.memory_space<vmem_shared>> -> memref<80x80xf32, #tpu.memory_space<vmem_shared>>
      %dma_wait3A_320 = arith.constant 0 : i32
      %dma_wait3A_321 = arith.constant 0 : i32
      %dma_wait3A_322 = tpu.memref_slice %arg10[%run_scoped3A_39, %dma_wait3A_320, %dma_wait3A_321] : memref<4x80x80xf32, #tpu.memory_space<vmem>> -> memref<1x80x80xf32, #tpu.memory_space<vmem>>
      %dma_wait3A_323 = tpu.memref_squeeze %dma_wait3A_322 : memref<1x80x80xf32, #tpu.memory_space<vmem>> -> memref<80x80xf32, #tpu.memory_space<vmem>>
      tpu.wait_dma2 semaphore(%run_scoped3A_299 : memref<!tpu.dma_semaphore, #tpu.memory_space<semaphore_mem>>) src(%dma_wait3A_323 : memref<80x80xf32, #tpu.memory_space<vmem>>) dst(%dma_wait3A_319 : memref<80x80xf32, #tpu.memory_space<vmem_shared>>)
      tpu.yield
    }) : () -> ()
    %mul3A_40 = arith.constant 640 : i32
    %mul3A_41 = arith.muli %arg1, %mul3A_40 : i32
    %add3A_42 = arith.constant 560 : i32
    %add3A_43 = arith.addi %mul3A_41, %add3A_42 : i32
    %run_scoped3A_44 = arith.constant 0 : i32
    "tpu.region"() ({
      %run_scoped3A_299 = tpu.sem_alloc : memref<!tpu.dma_semaphore, #tpu.memory_space<semaphore_mem>>
      %dma_start3A_300 = arith.constant 0 : i32
      %dma_start3A_301 = arith.constant 0 : i32
      %dma_start3A_302 = tpu.memref_slice %arg10[%run_scoped3A_44, %dma_start3A_300, %dma_start3A_301] : memref<4x80x80xf32, #tpu.memory_space<vmem>> -> memref<1x80x80xf32, #tpu.memory_space<vmem>>
      %dma_start3A_303 = tpu.memref_squeeze %dma_start3A_302 : memref<1x80x80xf32, #tpu.memory_space<vmem>> -> memref<80x80xf32, #tpu.memory_space<vmem>>
      %dma_start3A_304 = arith.constant 0 : i32
      %dma_start3A_305 = tpu.memref_slice %arg11[%add3A_43, %dma_start3A_304] : memref<10240x80xf32, #tpu.memory_space<vmem_shared>> -> memref<80x80xf32, #tpu.memory_space<vmem_shared>>
      %dma_start3A_306 = arith.constant 0 : i32
      %dma_start3A_307 = tpu.memref_slice %arg11[%add3A_43, %dma_start3A_306] : memref<10240x80xf32, #tpu.memory_space<vmem_shared>> -> memref<80x80xf32, #tpu.memory_space<vmem_shared>>
      %dma_start3A_308 = arith.constant 0 : i32
      %dma_start3A_309 = arith.constant 0 : i32
      %dma_start3A_310 = tpu.memref_slice %arg10[%run_scoped3A_44, %dma_start3A_308, %dma_start3A_309] : memref<4x80x80xf32, #tpu.memory_space<vmem>> -> memref<1x80x80xf32, #tpu.memory_space<vmem>>
      %dma_start3A_311 = tpu.memref_squeeze %dma_start3A_310 : memref<1x80x80xf32, #tpu.memory_space<vmem>> -> memref<80x80xf32, #tpu.memory_space<vmem>>
      tpu.enqueue_dma source(%dma_start3A_311 : memref<80x80xf32, #tpu.memory_space<vmem>>) target(%dma_start3A_307 : memref<80x80xf32, #tpu.memory_space<vmem_shared>>) target_semaphore(%run_scoped3A_299 : memref<!tpu.dma_semaphore, #tpu.memory_space<semaphore_mem>>)
      %dma_wait3A_312 = arith.constant 0 : i32
      %dma_wait3A_313 = arith.constant 0 : i32
      %dma_wait3A_314 = tpu.memref_slice %arg10[%run_scoped3A_44, %dma_wait3A_312, %dma_wait3A_313] : memref<4x80x80xf32, #tpu.memory_space<vmem>> -> memref<1x80x80xf32, #tpu.memory_space<vmem>>
      %dma_wait3A_315 = tpu.memref_squeeze %dma_wait3A_314 : memref<1x80x80xf32, #tpu.memory_space<vmem>> -> memref<80x80xf32, #tpu.memory_space<vmem>>
      %dma_wait3A_316 = arith.constant 0 : i32
      %dma_wait3A_317 = tpu.memref_slice %arg11[%add3A_43, %dma_wait3A_316] : memref<10240x80xf32, #tpu.memory_space<vmem_shared>> -> memref<80x80xf32, #tpu.memory_space<vmem_shared>>
      %dma_wait3A_318 = arith.constant 0 : i32
      %dma_wait3A_319 = tpu.memref_slice %arg11[%add3A_43, %dma_wait3A_318] : memref<10240x80xf32, #tpu.memory_space<vmem_shared>> -> memref<80x80xf32, #tpu.memory_space<vmem_shared>>
      %dma_wait3A_320 = arith.constant 0 : i32
      %dma_wait3A_321 = arith.constant 0 : i32
      %dma_wait3A_322 = tpu.memref_slice %arg10[%run_scoped3A_44, %dma_wait3A_320, %dma_wait3A_321] : memref<4x80x80xf32, #tpu.memory_space<vmem>> -> memref<1x80x80xf32, #tpu.memory_space<vmem>>
      %dma_wait3A_323 = tpu.memref_squeeze %dma_wait3A_322 : memref<1x80x80xf32, #tpu.memory_space<vmem>> -> memref<80x80xf32, #tpu.memory_space<vmem>>
      tpu.wait_dma2 semaphore(%run_scoped3A_299 : memref<!tpu.dma_semaphore, #tpu.memory_space<semaphore_mem>>) src(%dma_wait3A_323 : memref<80x80xf32, #tpu.memory_space<vmem>>) dst(%dma_wait3A_319 : memref<80x80xf32, #tpu.memory_space<vmem_shared>>)
      tpu.yield
    }) : () -> ()
    %barrier3A = arith.constant 0 : index
    tpu.barrier barrier_id(%barrier3A)
    %run_scoped3A_45 = arith.constant 0 : i32
    "tpu.region"() ({
      %run_scoped3A_299 = tpu.sem_alloc : memref<!tpu.dma_semaphore, #tpu.memory_space<semaphore_mem>>
      %dma_start3A_300 = arith.constant 0 : i32
      %dma_start3A_301 = arith.constant 0 : i32
      %dma_start3A_302 = tpu.memref_slice %arg2[%run_scoped3A_45, %add3A, %dma_start3A_300, %dma_start3A_301] : memref<2x32x125x80xi32, #tpu.memory_space<hbm>> -> memref<1x1x125x80xi32, #tpu.memory_space<hbm>>
      %dma_start3A_303 = tpu.memref_squeeze %dma_start3A_302 : memref<1x1x125x80xi32, #tpu.memory_space<hbm>> -> memref<125x80xi32, #tpu.memory_space<hbm>>
      %dma_start3A_304 = arith.constant 0 : i32
      %dma_start3A_305 = arith.constant 0 : i32
      %dma_start3A_306 = tpu.memref_slice %arg2[%run_scoped3A_45, %add3A, %dma_start3A_304, %dma_start3A_305] : memref<2x32x125x80xi32, #tpu.memory_space<hbm>> -> memref<1x1x125x80xi32, #tpu.memory_space<hbm>>
      %dma_start3A_307 = tpu.memref_squeeze %dma_start3A_306 : memref<1x1x125x80xi32, #tpu.memory_space<hbm>> -> memref<125x80xi32, #tpu.memory_space<hbm>>
      tpu.enqueue_dma source(%dma_start3A_307 : memref<125x80xi32, #tpu.memory_space<hbm>>) target(%arg6 : memref<125x80xi32, #tpu.memory_space<vmem>>) target_semaphore(%run_scoped3A_299 : memref<!tpu.dma_semaphore, #tpu.memory_space<semaphore_mem>>)
      %dma_wait3A_308 = arith.constant 0 : i32
      %dma_wait3A_309 = arith.constant 0 : i32
      %dma_wait3A_310 = tpu.memref_slice %arg2[%run_scoped3A_45, %add3A, %dma_wait3A_308, %dma_wait3A_309] : memref<2x32x125x80xi32, #tpu.memory_space<hbm>> -> memref<1x1x125x80xi32, #tpu.memory_space<hbm>>
      %dma_wait3A_311 = tpu.memref_squeeze %dma_wait3A_310 : memref<1x1x125x80xi32, #tpu.memory_space<hbm>> -> memref<125x80xi32, #tpu.memory_space<hbm>>
      %dma_wait3A_312 = arith.constant 0 : i32
      %dma_wait3A_313 = arith.constant 0 : i32
      %dma_wait3A_314 = tpu.memref_slice %arg2[%run_scoped3A_45, %add3A, %dma_wait3A_312, %dma_wait3A_313] : memref<2x32x125x80xi32, #tpu.memory_space<hbm>> -> memref<1x1x125x80xi32, #tpu.memory_space<hbm>>
      %dma_wait3A_315 = tpu.memref_squeeze %dma_wait3A_314 : memref<1x1x125x80xi32, #tpu.memory_space<hbm>> -> memref<125x80xi32, #tpu.memory_space<hbm>>
      tpu.wait_dma2 semaphore(%run_scoped3A_299 : memref<!tpu.dma_semaphore, #tpu.memory_space<semaphore_mem>>) src(%dma_wait3A_315 : memref<125x80xi32, #tpu.memory_space<hbm>>) dst(%arg6 : memref<125x80xi32, #tpu.memory_space<vmem>>)
      tpu.yield
    }) : () -> ()
    %run_scoped3A_46 = arith.constant 1 : i32
    "tpu.region"() ({
      %run_scoped3A_299 = tpu.sem_alloc : memref<!tpu.dma_semaphore, #tpu.memory_space<semaphore_mem>>
      %dma_start3A_300 = arith.constant 0 : i32
      %dma_start3A_301 = arith.constant 0 : i32
      %dma_start3A_302 = tpu.memref_slice %arg2[%run_scoped3A_46, %add3A, %dma_start3A_300, %dma_start3A_301] : memref<2x32x125x80xi32, #tpu.memory_space<hbm>> -> memref<1x1x125x80xi32, #tpu.memory_space<hbm>>
      %dma_start3A_303 = tpu.memref_squeeze %dma_start3A_302 : memref<1x1x125x80xi32, #tpu.memory_space<hbm>> -> memref<125x80xi32, #tpu.memory_space<hbm>>
      %dma_start3A_304 = arith.constant 0 : i32
      %dma_start3A_305 = arith.constant 0 : i32
      %dma_start3A_306 = tpu.memref_slice %arg2[%run_scoped3A_46, %add3A, %dma_start3A_304, %dma_start3A_305] : memref<2x32x125x80xi32, #tpu.memory_space<hbm>> -> memref<1x1x125x80xi32, #tpu.memory_space<hbm>>
      %dma_start3A_307 = tpu.memref_squeeze %dma_start3A_306 : memref<1x1x125x80xi32, #tpu.memory_space<hbm>> -> memref<125x80xi32, #tpu.memory_space<hbm>>
      tpu.enqueue_dma source(%dma_start3A_307 : memref<125x80xi32, #tpu.memory_space<hbm>>) target(%arg7 : memref<125x80xi32, #tpu.memory_space<vmem>>) target_semaphore(%run_scoped3A_299 : memref<!tpu.dma_semaphore, #tpu.memory_space<semaphore_mem>>)
      %dma_wait3A_308 = arith.constant 0 : i32
      %dma_wait3A_309 = arith.constant 0 : i32
      %dma_wait3A_310 = tpu.memref_slice %arg2[%run_scoped3A_46, %add3A, %dma_wait3A_308, %dma_wait3A_309] : memref<2x32x125x80xi32, #tpu.memory_space<hbm>> -> memref<1x1x125x80xi32, #tpu.memory_space<hbm>>
      %dma_wait3A_311 = tpu.memref_squeeze %dma_wait3A_310 : memref<1x1x125x80xi32, #tpu.memory_space<hbm>> -> memref<125x80xi32, #tpu.memory_space<hbm>>
      %dma_wait3A_312 = arith.constant 0 : i32
      %dma_wait3A_313 = arith.constant 0 : i32
      %dma_wait3A_314 = tpu.memref_slice %arg2[%run_scoped3A_46, %add3A, %dma_wait3A_312, %dma_wait3A_313] : memref<2x32x125x80xi32, #tpu.memory_space<hbm>> -> memref<1x1x125x80xi32, #tpu.memory_space<hbm>>
      %dma_wait3A_315 = tpu.memref_squeeze %dma_wait3A_314 : memref<1x1x125x80xi32, #tpu.memory_space<hbm>> -> memref<125x80xi32, #tpu.memory_space<hbm>>
      tpu.wait_dma2 semaphore(%run_scoped3A_299 : memref<!tpu.dma_semaphore, #tpu.memory_space<semaphore_mem>>) src(%dma_wait3A_315 : memref<125x80xi32, #tpu.memory_space<hbm>>) dst(%arg7 : memref<125x80xi32, #tpu.memory_space<vmem>>)
      tpu.yield
    }) : () -> ()
    %dma_start3A = arith.constant 0 : i32
    %dma_start3A_47 = arith.constant 0 : i32
    %dma_start3A_48 = arith.constant 0 : i32
    %dma_start3A_49 = arith.constant 0 : i32
    %dma_start3A_50 = tpu.memref_slice %arg9[%dma_start3A_47, %dma_start3A_48, %dma_start3A_49] : memref<4x80x80xf32, #tpu.memory_space<vmem>> -> memref<1x80x80xf32, #tpu.memory_space<vmem>>
    %dma_start3A_51 = tpu.memref_squeeze %dma_start3A_50 : memref<1x80x80xf32, #tpu.memory_space<vmem>> -> memref<80x80xf32, #tpu.memory_space<vmem>>
    %dma_start3A_52 = arith.constant 0 : i32
    %dma_start3A_53 = tpu.memref_slice %arg6[%dma_start3A, %dma_start3A_52] : memref<125x80xi32, #tpu.memory_space<vmem>> -> memref<1x80xi32, #tpu.memory_space<vmem>>
    %dma_start3A_54 = tpu.memref_squeeze %dma_start3A_53 : memref<1x80xi32, #tpu.memory_space<vmem>> -> memref<80xi32, #tpu.memory_space<vmem>>
    %dma_start3A_55 = arith.constant 0 : i32
    %dma_start3A_56 = arith.constant 0 : i32
    %dma_start3A_57 = tpu.memref_slice %arg3[%dma_start3A_55, %dma_start3A_56] : memref<10240x80xf32, #tpu.memory_space<hbm>> -> memref<10240x80xf32, #tpu.memory_space<hbm>>
    tpu.enqueue_indirect_dma source(%dma_start3A_57 : memref<10240x80xf32, #tpu.memory_space<hbm>>) target(%dma_start3A_51 : memref<80x80xf32, #tpu.memory_space<vmem>>) offsets(%dma_start3A_54 : memref<80xi32, #tpu.memory_space<vmem>>) semaphore(%arg12 : memref<!tpu.dma_semaphore, #tpu.memory_space<semaphore_mem>>)
    %dma_start3A_58 = arith.constant 0 : i32
    %dma_start3A_59 = arith.constant 0 : i32
    %dma_start3A_60 = arith.constant 0 : i32
    %dma_start3A_61 = arith.constant 0 : i32
    %dma_start3A_62 = tpu.memref_slice %arg8[%dma_start3A_59, %dma_start3A_60, %dma_start3A_61] : memref<4x80x16xf32, #tpu.memory_space<vmem>> -> memref<1x80x16xf32, #tpu.memory_space<vmem>>
    %dma_start3A_63 = tpu.memref_squeeze %dma_start3A_62 : memref<1x80x16xf32, #tpu.memory_space<vmem>> -> memref<80x16xf32, #tpu.memory_space<vmem>>
    %dma_start3A_64 = arith.constant 0 : i32
    %dma_start3A_65 = tpu.memref_slice %arg7[%dma_start3A_58, %dma_start3A_64] : memref<125x80xi32, #tpu.memory_space<vmem>> -> memref<1x80xi32, #tpu.memory_space<vmem>>
    %dma_start3A_66 = tpu.memref_squeeze %dma_start3A_65 : memref<1x80xi32, #tpu.memory_space<vmem>> -> memref<80xi32, #tpu.memory_space<vmem>>
    %dma_start3A_67 = arith.constant 0 : i32
    %dma_start3A_68 = arith.constant 0 : i32
    %dma_start3A_69 = tpu.memref_slice %arg4[%dma_start3A_67, %dma_start3A_68] : memref<10240x16xf32, #tpu.memory_space<hbm>> -> memref<10240x16xf32, #tpu.memory_space<hbm>>
    tpu.enqueue_indirect_dma source(%dma_start3A_69 : memref<10240x16xf32, #tpu.memory_space<hbm>>) target(%dma_start3A_63 : memref<80x16xf32, #tpu.memory_space<vmem>>) offsets(%dma_start3A_66 : memref<80xi32, #tpu.memory_space<vmem>>) semaphore(%arg12 : memref<!tpu.dma_semaphore, #tpu.memory_space<semaphore_mem>>)
    %dma_start3A_70 = arith.constant 1 : i32
    %dma_start3A_71 = arith.constant 1 : i32
    %dma_start3A_72 = arith.constant 0 : i32
    %dma_start3A_73 = arith.constant 0 : i32
    %dma_start3A_74 = tpu.memref_slice %arg9[%dma_start3A_71, %dma_start3A_72, %dma_start3A_73] : memref<4x80x80xf32, #tpu.memory_space<vmem>> -> memref<1x80x80xf32, #tpu.memory_space<vmem>>
    %dma_start3A_75 = tpu.memref_squeeze %dma_start3A_74 : memref<1x80x80xf32, #tpu.memory_space<vmem>> -> memref<80x80xf32, #tpu.memory_space<vmem>>
    %dma_start3A_76 = arith.constant 0 : i32
    %dma_start3A_77 = tpu.memref_slice %arg6[%dma_start3A_70, %dma_start3A_76] : memref<125x80xi32, #tpu.memory_space<vmem>> -> memref<1x80xi32, #tpu.memory_space<vmem>>
    %dma_start3A_78 = tpu.memref_squeeze %dma_start3A_77 : memref<1x80xi32, #tpu.memory_space<vmem>> -> memref<80xi32, #tpu.memory_space<vmem>>
    %dma_start3A_79 = arith.constant 0 : i32
    %dma_start3A_80 = arith.constant 0 : i32
    %dma_start3A_81 = tpu.memref_slice %arg3[%dma_start3A_79, %dma_start3A_80] : memref<10240x80xf32, #tpu.memory_space<hbm>> -> memref<10240x80xf32, #tpu.memory_space<hbm>>
    tpu.enqueue_indirect_dma source(%dma_start3A_81 : memref<10240x80xf32, #tpu.memory_space<hbm>>) target(%dma_start3A_75 : memref<80x80xf32, #tpu.memory_space<vmem>>) offsets(%dma_start3A_78 : memref<80xi32, #tpu.memory_space<vmem>>) semaphore(%arg13 : memref<!tpu.dma_semaphore, #tpu.memory_space<semaphore_mem>>)
    %dma_start3A_82 = arith.constant 1 : i32
    %dma_start3A_83 = arith.constant 1 : i32
    %dma_start3A_84 = arith.constant 0 : i32
    %dma_start3A_85 = arith.constant 0 : i32
    %dma_start3A_86 = tpu.memref_slice %arg8[%dma_start3A_83, %dma_start3A_84, %dma_start3A_85] : memref<4x80x16xf32, #tpu.memory_space<vmem>> -> memref<1x80x16xf32, #tpu.memory_space<vmem>>
    %dma_start3A_87 = tpu.memref_squeeze %dma_start3A_86 : memref<1x80x16xf32, #tpu.memory_space<vmem>> -> memref<80x16xf32, #tpu.memory_space<vmem>>
    %dma_start3A_88 = arith.constant 0 : i32
    %dma_start3A_89 = tpu.memref_slice %arg7[%dma_start3A_82, %dma_start3A_88] : memref<125x80xi32, #tpu.memory_space<vmem>> -> memref<1x80xi32, #tpu.memory_space<vmem>>
    %dma_start3A_90 = tpu.memref_squeeze %dma_start3A_89 : memref<1x80xi32, #tpu.memory_space<vmem>> -> memref<80xi32, #tpu.memory_space<vmem>>
    %dma_start3A_91 = arith.constant 0 : i32
    %dma_start3A_92 = arith.constant 0 : i32
    %dma_start3A_93 = tpu.memref_slice %arg4[%dma_start3A_91, %dma_start3A_92] : memref<10240x16xf32, #tpu.memory_space<hbm>> -> memref<10240x16xf32, #tpu.memory_space<hbm>>
    tpu.enqueue_indirect_dma source(%dma_start3A_93 : memref<10240x16xf32, #tpu.memory_space<hbm>>) target(%dma_start3A_87 : memref<80x16xf32, #tpu.memory_space<vmem>>) offsets(%dma_start3A_90 : memref<80xi32, #tpu.memory_space<vmem>>) semaphore(%arg13 : memref<!tpu.dma_semaphore, #tpu.memory_space<semaphore_mem>>)
    %dma_start3A_94 = arith.constant 2 : i32
    %dma_start3A_95 = arith.constant 2 : i32
    %dma_start3A_96 = arith.constant 0 : i32
    %dma_start3A_97 = arith.constant 0 : i32
    %dma_start3A_98 = tpu.memref_slice %arg9[%dma_start3A_95, %dma_start3A_96, %dma_start3A_97] : memref<4x80x80xf32, #tpu.memory_space<vmem>> -> memref<1x80x80xf32, #tpu.memory_space<vmem>>
    %dma_start3A_99 = tpu.memref_squeeze %dma_start3A_98 : memref<1x80x80xf32, #tpu.memory_space<vmem>> -> memref<80x80xf32, #tpu.memory_space<vmem>>
    %dma_start3A_100 = arith.constant 0 : i32
    %dma_start3A_101 = tpu.memref_slice %arg6[%dma_start3A_94, %dma_start3A_100] : memref<125x80xi32, #tpu.memory_space<vmem>> -> memref<1x80xi32, #tpu.memory_space<vmem>>
    %dma_start3A_102 = tpu.memref_squeeze %dma_start3A_101 : memref<1x80xi32, #tpu.memory_space<vmem>> -> memref<80xi32, #tpu.memory_space<vmem>>
    %dma_start3A_103 = arith.constant 0 : i32
    %dma_start3A_104 = arith.constant 0 : i32
    %dma_start3A_105 = tpu.memref_slice %arg3[%dma_start3A_103, %dma_start3A_104] : memref<10240x80xf32, #tpu.memory_space<hbm>> -> memref<10240x80xf32, #tpu.memory_space<hbm>>
    tpu.enqueue_indirect_dma source(%dma_start3A_105 : memref<10240x80xf32, #tpu.memory_space<hbm>>) target(%dma_start3A_99 : memref<80x80xf32, #tpu.memory_space<vmem>>) offsets(%dma_start3A_102 : memref<80xi32, #tpu.memory_space<vmem>>) semaphore(%arg14 : memref<!tpu.dma_semaphore, #tpu.memory_space<semaphore_mem>>)
    %dma_start3A_106 = arith.constant 2 : i32
    %dma_start3A_107 = arith.constant 2 : i32
    %dma_start3A_108 = arith.constant 0 : i32
    %dma_start3A_109 = arith.constant 0 : i32
    %dma_start3A_110 = tpu.memref_slice %arg8[%dma_start3A_107, %dma_start3A_108, %dma_start3A_109] : memref<4x80x16xf32, #tpu.memory_space<vmem>> -> memref<1x80x16xf32, #tpu.memory_space<vmem>>
    %dma_start3A_111 = tpu.memref_squeeze %dma_start3A_110 : memref<1x80x16xf32, #tpu.memory_space<vmem>> -> memref<80x16xf32, #tpu.memory_space<vmem>>
    %dma_start3A_112 = arith.constant 0 : i32
    %dma_start3A_113 = tpu.memref_slice %arg7[%dma_start3A_106, %dma_start3A_112] : memref<125x80xi32, #tpu.memory_space<vmem>> -> memref<1x80xi32, #tpu.memory_space<vmem>>
    %dma_start3A_114 = tpu.memref_squeeze %dma_start3A_113 : memref<1x80xi32, #tpu.memory_space<vmem>> -> memref<80xi32, #tpu.memory_space<vmem>>
    %dma_start3A_115 = arith.constant 0 : i32
    %dma_start3A_116 = arith.constant 0 : i32
    %dma_start3A_117 = tpu.memref_slice %arg4[%dma_start3A_115, %dma_start3A_116] : memref<10240x16xf32, #tpu.memory_space<hbm>> -> memref<10240x16xf32, #tpu.memory_space<hbm>>
    tpu.enqueue_indirect_dma source(%dma_start3A_117 : memref<10240x16xf32, #tpu.memory_space<hbm>>) target(%dma_start3A_111 : memref<80x16xf32, #tpu.memory_space<vmem>>) offsets(%dma_start3A_114 : memref<80xi32, #tpu.memory_space<vmem>>) semaphore(%arg14 : memref<!tpu.dma_semaphore, #tpu.memory_space<semaphore_mem>>)
    %dma_start3A_118 = arith.constant 3 : i32
    %dma_start3A_119 = arith.constant 3 : i32
    %dma_start3A_120 = arith.constant 0 : i32
    %dma_start3A_121 = arith.constant 0 : i32
    %dma_start3A_122 = tpu.memref_slice %arg9[%dma_start3A_119, %dma_start3A_120, %dma_start3A_121] : memref<4x80x80xf32, #tpu.memory_space<vmem>> -> memref<1x80x80xf32, #tpu.memory_space<vmem>>
    %dma_start3A_123 = tpu.memref_squeeze %dma_start3A_122 : memref<1x80x80xf32, #tpu.memory_space<vmem>> -> memref<80x80xf32, #tpu.memory_space<vmem>>
    %dma_start3A_124 = arith.constant 0 : i32
    %dma_start3A_125 = tpu.memref_slice %arg6[%dma_start3A_118, %dma_start3A_124] : memref<125x80xi32, #tpu.memory_space<vmem>> -> memref<1x80xi32, #tpu.memory_space<vmem>>
    %dma_start3A_126 = tpu.memref_squeeze %dma_start3A_125 : memref<1x80xi32, #tpu.memory_space<vmem>> -> memref<80xi32, #tpu.memory_space<vmem>>
    %dma_start3A_127 = arith.constant 0 : i32
    %dma_start3A_128 = arith.constant 0 : i32
    %dma_start3A_129 = tpu.memref_slice %arg3[%dma_start3A_127, %dma_start3A_128] : memref<10240x80xf32, #tpu.memory_space<hbm>> -> memref<10240x80xf32, #tpu.memory_space<hbm>>
    tpu.enqueue_indirect_dma source(%dma_start3A_129 : memref<10240x80xf32, #tpu.memory_space<hbm>>) target(%dma_start3A_123 : memref<80x80xf32, #tpu.memory_space<vmem>>) offsets(%dma_start3A_126 : memref<80xi32, #tpu.memory_space<vmem>>) semaphore(%arg15 : memref<!tpu.dma_semaphore, #tpu.memory_space<semaphore_mem>>)
    %dma_start3A_130 = arith.constant 3 : i32
    %dma_start3A_131 = arith.constant 3 : i32
    %dma_start3A_132 = arith.constant 0 : i32
    %dma_start3A_133 = arith.constant 0 : i32
    %dma_start3A_134 = tpu.memref_slice %arg8[%dma_start3A_131, %dma_start3A_132, %dma_start3A_133] : memref<4x80x16xf32, #tpu.memory_space<vmem>> -> memref<1x80x16xf32, #tpu.memory_space<vmem>>
    %dma_start3A_135 = tpu.memref_squeeze %dma_start3A_134 : memref<1x80x16xf32, #tpu.memory_space<vmem>> -> memref<80x16xf32, #tpu.memory_space<vmem>>
    %dma_start3A_136 = arith.constant 0 : i32
    %dma_start3A_137 = tpu.memref_slice %arg7[%dma_start3A_130, %dma_start3A_136] : memref<125x80xi32, #tpu.memory_space<vmem>> -> memref<1x80xi32, #tpu.memory_space<vmem>>
    %dma_start3A_138 = tpu.memref_squeeze %dma_start3A_137 : memref<1x80xi32, #tpu.memory_space<vmem>> -> memref<80xi32, #tpu.memory_space<vmem>>
    %dma_start3A_139 = arith.constant 0 : i32
    %dma_start3A_140 = arith.constant 0 : i32
    %dma_start3A_141 = tpu.memref_slice %arg4[%dma_start3A_139, %dma_start3A_140] : memref<10240x16xf32, #tpu.memory_space<hbm>> -> memref<10240x16xf32, #tpu.memory_space<hbm>>
    tpu.enqueue_indirect_dma source(%dma_start3A_141 : memref<10240x16xf32, #tpu.memory_space<hbm>>) target(%dma_start3A_135 : memref<80x16xf32, #tpu.memory_space<vmem>>) offsets(%dma_start3A_138 : memref<80xi32, #tpu.memory_space<vmem>>) semaphore(%arg15 : memref<!tpu.dma_semaphore, #tpu.memory_space<semaphore_mem>>)
    %iota3A = tpu.iota {dimensions = array<i32: 0>} : vector<16xi32>
    %broadcast_in_dim3A = arith.constant 8 : i32
    %broadcast_in_dim3A_142 = vector.broadcast %broadcast_in_dim3A : i32 to vector<16xi32>
    %scan3A_143 = arith.constant 0 : i32
    %scan3A_144 = arith.constant 0 : i32
    %scan3A_145 = arith.constant 31 : i32
    %scan3A_146 = arith.addi %scan3A_144, %scan3A_145 : i32
    %scan3A_147 = arith.constant 1 : i32
    scf.for %scan3A_299 = %scan3A_144 to %scan3A_146 step %scan3A_147  : i32 {
      %mul3A_300 = arith.constant 4 : i32
      %mul3A_301 = arith.muli %scan3A_299, %mul3A_300 : i32
      %add3A_302 = arith.constant 0 : i32
      %add3A_303 = arith.addi %mul3A_301, %add3A_302 : i32
      %dma_wait3A_304 = arith.constant 0 : i32
      %dma_wait3A_305 = arith.constant 0 : i32
      %dma_wait3A_306 = arith.constant 0 : i32
      %dma_wait3A_307 = tpu.memref_slice %arg9[%dma_wait3A_304, %dma_wait3A_305, %dma_wait3A_306] : memref<4x80x80xf32, #tpu.memory_space<vmem>> -> memref<1x80x80xf32, #tpu.memory_space<vmem>>
      %dma_wait3A_308 = tpu.memref_squeeze %dma_wait3A_307 : memref<1x80x80xf32, #tpu.memory_space<vmem>> -> memref<80x80xf32, #tpu.memory_space<vmem>>
      %dma_wait3A_309 = arith.constant 0 : i32
      %dma_wait3A_310 = tpu.memref_slice %arg6[%add3A_303, %dma_wait3A_309] : memref<125x80xi32, #tpu.memory_space<vmem>> -> memref<1x80xi32, #tpu.memory_space<vmem>>
      %dma_wait3A_311 = tpu.memref_squeeze %dma_wait3A_310 : memref<1x80xi32, #tpu.memory_space<vmem>> -> memref<80xi32, #tpu.memory_space<vmem>>
      %dma_wait3A_312 = arith.constant 0 : i32
      %dma_wait3A_313 = arith.constant 0 : i32
      %dma_wait3A_314 = tpu.memref_slice %arg3[%dma_wait3A_312, %dma_wait3A_313] : memref<10240x80xf32, #tpu.memory_space<hbm>> -> memref<10240x80xf32, #tpu.memory_space<hbm>>
      tpu.wait_indirect_dma semaphore(%arg12 : memref<!tpu.dma_semaphore, #tpu.memory_space<semaphore_mem>>) src(%dma_wait3A_314 : memref<10240x80xf32, #tpu.memory_space<hbm>>) dst(%dma_wait3A_308 : memref<80x80xf32, #tpu.memory_space<vmem>>)
      %dma_wait3A_315 = arith.constant 0 : i32
      %dma_wait3A_316 = arith.constant 0 : i32
      %dma_wait3A_317 = arith.constant 0 : i32
      %dma_wait3A_318 = tpu.memref_slice %arg8[%dma_wait3A_315, %dma_wait3A_316, %dma_wait3A_317] : memref<4x80x16xf32, #tpu.memory_space<vmem>> -> memref<1x80x16xf32, #tpu.memory_space<vmem>>
      %dma_wait3A_319 = tpu.memref_squeeze %dma_wait3A_318 : memref<1x80x16xf32, #tpu.memory_space<vmem>> -> memref<80x16xf32, #tpu.memory_space<vmem>>
      %dma_wait3A_320 = arith.constant 0 : i32
      %dma_wait3A_321 = tpu.memref_slice %arg7[%add3A_303, %dma_wait3A_320] : memref<125x80xi32, #tpu.memory_space<vmem>> -> memref<1x80xi32, #tpu.memory_space<vmem>>
      %dma_wait3A_322 = tpu.memref_squeeze %dma_wait3A_321 : memref<1x80xi32, #tpu.memory_space<vmem>> -> memref<80xi32, #tpu.memory_space<vmem>>
      %dma_wait3A_323 = arith.constant 0 : i32
      %dma_wait3A_324 = arith.constant 0 : i32
      %dma_wait3A_325 = tpu.memref_slice %arg4[%dma_wait3A_323, %dma_wait3A_324] : memref<10240x16xf32, #tpu.memory_space<hbm>> -> memref<10240x16xf32, #tpu.memory_space<hbm>>
      tpu.wait_indirect_dma semaphore(%arg12 : memref<!tpu.dma_semaphore, #tpu.memory_space<semaphore_mem>>) src(%dma_wait3A_325 : memref<10240x16xf32, #tpu.memory_space<hbm>>) dst(%dma_wait3A_319 : memref<80x16xf32, #tpu.memory_space<vmem>>)
      %gt3A = arith.constant 0 : i32
      %gt3A_326 = arith.cmpi sgt, %scan3A_299, %gt3A : i32
      %convert_element_type3A = arith.extui %gt3A_326 : i1 to i32
      %cond3A = arith.constant 0 : i32
      %cond3A_327 = arith.cmpi ne, %convert_element_type3A, %cond3A : i32
      scf.if %cond3A_327 {
        %dma_wait3A_516 = arith.constant 0 : i32
        %dma_wait3A_517 = arith.constant 0 : i32
        %dma_wait3A_518 = arith.constant 0 : i32
        %dma_wait3A_519 = arith.constant 0 : i32
        %dma_wait3A_520 = tpu.memref_slice %arg10[%dma_wait3A_516, %dma_wait3A_518, %dma_wait3A_519] : memref<4x80x80xf32, #tpu.memory_space<vmem>> -> memref<1x80x80xf32, #tpu.memory_space<vmem>>
        %dma_wait3A_521 = tpu.memref_squeeze %dma_wait3A_520 : memref<1x80x80xf32, #tpu.memory_space<vmem>> -> memref<80x80xf32, #tpu.memory_space<vmem>>
        %dma_wait3A_522 = arith.constant 0 : i32
        %dma_wait3A_523 = tpu.memref_slice %arg7[%dma_wait3A_517, %dma_wait3A_522] : memref<125x80xi32, #tpu.memory_space<vmem>> -> memref<1x80xi32, #tpu.memory_space<vmem>>
        %dma_wait3A_524 = tpu.memref_squeeze %dma_wait3A_523 : memref<1x80xi32, #tpu.memory_space<vmem>> -> memref<80xi32, #tpu.memory_space<vmem>>
        %dma_wait3A_525 = arith.constant 0 : i32
        %dma_wait3A_526 = arith.constant 0 : i32
        %dma_wait3A_527 = tpu.memref_slice %arg11[%dma_wait3A_525, %dma_wait3A_526] : memref<10240x80xf32, #tpu.memory_space<vmem_shared>> -> memref<10240x80xf32, #tpu.memory_space<vmem_shared>>
        tpu.wait_indirect_dma semaphore(%arg16 : memref<!tpu.dma_semaphore, #tpu.memory_space<semaphore_mem>>) src(%dma_wait3A_521 : memref<80x80xf32, #tpu.memory_space<vmem>>) dst(%dma_wait3A_527 : memref<10240x80xf32, #tpu.memory_space<vmem_shared>>)
      } else {
      }
      %scan3A_328 = arith.constant 0 : i32
      %scan3A_329 = arith.constant 0 : i32
      %scan3A_330 = arith.constant 80 : i32
      %scan3A_331 = arith.addi %scan3A_329, %scan3A_330 : i32
      %scan3A_332 = arith.constant 1 : i32
      scf.for %scan3A_516 = %scan3A_329 to %scan3A_331 step %scan3A_332  : i32 {
        %get3A = arith.constant 0 : i32
        %get3A_517 = arith.index_cast %get3A : i32 to index
        %get3A_518 = arith.index_cast %scan3A_516 : i32 to index
        %get3A_519 = arith.constant 0 : index
        %get3A_520 = tpu.vector_load %arg9[%get3A_517, %get3A_518, %get3A_519] {strides = array<i32>} : memref<4x80x80xf32, #tpu.memory_space<vmem>>, vector<1x1x16xf32>,
        %get3A_521 = vector.shape_cast %get3A_520 : vector<1x1x16xf32> to vector<16xf32>
        %get3A_522 = arith.constant 0 : i32
        %get3A_523 = arith.index_cast %get3A_522 : i32 to index
        %get3A_524 = arith.index_cast %scan3A_516 : i32 to index
        %get3A_525 = arith.constant 0 : index
        %get3A_526 = tpu.vector_load %arg8[%get3A_523, %get3A_524, %get3A_525] {strides = array<i32>} : memref<4x80x16xf32, #tpu.memory_space<vmem>>, vector<1x1x16xf32>,
        %get3A_527 = vector.shape_cast %get3A_526 : vector<1x1x16xf32> to vector<16xf32>
        %add3A_528 = arith.addf %get3A_521, %get3A_527 : vector<16xf32>
        %mul3A_529 = arith.constant 2.000000e-01 : f32
        %mul3A_530 = vector.broadcast %mul3A_529 : f32 to vector<16xf32>
        %mul3A_531 = arith.mulf %mul3A_530, %add3A_528 : vector<16xf32>
        %max3A = arith.maximumf %add3A_528, %mul3A_531 : vector<16xf32>
        %exp3A = math.exp %max3A : vector<16xf32>
        %swap3A = arith.constant 0 : i32
        %swap3A_532 = arith.index_cast %swap3A : i32 to index
        %swap3A_533 = arith.index_cast %scan3A_516 : i32 to index
        %swap3A_534 = arith.constant 0 : index
        %swap3A_535 = tpu.vector_load %arg10[%swap3A_532, %swap3A_533, %swap3A_534] {strides = array<i32>} : memref<4x80x80xf32, #tpu.memory_space<vmem>>, vector<1x1x16xf32>,
        %swap3A_536 = vector.shape_cast %swap3A_535 : vector<1x1x16xf32> to vector<16xf32>
        %swap3A_537 = vector.shape_cast %exp3A : vector<16xf32> to vector<1x1x16xf32>
        tpu.vector_store %arg10[%swap3A_532, %swap3A_533, %swap3A_534], %swap3A_537 {strides = array<i32>} : memref<4x80x80xf32, #tpu.memory_space<vmem>>, vector<1x1x16xf32>,
        %get3A_538 = arith.constant 0 : i32
        %get3A_539 = arith.index_cast %get3A_538 : i32 to index
        %get3A_540 = arith.index_cast %scan3A_516 : i32 to index
        %get3A_541 = arith.constant 16 : index
        %get3A_542 = tpu.vector_load %arg9[%get3A_539, %get3A_540, %get3A_541] {strides = array<i32>} : memref<4x80x80xf32, #tpu.memory_space<vmem>>, vector<1x1x16xf32>,
        %get3A_543 = vector.shape_cast %get3A_542 : vector<1x1x16xf32> to vector<16xf32>
        %mul3A_544 = arith.mulf %get3A_543, %exp3A : vector<16xf32>
        %swap3A_545 = arith.constant 0 : i32
        %swap3A_546 = arith.index_cast %swap3A_545 : i32 to index
        %swap3A_547 = arith.index_cast %scan3A_516 : i32 to index
        %swap3A_548 = arith.constant 16 : index
        %swap3A_549 = tpu.vector_load %arg10[%swap3A_546, %swap3A_547, %swap3A_548] {strides = array<i32>} : memref<4x80x80xf32, #tpu.memory_space<vmem>>, vector<1x1x16xf32>,
        %swap3A_550 = vector.shape_cast %swap3A_549 : vector<1x1x16xf32> to vector<16xf32>
        %swap3A_551 = vector.shape_cast %mul3A_544 : vector<16xf32> to vector<1x1x16xf32>
        tpu.vector_store %arg10[%swap3A_546, %swap3A_547, %swap3A_548], %swap3A_551 {strides = array<i32>} : memref<4x80x80xf32, #tpu.memory_space<vmem>>, vector<1x1x16xf32>,
        %get3A_552 = arith.constant 0 : i32
        %get3A_553 = arith.index_cast %get3A_552 : i32 to index
        %get3A_554 = arith.index_cast %scan3A_516 : i32 to index
        %get3A_555 = arith.constant 32 : index
        %get3A_556 = tpu.vector_load %arg9[%get3A_553, %get3A_554, %get3A_555] {strides = array<i32>} : memref<4x80x80xf32, #tpu.memory_space<vmem>>, vector<1x1x16xf32>,
        %get3A_557 = vector.shape_cast %get3A_556 : vector<1x1x16xf32> to vector<16xf32>
        %mul3A_558 = arith.mulf %get3A_557, %exp3A : vector<16xf32>
        %swap3A_559 = arith.constant 0 : i32
        %swap3A_560 = arith.index_cast %swap3A_559 : i32 to index
        %swap3A_561 = arith.index_cast %scan3A_516 : i32 to index
        %swap3A_562 = arith.constant 32 : index
        %swap3A_563 = tpu.vector_load %arg10[%swap3A_560, %swap3A_561, %swap3A_562] {strides = array<i32>} : memref<4x80x80xf32, #tpu.memory_space<vmem>>, vector<1x1x16xf32>,
        %swap3A_564 = vector.shape_cast %swap3A_563 : vector<1x1x16xf32> to vector<16xf32>
        %swap3A_565 = vector.shape_cast %mul3A_558 : vector<16xf32> to vector<1x1x16xf32>
        tpu.vector_store %arg10[%swap3A_560, %swap3A_561, %swap3A_562], %swap3A_565 {strides = array<i32>} : memref<4x80x80xf32, #tpu.memory_space<vmem>>, vector<1x1x16xf32>,
        %get3A_566 = arith.constant 0 : i32
        %get3A_567 = arith.index_cast %get3A_566 : i32 to index
        %get3A_568 = arith.index_cast %scan3A_516 : i32 to index
        %get3A_569 = arith.constant 48 : index
        %get3A_570 = tpu.vector_load %arg9[%get3A_567, %get3A_568, %get3A_569] {strides = array<i32>} : memref<4x80x80xf32, #tpu.memory_space<vmem>>, vector<1x1x16xf32>,
        %get3A_571 = vector.shape_cast %get3A_570 : vector<1x1x16xf32> to vector<16xf32>
        %mul3A_572 = arith.mulf %get3A_571, %exp3A : vector<16xf32>
        %swap3A_573 = arith.constant 0 : i32
        %swap3A_574 = arith.index_cast %swap3A_573 : i32 to index
        %swap3A_575 = arith.index_cast %scan3A_516 : i32 to index
        %swap3A_576 = arith.constant 48 : index
        %swap3A_577 = tpu.vector_load %arg10[%swap3A_574, %swap3A_575, %swap3A_576] {strides = array<i32>} : memref<4x80x80xf32, #tpu.memory_space<vmem>>, vector<1x1x16xf32>,
        %swap3A_578 = vector.shape_cast %swap3A_577 : vector<1x1x16xf32> to vector<16xf32>
        %swap3A_579 = vector.shape_cast %mul3A_572 : vector<16xf32> to vector<1x1x16xf32>
        tpu.vector_store %arg10[%swap3A_574, %swap3A_575, %swap3A_576], %swap3A_579 {strides = array<i32>} : memref<4x80x80xf32, #tpu.memory_space<vmem>>, vector<1x1x16xf32>,
        %get3A_580 = arith.constant 0 : i32
        %get3A_581 = arith.index_cast %get3A_580 : i32 to index
        %get3A_582 = arith.index_cast %scan3A_516 : i32 to index
        %get3A_583 = arith.constant 64 : index
        %get3A_584 = tpu.vector_load %arg9[%get3A_581, %get3A_582, %get3A_583] {strides = array<i32>} : memref<4x80x80xf32, #tpu.memory_space<vmem>>, vector<1x1x16xf32>,
        %get3A_585 = vector.shape_cast %get3A_584 : vector<1x1x16xf32> to vector<16xf32>
        %mul3A_586 = arith.mulf %get3A_585, %exp3A : vector<16xf32>
        %swap3A_587 = arith.constant 0 : i32
        %swap3A_588 = arith.index_cast %swap3A_587 : i32 to index
        %swap3A_589 = arith.index_cast %scan3A_516 : i32 to index
        %swap3A_590 = arith.constant 64 : index
        %swap3A_591 = tpu.vector_load %arg10[%swap3A_588, %swap3A_589, %swap3A_590] {strides = array<i32>} : memref<4x80x80xf32, #tpu.memory_space<vmem>>, vector<1x1x16xf32>,
        %swap3A_592 = vector.shape_cast %swap3A_591 : vector<1x1x16xf32> to vector<16xf32>
        %swap3A_593 = vector.shape_cast %mul3A_586 : vector<16xf32> to vector<1x1x16xf32>
        tpu.vector_store %arg10[%swap3A_588, %swap3A_589, %swap3A_590], %swap3A_593 {strides = array<i32>} : memref<4x80x80xf32, #tpu.memory_space<vmem>>, vector<1x1x16xf32>,
      }
      %scan3A_333 = arith.constant 80 : i32
      %dma_start3A_334 = arith.constant 0 : i32
      %dma_start3A_335 = arith.constant 0 : i32
      %dma_start3A_336 = arith.constant 0 : i32
      %dma_start3A_337 = tpu.memref_slice %arg10[%dma_start3A_334, %dma_start3A_335, %dma_start3A_336] : memref<4x80x80xf32, #tpu.memory_space<vmem>> -> memref<1x80x80xf32, #tpu.memory_space<vmem>>
      %dma_start3A_338 = tpu.memref_squeeze %dma_start3A_337 : memref<1x80x80xf32, #tpu.memory_space<vmem>> -> memref<80x80xf32, #tpu.memory_space<vmem>>
      %dma_start3A_339 = arith.constant 0 : i32
      %dma_start3A_340 = tpu.memref_slice %arg7[%add3A_303, %dma_start3A_339] : memref<125x80xi32, #tpu.memory_space<vmem>> -> memref<1x80xi32, #tpu.memory_space<vmem>>
      %dma_start3A_341 = tpu.memref_squeeze %dma_start3A_340 : memref<1x80xi32, #tpu.memory_space<vmem>> -> memref<80xi32, #tpu.memory_space<vmem>>
      %dma_start3A_342 = arith.constant 0 : i32
      %dma_start3A_343 = arith.constant 0 : i32
      %dma_start3A_344 = tpu.memref_slice %arg11[%dma_start3A_342, %dma_start3A_343] : memref<10240x80xf32, #tpu.memory_space<vmem_shared>> -> memref<10240x80xf32, #tpu.memory_space<vmem_shared>>
      tpu.enqueue_indirect_dma source(%dma_start3A_338 : memref<80x80xf32, #tpu.memory_space<vmem>>) target(%dma_start3A_344 : memref<10240x80xf32, #tpu.memory_space<vmem_shared>>) offsets(%dma_start3A_341 : memref<80xi32, #tpu.memory_space<vmem>>) semaphore(%arg16 : memref<!tpu.dma_semaphore, #tpu.memory_space<semaphore_mem>>) {add = true}
      %add3A_345 = arith.constant 4 : i32
      %add3A_346 = arith.addi %add3A_303, %add3A_345 : i32
      %lt3A = arith.constant 125 : i32
      %lt3A_347 = arith.cmpi slt, %add3A_346, %lt3A : i32
      %convert_element_type3A_348 = arith.extui %lt3A_347 : i1 to i32
      %cond3A_349 = arith.constant 0 : i32
      %cond3A_350 = arith.cmpi ne, %convert_element_type3A_348, %cond3A_349 : i32
      scf.if %cond3A_350 {
        %add3A_516 = arith.constant 4 : i32
        %add3A_517 = arith.addi %add3A_303, %add3A_516 : i32
        %dma_start3A_518 = arith.constant 0 : i32
        %dma_start3A_519 = arith.constant 0 : i32
        %dma_start3A_520 = arith.constant 0 : i32
        %dma_start3A_521 = tpu.memref_slice %arg9[%dma_start3A_518, %dma_start3A_519, %dma_start3A_520] : memref<4x80x80xf32, #tpu.memory_space<vmem>> -> memref<1x80x80xf32, #tpu.memory_space<vmem>>
        %dma_start3A_522 = tpu.memref_squeeze %dma_start3A_521 : memref<1x80x80xf32, #tpu.memory_space<vmem>> -> memref<80x80xf32, #tpu.memory_space<vmem>>
        %dma_start3A_523 = arith.constant 0 : i32
        %dma_start3A_524 = tpu.memref_slice %arg6[%add3A_517, %dma_start3A_523] : memref<125x80xi32, #tpu.memory_space<vmem>> -> memref<1x80xi32, #tpu.memory_space<vmem>>
        %dma_start3A_525 = tpu.memref_squeeze %dma_start3A_524 : memref<1x80xi32, #tpu.memory_space<vmem>> -> memref<80xi32, #tpu.memory_space<vmem>>
        %dma_start3A_526 = arith.constant 0 : i32
        %dma_start3A_527 = arith.constant 0 : i32
        %dma_start3A_528 = tpu.memref_slice %arg3[%dma_start3A_526, %dma_start3A_527] : memref<10240x80xf32, #tpu.memory_space<hbm>> -> memref<10240x80xf32, #tpu.memory_space<hbm>>
        tpu.enqueue_indirect_dma source(%dma_start3A_528 : memref<10240x80xf32, #tpu.memory_space<hbm>>) target(%dma_start3A_522 : memref<80x80xf32, #tpu.memory_space<vmem>>) offsets(%dma_start3A_525 : memref<80xi32, #tpu.memory_space<vmem>>) semaphore(%arg12 : memref<!tpu.dma_semaphore, #tpu.memory_space<semaphore_mem>>)
        %add3A_529 = arith.constant 4 : i32
        %add3A_530 = arith.addi %add3A_303, %add3A_529 : i32
        %dma_start3A_531 = arith.constant 0 : i32
        %dma_start3A_532 = arith.constant 0 : i32
        %dma_start3A_533 = arith.constant 0 : i32
        %dma_start3A_534 = tpu.memref_slice %arg8[%dma_start3A_531, %dma_start3A_532, %dma_start3A_533] : memref<4x80x16xf32, #tpu.memory_space<vmem>> -> memref<1x80x16xf32, #tpu.memory_space<vmem>>
        %dma_start3A_535 = tpu.memref_squeeze %dma_start3A_534 : memref<1x80x16xf32, #tpu.memory_space<vmem>> -> memref<80x16xf32, #tpu.memory_space<vmem>>
        %dma_start3A_536 = arith.constant 0 : i32
        %dma_start3A_537 = tpu.memref_slice %arg7[%add3A_530, %dma_start3A_536] : memref<125x80xi32, #tpu.memory_space<vmem>> -> memref<1x80xi32, #tpu.memory_space<vmem>>
        %dma_start3A_538 = tpu.memref_squeeze %dma_start3A_537 : memref<1x80xi32, #tpu.memory_space<vmem>> -> memref<80xi32, #tpu.memory_space<vmem>>
        %dma_start3A_539 = arith.constant 0 : i32
        %dma_start3A_540 = arith.constant 0 : i32
        %dma_start3A_541 = tpu.memref_slice %arg4[%dma_start3A_539, %dma_start3A_540] : memref<10240x16xf32, #tpu.memory_space<hbm>> -> memref<10240x16xf32, #tpu.memory_space<hbm>>
        tpu.enqueue_indirect_dma source(%dma_start3A_541 : memref<10240x16xf32, #tpu.memory_space<hbm>>) target(%dma_start3A_535 : memref<80x16xf32, #tpu.memory_space<vmem>>) offsets(%dma_start3A_538 : memref<80xi32, #tpu.memory_space<vmem>>) semaphore(%arg12 : memref<!tpu.dma_semaphore, #tpu.memory_space<semaphore_mem>>)
      } else {
      }
      %mul3A_351 = arith.constant 4 : i32
      %mul3A_352 = arith.muli %scan3A_299, %mul3A_351 : i32
      %add3A_353 = arith.constant 1 : i32
      %add3A_354 = arith.addi %mul3A_352, %add3A_353 : i32
      %dma_wait3A_355 = arith.constant 1 : i32
      %dma_wait3A_356 = arith.constant 0 : i32
      %dma_wait3A_357 = arith.constant 0 : i32
      %dma_wait3A_358 = tpu.memref_slice %arg9[%dma_wait3A_355, %dma_wait3A_356, %dma_wait3A_357] : memref<4x80x80xf32, #tpu.memory_space<vmem>> -> memref<1x80x80xf32, #tpu.memory_space<vmem>>
      %dma_wait3A_359 = tpu.memref_squeeze %dma_wait3A_358 : memref<1x80x80xf32, #tpu.memory_space<vmem>> -> memref<80x80xf32, #tpu.memory_space<vmem>>
      %dma_wait3A_360 = arith.constant 0 : i32
      %dma_wait3A_361 = tpu.memref_slice %arg6[%add3A_354, %dma_wait3A_360] : memref<125x80xi32, #tpu.memory_space<vmem>> -> memref<1x80xi32, #tpu.memory_space<vmem>>
      %dma_wait3A_362 = tpu.memref_squeeze %dma_wait3A_361 : memref<1x80xi32, #tpu.memory_space<vmem>> -> memref<80xi32, #tpu.memory_space<vmem>>
      %dma_wait3A_363 = arith.constant 0 : i32
      %dma_wait3A_364 = arith.constant 0 : i32
      %dma_wait3A_365 = tpu.memref_slice %arg3[%dma_wait3A_363, %dma_wait3A_364] : memref<10240x80xf32, #tpu.memory_space<hbm>> -> memref<10240x80xf32, #tpu.memory_space<hbm>>
      tpu.wait_indirect_dma semaphore(%arg13 : memref<!tpu.dma_semaphore, #tpu.memory_space<semaphore_mem>>) src(%dma_wait3A_365 : memref<10240x80xf32, #tpu.memory_space<hbm>>) dst(%dma_wait3A_359 : memref<80x80xf32, #tpu.memory_space<vmem>>)
      %dma_wait3A_366 = arith.constant 1 : i32
      %dma_wait3A_367 = arith.constant 0 : i32
      %dma_wait3A_368 = arith.constant 0 : i32
      %dma_wait3A_369 = tpu.memref_slice %arg8[%dma_wait3A_366, %dma_wait3A_367, %dma_wait3A_368] : memref<4x80x16xf32, #tpu.memory_space<vmem>> -> memref<1x80x16xf32, #tpu.memory_space<vmem>>
      %dma_wait3A_370 = tpu.memref_squeeze %dma_wait3A_369 : memref<1x80x16xf32, #tpu.memory_space<vmem>> -> memref<80x16xf32, #tpu.memory_space<vmem>>
      %dma_wait3A_371 = arith.constant 0 : i32
      %dma_wait3A_372 = tpu.memref_slice %arg7[%add3A_354, %dma_wait3A_371] : memref<125x80xi32, #tpu.memory_space<vmem>> -> memref<1x80xi32, #tpu.memory_space<vmem>>
      %dma_wait3A_373 = tpu.memref_squeeze %dma_wait3A_372 : memref<1x80xi32, #tpu.memory_space<vmem>> -> memref<80xi32, #tpu.memory_space<vmem>>
      %dma_wait3A_374 = arith.constant 0 : i32
      %dma_wait3A_375 = arith.constant 0 : i32
      %dma_wait3A_376 = tpu.memref_slice %arg4[%dma_wait3A_374, %dma_wait3A_375] : memref<10240x16xf32, #tpu.memory_space<hbm>> -> memref<10240x16xf32, #tpu.memory_space<hbm>>
      tpu.wait_indirect_dma semaphore(%arg13 : memref<!tpu.dma_semaphore, #tpu.memory_space<semaphore_mem>>) src(%dma_wait3A_376 : memref<10240x16xf32, #tpu.memory_space<hbm>>) dst(%dma_wait3A_370 : memref<80x16xf32, #tpu.memory_space<vmem>>)
      %gt3A_377 = arith.constant 0 : i32
      %gt3A_378 = arith.cmpi sgt, %scan3A_299, %gt3A_377 : i32
      %convert_element_type3A_379 = arith.extui %gt3A_378 : i1 to i32
      %cond3A_380 = arith.constant 0 : i32
      %cond3A_381 = arith.cmpi ne, %convert_element_type3A_379, %cond3A_380 : i32
      scf.if %cond3A_381 {
        %dma_wait3A_516 = arith.constant 1 : i32
        %dma_wait3A_517 = arith.constant 0 : i32
        %dma_wait3A_518 = arith.constant 0 : i32
        %dma_wait3A_519 = arith.constant 0 : i32
        %dma_wait3A_520 = tpu.memref_slice %arg10[%dma_wait3A_516, %dma_wait3A_518, %dma_wait3A_519] : memref<4x80x80xf32, #tpu.memory_space<vmem>> -> memref<1x80x80xf32, #tpu.memory_space<vmem>>
        %dma_wait3A_521 = tpu.memref_squeeze %dma_wait3A_520 : memref<1x80x80xf32, #tpu.memory_space<vmem>> -> memref<80x80xf32, #tpu.memory_space<vmem>>
        %dma_wait3A_522 = arith.constant 0 : i32
        %dma_wait3A_523 = tpu.memref_slice %arg7[%dma_wait3A_517, %dma_wait3A_522] : memref<125x80xi32, #tpu.memory_space<vmem>> -> memref<1x80xi32, #tpu.memory_space<vmem>>
        %dma_wait3A_524 = tpu.memref_squeeze %dma_wait3A_523 : memref<1x80xi32, #tpu.memory_space<vmem>> -> memref<80xi32, #tpu.memory_space<vmem>>
        %dma_wait3A_525 = arith.constant 0 : i32
        %dma_wait3A_526 = arith.constant 0 : i32
        %dma_wait3A_527 = tpu.memref_slice %arg11[%dma_wait3A_525, %dma_wait3A_526] : memref<10240x80xf32, #tpu.memory_space<vmem_shared>> -> memref<10240x80xf32, #tpu.memory_space<vmem_shared>>
        tpu.wait_indirect_dma semaphore(%arg17 : memref<!tpu.dma_semaphore, #tpu.memory_space<semaphore_mem>>) src(%dma_wait3A_521 : memref<80x80xf32, #tpu.memory_space<vmem>>) dst(%dma_wait3A_527 : memref<10240x80xf32, #tpu.memory_space<vmem_shared>>)
      } else {
      }
      %scan3A_382 = arith.constant 0 : i32
      %scan3A_383 = arith.constant 0 : i32
      %scan3A_384 = arith.constant 80 : i32
      %scan3A_385 = arith.addi %scan3A_383, %scan3A_384 : i32
      %scan3A_386 = arith.constant 1 : i32
      scf.for %scan3A_516 = %scan3A_383 to %scan3A_385 step %scan3A_386  : i32 {
        %get3A = arith.constant 1 : i32
        %get3A_517 = arith.index_cast %get3A : i32 to index
        %get3A_518 = arith.index_cast %scan3A_516 : i32 to index
        %get3A_519 = arith.constant 0 : index
        %get3A_520 = tpu.vector_load %arg9[%get3A_517, %get3A_518, %get3A_519] {strides = array<i32>} : memref<4x80x80xf32, #tpu.memory_space<vmem>>, vector<1x1x16xf32>,
        %get3A_521 = vector.shape_cast %get3A_520 : vector<1x1x16xf32> to vector<16xf32>
        %get3A_522 = arith.constant 1 : i32
        %get3A_523 = arith.index_cast %get3A_522 : i32 to index
        %get3A_524 = arith.index_cast %scan3A_516 : i32 to index
        %get3A_525 = arith.constant 0 : index
        %get3A_526 = tpu.vector_load %arg8[%get3A_523, %get3A_524, %get3A_525] {strides = array<i32>} : memref<4x80x16xf32, #tpu.memory_space<vmem>>, vector<1x1x16xf32>,
        %get3A_527 = vector.shape_cast %get3A_526 : vector<1x1x16xf32> to vector<16xf32>
        %add3A_528 = arith.addf %get3A_521, %get3A_527 : vector<16xf32>
        %mul3A_529 = arith.constant 2.000000e-01 : f32
        %mul3A_530 = vector.broadcast %mul3A_529 : f32 to vector<16xf32>
        %mul3A_531 = arith.mulf %mul3A_530, %add3A_528 : vector<16xf32>
        %max3A = arith.maximumf %add3A_528, %mul3A_531 : vector<16xf32>
        %exp3A = math.exp %max3A : vector<16xf32>
        %swap3A = arith.constant 1 : i32
        %swap3A_532 = arith.index_cast %swap3A : i32 to index
        %swap3A_533 = arith.index_cast %scan3A_516 : i32 to index
        %swap3A_534 = arith.constant 0 : index
        %swap3A_535 = tpu.vector_load %arg10[%swap3A_532, %swap3A_533, %swap3A_534] {strides = array<i32>} : memref<4x80x80xf32, #tpu.memory_space<vmem>>, vector<1x1x16xf32>,
        %swap3A_536 = vector.shape_cast %swap3A_535 : vector<1x1x16xf32> to vector<16xf32>
        %swap3A_537 = vector.shape_cast %exp3A : vector<16xf32> to vector<1x1x16xf32>
        tpu.vector_store %arg10[%swap3A_532, %swap3A_533, %swap3A_534], %swap3A_537 {strides = array<i32>} : memref<4x80x80xf32, #tpu.memory_space<vmem>>, vector<1x1x16xf32>,
        %get3A_538 = arith.constant 1 : i32
        %get3A_539 = arith.index_cast %get3A_538 : i32 to index
        %get3A_540 = arith.index_cast %scan3A_516 : i32 to index
        %get3A_541 = arith.constant 16 : index
        %get3A_542 = tpu.vector_load %arg9[%get3A_539, %get3A_540, %get3A_541] {strides = array<i32>} : memref<4x80x80xf32, #tpu.memory_space<vmem>>, vector<1x1x16xf32>,
        %get3A_543 = vector.shape_cast %get3A_542 : vector<1x1x16xf32> to vector<16xf32>
        %mul3A_544 = arith.mulf %get3A_543, %exp3A : vector<16xf32>
        %swap3A_545 = arith.constant 1 : i32
        %swap3A_546 = arith.index_cast %swap3A_545 : i32 to index
        %swap3A_547 = arith.index_cast %scan3A_516 : i32 to index
        %swap3A_548 = arith.constant 16 : index
        %swap3A_549 = tpu.vector_load %arg10[%swap3A_546, %swap3A_547, %swap3A_548] {strides = array<i32>} : memref<4x80x80xf32, #tpu.memory_space<vmem>>, vector<1x1x16xf32>,
        %swap3A_550 = vector.shape_cast %swap3A_549 : vector<1x1x16xf32> to vector<16xf32>
        %swap3A_551 = vector.shape_cast %mul3A_544 : vector<16xf32> to vector<1x1x16xf32>
        tpu.vector_store %arg10[%swap3A_546, %swap3A_547, %swap3A_548], %swap3A_551 {strides = array<i32>} : memref<4x80x80xf32, #tpu.memory_space<vmem>>, vector<1x1x16xf32>,
        %get3A_552 = arith.constant 1 : i32
        %get3A_553 = arith.index_cast %get3A_552 : i32 to index
        %get3A_554 = arith.index_cast %scan3A_516 : i32 to index
        %get3A_555 = arith.constant 32 : index
        %get3A_556 = tpu.vector_load %arg9[%get3A_553, %get3A_554, %get3A_555] {strides = array<i32>} : memref<4x80x80xf32, #tpu.memory_space<vmem>>, vector<1x1x16xf32>,
        %get3A_557 = vector.shape_cast %get3A_556 : vector<1x1x16xf32> to vector<16xf32>
        %mul3A_558 = arith.mulf %get3A_557, %exp3A : vector<16xf32>
        %swap3A_559 = arith.constant 1 : i32
        %swap3A_560 = arith.index_cast %swap3A_559 : i32 to index
        %swap3A_561 = arith.index_cast %scan3A_516 : i32 to index
        %swap3A_562 = arith.constant 32 : index
        %swap3A_563 = tpu.vector_load %arg10[%swap3A_560, %swap3A_561, %swap3A_562] {strides = array<i32>} : memref<4x80x80xf32, #tpu.memory_space<vmem>>, vector<1x1x16xf32>,
        %swap3A_564 = vector.shape_cast %swap3A_563 : vector<1x1x16xf32> to vector<16xf32>
        %swap3A_565 = vector.shape_cast %mul3A_558 : vector<16xf32> to vector<1x1x16xf32>
        tpu.vector_store %arg10[%swap3A_560, %swap3A_561, %swap3A_562], %swap3A_565 {strides = array<i32>} : memref<4x80x80xf32, #tpu.memory_space<vmem>>, vector<1x1x16xf32>,
        %get3A_566 = arith.constant 1 : i32
        %get3A_567 = arith.index_cast %get3A_566 : i32 to index
        %get3A_568 = arith.index_cast %scan3A_516 : i32 to index
        %get3A_569 = arith.constant 48 : index
        %get3A_570 = tpu.vector_load %arg9[%get3A_567, %get3A_568, %get3A_569] {strides = array<i32>} : memref<4x80x80xf32, #tpu.memory_space<vmem>>, vector<1x1x16xf32>,
        %get3A_571 = vector.shape_cast %get3A_570 : vector<1x1x16xf32> to vector<16xf32>
        %mul3A_572 = arith.mulf %get3A_571, %exp3A : vector<16xf32>
        %swap3A_573 = arith.constant 1 : i32
        %swap3A_574 = arith.index_cast %swap3A_573 : i32 to index
        %swap3A_575 = arith.index_cast %scan3A_516 : i32 to index
        %swap3A_576 = arith.constant 48 : index
        %swap3A_577 = tpu.vector_load %arg10[%swap3A_574, %swap3A_575, %swap3A_576] {strides = array<i32>} : memref<4x80x80xf32, #tpu.memory_space<vmem>>, vector<1x1x16xf32>,
        %swap3A_578 = vector.shape_cast %swap3A_577 : vector<1x1x16xf32> to vector<16xf32>
        %swap3A_579 = vector.shape_cast %mul3A_572 : vector<16xf32> to vector<1x1x16xf32>
        tpu.vector_store %arg10[%swap3A_574, %swap3A_575, %swap3A_576], %swap3A_579 {strides = array<i32>} : memref<4x80x80xf32, #tpu.memory_space<vmem>>, vector<1x1x16xf32>,
        %get3A_580 = arith.constant 1 : i32
        %get3A_581 = arith.index_cast %get3A_580 : i32 to index
        %get3A_582 = arith.index_cast %scan3A_516 : i32 to index
        %get3A_583 = arith.constant 64 : index
        %get3A_584 = tpu.vector_load %arg9[%get3A_581, %get3A_582, %get3A_583] {strides = array<i32>} : memref<4x80x80xf32, #tpu.memory_space<vmem>>, vector<1x1x16xf32>,
        %get3A_585 = vector.shape_cast %get3A_584 : vector<1x1x16xf32> to vector<16xf32>
        %mul3A_586 = arith.mulf %get3A_585, %exp3A : vector<16xf32>
        %swap3A_587 = arith.constant 1 : i32
        %swap3A_588 = arith.index_cast %swap3A_587 : i32 to index
        %swap3A_589 = arith.index_cast %scan3A_516 : i32 to index
        %swap3A_590 = arith.constant 64 : index
        %swap3A_591 = tpu.vector_load %arg10[%swap3A_588, %swap3A_589, %swap3A_590] {strides = array<i32>} : memref<4x80x80xf32, #tpu.memory_space<vmem>>, vector<1x1x16xf32>,
        %swap3A_592 = vector.shape_cast %swap3A_591 : vector<1x1x16xf32> to vector<16xf32>
        %swap3A_593 = vector.shape_cast %mul3A_586 : vector<16xf32> to vector<1x1x16xf32>
        tpu.vector_store %arg10[%swap3A_588, %swap3A_589, %swap3A_590], %swap3A_593 {strides = array<i32>} : memref<4x80x80xf32, #tpu.memory_space<vmem>>, vector<1x1x16xf32>,
      }
      %scan3A_387 = arith.constant 80 : i32
      %dma_start3A_388 = arith.constant 1 : i32
      %dma_start3A_389 = arith.constant 0 : i32
      %dma_start3A_390 = arith.constant 0 : i32
      %dma_start3A_391 = tpu.memref_slice %arg10[%dma_start3A_388, %dma_start3A_389, %dma_start3A_390] : memref<4x80x80xf32, #tpu.memory_space<vmem>> -> memref<1x80x80xf32, #tpu.memory_space<vmem>>
      %dma_start3A_392 = tpu.memref_squeeze %dma_start3A_391 : memref<1x80x80xf32, #tpu.memory_space<vmem>> -> memref<80x80xf32, #tpu.memory_space<vmem>>
      %dma_start3A_393 = arith.constant 0 : i32
      %dma_start3A_394 = tpu.memref_slice %arg7[%add3A_354, %dma_start3A_393] : memref<125x80xi32, #tpu.memory_space<vmem>> -> memref<1x80xi32, #tpu.memory_space<vmem>>
      %dma_start3A_395 = tpu.memref_squeeze %dma_start3A_394 : memref<1x80xi32, #tpu.memory_space<vmem>> -> memref<80xi32, #tpu.memory_space<vmem>>
      %dma_start3A_396 = arith.constant 0 : i32
      %dma_start3A_397 = arith.constant 0 : i32
      %dma_start3A_398 = tpu.memref_slice %arg11[%dma_start3A_396, %dma_start3A_397] : memref<10240x80xf32, #tpu.memory_space<vmem_shared>> -> memref<10240x80xf32, #tpu.memory_space<vmem_shared>>
      tpu.enqueue_indirect_dma source(%dma_start3A_392 : memref<80x80xf32, #tpu.memory_space<vmem>>) target(%dma_start3A_398 : memref<10240x80xf32, #tpu.memory_space<vmem_shared>>) offsets(%dma_start3A_395 : memref<80xi32, #tpu.memory_space<vmem>>) semaphore(%arg17 : memref<!tpu.dma_semaphore, #tpu.memory_space<semaphore_mem>>) {add = true}
      %add3A_399 = arith.constant 4 : i32
      %add3A_400 = arith.addi %add3A_354, %add3A_399 : i32
      %lt3A_401 = arith.constant 125 : i32
      %lt3A_402 = arith.cmpi slt, %add3A_400, %lt3A_401 : i32
      %convert_element_type3A_403 = arith.extui %lt3A_402 : i1 to i32
      %cond3A_404 = arith.constant 0 : i32
      %cond3A_405 = arith.cmpi ne, %convert_element_type3A_403, %cond3A_404 : i32
      scf.if %cond3A_405 {
        %add3A_516 = arith.constant 4 : i32
        %add3A_517 = arith.addi %add3A_354, %add3A_516 : i32
        %dma_start3A_518 = arith.constant 1 : i32
        %dma_start3A_519 = arith.constant 0 : i32
        %dma_start3A_520 = arith.constant 0 : i32
        %dma_start3A_521 = tpu.memref_slice %arg9[%dma_start3A_518, %dma_start3A_519, %dma_start3A_520] : memref<4x80x80xf32, #tpu.memory_space<vmem>> -> memref<1x80x80xf32, #tpu.memory_space<vmem>>
        %dma_start3A_522 = tpu.memref_squeeze %dma_start3A_521 : memref<1x80x80xf32, #tpu.memory_space<vmem>> -> memref<80x80xf32, #tpu.memory_space<vmem>>
        %dma_start3A_523 = arith.constant 0 : i32
        %dma_start3A_524 = tpu.memref_slice %arg6[%add3A_517, %dma_start3A_523] : memref<125x80xi32, #tpu.memory_space<vmem>> -> memref<1x80xi32, #tpu.memory_space<vmem>>
        %dma_start3A_525 = tpu.memref_squeeze %dma_start3A_524 : memref<1x80xi32, #tpu.memory_space<vmem>> -> memref<80xi32, #tpu.memory_space<vmem>>
        %dma_start3A_526 = arith.constant 0 : i32
        %dma_start3A_527 = arith.constant 0 : i32
        %dma_start3A_528 = tpu.memref_slice %arg3[%dma_start3A_526, %dma_start3A_527] : memref<10240x80xf32, #tpu.memory_space<hbm>> -> memref<10240x80xf32, #tpu.memory_space<hbm>>
        tpu.enqueue_indirect_dma source(%dma_start3A_528 : memref<10240x80xf32, #tpu.memory_space<hbm>>) target(%dma_start3A_522 : memref<80x80xf32, #tpu.memory_space<vmem>>) offsets(%dma_start3A_525 : memref<80xi32, #tpu.memory_space<vmem>>) semaphore(%arg13 : memref<!tpu.dma_semaphore, #tpu.memory_space<semaphore_mem>>)
        %add3A_529 = arith.constant 4 : i32
        %add3A_530 = arith.addi %add3A_354, %add3A_529 : i32
        %dma_start3A_531 = arith.constant 1 : i32
        %dma_start3A_532 = arith.constant 0 : i32
        %dma_start3A_533 = arith.constant 0 : i32
        %dma_start3A_534 = tpu.memref_slice %arg8[%dma_start3A_531, %dma_start3A_532, %dma_start3A_533] : memref<4x80x16xf32, #tpu.memory_space<vmem>> -> memref<1x80x16xf32, #tpu.memory_space<vmem>>
        %dma_start3A_535 = tpu.memref_squeeze %dma_start3A_534 : memref<1x80x16xf32, #tpu.memory_space<vmem>> -> memref<80x16xf32, #tpu.memory_space<vmem>>
        %dma_start3A_536 = arith.constant 0 : i32
        %dma_start3A_537 = tpu.memref_slice %arg7[%add3A_530, %dma_start3A_536] : memref<125x80xi32, #tpu.memory_space<vmem>> -> memref<1x80xi32, #tpu.memory_space<vmem>>
        %dma_start3A_538 = tpu.memref_squeeze %dma_start3A_537 : memref<1x80xi32, #tpu.memory_space<vmem>> -> memref<80xi32, #tpu.memory_space<vmem>>
        %dma_start3A_539 = arith.constant 0 : i32
        %dma_start3A_540 = arith.constant 0 : i32
        %dma_start3A_541 = tpu.memref_slice %arg4[%dma_start3A_539, %dma_start3A_540] : memref<10240x16xf32, #tpu.memory_space<hbm>> -> memref<10240x16xf32, #tpu.memory_space<hbm>>
        tpu.enqueue_indirect_dma source(%dma_start3A_541 : memref<10240x16xf32, #tpu.memory_space<hbm>>) target(%dma_start3A_535 : memref<80x16xf32, #tpu.memory_space<vmem>>) offsets(%dma_start3A_538 : memref<80xi32, #tpu.memory_space<vmem>>) semaphore(%arg13 : memref<!tpu.dma_semaphore, #tpu.memory_space<semaphore_mem>>)
      } else {
      }
      %mul3A_406 = arith.constant 4 : i32
      %mul3A_407 = arith.muli %scan3A_299, %mul3A_406 : i32
      %add3A_408 = arith.constant 2 : i32
      %add3A_409 = arith.addi %mul3A_407, %add3A_408 : i32
      %dma_wait3A_410 = arith.constant 2 : i32
      %dma_wait3A_411 = arith.constant 0 : i32
      %dma_wait3A_412 = arith.constant 0 : i32
      %dma_wait3A_413 = tpu.memref_slice %arg9[%dma_wait3A_410, %dma_wait3A_411, %dma_wait3A_412] : memref<4x80x80xf32, #tpu.memory_space<vmem>> -> memref<1x80x80xf32, #tpu.memory_space<vmem>>
      %dma_wait3A_414 = tpu.memref_squeeze %dma_wait3A_413 : memref<1x80x80xf32, #tpu.memory_space<vmem>> -> memref<80x80xf32, #tpu.memory_space<vmem>>
      %dma_wait3A_415 = arith.constant 0 : i32
      %dma_wait3A_416 = tpu.memref_slice %arg6[%add3A_409, %dma_wait3A_415] : memref<125x80xi32, #tpu.memory_space<vmem>> -> memref<1x80xi32, #tpu.memory_space<vmem>>
      %dma_wait3A_417 = tpu.memref_squeeze %dma_wait3A_416 : memref<1x80xi32, #tpu.memory_space<vmem>> -> memref<80xi32, #tpu.memory_space<vmem>>
      %dma_wait3A_418 = arith.constant 0 : i32
      %dma_wait3A_419 = arith.constant 0 : i32
      %dma_wait3A_420 = tpu.memref_slice %arg3[%dma_wait3A_418, %dma_wait3A_419] : memref<10240x80xf32, #tpu.memory_space<hbm>> -> memref<10240x80xf32, #tpu.memory_space<hbm>>
      tpu.wait_indirect_dma semaphore(%arg14 : memref<!tpu.dma_semaphore, #tpu.memory_space<semaphore_mem>>) src(%dma_wait3A_420 : memref<10240x80xf32, #tpu.memory_space<hbm>>) dst(%dma_wait3A_414 : memref<80x80xf32, #tpu.memory_space<vmem>>)
      %dma_wait3A_421 = arith.constant 2 : i32
      %dma_wait3A_422 = arith.constant 0 : i32
      %dma_wait3A_423 = arith.constant 0 : i32
      %dma_wait3A_424 = tpu.memref_slice %arg8[%dma_wait3A_421, %dma_wait3A_422, %dma_wait3A_423] : memref<4x80x16xf32, #tpu.memory_space<vmem>> -> memref<1x80x16xf32, #tpu.memory_space<vmem>>
      %dma_wait3A_425 = tpu.memref_squeeze %dma_wait3A_424 : memref<1x80x16xf32, #tpu.memory_space<vmem>> -> memref<80x16xf32, #tpu.memory_space<vmem>>
      %dma_wait3A_426 = arith.constant 0 : i32
      %dma_wait3A_427 = tpu.memref_slice %arg7[%add3A_409, %dma_wait3A_426] : memref<125x80xi32, #tpu.memory_space<vmem>> -> memref<1x80xi32, #tpu.memory_space<vmem>>
      %dma_wait3A_428 = tpu.memref_squeeze %dma_wait3A_427 : memref<1x80xi32, #tpu.memory_space<vmem>> -> memref<80xi32, #tpu.memory_space<vmem>>
      %dma_wait3A_429 = arith.constant 0 : i32
      %dma_wait3A_430 = arith.constant 0 : i32
      %dma_wait3A_431 = tpu.memref_slice %arg4[%dma_wait3A_429, %dma_wait3A_430] : memref<10240x16xf32, #tpu.memory_space<hbm>> -> memref<10240x16xf32, #tpu.memory_space<hbm>>
      tpu.wait_indirect_dma semaphore(%arg14 : memref<!tpu.dma_semaphore, #tpu.memory_space<semaphore_mem>>) src(%dma_wait3A_431 : memref<10240x16xf32, #tpu.memory_space<hbm>>) dst(%dma_wait3A_425 : memref<80x16xf32, #tpu.memory_space<vmem>>)
      %gt3A_432 = arith.constant 0 : i32
      %gt3A_433 = arith.cmpi sgt, %scan3A_299, %gt3A_432 : i32
      %convert_element_type3A_434 = arith.extui %gt3A_433 : i1 to i32
      %cond3A_435 = arith.constant 0 : i32
      %cond3A_436 = arith.cmpi ne, %convert_element_type3A_434, %cond3A_435 : i32
      scf.if %cond3A_436 {
        %dma_wait3A_516 = arith.constant 2 : i32
        %dma_wait3A_517 = arith.constant 0 : i32
        %dma_wait3A_518 = arith.constant 0 : i32
        %dma_wait3A_519 = arith.constant 0 : i32
        %dma_wait3A_520 = tpu.memref_slice %arg10[%dma_wait3A_516, %dma_wait3A_518, %dma_wait3A_519] : memref<4x80x80xf32, #tpu.memory_space<vmem>> -> memref<1x80x80xf32, #tpu.memory_space<vmem>>
        %dma_wait3A_521 = tpu.memref_squeeze %dma_wait3A_520 : memref<1x80x80xf32, #tpu.memory_space<vmem>> -> memref<80x80xf32, #tpu.memory_space<vmem>>
        %dma_wait3A_522 = arith.constant 0 : i32
        %dma_wait3A_523 = tpu.memref_slice %arg7[%dma_wait3A_517, %dma_wait3A_522] : memref<125x80xi32, #tpu.memory_space<vmem>> -> memref<1x80xi32, #tpu.memory_space<vmem>>
        %dma_wait3A_524 = tpu.memref_squeeze %dma_wait3A_523 : memref<1x80xi32, #tpu.memory_space<vmem>> -> memref<80xi32, #tpu.memory_space<vmem>>
        %dma_wait3A_525 = arith.constant 0 : i32
        %dma_wait3A_526 = arith.constant 0 : i32
        %dma_wait3A_527 = tpu.memref_slice %arg11[%dma_wait3A_525, %dma_wait3A_526] : memref<10240x80xf32, #tpu.memory_space<vmem_shared>> -> memref<10240x80xf32, #tpu.memory_space<vmem_shared>>
        tpu.wait_indirect_dma semaphore(%arg18 : memref<!tpu.dma_semaphore, #tpu.memory_space<semaphore_mem>>) src(%dma_wait3A_521 : memref<80x80xf32, #tpu.memory_space<vmem>>) dst(%dma_wait3A_527 : memref<10240x80xf32, #tpu.memory_space<vmem_shared>>)
      } else {
      }
      %scan3A_437 = arith.constant 0 : i32
      %scan3A_438 = arith.constant 0 : i32
      %scan3A_439 = arith.constant 80 : i32
      %scan3A_440 = arith.addi %scan3A_438, %scan3A_439 : i32
      %scan3A_441 = arith.constant 1 : i32
      scf.for %scan3A_516 = %scan3A_438 to %scan3A_440 step %scan3A_441  : i32 {
        %get3A = arith.constant 2 : i32
        %get3A_517 = arith.index_cast %get3A : i32 to index
        %get3A_518 = arith.index_cast %scan3A_516 : i32 to index
        %get3A_519 = arith.constant 0 : index
        %get3A_520 = tpu.vector_load %arg9[%get3A_517, %get3A_518, %get3A_519] {strides = array<i32>} : memref<4x80x80xf32, #tpu.memory_space<vmem>>, vector<1x1x16xf32>,
        %get3A_521 = vector.shape_cast %get3A_520 : vector<1x1x16xf32> to vector<16xf32>
        %get3A_522 = arith.constant 2 : i32
        %get3A_523 = arith.index_cast %get3A_522 : i32 to index
        %get3A_524 = arith.index_cast %scan3A_516 : i32 to index
        %get3A_525 = arith.constant 0 : index
        %get3A_526 = tpu.vector_load %arg8[%get3A_523, %get3A_524, %get3A_525] {strides = array<i32>} : memref<4x80x16xf32, #tpu.memory_space<vmem>>, vector<1x1x16xf32>,
        %get3A_527 = vector.shape_cast %get3A_526 : vector<1x1x16xf32> to vector<16xf32>
        %add3A_528 = arith.addf %get3A_521, %get3A_527 : vector<16xf32>
        %mul3A_529 = arith.constant 2.000000e-01 : f32
        %mul3A_530 = vector.broadcast %mul3A_529 : f32 to vector<16xf32>
        %mul3A_531 = arith.mulf %mul3A_530, %add3A_528 : vector<16xf32>
        %max3A = arith.maximumf %add3A_528, %mul3A_531 : vector<16xf32>
        %exp3A = math.exp %max3A : vector<16xf32>
        %swap3A = arith.constant 2 : i32
        %swap3A_532 = arith.index_cast %swap3A : i32 to index
        %swap3A_533 = arith.index_cast %scan3A_516 : i32 to index
        %swap3A_534 = arith.constant 0 : index
        %swap3A_535 = tpu.vector_load %arg10[%swap3A_532, %swap3A_533, %swap3A_534] {strides = array<i32>} : memref<4x80x80xf32, #tpu.memory_space<vmem>>, vector<1x1x16xf32>,
        %swap3A_536 = vector.shape_cast %swap3A_535 : vector<1x1x16xf32> to vector<16xf32>
        %swap3A_537 = vector.shape_cast %exp3A : vector<16xf32> to vector<1x1x16xf32>
        tpu.vector_store %arg10[%swap3A_532, %swap3A_533, %swap3A_534], %swap3A_537 {strides = array<i32>} : memref<4x80x80xf32, #tpu.memory_space<vmem>>, vector<1x1x16xf32>,
        %get3A_538 = arith.constant 2 : i32
        %get3A_539 = arith.index_cast %get3A_538 : i32 to index
        %get3A_540 = arith.index_cast %scan3A_516 : i32 to index
        %get3A_541 = arith.constant 16 : index
        %get3A_542 = tpu.vector_load %arg9[%get3A_539, %get3A_540, %get3A_541] {strides = array<i32>} : memref<4x80x80xf32, #tpu.memory_space<vmem>>, vector<1x1x16xf32>,
        %get3A_543 = vector.shape_cast %get3A_542 : vector<1x1x16xf32> to vector<16xf32>
        %mul3A_544 = arith.mulf %get3A_543, %exp3A : vector<16xf32>
        %swap3A_545 = arith.constant 2 : i32
        %swap3A_546 = arith.index_cast %swap3A_545 : i32 to index
        %swap3A_547 = arith.index_cast %scan3A_516 : i32 to index
        %swap3A_548 = arith.constant 16 : index
        %swap3A_549 = tpu.vector_load %arg10[%swap3A_546, %swap3A_547, %swap3A_548] {strides = array<i32>} : memref<4x80x80xf32, #tpu.memory_space<vmem>>, vector<1x1x16xf32>,
        %swap3A_550 = vector.shape_cast %swap3A_549 : vector<1x1x16xf32> to vector<16xf32>
        %swap3A_551 = vector.shape_cast %mul3A_544 : vector<16xf32> to vector<1x1x16xf32>
        tpu.vector_store %arg10[%swap3A_546, %swap3A_547, %swap3A_548], %swap3A_551 {strides = array<i32>} : memref<4x80x80xf32, #tpu.memory_space<vmem>>, vector<1x1x16xf32>,
        %get3A_552 = arith.constant 2 : i32
        %get3A_553 = arith.index_cast %get3A_552 : i32 to index
        %get3A_554 = arith.index_cast %scan3A_516 : i32 to index
        %get3A_555 = arith.constant 32 : index
        %get3A_556 = tpu.vector_load %arg9[%get3A_553, %get3A_554, %get3A_555] {strides = array<i32>} : memref<4x80x80xf32, #tpu.memory_space<vmem>>, vector<1x1x16xf32>,
        %get3A_557 = vector.shape_cast %get3A_556 : vector<1x1x16xf32> to vector<16xf32>
        %mul3A_558 = arith.mulf %get3A_557, %exp3A : vector<16xf32>
        %swap3A_559 = arith.constant 2 : i32
        %swap3A_560 = arith.index_cast %swap3A_559 : i32 to index
        %swap3A_561 = arith.index_cast %scan3A_516 : i32 to index
        %swap3A_562 = arith.constant 32 : index
        %swap3A_563 = tpu.vector_load %arg10[%swap3A_560, %swap3A_561, %swap3A_562] {strides = array<i32>} : memref<4x80x80xf32, #tpu.memory_space<vmem>>, vector<1x1x16xf32>,
        %swap3A_564 = vector.shape_cast %swap3A_563 : vector<1x1x16xf32> to vector<16xf32>
        %swap3A_565 = vector.shape_cast %mul3A_558 : vector<16xf32> to vector<1x1x16xf32>
        tpu.vector_store %arg10[%swap3A_560, %swap3A_561, %swap3A_562], %swap3A_565 {strides = array<i32>} : memref<4x80x80xf32, #tpu.memory_space<vmem>>, vector<1x1x16xf32>,
        %get3A_566 = arith.constant 2 : i32
        %get3A_567 = arith.index_cast %get3A_566 : i32 to index
        %get3A_568 = arith.index_cast %scan3A_516 : i32 to index
        %get3A_569 = arith.constant 48 : index
        %get3A_570 = tpu.vector_load %arg9[%get3A_567, %get3A_568, %get3A_569] {strides = array<i32>} : memref<4x80x80xf32, #tpu.memory_space<vmem>>, vector<1x1x16xf32>,
        %get3A_571 = vector.shape_cast %get3A_570 : vector<1x1x16xf32> to vector<16xf32>
        %mul3A_572 = arith.mulf %get3A_571, %exp3A : vector<16xf32>
        %swap3A_573 = arith.constant 2 : i32
        %swap3A_574 = arith.index_cast %swap3A_573 : i32 to index
        %swap3A_575 = arith.index_cast %scan3A_516 : i32 to index
        %swap3A_576 = arith.constant 48 : index
        %swap3A_577 = tpu.vector_load %arg10[%swap3A_574, %swap3A_575, %swap3A_576] {strides = array<i32>} : memref<4x80x80xf32, #tpu.memory_space<vmem>>, vector<1x1x16xf32>,
        %swap3A_578 = vector.shape_cast %swap3A_577 : vector<1x1x16xf32> to vector<16xf32>
        %swap3A_579 = vector.shape_cast %mul3A_572 : vector<16xf32> to vector<1x1x16xf32>
        tpu.vector_store %arg10[%swap3A_574, %swap3A_575, %swap3A_576], %swap3A_579 {strides = array<i32>} : memref<4x80x80xf32, #tpu.memory_space<vmem>>, vector<1x1x16xf32>,
        %get3A_580 = arith.constant 2 : i32
        %get3A_581 = arith.index_cast %get3A_580 : i32 to index
        %get3A_582 = arith.index_cast %scan3A_516 : i32 to index
        %get3A_583 = arith.constant 64 : index
        %get3A_584 = tpu.vector_load %arg9[%get3A_581, %get3A_582, %get3A_583] {strides = array<i32>} : memref<4x80x80xf32, #tpu.memory_space<vmem>>, vector<1x1x16xf32>,
        %get3A_585 = vector.shape_cast %get3A_584 : vector<1x1x16xf32> to vector<16xf32>
        %mul3A_586 = arith.mulf %get3A_585, %exp3A : vector<16xf32>
        %swap3A_587 = arith.constant 2 : i32
        %swap3A_588 = arith.index_cast %swap3A_587 : i32 to index
        %swap3A_589 = arith.index_cast %scan3A_516 : i32 to index
        %swap3A_590 = arith.constant 64 : index
        %swap3A_591 = tpu.vector_load %arg10[%swap3A_588, %swap3A_589, %swap3A_590] {strides = array<i32>} : memref<4x80x80xf32, #tpu.memory_space<vmem>>, vector<1x1x16xf32>,
        %swap3A_592 = vector.shape_cast %swap3A_591 : vector<1x1x16xf32> to vector<16xf32>
        %swap3A_593 = vector.shape_cast %mul3A_586 : vector<16xf32> to vector<1x1x16xf32>
        tpu.vector_store %arg10[%swap3A_588, %swap3A_589, %swap3A_590], %swap3A_593 {strides = array<i32>} : memref<4x80x80xf32, #tpu.memory_space<vmem>>, vector<1x1x16xf32>,
      }
      %scan3A_442 = arith.constant 80 : i32
      %dma_start3A_443 = arith.constant 2 : i32
      %dma_start3A_444 = arith.constant 0 : i32
      %dma_start3A_445 = arith.constant 0 : i32
      %dma_start3A_446 = tpu.memref_slice %arg10[%dma_start3A_443, %dma_start3A_444, %dma_start3A_445] : memref<4x80x80xf32, #tpu.memory_space<vmem>> -> memref<1x80x80xf32, #tpu.memory_space<vmem>>
      %dma_start3A_447 = tpu.memref_squeeze %dma_start3A_446 : memref<1x80x80xf32, #tpu.memory_space<vmem>> -> memref<80x80xf32, #tpu.memory_space<vmem>>
      %dma_start3A_448 = arith.constant 0 : i32
      %dma_start3A_449 = tpu.memref_slice %arg7[%add3A_409, %dma_start3A_448] : memref<125x80xi32, #tpu.memory_space<vmem>> -> memref<1x80xi32, #tpu.memory_space<vmem>>
      %dma_start3A_450 = tpu.memref_squeeze %dma_start3A_449 : memref<1x80xi32, #tpu.memory_space<vmem>> -> memref<80xi32, #tpu.memory_space<vmem>>
      %dma_start3A_451 = arith.constant 0 : i32
      %dma_start3A_452 = arith.constant 0 : i32
      %dma_start3A_453 = tpu.memref_slice %arg11[%dma_start3A_451, %dma_start3A_452] : memref<10240x80xf32, #tpu.memory_space<vmem_shared>> -> memref<10240x80xf32, #tpu.memory_space<vmem_shared>>
      tpu.enqueue_indirect_dma source(%dma_start3A_447 : memref<80x80xf32, #tpu.memory_space<vmem>>) target(%dma_start3A_453 : memref<10240x80xf32, #tpu.memory_space<vmem_shared>>) offsets(%dma_start3A_450 : memref<80xi32, #tpu.memory_space<vmem>>) semaphore(%arg18 : memref<!tpu.dma_semaphore, #tpu.memory_space<semaphore_mem>>) {add = true}
      %add3A_454 = arith.constant 4 : i32
      %add3A_455 = arith.addi %add3A_409, %add3A_454 : i32
      %lt3A_456 = arith.constant 125 : i32
      %lt3A_457 = arith.cmpi slt, %add3A_455, %lt3A_456 : i32
      %convert_element_type3A_458 = arith.extui %lt3A_457 : i1 to i32
      %cond3A_459 = arith.constant 0 : i32
      %cond3A_460 = arith.cmpi ne, %convert_element_type3A_458, %cond3A_459 : i32
      scf.if %cond3A_460 {
        %add3A_516 = arith.constant 4 : i32
        %add3A_517 = arith.addi %add3A_409, %add3A_516 : i32
        %dma_start3A_518 = arith.constant 2 : i32
        %dma_start3A_519 = arith.constant 0 : i32
        %dma_start3A_520 = arith.constant 0 : i32
        %dma_start3A_521 = tpu.memref_slice %arg9[%dma_start3A_518, %dma_start3A_519, %dma_start3A_520] : memref<4x80x80xf32, #tpu.memory_space<vmem>> -> memref<1x80x80xf32, #tpu.memory_space<vmem>>
        %dma_start3A_522 = tpu.memref_squeeze %dma_start3A_521 : memref<1x80x80xf32, #tpu.memory_space<vmem>> -> memref<80x80xf32, #tpu.memory_space<vmem>>
        %dma_start3A_523 = arith.constant 0 : i32
        %dma_start3A_524 = tpu.memref_slice %arg6[%add3A_517, %dma_start3A_523] : memref<125x80xi32, #tpu.memory_space<vmem>> -> memref<1x80xi32, #tpu.memory_space<vmem>>
        %dma_start3A_525 = tpu.memref_squeeze %dma_start3A_524 : memref<1x80xi32, #tpu.memory_space<vmem>> -> memref<80xi32, #tpu.memory_space<vmem>>
        %dma_start3A_526 = arith.constant 0 : i32
        %dma_start3A_527 = arith.constant 0 : i32
        %dma_start3A_528 = tpu.memref_slice %arg3[%dma_start3A_526, %dma_start3A_527] : memref<10240x80xf32, #tpu.memory_space<hbm>> -> memref<10240x80xf32, #tpu.memory_space<hbm>>
        tpu.enqueue_indirect_dma source(%dma_start3A_528 : memref<10240x80xf32, #tpu.memory_space<hbm>>) target(%dma_start3A_522 : memref<80x80xf32, #tpu.memory_space<vmem>>) offsets(%dma_start3A_525 : memref<80xi32, #tpu.memory_space<vmem>>) semaphore(%arg14 : memref<!tpu.dma_semaphore, #tpu.memory_space<semaphore_mem>>)
        %add3A_529 = arith.constant 4 : i32
        %add3A_530 = arith.addi %add3A_409, %add3A_529 : i32
        %dma_start3A_531 = arith.constant 2 : i32
        %dma_start3A_532 = arith.constant 0 : i32
        %dma_start3A_533 = arith.constant 0 : i32
        %dma_start3A_534 = tpu.memref_slice %arg8[%dma_start3A_531, %dma_start3A_532, %dma_start3A_533] : memref<4x80x16xf32, #tpu.memory_space<vmem>> -> memref<1x80x16xf32, #tpu.memory_space<vmem>>
        %dma_start3A_535 = tpu.memref_squeeze %dma_start3A_534 : memref<1x80x16xf32, #tpu.memory_space<vmem>> -> memref<80x16xf32, #tpu.memory_space<vmem>>
        %dma_start3A_536 = arith.constant 0 : i32
        %dma_start3A_537 = tpu.memref_slice %arg7[%add3A_530, %dma_start3A_536] : memref<125x80xi32, #tpu.memory_space<vmem>> -> memref<1x80xi32, #tpu.memory_space<vmem>>
        %dma_start3A_538 = tpu.memref_squeeze %dma_start3A_537 : memref<1x80xi32, #tpu.memory_space<vmem>> -> memref<80xi32, #tpu.memory_space<vmem>>
        %dma_start3A_539 = arith.constant 0 : i32
        %dma_start3A_540 = arith.constant 0 : i32
        %dma_start3A_541 = tpu.memref_slice %arg4[%dma_start3A_539, %dma_start3A_540] : memref<10240x16xf32, #tpu.memory_space<hbm>> -> memref<10240x16xf32, #tpu.memory_space<hbm>>
        tpu.enqueue_indirect_dma source(%dma_start3A_541 : memref<10240x16xf32, #tpu.memory_space<hbm>>) target(%dma_start3A_535 : memref<80x16xf32, #tpu.memory_space<vmem>>) offsets(%dma_start3A_538 : memref<80xi32, #tpu.memory_space<vmem>>) semaphore(%arg14 : memref<!tpu.dma_semaphore, #tpu.memory_space<semaphore_mem>>)
      } else {
      }
      %mul3A_461 = arith.constant 4 : i32
      %mul3A_462 = arith.muli %scan3A_299, %mul3A_461 : i32
      %add3A_463 = arith.constant 3 : i32
      %add3A_464 = arith.addi %mul3A_462, %add3A_463 : i32
      %dma_wait3A_465 = arith.constant 3 : i32
      %dma_wait3A_466 = arith.constant 0 : i32
      %dma_wait3A_467 = arith.constant 0 : i32
      %dma_wait3A_468 = tpu.memref_slice %arg9[%dma_wait3A_465, %dma_wait3A_466, %dma_wait3A_467] : memref<4x80x80xf32, #tpu.memory_space<vmem>> -> memref<1x80x80xf32, #tpu.memory_space<vmem>>
      %dma_wait3A_469 = tpu.memref_squeeze %dma_wait3A_468 : memref<1x80x80xf32, #tpu.memory_space<vmem>> -> memref<80x80xf32, #tpu.memory_space<vmem>>
      %dma_wait3A_470 = arith.constant 0 : i32
      %dma_wait3A_471 = tpu.memref_slice %arg6[%add3A_464, %dma_wait3A_470] : memref<125x80xi32, #tpu.memory_space<vmem>> -> memref<1x80xi32, #tpu.memory_space<vmem>>
      %dma_wait3A_472 = tpu.memref_squeeze %dma_wait3A_471 : memref<1x80xi32, #tpu.memory_space<vmem>> -> memref<80xi32, #tpu.memory_space<vmem>>
      %dma_wait3A_473 = arith.constant 0 : i32
      %dma_wait3A_474 = arith.constant 0 : i32
      %dma_wait3A_475 = tpu.memref_slice %arg3[%dma_wait3A_473, %dma_wait3A_474] : memref<10240x80xf32, #tpu.memory_space<hbm>> -> memref<10240x80xf32, #tpu.memory_space<hbm>>
      tpu.wait_indirect_dma semaphore(%arg15 : memref<!tpu.dma_semaphore, #tpu.memory_space<semaphore_mem>>) src(%dma_wait3A_475 : memref<10240x80xf32, #tpu.memory_space<hbm>>) dst(%dma_wait3A_469 : memref<80x80xf32, #tpu.memory_space<vmem>>)
      %dma_wait3A_476 = arith.constant 3 : i32
      %dma_wait3A_477 = arith.constant 0 : i32
      %dma_wait3A_478 = arith.constant 0 : i32
      %dma_wait3A_479 = tpu.memref_slice %arg8[%dma_wait3A_476, %dma_wait3A_477, %dma_wait3A_478] : memref<4x80x16xf32, #tpu.memory_space<vmem>> -> memref<1x80x16xf32, #tpu.memory_space<vmem>>
      %dma_wait3A_480 = tpu.memref_squeeze %dma_wait3A_479 : memref<1x80x16xf32, #tpu.memory_space<vmem>> -> memref<80x16xf32, #tpu.memory_space<vmem>>
      %dma_wait3A_481 = arith.constant 0 : i32
      %dma_wait3A_482 = tpu.memref_slice %arg7[%add3A_464, %dma_wait3A_481] : memref<125x80xi32, #tpu.memory_space<vmem>> -> memref<1x80xi32, #tpu.memory_space<vmem>>
      %dma_wait3A_483 = tpu.memref_squeeze %dma_wait3A_482 : memref<1x80xi32, #tpu.memory_space<vmem>> -> memref<80xi32, #tpu.memory_space<vmem>>
      %dma_wait3A_484 = arith.constant 0 : i32
      %dma_wait3A_485 = arith.constant 0 : i32
      %dma_wait3A_486 = tpu.memref_slice %arg4[%dma_wait3A_484, %dma_wait3A_485] : memref<10240x16xf32, #tpu.memory_space<hbm>> -> memref<10240x16xf32, #tpu.memory_space<hbm>>
      tpu.wait_indirect_dma semaphore(%arg15 : memref<!tpu.dma_semaphore, #tpu.memory_space<semaphore_mem>>) src(%dma_wait3A_486 : memref<10240x16xf32, #tpu.memory_space<hbm>>) dst(%dma_wait3A_480 : memref<80x16xf32, #tpu.memory_space<vmem>>)
      %gt3A_487 = arith.constant 0 : i32
      %gt3A_488 = arith.cmpi sgt, %scan3A_299, %gt3A_487 : i32
      %convert_element_type3A_489 = arith.extui %gt3A_488 : i1 to i32
      %cond3A_490 = arith.constant 0 : i32
      %cond3A_491 = arith.cmpi ne, %convert_element_type3A_489, %cond3A_490 : i32
      scf.if %cond3A_491 {
        %dma_wait3A_516 = arith.constant 3 : i32
        %dma_wait3A_517 = arith.constant 0 : i32
        %dma_wait3A_518 = arith.constant 0 : i32
        %dma_wait3A_519 = arith.constant 0 : i32
        %dma_wait3A_520 = tpu.memref_slice %arg10[%dma_wait3A_516, %dma_wait3A_518, %dma_wait3A_519] : memref<4x80x80xf32, #tpu.memory_space<vmem>> -> memref<1x80x80xf32, #tpu.memory_space<vmem>>
        %dma_wait3A_521 = tpu.memref_squeeze %dma_wait3A_520 : memref<1x80x80xf32, #tpu.memory_space<vmem>> -> memref<80x80xf32, #tpu.memory_space<vmem>>
        %dma_wait3A_522 = arith.constant 0 : i32
        %dma_wait3A_523 = tpu.memref_slice %arg7[%dma_wait3A_517, %dma_wait3A_522] : memref<125x80xi32, #tpu.memory_space<vmem>> -> memref<1x80xi32, #tpu.memory_space<vmem>>
        %dma_wait3A_524 = tpu.memref_squeeze %dma_wait3A_523 : memref<1x80xi32, #tpu.memory_space<vmem>> -> memref<80xi32, #tpu.memory_space<vmem>>
        %dma_wait3A_525 = arith.constant 0 : i32
        %dma_wait3A_526 = arith.constant 0 : i32
        %dma_wait3A_527 = tpu.memref_slice %arg11[%dma_wait3A_525, %dma_wait3A_526] : memref<10240x80xf32, #tpu.memory_space<vmem_shared>> -> memref<10240x80xf32, #tpu.memory_space<vmem_shared>>
        tpu.wait_indirect_dma semaphore(%arg19 : memref<!tpu.dma_semaphore, #tpu.memory_space<semaphore_mem>>) src(%dma_wait3A_521 : memref<80x80xf32, #tpu.memory_space<vmem>>) dst(%dma_wait3A_527 : memref<10240x80xf32, #tpu.memory_space<vmem_shared>>)
      } else {
      }
      %scan3A_492 = arith.constant 0 : i32
      %scan3A_493 = arith.constant 0 : i32
      %scan3A_494 = arith.constant 80 : i32
      %scan3A_495 = arith.addi %scan3A_493, %scan3A_494 : i32
      %scan3A_496 = arith.constant 1 : i32
      scf.for %scan3A_516 = %scan3A_493 to %scan3A_495 step %scan3A_496  : i32 {
        %get3A = arith.constant 3 : i32
        %get3A_517 = arith.index_cast %get3A : i32 to index
        %get3A_518 = arith.index_cast %scan3A_516 : i32 to index
        %get3A_519 = arith.constant 0 : index
        %get3A_520 = tpu.vector_load %arg9[%get3A_517, %get3A_518, %get3A_519] {strides = array<i32>} : memref<4x80x80xf32, #tpu.memory_space<vmem>>, vector<1x1x16xf32>,
        %get3A_521 = vector.shape_cast %get3A_520 : vector<1x1x16xf32> to vector<16xf32>
        %get3A_522 = arith.constant 3 : i32
        %get3A_523 = arith.index_cast %get3A_522 : i32 to index
        %get3A_524 = arith.index_cast %scan3A_516 : i32 to index
        %get3A_525 = arith.constant 0 : index
        %get3A_526 = tpu.vector_load %arg8[%get3A_523, %get3A_524, %get3A_525] {strides = array<i32>} : memref<4x80x16xf32, #tpu.memory_space<vmem>>, vector<1x1x16xf32>,
        %get3A_527 = vector.shape_cast %get3A_526 : vector<1x1x16xf32> to vector<16xf32>
        %add3A_528 = arith.addf %get3A_521, %get3A_527 : vector<16xf32>
        %mul3A_529 = arith.constant 2.000000e-01 : f32
        %mul3A_530 = vector.broadcast %mul3A_529 : f32 to vector<16xf32>
        %mul3A_531 = arith.mulf %mul3A_530, %add3A_528 : vector<16xf32>
        %max3A = arith.maximumf %add3A_528, %mul3A_531 : vector<16xf32>
        %exp3A = math.exp %max3A : vector<16xf32>
        %swap3A = arith.constant 3 : i32
        %swap3A_532 = arith.index_cast %swap3A : i32 to index
        %swap3A_533 = arith.index_cast %scan3A_516 : i32 to index
        %swap3A_534 = arith.constant 0 : index
        %swap3A_535 = tpu.vector_load %arg10[%swap3A_532, %swap3A_533, %swap3A_534] {strides = array<i32>} : memref<4x80x80xf32, #tpu.memory_space<vmem>>, vector<1x1x16xf32>,
        %swap3A_536 = vector.shape_cast %swap3A_535 : vector<1x1x16xf32> to vector<16xf32>
        %swap3A_537 = vector.shape_cast %exp3A : vector<16xf32> to vector<1x1x16xf32>
        tpu.vector_store %arg10[%swap3A_532, %swap3A_533, %swap3A_534], %swap3A_537 {strides = array<i32>} : memref<4x80x80xf32, #tpu.memory_space<vmem>>, vector<1x1x16xf32>,
        %get3A_538 = arith.constant 3 : i32
        %get3A_539 = arith.index_cast %get3A_538 : i32 to index
        %get3A_540 = arith.index_cast %scan3A_516 : i32 to index
        %get3A_541 = arith.constant 16 : index
        %get3A_542 = tpu.vector_load %arg9[%get3A_539, %get3A_540, %get3A_541] {strides = array<i32>} : memref<4x80x80xf32, #tpu.memory_space<vmem>>, vector<1x1x16xf32>,
        %get3A_543 = vector.shape_cast %get3A_542 : vector<1x1x16xf32> to vector<16xf32>
        %mul3A_544 = arith.mulf %get3A_543, %exp3A : vector<16xf32>
        %swap3A_545 = arith.constant 3 : i32
        %swap3A_546 = arith.index_cast %swap3A_545 : i32 to index
        %swap3A_547 = arith.index_cast %scan3A_516 : i32 to index
        %swap3A_548 = arith.constant 16 : index
        %swap3A_549 = tpu.vector_load %arg10[%swap3A_546, %swap3A_547, %swap3A_548] {strides = array<i32>} : memref<4x80x80xf32, #tpu.memory_space<vmem>>, vector<1x1x16xf32>,
        %swap3A_550 = vector.shape_cast %swap3A_549 : vector<1x1x16xf32> to vector<16xf32>
        %swap3A_551 = vector.shape_cast %mul3A_544 : vector<16xf32> to vector<1x1x16xf32>
        tpu.vector_store %arg10[%swap3A_546, %swap3A_547, %swap3A_548], %swap3A_551 {strides = array<i32>} : memref<4x80x80xf32, #tpu.memory_space<vmem>>, vector<1x1x16xf32>,
        %get3A_552 = arith.constant 3 : i32
        %get3A_553 = arith.index_cast %get3A_552 : i32 to index
        %get3A_554 = arith.index_cast %scan3A_516 : i32 to index
        %get3A_555 = arith.constant 32 : index
        %get3A_556 = tpu.vector_load %arg9[%get3A_553, %get3A_554, %get3A_555] {strides = array<i32>} : memref<4x80x80xf32, #tpu.memory_space<vmem>>, vector<1x1x16xf32>,
        %get3A_557 = vector.shape_cast %get3A_556 : vector<1x1x16xf32> to vector<16xf32>
        %mul3A_558 = arith.mulf %get3A_557, %exp3A : vector<16xf32>
        %swap3A_559 = arith.constant 3 : i32
        %swap3A_560 = arith.index_cast %swap3A_559 : i32 to index
        %swap3A_561 = arith.index_cast %scan3A_516 : i32 to index
        %swap3A_562 = arith.constant 32 : index
        %swap3A_563 = tpu.vector_load %arg10[%swap3A_560, %swap3A_561, %swap3A_562] {strides = array<i32>} : memref<4x80x80xf32, #tpu.memory_space<vmem>>, vector<1x1x16xf32>,
        %swap3A_564 = vector.shape_cast %swap3A_563 : vector<1x1x16xf32> to vector<16xf32>
        %swap3A_565 = vector.shape_cast %mul3A_558 : vector<16xf32> to vector<1x1x16xf32>
        tpu.vector_store %arg10[%swap3A_560, %swap3A_561, %swap3A_562], %swap3A_565 {strides = array<i32>} : memref<4x80x80xf32, #tpu.memory_space<vmem>>, vector<1x1x16xf32>,
        %get3A_566 = arith.constant 3 : i32
        %get3A_567 = arith.index_cast %get3A_566 : i32 to index
        %get3A_568 = arith.index_cast %scan3A_516 : i32 to index
        %get3A_569 = arith.constant 48 : index
        %get3A_570 = tpu.vector_load %arg9[%get3A_567, %get3A_568, %get3A_569] {strides = array<i32>} : memref<4x80x80xf32, #tpu.memory_space<vmem>>, vector<1x1x16xf32>,
        %get3A_571 = vector.shape_cast %get3A_570 : vector<1x1x16xf32> to vector<16xf32>
        %mul3A_572 = arith.mulf %get3A_571, %exp3A : vector<16xf32>
        %swap3A_573 = arith.constant 3 : i32
        %swap3A_574 = arith.index_cast %swap3A_573 : i32 to index
        %swap3A_575 = arith.index_cast %scan3A_516 : i32 to index
        %swap3A_576 = arith.constant 48 : index
        %swap3A_577 = tpu.vector_load %arg10[%swap3A_574, %swap3A_575, %swap3A_576] {strides = array<i32>} : memref<4x80x80xf32, #tpu.memory_space<vmem>>, vector<1x1x16xf32>,
        %swap3A_578 = vector.shape_cast %swap3A_577 : vector<1x1x16xf32> to vector<16xf32>
        %swap3A_579 = vector.shape_cast %mul3A_572 : vector<16xf32> to vector<1x1x16xf32>
        tpu.vector_store %arg10[%swap3A_574, %swap3A_575, %swap3A_576], %swap3A_579 {strides = array<i32>} : memref<4x80x80xf32, #tpu.memory_space<vmem>>, vector<1x1x16xf32>,
        %get3A_580 = arith.constant 3 : i32
        %get3A_581 = arith.index_cast %get3A_580 : i32 to index
        %get3A_582 = arith.index_cast %scan3A_516 : i32 to index
        %get3A_583 = arith.constant 64 : index
        %get3A_584 = tpu.vector_load %arg9[%get3A_581, %get3A_582, %get3A_583] {strides = array<i32>} : memref<4x80x80xf32, #tpu.memory_space<vmem>>, vector<1x1x16xf32>,
        %get3A_585 = vector.shape_cast %get3A_584 : vector<1x1x16xf32> to vector<16xf32>
        %mul3A_586 = arith.mulf %get3A_585, %exp3A : vector<16xf32>
        %swap3A_587 = arith.constant 3 : i32
        %swap3A_588 = arith.index_cast %swap3A_587 : i32 to index
        %swap3A_589 = arith.index_cast %scan3A_516 : i32 to index
        %swap3A_590 = arith.constant 64 : index
        %swap3A_591 = tpu.vector_load %arg10[%swap3A_588, %swap3A_589, %swap3A_590] {strides = array<i32>} : memref<4x80x80xf32, #tpu.memory_space<vmem>>, vector<1x1x16xf32>,
        %swap3A_592 = vector.shape_cast %swap3A_591 : vector<1x1x16xf32> to vector<16xf32>
        %swap3A_593 = vector.shape_cast %mul3A_586 : vector<16xf32> to vector<1x1x16xf32>
        tpu.vector_store %arg10[%swap3A_588, %swap3A_589, %swap3A_590], %swap3A_593 {strides = array<i32>} : memref<4x80x80xf32, #tpu.memory_space<vmem>>, vector<1x1x16xf32>,
      }
      %scan3A_497 = arith.constant 80 : i32
      %dma_start3A_498 = arith.constant 3 : i32
      %dma_start3A_499 = arith.constant 0 : i32
      %dma_start3A_500 = arith.constant 0 : i32
      %dma_start3A_501 = tpu.memref_slice %arg10[%dma_start3A_498, %dma_start3A_499, %dma_start3A_500] : memref<4x80x80xf32, #tpu.memory_space<vmem>> -> memref<1x80x80xf32, #tpu.memory_space<vmem>>
      %dma_start3A_502 = tpu.memref_squeeze %dma_start3A_501 : memref<1x80x80xf32, #tpu.memory_space<vmem>> -> memref<80x80xf32, #tpu.memory_space<vmem>>
      %dma_start3A_503 = arith.constant 0 : i32
      %dma_start3A_504 = tpu.memref_slice %arg7[%add3A_464, %dma_start3A_503] : memref<125x80xi32, #tpu.memory_space<vmem>> -> memref<1x80xi32, #tpu.memory_space<vmem>>
      %dma_start3A_505 = tpu.memref_squeeze %dma_start3A_504 : memref<1x80xi32, #tpu.memory_space<vmem>> -> memref<80xi32, #tpu.memory_space<vmem>>
      %dma_start3A_506 = arith.constant 0 : i32
      %dma_start3A_507 = arith.constant 0 : i32
      %dma_start3A_508 = tpu.memref_slice %arg11[%dma_start3A_506, %dma_start3A_507] : memref<10240x80xf32, #tpu.memory_space<vmem_shared>> -> memref<10240x80xf32, #tpu.memory_space<vmem_shared>>
      tpu.enqueue_indirect_dma source(%dma_start3A_502 : memref<80x80xf32, #tpu.memory_space<vmem>>) target(%dma_start3A_508 : memref<10240x80xf32, #tpu.memory_space<vmem_shared>>) offsets(%dma_start3A_505 : memref<80xi32, #tpu.memory_space<vmem>>) semaphore(%arg19 : memref<!tpu.dma_semaphore, #tpu.memory_space<semaphore_mem>>) {add = true}
      %add3A_509 = arith.constant 4 : i32
      %add3A_510 = arith.addi %add3A_464, %add3A_509 : i32
      %lt3A_511 = arith.constant 125 : i32
      %lt3A_512 = arith.cmpi slt, %add3A_510, %lt3A_511 : i32
      %convert_element_type3A_513 = arith.extui %lt3A_512 : i1 to i32
      %cond3A_514 = arith.constant 0 : i32
      %cond3A_515 = arith.cmpi ne, %convert_element_type3A_513, %cond3A_514 : i32
      scf.if %cond3A_515 {
        %add3A_516 = arith.constant 4 : i32
        %add3A_517 = arith.addi %add3A_464, %add3A_516 : i32
        %dma_start3A_518 = arith.constant 3 : i32
        %dma_start3A_519 = arith.constant 0 : i32
        %dma_start3A_520 = arith.constant 0 : i32
        %dma_start3A_521 = tpu.memref_slice %arg9[%dma_start3A_518, %dma_start3A_519, %dma_start3A_520] : memref<4x80x80xf32, #tpu.memory_space<vmem>> -> memref<1x80x80xf32, #tpu.memory_space<vmem>>
        %dma_start3A_522 = tpu.memref_squeeze %dma_start3A_521 : memref<1x80x80xf32, #tpu.memory_space<vmem>> -> memref<80x80xf32, #tpu.memory_space<vmem>>
        %dma_start3A_523 = arith.constant 0 : i32
        %dma_start3A_524 = tpu.memref_slice %arg6[%add3A_517, %dma_start3A_523] : memref<125x80xi32, #tpu.memory_space<vmem>> -> memref<1x80xi32, #tpu.memory_space<vmem>>
        %dma_start3A_525 = tpu.memref_squeeze %dma_start3A_524 : memref<1x80xi32, #tpu.memory_space<vmem>> -> memref<80xi32, #tpu.memory_space<vmem>>
        %dma_start3A_526 = arith.constant 0 : i32
        %dma_start3A_527 = arith.constant 0 : i32
        %dma_start3A_528 = tpu.memref_slice %arg3[%dma_start3A_526, %dma_start3A_527] : memref<10240x80xf32, #tpu.memory_space<hbm>> -> memref<10240x80xf32, #tpu.memory_space<hbm>>
        tpu.enqueue_indirect_dma source(%dma_start3A_528 : memref<10240x80xf32, #tpu.memory_space<hbm>>) target(%dma_start3A_522 : memref<80x80xf32, #tpu.memory_space<vmem>>) offsets(%dma_start3A_525 : memref<80xi32, #tpu.memory_space<vmem>>) semaphore(%arg15 : memref<!tpu.dma_semaphore, #tpu.memory_space<semaphore_mem>>)
        %add3A_529 = arith.constant 4 : i32
        %add3A_530 = arith.addi %add3A_464, %add3A_529 : i32
        %dma_start3A_531 = arith.constant 3 : i32
        %dma_start3A_532 = arith.constant 0 : i32
        %dma_start3A_533 = arith.constant 0 : i32
        %dma_start3A_534 = tpu.memref_slice %arg8[%dma_start3A_531, %dma_start3A_532, %dma_start3A_533] : memref<4x80x16xf32, #tpu.memory_space<vmem>> -> memref<1x80x16xf32, #tpu.memory_space<vmem>>
        %dma_start3A_535 = tpu.memref_squeeze %dma_start3A_534 : memref<1x80x16xf32, #tpu.memory_space<vmem>> -> memref<80x16xf32, #tpu.memory_space<vmem>>
        %dma_start3A_536 = arith.constant 0 : i32
        %dma_start3A_537 = tpu.memref_slice %arg7[%add3A_530, %dma_start3A_536] : memref<125x80xi32, #tpu.memory_space<vmem>> -> memref<1x80xi32, #tpu.memory_space<vmem>>
        %dma_start3A_538 = tpu.memref_squeeze %dma_start3A_537 : memref<1x80xi32, #tpu.memory_space<vmem>> -> memref<80xi32, #tpu.memory_space<vmem>>
        %dma_start3A_539 = arith.constant 0 : i32
        %dma_start3A_540 = arith.constant 0 : i32
        %dma_start3A_541 = tpu.memref_slice %arg4[%dma_start3A_539, %dma_start3A_540] : memref<10240x16xf32, #tpu.memory_space<hbm>> -> memref<10240x16xf32, #tpu.memory_space<hbm>>
        tpu.enqueue_indirect_dma source(%dma_start3A_541 : memref<10240x16xf32, #tpu.memory_space<hbm>>) target(%dma_start3A_535 : memref<80x16xf32, #tpu.memory_space<vmem>>) offsets(%dma_start3A_538 : memref<80xi32, #tpu.memory_space<vmem>>) semaphore(%arg15 : memref<!tpu.dma_semaphore, #tpu.memory_space<semaphore_mem>>)
      } else {
      }
    }
    %scan3A_148 = arith.constant 31 : i32
    %dma_wait3A = arith.constant 124 : i32
    %dma_wait3A_149 = arith.constant 0 : i32
    %dma_wait3A_150 = arith.constant 0 : i32
    %dma_wait3A_151 = arith.constant 0 : i32
    %dma_wait3A_152 = tpu.memref_slice %arg9[%dma_wait3A_149, %dma_wait3A_150, %dma_wait3A_151] : memref<4x80x80xf32, #tpu.memory_space<vmem>> -> memref<1x80x80xf32, #tpu.memory_space<vmem>>
    %dma_wait3A_153 = tpu.memref_squeeze %dma_wait3A_152 : memref<1x80x80xf32, #tpu.memory_space<vmem>> -> memref<80x80xf32, #tpu.memory_space<vmem>>
    %dma_wait3A_154 = arith.constant 0 : i32
    %dma_wait3A_155 = tpu.memref_slice %arg6[%dma_wait3A, %dma_wait3A_154] : memref<125x80xi32, #tpu.memory_space<vmem>> -> memref<1x80xi32, #tpu.memory_space<vmem>>
    %dma_wait3A_156 = tpu.memref_squeeze %dma_wait3A_155 : memref<1x80xi32, #tpu.memory_space<vmem>> -> memref<80xi32, #tpu.memory_space<vmem>>
    %dma_wait3A_157 = arith.constant 0 : i32
    %dma_wait3A_158 = arith.constant 0 : i32
    %dma_wait3A_159 = tpu.memref_slice %arg3[%dma_wait3A_157, %dma_wait3A_158] : memref<10240x80xf32, #tpu.memory_space<hbm>> -> memref<10240x80xf32, #tpu.memory_space<hbm>>
    tpu.wait_indirect_dma semaphore(%arg12 : memref<!tpu.dma_semaphore, #tpu.memory_space<semaphore_mem>>) src(%dma_wait3A_159 : memref<10240x80xf32, #tpu.memory_space<hbm>>) dst(%dma_wait3A_153 : memref<80x80xf32, #tpu.memory_space<vmem>>)
    %dma_wait3A_160 = arith.constant 124 : i32
    %dma_wait3A_161 = arith.constant 0 : i32
    %dma_wait3A_162 = arith.constant 0 : i32
    %dma_wait3A_163 = arith.constant 0 : i32
    %dma_wait3A_164 = tpu.memref_slice %arg8[%dma_wait3A_161, %dma_wait3A_162, %dma_wait3A_163] : memref<4x80x16xf32, #tpu.memory_space<vmem>> -> memref<1x80x16xf32, #tpu.memory_space<vmem>>
    %dma_wait3A_165 = tpu.memref_squeeze %dma_wait3A_164 : memref<1x80x16xf32, #tpu.memory_space<vmem>> -> memref<80x16xf32, #tpu.memory_space<vmem>>
    %dma_wait3A_166 = arith.constant 0 : i32
    %dma_wait3A_167 = tpu.memref_slice %arg7[%dma_wait3A_160, %dma_wait3A_166] : memref<125x80xi32, #tpu.memory_space<vmem>> -> memref<1x80xi32, #tpu.memory_space<vmem>>
    %dma_wait3A_168 = tpu.memref_squeeze %dma_wait3A_167 : memref<1x80xi32, #tpu.memory_space<vmem>> -> memref<80xi32, #tpu.memory_space<vmem>>
    %dma_wait3A_169 = arith.constant 0 : i32
    %dma_wait3A_170 = arith.constant 0 : i32
    %dma_wait3A_171 = tpu.memref_slice %arg4[%dma_wait3A_169, %dma_wait3A_170] : memref<10240x16xf32, #tpu.memory_space<hbm>> -> memref<10240x16xf32, #tpu.memory_space<hbm>>
    tpu.wait_indirect_dma semaphore(%arg12 : memref<!tpu.dma_semaphore, #tpu.memory_space<semaphore_mem>>) src(%dma_wait3A_171 : memref<10240x16xf32, #tpu.memory_space<hbm>>) dst(%dma_wait3A_165 : memref<80x16xf32, #tpu.memory_space<vmem>>)
    %dma_wait3A_172 = arith.constant 0 : i32
    %dma_wait3A_173 = arith.constant 0 : i32
    %dma_wait3A_174 = arith.constant 0 : i32
    %dma_wait3A_175 = arith.constant 0 : i32
    %dma_wait3A_176 = tpu.memref_slice %arg10[%dma_wait3A_172, %dma_wait3A_174, %dma_wait3A_175] : memref<4x80x80xf32, #tpu.memory_space<vmem>> -> memref<1x80x80xf32, #tpu.memory_space<vmem>>
    %dma_wait3A_177 = tpu.memref_squeeze %dma_wait3A_176 : memref<1x80x80xf32, #tpu.memory_space<vmem>> -> memref<80x80xf32, #tpu.memory_space<vmem>>
    %dma_wait3A_178 = arith.constant 0 : i32
    %dma_wait3A_179 = tpu.memref_slice %arg7[%dma_wait3A_173, %dma_wait3A_178] : memref<125x80xi32, #tpu.memory_space<vmem>> -> memref<1x80xi32, #tpu.memory_space<vmem>>
    %dma_wait3A_180 = tpu.memref_squeeze %dma_wait3A_179 : memref<1x80xi32, #tpu.memory_space<vmem>> -> memref<80xi32, #tpu.memory_space<vmem>>
    %dma_wait3A_181 = arith.constant 0 : i32
    %dma_wait3A_182 = arith.constant 0 : i32
    %dma_wait3A_183 = tpu.memref_slice %arg11[%dma_wait3A_181, %dma_wait3A_182] : memref<10240x80xf32, #tpu.memory_space<vmem_shared>> -> memref<10240x80xf32, #tpu.memory_space<vmem_shared>>
    tpu.wait_indirect_dma semaphore(%arg16 : memref<!tpu.dma_semaphore, #tpu.memory_space<semaphore_mem>>) src(%dma_wait3A_177 : memref<80x80xf32, #tpu.memory_space<vmem>>) dst(%dma_wait3A_183 : memref<10240x80xf32, #tpu.memory_space<vmem_shared>>)
    %scan3A_184 = arith.constant 0 : i32
    %scan3A_185 = arith.constant 0 : i32
    %scan3A_186 = arith.constant 80 : i32
    %scan3A_187 = arith.addi %scan3A_185, %scan3A_186 : i32
    %scan3A_188 = arith.constant 1 : i32
    scf.for %scan3A_299 = %scan3A_185 to %scan3A_187 step %scan3A_188  : i32 {
      %get3A = arith.constant 0 : i32
      %get3A_300 = arith.index_cast %get3A : i32 to index
      %get3A_301 = arith.index_cast %scan3A_299 : i32 to index
      %get3A_302 = arith.constant 0 : index
      %get3A_303 = tpu.vector_load %arg9[%get3A_300, %get3A_301, %get3A_302] {strides = array<i32>} : memref<4x80x80xf32, #tpu.memory_space<vmem>>, vector<1x1x16xf32>,
      %get3A_304 = vector.shape_cast %get3A_303 : vector<1x1x16xf32> to vector<16xf32>
      %get3A_305 = arith.constant 0 : i32
      %get3A_306 = arith.index_cast %get3A_305 : i32 to index
      %get3A_307 = arith.index_cast %scan3A_299 : i32 to index
      %get3A_308 = arith.constant 0 : index
      %get3A_309 = tpu.vector_load %arg8[%get3A_306, %get3A_307, %get3A_308] {strides = array<i32>} : memref<4x80x16xf32, #tpu.memory_space<vmem>>, vector<1x1x16xf32>,
      %get3A_310 = vector.shape_cast %get3A_309 : vector<1x1x16xf32> to vector<16xf32>
      %add3A_311 = arith.addf %get3A_304, %get3A_310 : vector<16xf32>
      %mul3A_312 = arith.constant 2.000000e-01 : f32
      %mul3A_313 = vector.broadcast %mul3A_312 : f32 to vector<16xf32>
      %mul3A_314 = arith.mulf %mul3A_313, %add3A_311 : vector<16xf32>
      %max3A = arith.maximumf %add3A_311, %mul3A_314 : vector<16xf32>
      %exp3A = math.exp %max3A : vector<16xf32>
      %swap3A = arith.constant 0 : i32
      %swap3A_315 = arith.index_cast %swap3A : i32 to index
      %swap3A_316 = arith.index_cast %scan3A_299 : i32 to index
      %swap3A_317 = arith.constant 0 : index
      %swap3A_318 = tpu.vector_load %arg10[%swap3A_315, %swap3A_316, %swap3A_317] {strides = array<i32>} : memref<4x80x80xf32, #tpu.memory_space<vmem>>, vector<1x1x16xf32>,
      %swap3A_319 = vector.shape_cast %swap3A_318 : vector<1x1x16xf32> to vector<16xf32>
      %swap3A_320 = vector.shape_cast %exp3A : vector<16xf32> to vector<1x1x16xf32>
      tpu.vector_store %arg10[%swap3A_315, %swap3A_316, %swap3A_317], %swap3A_320 {strides = array<i32>} : memref<4x80x80xf32, #tpu.memory_space<vmem>>, vector<1x1x16xf32>,
      %get3A_321 = arith.constant 0 : i32
      %get3A_322 = arith.index_cast %get3A_321 : i32 to index
      %get3A_323 = arith.index_cast %scan3A_299 : i32 to index
      %get3A_324 = arith.constant 16 : index
      %get3A_325 = tpu.vector_load %arg9[%get3A_322, %get3A_323, %get3A_324] {strides = array<i32>} : memref<4x80x80xf32, #tpu.memory_space<vmem>>, vector<1x1x16xf32>,
      %get3A_326 = vector.shape_cast %get3A_325 : vector<1x1x16xf32> to vector<16xf32>
      %mul3A_327 = arith.mulf %get3A_326, %exp3A : vector<16xf32>
      %swap3A_328 = arith.constant 0 : i32
      %swap3A_329 = arith.index_cast %swap3A_328 : i32 to index
      %swap3A_330 = arith.index_cast %scan3A_299 : i32 to index
      %swap3A_331 = arith.constant 16 : index
      %swap3A_332 = tpu.vector_load %arg10[%swap3A_329, %swap3A_330, %swap3A_331] {strides = array<i32>} : memref<4x80x80xf32, #tpu.memory_space<vmem>>, vector<1x1x16xf32>,
      %swap3A_333 = vector.shape_cast %swap3A_332 : vector<1x1x16xf32> to vector<16xf32>
      %swap3A_334 = vector.shape_cast %mul3A_327 : vector<16xf32> to vector<1x1x16xf32>
      tpu.vector_store %arg10[%swap3A_329, %swap3A_330, %swap3A_331], %swap3A_334 {strides = array<i32>} : memref<4x80x80xf32, #tpu.memory_space<vmem>>, vector<1x1x16xf32>,
      %get3A_335 = arith.constant 0 : i32
      %get3A_336 = arith.index_cast %get3A_335 : i32 to index
      %get3A_337 = arith.index_cast %scan3A_299 : i32 to index
      %get3A_338 = arith.constant 32 : index
      %get3A_339 = tpu.vector_load %arg9[%get3A_336, %get3A_337, %get3A_338] {strides = array<i32>} : memref<4x80x80xf32, #tpu.memory_space<vmem>>, vector<1x1x16xf32>,
      %get3A_340 = vector.shape_cast %get3A_339 : vector<1x1x16xf32> to vector<16xf32>
      %mul3A_341 = arith.mulf %get3A_340, %exp3A : vector<16xf32>
      %swap3A_342 = arith.constant 0 : i32
      %swap3A_343 = arith.index_cast %swap3A_342 : i32 to index
      %swap3A_344 = arith.index_cast %scan3A_299 : i32 to index
      %swap3A_345 = arith.constant 32 : index
      %swap3A_346 = tpu.vector_load %arg10[%swap3A_343, %swap3A_344, %swap3A_345] {strides = array<i32>} : memref<4x80x80xf32, #tpu.memory_space<vmem>>, vector<1x1x16xf32>,
      %swap3A_347 = vector.shape_cast %swap3A_346 : vector<1x1x16xf32> to vector<16xf32>
      %swap3A_348 = vector.shape_cast %mul3A_341 : vector<16xf32> to vector<1x1x16xf32>
      tpu.vector_store %arg10[%swap3A_343, %swap3A_344, %swap3A_345], %swap3A_348 {strides = array<i32>} : memref<4x80x80xf32, #tpu.memory_space<vmem>>, vector<1x1x16xf32>,
      %get3A_349 = arith.constant 0 : i32
      %get3A_350 = arith.index_cast %get3A_349 : i32 to index
      %get3A_351 = arith.index_cast %scan3A_299 : i32 to index
      %get3A_352 = arith.constant 48 : index
      %get3A_353 = tpu.vector_load %arg9[%get3A_350, %get3A_351, %get3A_352] {strides = array<i32>} : memref<4x80x80xf32, #tpu.memory_space<vmem>>, vector<1x1x16xf32>,
      %get3A_354 = vector.shape_cast %get3A_353 : vector<1x1x16xf32> to vector<16xf32>
      %mul3A_355 = arith.mulf %get3A_354, %exp3A : vector<16xf32>
      %swap3A_356 = arith.constant 0 : i32
      %swap3A_357 = arith.index_cast %swap3A_356 : i32 to index
      %swap3A_358 = arith.index_cast %scan3A_299 : i32 to index
      %swap3A_359 = arith.constant 48 : index
      %swap3A_360 = tpu.vector_load %arg10[%swap3A_357, %swap3A_358, %swap3A_359] {strides = array<i32>} : memref<4x80x80xf32, #tpu.memory_space<vmem>>, vector<1x1x16xf32>,
      %swap3A_361 = vector.shape_cast %swap3A_360 : vector<1x1x16xf32> to vector<16xf32>
      %swap3A_362 = vector.shape_cast %mul3A_355 : vector<16xf32> to vector<1x1x16xf32>
      tpu.vector_store %arg10[%swap3A_357, %swap3A_358, %swap3A_359], %swap3A_362 {strides = array<i32>} : memref<4x80x80xf32, #tpu.memory_space<vmem>>, vector<1x1x16xf32>,
      %get3A_363 = arith.constant 0 : i32
      %get3A_364 = arith.index_cast %get3A_363 : i32 to index
      %get3A_365 = arith.index_cast %scan3A_299 : i32 to index
      %get3A_366 = arith.constant 64 : index
      %get3A_367 = tpu.vector_load %arg9[%get3A_364, %get3A_365, %get3A_366] {strides = array<i32>} : memref<4x80x80xf32, #tpu.memory_space<vmem>>, vector<1x1x16xf32>,
      %get3A_368 = vector.shape_cast %get3A_367 : vector<1x1x16xf32> to vector<16xf32>
      %mul3A_369 = arith.mulf %get3A_368, %exp3A : vector<16xf32>
      %swap3A_370 = arith.constant 0 : i32
      %swap3A_371 = arith.index_cast %swap3A_370 : i32 to index
      %swap3A_372 = arith.index_cast %scan3A_299 : i32 to index
      %swap3A_373 = arith.constant 64 : index
      %swap3A_374 = tpu.vector_load %arg10[%swap3A_371, %swap3A_372, %swap3A_373] {strides = array<i32>} : memref<4x80x80xf32, #tpu.memory_space<vmem>>, vector<1x1x16xf32>,
      %swap3A_375 = vector.shape_cast %swap3A_374 : vector<1x1x16xf32> to vector<16xf32>
      %swap3A_376 = vector.shape_cast %mul3A_369 : vector<16xf32> to vector<1x1x16xf32>
      tpu.vector_store %arg10[%swap3A_371, %swap3A_372, %swap3A_373], %swap3A_376 {strides = array<i32>} : memref<4x80x80xf32, #tpu.memory_space<vmem>>, vector<1x1x16xf32>,
    }
    %scan3A_189 = arith.constant 80 : i32
    %dma_start3A_190 = arith.constant 0 : i32
    %dma_start3A_191 = arith.constant 124 : i32
    %dma_start3A_192 = arith.constant 0 : i32
    %dma_start3A_193 = arith.constant 0 : i32
    %dma_start3A_194 = tpu.memref_slice %arg10[%dma_start3A_190, %dma_start3A_192, %dma_start3A_193] : memref<4x80x80xf32, #tpu.memory_space<vmem>> -> memref<1x80x80xf32, #tpu.memory_space<vmem>>
    %dma_start3A_195 = tpu.memref_squeeze %dma_start3A_194 : memref<1x80x80xf32, #tpu.memory_space<vmem>> -> memref<80x80xf32, #tpu.memory_space<vmem>>
    %dma_start3A_196 = arith.constant 0 : i32
    %dma_start3A_197 = tpu.memref_slice %arg7[%dma_start3A_191, %dma_start3A_196] : memref<125x80xi32, #tpu.memory_space<vmem>> -> memref<1x80xi32, #tpu.memory_space<vmem>>
    %dma_start3A_198 = tpu.memref_squeeze %dma_start3A_197 : memref<1x80xi32, #tpu.memory_space<vmem>> -> memref<80xi32, #tpu.memory_space<vmem>>
    %dma_start3A_199 = arith.constant 0 : i32
    %dma_start3A_200 = arith.constant 0 : i32
    %dma_start3A_201 = tpu.memref_slice %arg11[%dma_start3A_199, %dma_start3A_200] : memref<10240x80xf32, #tpu.memory_space<vmem_shared>> -> memref<10240x80xf32, #tpu.memory_space<vmem_shared>>
    tpu.enqueue_indirect_dma source(%dma_start3A_195 : memref<80x80xf32, #tpu.memory_space<vmem>>) target(%dma_start3A_201 : memref<10240x80xf32, #tpu.memory_space<vmem_shared>>) offsets(%dma_start3A_198 : memref<80xi32, #tpu.memory_space<vmem>>) semaphore(%arg16 : memref<!tpu.dma_semaphore, #tpu.memory_space<semaphore_mem>>) {add = true}
    %dma_wait3A_202 = arith.constant 0 : i32
    %dma_wait3A_203 = arith.constant 0 : i32
    %dma_wait3A_204 = arith.constant 0 : i32
    %dma_wait3A_205 = arith.constant 0 : i32
    %dma_wait3A_206 = tpu.memref_slice %arg10[%dma_wait3A_202, %dma_wait3A_204, %dma_wait3A_205] : memref<4x80x80xf32, #tpu.memory_space<vmem>> -> memref<1x80x80xf32, #tpu.memory_space<vmem>>
    %dma_wait3A_207 = tpu.memref_squeeze %dma_wait3A_206 : memref<1x80x80xf32, #tpu.memory_space<vmem>> -> memref<80x80xf32, #tpu.memory_space<vmem>>
    %dma_wait3A_208 = arith.constant 0 : i32
    %dma_wait3A_209 = tpu.memref_slice %arg7[%dma_wait3A_203, %dma_wait3A_208] : memref<125x80xi32, #tpu.memory_space<vmem>> -> memref<1x80xi32, #tpu.memory_space<vmem>>
    %dma_wait3A_210 = tpu.memref_squeeze %dma_wait3A_209 : memref<1x80xi32, #tpu.memory_space<vmem>> -> memref<80xi32, #tpu.memory_space<vmem>>
    %dma_wait3A_211 = arith.constant 0 : i32
    %dma_wait3A_212 = arith.constant 0 : i32
    %dma_wait3A_213 = tpu.memref_slice %arg11[%dma_wait3A_211, %dma_wait3A_212] : memref<10240x80xf32, #tpu.memory_space<vmem_shared>> -> memref<10240x80xf32, #tpu.memory_space<vmem_shared>>
    tpu.wait_indirect_dma semaphore(%arg16 : memref<!tpu.dma_semaphore, #tpu.memory_space<semaphore_mem>>) src(%dma_wait3A_207 : memref<80x80xf32, #tpu.memory_space<vmem>>) dst(%dma_wait3A_213 : memref<10240x80xf32, #tpu.memory_space<vmem_shared>>)
    %dma_wait3A_214 = arith.constant 1 : i32
    %dma_wait3A_215 = arith.constant 0 : i32
    %dma_wait3A_216 = arith.constant 0 : i32
    %dma_wait3A_217 = arith.constant 0 : i32
    %dma_wait3A_218 = tpu.memref_slice %arg10[%dma_wait3A_214, %dma_wait3A_216, %dma_wait3A_217] : memref<4x80x80xf32, #tpu.memory_space<vmem>> -> memref<1x80x80xf32, #tpu.memory_space<vmem>>
    %dma_wait3A_219 = tpu.memref_squeeze %dma_wait3A_218 : memref<1x80x80xf32, #tpu.memory_space<vmem>> -> memref<80x80xf32, #tpu.memory_space<vmem>>
    %dma_wait3A_220 = arith.constant 0 : i32
    %dma_wait3A_221 = tpu.memref_slice %arg7[%dma_wait3A_215, %dma_wait3A_220] : memref<125x80xi32, #tpu.memory_space<vmem>> -> memref<1x80xi32, #tpu.memory_space<vmem>>
    %dma_wait3A_222 = tpu.memref_squeeze %dma_wait3A_221 : memref<1x80xi32, #tpu.memory_space<vmem>> -> memref<80xi32, #tpu.memory_space<vmem>>
    %dma_wait3A_223 = arith.constant 0 : i32
    %dma_wait3A_224 = arith.constant 0 : i32
    %dma_wait3A_225 = tpu.memref_slice %arg11[%dma_wait3A_223, %dma_wait3A_224] : memref<10240x80xf32, #tpu.memory_space<vmem_shared>> -> memref<10240x80xf32, #tpu.memory_space<vmem_shared>>
    tpu.wait_indirect_dma semaphore(%arg17 : memref<!tpu.dma_semaphore, #tpu.memory_space<semaphore_mem>>) src(%dma_wait3A_219 : memref<80x80xf32, #tpu.memory_space<vmem>>) dst(%dma_wait3A_225 : memref<10240x80xf32, #tpu.memory_space<vmem_shared>>)
    %dma_wait3A_226 = arith.constant 2 : i32
    %dma_wait3A_227 = arith.constant 0 : i32
    %dma_wait3A_228 = arith.constant 0 : i32
    %dma_wait3A_229 = arith.constant 0 : i32
    %dma_wait3A_230 = tpu.memref_slice %arg10[%dma_wait3A_226, %dma_wait3A_228, %dma_wait3A_229] : memref<4x80x80xf32, #tpu.memory_space<vmem>> -> memref<1x80x80xf32, #tpu.memory_space<vmem>>
    %dma_wait3A_231 = tpu.memref_squeeze %dma_wait3A_230 : memref<1x80x80xf32, #tpu.memory_space<vmem>> -> memref<80x80xf32, #tpu.memory_space<vmem>>
    %dma_wait3A_232 = arith.constant 0 : i32
    %dma_wait3A_233 = tpu.memref_slice %arg7[%dma_wait3A_227, %dma_wait3A_232] : memref<125x80xi32, #tpu.memory_space<vmem>> -> memref<1x80xi32, #tpu.memory_space<vmem>>
    %dma_wait3A_234 = tpu.memref_squeeze %dma_wait3A_233 : memref<1x80xi32, #tpu.memory_space<vmem>> -> memref<80xi32, #tpu.memory_space<vmem>>
    %dma_wait3A_235 = arith.constant 0 : i32
    %dma_wait3A_236 = arith.constant 0 : i32
    %dma_wait3A_237 = tpu.memref_slice %arg11[%dma_wait3A_235, %dma_wait3A_236] : memref<10240x80xf32, #tpu.memory_space<vmem_shared>> -> memref<10240x80xf32, #tpu.memory_space<vmem_shared>>
    tpu.wait_indirect_dma semaphore(%arg18 : memref<!tpu.dma_semaphore, #tpu.memory_space<semaphore_mem>>) src(%dma_wait3A_231 : memref<80x80xf32, #tpu.memory_space<vmem>>) dst(%dma_wait3A_237 : memref<10240x80xf32, #tpu.memory_space<vmem_shared>>)
    %dma_wait3A_238 = arith.constant 3 : i32
    %dma_wait3A_239 = arith.constant 0 : i32
    %dma_wait3A_240 = arith.constant 0 : i32
    %dma_wait3A_241 = arith.constant 0 : i32
    %dma_wait3A_242 = tpu.memref_slice %arg10[%dma_wait3A_238, %dma_wait3A_240, %dma_wait3A_241] : memref<4x80x80xf32, #tpu.memory_space<vmem>> -> memref<1x80x80xf32, #tpu.memory_space<vmem>>
    %dma_wait3A_243 = tpu.memref_squeeze %dma_wait3A_242 : memref<1x80x80xf32, #tpu.memory_space<vmem>> -> memref<80x80xf32, #tpu.memory_space<vmem>>
    %dma_wait3A_244 = arith.constant 0 : i32
    %dma_wait3A_245 = tpu.memref_slice %arg7[%dma_wait3A_239, %dma_wait3A_244] : memref<125x80xi32, #tpu.memory_space<vmem>> -> memref<1x80xi32, #tpu.memory_space<vmem>>
    %dma_wait3A_246 = tpu.memref_squeeze %dma_wait3A_245 : memref<1x80xi32, #tpu.memory_space<vmem>> -> memref<80xi32, #tpu.memory_space<vmem>>
    %dma_wait3A_247 = arith.constant 0 : i32
    %dma_wait3A_248 = arith.constant 0 : i32
    %dma_wait3A_249 = tpu.memref_slice %arg11[%dma_wait3A_247, %dma_wait3A_248] : memref<10240x80xf32, #tpu.memory_space<vmem_shared>> -> memref<10240x80xf32, #tpu.memory_space<vmem_shared>>
    tpu.wait_indirect_dma semaphore(%arg19 : memref<!tpu.dma_semaphore, #tpu.memory_space<semaphore_mem>>) src(%dma_wait3A_243 : memref<80x80xf32, #tpu.memory_space<vmem>>) dst(%dma_wait3A_249 : memref<10240x80xf32, #tpu.memory_space<vmem_shared>>)
    %barrier3A_250 = arith.constant 0 : index
    tpu.barrier barrier_id(%barrier3A_250)
    %mul3A_251 = arith.constant 640 : i32
    %mul3A_252 = arith.muli %arg1, %mul3A_251 : i32
    %add3A_253 = arith.constant 0 : i32
    %add3A_254 = arith.addi %mul3A_252, %add3A_253 : i32
    %run_scoped3A_255 = arith.constant 0 : i32
    "tpu.region"() ({
      %run_scoped3A_299 = tpu.sem_alloc : memref<!tpu.dma_semaphore, #tpu.memory_space<semaphore_mem>>
      %dma_start3A_300 = arith.constant 0 : i32
      %dma_start3A_301 = arith.constant 0 : i32
      %dma_start3A_302 = tpu.memref_slice %arg10[%run_scoped3A_255, %dma_start3A_300, %dma_start3A_301] : memref<4x80x80xf32, #tpu.memory_space<vmem>> -> memref<1x80x80xf32, #tpu.memory_space<vmem>>
      %dma_start3A_303 = tpu.memref_squeeze %dma_start3A_302 : memref<1x80x80xf32, #tpu.memory_space<vmem>> -> memref<80x80xf32, #tpu.memory_space<vmem>>
      %dma_start3A_304 = arith.constant 0 : i32
      %dma_start3A_305 = tpu.memref_slice %arg11[%add3A_254, %dma_start3A_304] : memref<10240x80xf32, #tpu.memory_space<vmem_shared>> -> memref<80x80xf32, #tpu.memory_space<vmem_shared>>
      %dma_start3A_306 = arith.constant 0 : i32
      %dma_start3A_307 = arith.constant 0 : i32
      %dma_start3A_308 = tpu.memref_slice %arg10[%run_scoped3A_255, %dma_start3A_306, %dma_start3A_307] : memref<4x80x80xf32, #tpu.memory_space<vmem>> -> memref<1x80x80xf32, #tpu.memory_space<vmem>>
      %dma_start3A_309 = tpu.memref_squeeze %dma_start3A_308 : memref<1x80x80xf32, #tpu.memory_space<vmem>> -> memref<80x80xf32, #tpu.memory_space<vmem>>
      %dma_start3A_310 = arith.constant 0 : i32
      %dma_start3A_311 = tpu.memref_slice %arg11[%add3A_254, %dma_start3A_310] : memref<10240x80xf32, #tpu.memory_space<vmem_shared>> -> memref<80x80xf32, #tpu.memory_space<vmem_shared>>
      tpu.enqueue_dma source(%dma_start3A_311 : memref<80x80xf32, #tpu.memory_space<vmem_shared>>) target(%dma_start3A_309 : memref<80x80xf32, #tpu.memory_space<vmem>>) target_semaphore(%run_scoped3A_299 : memref<!tpu.dma_semaphore, #tpu.memory_space<semaphore_mem>>)
      %dma_wait3A_312 = arith.constant 0 : i32
      %dma_wait3A_313 = arith.constant 0 : i32
      %dma_wait3A_314 = tpu.memref_slice %arg10[%run_scoped3A_255, %dma_wait3A_312, %dma_wait3A_313] : memref<4x80x80xf32, #tpu.memory_space<vmem>> -> memref<1x80x80xf32, #tpu.memory_space<vmem>>
      %dma_wait3A_315 = tpu.memref_squeeze %dma_wait3A_314 : memref<1x80x80xf32, #tpu.memory_space<vmem>> -> memref<80x80xf32, #tpu.memory_space<vmem>>
      %dma_wait3A_316 = arith.constant 0 : i32
      %dma_wait3A_317 = tpu.memref_slice %arg11[%add3A_254, %dma_wait3A_316] : memref<10240x80xf32, #tpu.memory_space<vmem_shared>> -> memref<80x80xf32, #tpu.memory_space<vmem_shared>>
      %dma_wait3A_318 = arith.constant 0 : i32
      %dma_wait3A_319 = arith.constant 0 : i32
      %dma_wait3A_320 = tpu.memref_slice %arg10[%run_scoped3A_255, %dma_wait3A_318, %dma_wait3A_319] : memref<4x80x80xf32, #tpu.memory_space<vmem>> -> memref<1x80x80xf32, #tpu.memory_space<vmem>>
      %dma_wait3A_321 = tpu.memref_squeeze %dma_wait3A_320 : memref<1x80x80xf32, #tpu.memory_space<vmem>> -> memref<80x80xf32, #tpu.memory_space<vmem>>
      %dma_wait3A_322 = arith.constant 0 : i32
      %dma_wait3A_323 = tpu.memref_slice %arg11[%add3A_254, %dma_wait3A_322] : memref<10240x80xf32, #tpu.memory_space<vmem_shared>> -> memref<80x80xf32, #tpu.memory_space<vmem_shared>>
      tpu.wait_dma2 semaphore(%run_scoped3A_299 : memref<!tpu.dma_semaphore, #tpu.memory_space<semaphore_mem>>) src(%dma_wait3A_323 : memref<80x80xf32, #tpu.memory_space<vmem_shared>>) dst(%dma_wait3A_321 : memref<80x80xf32, #tpu.memory_space<vmem>>)
      tpu.yield
    }) : () -> ()
    %run_scoped3A_256 = arith.constant 0 : i32
    "tpu.region"() ({
      %run_scoped3A_299 = tpu.sem_alloc : memref<!tpu.dma_semaphore, #tpu.memory_space<semaphore_mem>>
      %dma_start3A_300 = arith.constant 0 : i32
      %dma_start3A_301 = arith.constant 0 : i32
      %dma_start3A_302 = tpu.memref_slice %arg10[%run_scoped3A_256, %dma_start3A_300, %dma_start3A_301] : memref<4x80x80xf32, #tpu.memory_space<vmem>> -> memref<1x80x80xf32, #tpu.memory_space<vmem>>
      %dma_start3A_303 = tpu.memref_squeeze %dma_start3A_302 : memref<1x80x80xf32, #tpu.memory_space<vmem>> -> memref<80x80xf32, #tpu.memory_space<vmem>>
      %dma_start3A_304 = arith.constant 0 : i32
      %dma_start3A_305 = tpu.memref_slice %arg5[%arg0, %add3A_254, %dma_start3A_304] : memref<2x10240x80xf32, #tpu.memory_space<hbm>> -> memref<1x80x80xf32, #tpu.memory_space<hbm>>
      %dma_start3A_306 = tpu.memref_squeeze %dma_start3A_305 : memref<1x80x80xf32, #tpu.memory_space<hbm>> -> memref<80x80xf32, #tpu.memory_space<hbm>>
      %dma_start3A_307 = arith.constant 0 : i32
      %dma_start3A_308 = tpu.memref_slice %arg5[%arg0, %add3A_254, %dma_start3A_307] : memref<2x10240x80xf32, #tpu.memory_space<hbm>> -> memref<1x80x80xf32, #tpu.memory_space<hbm>>
      %dma_start3A_309 = tpu.memref_squeeze %dma_start3A_308 : memref<1x80x80xf32, #tpu.memory_space<hbm>> -> memref<80x80xf32, #tpu.memory_space<hbm>>
      %dma_start3A_310 = arith.constant 0 : i32
      %dma_start3A_311 = arith.constant 0 : i32
      %dma_start3A_312 = tpu.memref_slice %arg10[%run_scoped3A_256, %dma_start3A_310, %dma_start3A_311] : memref<4x80x80xf32, #tpu.memory_space<vmem>> -> memref<1x80x80xf32, #tpu.memory_space<vmem>>
      %dma_start3A_313 = tpu.memref_squeeze %dma_start3A_312 : memref<1x80x80xf32, #tpu.memory_space<vmem>> -> memref<80x80xf32, #tpu.memory_space<vmem>>
      tpu.enqueue_dma source(%dma_start3A_313 : memref<80x80xf32, #tpu.memory_space<vmem>>) target(%dma_start3A_309 : memref<80x80xf32, #tpu.memory_space<hbm>>) target_semaphore(%run_scoped3A_299 : memref<!tpu.dma_semaphore, #tpu.memory_space<semaphore_mem>>)
      %dma_wait3A_314 = arith.constant 0 : i32
      %dma_wait3A_315 = arith.constant 0 : i32
      %dma_wait3A_316 = tpu.memref_slice %arg10[%run_scoped3A_256, %dma_wait3A_314, %dma_wait3A_315] : memref<4x80x80xf32, #tpu.memory_space<vmem>> -> memref<1x80x80xf32, #tpu.memory_space<vmem>>
      %dma_wait3A_317 = tpu.memref_squeeze %dma_wait3A_316 : memref<1x80x80xf32, #tpu.memory_space<vmem>> -> memref<80x80xf32, #tpu.memory_space<vmem>>
      %dma_wait3A_318 = arith.constant 0 : i32
      %dma_wait3A_319 = tpu.memref_slice %arg5[%arg0, %add3A_254, %dma_wait3A_318] : memref<2x10240x80xf32, #tpu.memory_space<hbm>> -> memref<1x80x80xf32, #tpu.memory_space<hbm>>
      %dma_wait3A_320 = tpu.memref_squeeze %dma_wait3A_319 : memref<1x80x80xf32, #tpu.memory_space<hbm>> -> memref<80x80xf32, #tpu.memory_space<hbm>>
      %dma_wait3A_321 = arith.constant 0 : i32
      %dma_wait3A_322 = tpu.memref_slice %arg5[%arg0, %add3A_254, %dma_wait3A_321] : memref<2x10240x80xf32, #tpu.memory_space<hbm>> -> memref<1x80x80xf32, #tpu.memory_space<hbm>>
      %dma_wait3A_323 = tpu.memref_squeeze %dma_wait3A_322 : memref<1x80x80xf32, #tpu.memory_space<hbm>> -> memref<80x80xf32, #tpu.memory_space<hbm>>
      %dma_wait3A_324 = arith.constant 0 : i32
      %dma_wait3A_325 = arith.constant 0 : i32
      %dma_wait3A_326 = tpu.memref_slice %arg10[%run_scoped3A_256, %dma_wait3A_324, %dma_wait3A_325] : memref<4x80x80xf32, #tpu.memory_space<vmem>> -> memref<1x80x80xf32, #tpu.memory_space<vmem>>
      %dma_wait3A_327 = tpu.memref_squeeze %dma_wait3A_326 : memref<1x80x80xf32, #tpu.memory_space<vmem>> -> memref<80x80xf32, #tpu.memory_space<vmem>>
      tpu.wait_dma2 semaphore(%run_scoped3A_299 : memref<!tpu.dma_semaphore, #tpu.memory_space<semaphore_mem>>) src(%dma_wait3A_327 : memref<80x80xf32, #tpu.memory_space<vmem>>) dst(%dma_wait3A_323 : memref<80x80xf32, #tpu.memory_space<hbm>>)
      tpu.yield
    }) : () -> ()
    %mul3A_257 = arith.constant 640 : i32
    %mul3A_258 = arith.muli %arg1, %mul3A_257 : i32
    %add3A_259 = arith.constant 80 : i32
    %add3A_260 = arith.addi %mul3A_258, %add3A_259 : i32
    %run_scoped3A_261 = arith.constant 0 : i32
    "tpu.region"() ({
      %run_scoped3A_299 = tpu.sem_alloc : memref<!tpu.dma_semaphore, #tpu.memory_space<semaphore_mem>>
      %dma_start3A_300 = arith.constant 0 : i32
      %dma_start3A_301 = arith.constant 0 : i32
      %dma_start3A_302 = tpu.memref_slice %arg10[%run_scoped3A_261, %dma_start3A_300, %dma_start3A_301] : memref<4x80x80xf32, #tpu.memory_space<vmem>> -> memref<1x80x80xf32, #tpu.memory_space<vmem>>
      %dma_start3A_303 = tpu.memref_squeeze %dma_start3A_302 : memref<1x80x80xf32, #tpu.memory_space<vmem>> -> memref<80x80xf32, #tpu.memory_space<vmem>>
      %dma_start3A_304 = arith.constant 0 : i32
      %dma_start3A_305 = tpu.memref_slice %arg11[%add3A_260, %dma_start3A_304] : memref<10240x80xf32, #tpu.memory_space<vmem_shared>> -> memref<80x80xf32, #tpu.memory_space<vmem_shared>>
      %dma_start3A_306 = arith.constant 0 : i32
      %dma_start3A_307 = arith.constant 0 : i32
      %dma_start3A_308 = tpu.memref_slice %arg10[%run_scoped3A_261, %dma_start3A_306, %dma_start3A_307] : memref<4x80x80xf32, #tpu.memory_space<vmem>> -> memref<1x80x80xf32, #tpu.memory_space<vmem>>
      %dma_start3A_309 = tpu.memref_squeeze %dma_start3A_308 : memref<1x80x80xf32, #tpu.memory_space<vmem>> -> memref<80x80xf32, #tpu.memory_space<vmem>>
      %dma_start3A_310 = arith.constant 0 : i32
      %dma_start3A_311 = tpu.memref_slice %arg11[%add3A_260, %dma_start3A_310] : memref<10240x80xf32, #tpu.memory_space<vmem_shared>> -> memref<80x80xf32, #tpu.memory_space<vmem_shared>>
      tpu.enqueue_dma source(%dma_start3A_311 : memref<80x80xf32, #tpu.memory_space<vmem_shared>>) target(%dma_start3A_309 : memref<80x80xf32, #tpu.memory_space<vmem>>) target_semaphore(%run_scoped3A_299 : memref<!tpu.dma_semaphore, #tpu.memory_space<semaphore_mem>>)
      %dma_wait3A_312 = arith.constant 0 : i32
      %dma_wait3A_313 = arith.constant 0 : i32
      %dma_wait3A_314 = tpu.memref_slice %arg10[%run_scoped3A_261, %dma_wait3A_312, %dma_wait3A_313] : memref<4x80x80xf32, #tpu.memory_space<vmem>> -> memref<1x80x80xf32, #tpu.memory_space<vmem>>
      %dma_wait3A_315 = tpu.memref_squeeze %dma_wait3A_314 : memref<1x80x80xf32, #tpu.memory_space<vmem>> -> memref<80x80xf32, #tpu.memory_space<vmem>>
      %dma_wait3A_316 = arith.constant 0 : i32
      %dma_wait3A_317 = tpu.memref_slice %arg11[%add3A_260, %dma_wait3A_316] : memref<10240x80xf32, #tpu.memory_space<vmem_shared>> -> memref<80x80xf32, #tpu.memory_space<vmem_shared>>
      %dma_wait3A_318 = arith.constant 0 : i32
      %dma_wait3A_319 = arith.constant 0 : i32
      %dma_wait3A_320 = tpu.memref_slice %arg10[%run_scoped3A_261, %dma_wait3A_318, %dma_wait3A_319] : memref<4x80x80xf32, #tpu.memory_space<vmem>> -> memref<1x80x80xf32, #tpu.memory_space<vmem>>
      %dma_wait3A_321 = tpu.memref_squeeze %dma_wait3A_320 : memref<1x80x80xf32, #tpu.memory_space<vmem>> -> memref<80x80xf32, #tpu.memory_space<vmem>>
      %dma_wait3A_322 = arith.constant 0 : i32
      %dma_wait3A_323 = tpu.memref_slice %arg11[%add3A_260, %dma_wait3A_322] : memref<10240x80xf32, #tpu.memory_space<vmem_shared>> -> memref<80x80xf32, #tpu.memory_space<vmem_shared>>
      tpu.wait_dma2 semaphore(%run_scoped3A_299 : memref<!tpu.dma_semaphore, #tpu.memory_space<semaphore_mem>>) src(%dma_wait3A_323 : memref<80x80xf32, #tpu.memory_space<vmem_shared>>) dst(%dma_wait3A_321 : memref<80x80xf32, #tpu.memory_space<vmem>>)
      tpu.yield
    }) : () -> ()
    %run_scoped3A_262 = arith.constant 0 : i32
    "tpu.region"() ({
      %run_scoped3A_299 = tpu.sem_alloc : memref<!tpu.dma_semaphore, #tpu.memory_space<semaphore_mem>>
      %dma_start3A_300 = arith.constant 0 : i32
      %dma_start3A_301 = arith.constant 0 : i32
      %dma_start3A_302 = tpu.memref_slice %arg10[%run_scoped3A_262, %dma_start3A_300, %dma_start3A_301] : memref<4x80x80xf32, #tpu.memory_space<vmem>> -> memref<1x80x80xf32, #tpu.memory_space<vmem>>
      %dma_start3A_303 = tpu.memref_squeeze %dma_start3A_302 : memref<1x80x80xf32, #tpu.memory_space<vmem>> -> memref<80x80xf32, #tpu.memory_space<vmem>>
      %dma_start3A_304 = arith.constant 0 : i32
      %dma_start3A_305 = tpu.memref_slice %arg5[%arg0, %add3A_260, %dma_start3A_304] : memref<2x10240x80xf32, #tpu.memory_space<hbm>> -> memref<1x80x80xf32, #tpu.memory_space<hbm>>
      %dma_start3A_306 = tpu.memref_squeeze %dma_start3A_305 : memref<1x80x80xf32, #tpu.memory_space<hbm>> -> memref<80x80xf32, #tpu.memory_space<hbm>>
      %dma_start3A_307 = arith.constant 0 : i32
      %dma_start3A_308 = tpu.memref_slice %arg5[%arg0, %add3A_260, %dma_start3A_307] : memref<2x10240x80xf32, #tpu.memory_space<hbm>> -> memref<1x80x80xf32, #tpu.memory_space<hbm>>
      %dma_start3A_309 = tpu.memref_squeeze %dma_start3A_308 : memref<1x80x80xf32, #tpu.memory_space<hbm>> -> memref<80x80xf32, #tpu.memory_space<hbm>>
      %dma_start3A_310 = arith.constant 0 : i32
      %dma_start3A_311 = arith.constant 0 : i32
      %dma_start3A_312 = tpu.memref_slice %arg10[%run_scoped3A_262, %dma_start3A_310, %dma_start3A_311] : memref<4x80x80xf32, #tpu.memory_space<vmem>> -> memref<1x80x80xf32, #tpu.memory_space<vmem>>
      %dma_start3A_313 = tpu.memref_squeeze %dma_start3A_312 : memref<1x80x80xf32, #tpu.memory_space<vmem>> -> memref<80x80xf32, #tpu.memory_space<vmem>>
      tpu.enqueue_dma source(%dma_start3A_313 : memref<80x80xf32, #tpu.memory_space<vmem>>) target(%dma_start3A_309 : memref<80x80xf32, #tpu.memory_space<hbm>>) target_semaphore(%run_scoped3A_299 : memref<!tpu.dma_semaphore, #tpu.memory_space<semaphore_mem>>)
      %dma_wait3A_314 = arith.constant 0 : i32
      %dma_wait3A_315 = arith.constant 0 : i32
      %dma_wait3A_316 = tpu.memref_slice %arg10[%run_scoped3A_262, %dma_wait3A_314, %dma_wait3A_315] : memref<4x80x80xf32, #tpu.memory_space<vmem>> -> memref<1x80x80xf32, #tpu.memory_space<vmem>>
      %dma_wait3A_317 = tpu.memref_squeeze %dma_wait3A_316 : memref<1x80x80xf32, #tpu.memory_space<vmem>> -> memref<80x80xf32, #tpu.memory_space<vmem>>
      %dma_wait3A_318 = arith.constant 0 : i32
      %dma_wait3A_319 = tpu.memref_slice %arg5[%arg0, %add3A_260, %dma_wait3A_318] : memref<2x10240x80xf32, #tpu.memory_space<hbm>> -> memref<1x80x80xf32, #tpu.memory_space<hbm>>
      %dma_wait3A_320 = tpu.memref_squeeze %dma_wait3A_319 : memref<1x80x80xf32, #tpu.memory_space<hbm>> -> memref<80x80xf32, #tpu.memory_space<hbm>>
      %dma_wait3A_321 = arith.constant 0 : i32
      %dma_wait3A_322 = tpu.memref_slice %arg5[%arg0, %add3A_260, %dma_wait3A_321] : memref<2x10240x80xf32, #tpu.memory_space<hbm>> -> memref<1x80x80xf32, #tpu.memory_space<hbm>>
      %dma_wait3A_323 = tpu.memref_squeeze %dma_wait3A_322 : memref<1x80x80xf32, #tpu.memory_space<hbm>> -> memref<80x80xf32, #tpu.memory_space<hbm>>
      %dma_wait3A_324 = arith.constant 0 : i32
      %dma_wait3A_325 = arith.constant 0 : i32
      %dma_wait3A_326 = tpu.memref_slice %arg10[%run_scoped3A_262, %dma_wait3A_324, %dma_wait3A_325] : memref<4x80x80xf32, #tpu.memory_space<vmem>> -> memref<1x80x80xf32, #tpu.memory_space<vmem>>
      %dma_wait3A_327 = tpu.memref_squeeze %dma_wait3A_326 : memref<1x80x80xf32, #tpu.memory_space<vmem>> -> memref<80x80xf32, #tpu.memory_space<vmem>>
      tpu.wait_dma2 semaphore(%run_scoped3A_299 : memref<!tpu.dma_semaphore, #tpu.memory_space<semaphore_mem>>) src(%dma_wait3A_327 : memref<80x80xf32, #tpu.memory_space<vmem>>) dst(%dma_wait3A_323 : memref<80x80xf32, #tpu.memory_space<hbm>>)
      tpu.yield
    }) : () -> ()
    %mul3A_263 = arith.constant 640 : i32
    %mul3A_264 = arith.muli %arg1, %mul3A_263 : i32
    %add3A_265 = arith.constant 160 : i32
    %add3A_266 = arith.addi %mul3A_264, %add3A_265 : i32
    %run_scoped3A_267 = arith.constant 0 : i32
    "tpu.region"() ({
      %run_scoped3A_299 = tpu.sem_alloc : memref<!tpu.dma_semaphore, #tpu.memory_space<semaphore_mem>>
      %dma_start3A_300 = arith.constant 0 : i32
      %dma_start3A_301 = arith.constant 0 : i32
      %dma_start3A_302 = tpu.memref_slice %arg10[%run_scoped3A_267, %dma_start3A_300, %dma_start3A_301] : memref<4x80x80xf32, #tpu.memory_space<vmem>> -> memref<1x80x80xf32, #tpu.memory_space<vmem>>
      %dma_start3A_303 = tpu.memref_squeeze %dma_start3A_302 : memref<1x80x80xf32, #tpu.memory_space<vmem>> -> memref<80x80xf32, #tpu.memory_space<vmem>>
      %dma_start3A_304 = arith.constant 0 : i32
      %dma_start3A_305 = tpu.memref_slice %arg11[%add3A_266, %dma_start3A_304] : memref<10240x80xf32, #tpu.memory_space<vmem_shared>> -> memref<80x80xf32, #tpu.memory_space<vmem_shared>>
      %dma_start3A_306 = arith.constant 0 : i32
      %dma_start3A_307 = arith.constant 0 : i32
      %dma_start3A_308 = tpu.memref_slice %arg10[%run_scoped3A_267, %dma_start3A_306, %dma_start3A_307] : memref<4x80x80xf32, #tpu.memory_space<vmem>> -> memref<1x80x80xf32, #tpu.memory_space<vmem>>
      %dma_start3A_309 = tpu.memref_squeeze %dma_start3A_308 : memref<1x80x80xf32, #tpu.memory_space<vmem>> -> memref<80x80xf32, #tpu.memory_space<vmem>>
      %dma_start3A_310 = arith.constant 0 : i32
      %dma_start3A_311 = tpu.memref_slice %arg11[%add3A_266, %dma_start3A_310] : memref<10240x80xf32, #tpu.memory_space<vmem_shared>> -> memref<80x80xf32, #tpu.memory_space<vmem_shared>>
      tpu.enqueue_dma source(%dma_start3A_311 : memref<80x80xf32, #tpu.memory_space<vmem_shared>>) target(%dma_start3A_309 : memref<80x80xf32, #tpu.memory_space<vmem>>) target_semaphore(%run_scoped3A_299 : memref<!tpu.dma_semaphore, #tpu.memory_space<semaphore_mem>>)
      %dma_wait3A_312 = arith.constant 0 : i32
      %dma_wait3A_313 = arith.constant 0 : i32
      %dma_wait3A_314 = tpu.memref_slice %arg10[%run_scoped3A_267, %dma_wait3A_312, %dma_wait3A_313] : memref<4x80x80xf32, #tpu.memory_space<vmem>> -> memref<1x80x80xf32, #tpu.memory_space<vmem>>
      %dma_wait3A_315 = tpu.memref_squeeze %dma_wait3A_314 : memref<1x80x80xf32, #tpu.memory_space<vmem>> -> memref<80x80xf32, #tpu.memory_space<vmem>>
      %dma_wait3A_316 = arith.constant 0 : i32
      %dma_wait3A_317 = tpu.memref_slice %arg11[%add3A_266, %dma_wait3A_316] : memref<10240x80xf32, #tpu.memory_space<vmem_shared>> -> memref<80x80xf32, #tpu.memory_space<vmem_shared>>
      %dma_wait3A_318 = arith.constant 0 : i32
      %dma_wait3A_319 = arith.constant 0 : i32
      %dma_wait3A_320 = tpu.memref_slice %arg10[%run_scoped3A_267, %dma_wait3A_318, %dma_wait3A_319] : memref<4x80x80xf32, #tpu.memory_space<vmem>> -> memref<1x80x80xf32, #tpu.memory_space<vmem>>
      %dma_wait3A_321 = tpu.memref_squeeze %dma_wait3A_320 : memref<1x80x80xf32, #tpu.memory_space<vmem>> -> memref<80x80xf32, #tpu.memory_space<vmem>>
      %dma_wait3A_322 = arith.constant 0 : i32
      %dma_wait3A_323 = tpu.memref_slice %arg11[%add3A_266, %dma_wait3A_322] : memref<10240x80xf32, #tpu.memory_space<vmem_shared>> -> memref<80x80xf32, #tpu.memory_space<vmem_shared>>
      tpu.wait_dma2 semaphore(%run_scoped3A_299 : memref<!tpu.dma_semaphore, #tpu.memory_space<semaphore_mem>>) src(%dma_wait3A_323 : memref<80x80xf32, #tpu.memory_space<vmem_shared>>) dst(%dma_wait3A_321 : memref<80x80xf32, #tpu.memory_space<vmem>>)
      tpu.yield
    }) : () -> ()
    %run_scoped3A_268 = arith.constant 0 : i32
    "tpu.region"() ({
      %run_scoped3A_299 = tpu.sem_alloc : memref<!tpu.dma_semaphore, #tpu.memory_space<semaphore_mem>>
      %dma_start3A_300 = arith.constant 0 : i32
      %dma_start3A_301 = arith.constant 0 : i32
      %dma_start3A_302 = tpu.memref_slice %arg10[%run_scoped3A_268, %dma_start3A_300, %dma_start3A_301] : memref<4x80x80xf32, #tpu.memory_space<vmem>> -> memref<1x80x80xf32, #tpu.memory_space<vmem>>
      %dma_start3A_303 = tpu.memref_squeeze %dma_start3A_302 : memref<1x80x80xf32, #tpu.memory_space<vmem>> -> memref<80x80xf32, #tpu.memory_space<vmem>>
      %dma_start3A_304 = arith.constant 0 : i32
      %dma_start3A_305 = tpu.memref_slice %arg5[%arg0, %add3A_266, %dma_start3A_304] : memref<2x10240x80xf32, #tpu.memory_space<hbm>> -> memref<1x80x80xf32, #tpu.memory_space<hbm>>
      %dma_start3A_306 = tpu.memref_squeeze %dma_start3A_305 : memref<1x80x80xf32, #tpu.memory_space<hbm>> -> memref<80x80xf32, #tpu.memory_space<hbm>>
      %dma_start3A_307 = arith.constant 0 : i32
      %dma_start3A_308 = tpu.memref_slice %arg5[%arg0, %add3A_266, %dma_start3A_307] : memref<2x10240x80xf32, #tpu.memory_space<hbm>> -> memref<1x80x80xf32, #tpu.memory_space<hbm>>
      %dma_start3A_309 = tpu.memref_squeeze %dma_start3A_308 : memref<1x80x80xf32, #tpu.memory_space<hbm>> -> memref<80x80xf32, #tpu.memory_space<hbm>>
      %dma_start3A_310 = arith.constant 0 : i32
      %dma_start3A_311 = arith.constant 0 : i32
      %dma_start3A_312 = tpu.memref_slice %arg10[%run_scoped3A_268, %dma_start3A_310, %dma_start3A_311] : memref<4x80x80xf32, #tpu.memory_space<vmem>> -> memref<1x80x80xf32, #tpu.memory_space<vmem>>
      %dma_start3A_313 = tpu.memref_squeeze %dma_start3A_312 : memref<1x80x80xf32, #tpu.memory_space<vmem>> -> memref<80x80xf32, #tpu.memory_space<vmem>>
      tpu.enqueue_dma source(%dma_start3A_313 : memref<80x80xf32, #tpu.memory_space<vmem>>) target(%dma_start3A_309 : memref<80x80xf32, #tpu.memory_space<hbm>>) target_semaphore(%run_scoped3A_299 : memref<!tpu.dma_semaphore, #tpu.memory_space<semaphore_mem>>)
      %dma_wait3A_314 = arith.constant 0 : i32
      %dma_wait3A_315 = arith.constant 0 : i32
      %dma_wait3A_316 = tpu.memref_slice %arg10[%run_scoped3A_268, %dma_wait3A_314, %dma_wait3A_315] : memref<4x80x80xf32, #tpu.memory_space<vmem>> -> memref<1x80x80xf32, #tpu.memory_space<vmem>>
      %dma_wait3A_317 = tpu.memref_squeeze %dma_wait3A_316 : memref<1x80x80xf32, #tpu.memory_space<vmem>> -> memref<80x80xf32, #tpu.memory_space<vmem>>
      %dma_wait3A_318 = arith.constant 0 : i32
      %dma_wait3A_319 = tpu.memref_slice %arg5[%arg0, %add3A_266, %dma_wait3A_318] : memref<2x10240x80xf32, #tpu.memory_space<hbm>> -> memref<1x80x80xf32, #tpu.memory_space<hbm>>
      %dma_wait3A_320 = tpu.memref_squeeze %dma_wait3A_319 : memref<1x80x80xf32, #tpu.memory_space<hbm>> -> memref<80x80xf32, #tpu.memory_space<hbm>>
      %dma_wait3A_321 = arith.constant 0 : i32
      %dma_wait3A_322 = tpu.memref_slice %arg5[%arg0, %add3A_266, %dma_wait3A_321] : memref<2x10240x80xf32, #tpu.memory_space<hbm>> -> memref<1x80x80xf32, #tpu.memory_space<hbm>>
      %dma_wait3A_323 = tpu.memref_squeeze %dma_wait3A_322 : memref<1x80x80xf32, #tpu.memory_space<hbm>> -> memref<80x80xf32, #tpu.memory_space<hbm>>
      %dma_wait3A_324 = arith.constant 0 : i32
      %dma_wait3A_325 = arith.constant 0 : i32
      %dma_wait3A_326 = tpu.memref_slice %arg10[%run_scoped3A_268, %dma_wait3A_324, %dma_wait3A_325] : memref<4x80x80xf32, #tpu.memory_space<vmem>> -> memref<1x80x80xf32, #tpu.memory_space<vmem>>
      %dma_wait3A_327 = tpu.memref_squeeze %dma_wait3A_326 : memref<1x80x80xf32, #tpu.memory_space<vmem>> -> memref<80x80xf32, #tpu.memory_space<vmem>>
      tpu.wait_dma2 semaphore(%run_scoped3A_299 : memref<!tpu.dma_semaphore, #tpu.memory_space<semaphore_mem>>) src(%dma_wait3A_327 : memref<80x80xf32, #tpu.memory_space<vmem>>) dst(%dma_wait3A_323 : memref<80x80xf32, #tpu.memory_space<hbm>>)
      tpu.yield
    }) : () -> ()
    %mul3A_269 = arith.constant 640 : i32
    %mul3A_270 = arith.muli %arg1, %mul3A_269 : i32
    %add3A_271 = arith.constant 240 : i32
    %add3A_272 = arith.addi %mul3A_270, %add3A_271 : i32
    %run_scoped3A_273 = arith.constant 0 : i32
    "tpu.region"() ({
      %run_scoped3A_299 = tpu.sem_alloc : memref<!tpu.dma_semaphore, #tpu.memory_space<semaphore_mem>>
      %dma_start3A_300 = arith.constant 0 : i32
      %dma_start3A_301 = arith.constant 0 : i32
      %dma_start3A_302 = tpu.memref_slice %arg10[%run_scoped3A_273, %dma_start3A_300, %dma_start3A_301] : memref<4x80x80xf32, #tpu.memory_space<vmem>> -> memref<1x80x80xf32, #tpu.memory_space<vmem>>
      %dma_start3A_303 = tpu.memref_squeeze %dma_start3A_302 : memref<1x80x80xf32, #tpu.memory_space<vmem>> -> memref<80x80xf32, #tpu.memory_space<vmem>>
      %dma_start3A_304 = arith.constant 0 : i32
      %dma_start3A_305 = tpu.memref_slice %arg11[%add3A_272, %dma_start3A_304] : memref<10240x80xf32, #tpu.memory_space<vmem_shared>> -> memref<80x80xf32, #tpu.memory_space<vmem_shared>>
      %dma_start3A_306 = arith.constant 0 : i32
      %dma_start3A_307 = arith.constant 0 : i32
      %dma_start3A_308 = tpu.memref_slice %arg10[%run_scoped3A_273, %dma_start3A_306, %dma_start3A_307] : memref<4x80x80xf32, #tpu.memory_space<vmem>> -> memref<1x80x80xf32, #tpu.memory_space<vmem>>
      %dma_start3A_309 = tpu.memref_squeeze %dma_start3A_308 : memref<1x80x80xf32, #tpu.memory_space<vmem>> -> memref<80x80xf32, #tpu.memory_space<vmem>>
      %dma_start3A_310 = arith.constant 0 : i32
      %dma_start3A_311 = tpu.memref_slice %arg11[%add3A_272, %dma_start3A_310] : memref<10240x80xf32, #tpu.memory_space<vmem_shared>> -> memref<80x80xf32, #tpu.memory_space<vmem_shared>>
      tpu.enqueue_dma source(%dma_start3A_311 : memref<80x80xf32, #tpu.memory_space<vmem_shared>>) target(%dma_start3A_309 : memref<80x80xf32, #tpu.memory_space<vmem>>) target_semaphore(%run_scoped3A_299 : memref<!tpu.dma_semaphore, #tpu.memory_space<semaphore_mem>>)
      %dma_wait3A_312 = arith.constant 0 : i32
      %dma_wait3A_313 = arith.constant 0 : i32
      %dma_wait3A_314 = tpu.memref_slice %arg10[%run_scoped3A_273, %dma_wait3A_312, %dma_wait3A_313] : memref<4x80x80xf32, #tpu.memory_space<vmem>> -> memref<1x80x80xf32, #tpu.memory_space<vmem>>
      %dma_wait3A_315 = tpu.memref_squeeze %dma_wait3A_314 : memref<1x80x80xf32, #tpu.memory_space<vmem>> -> memref<80x80xf32, #tpu.memory_space<vmem>>
      %dma_wait3A_316 = arith.constant 0 : i32
      %dma_wait3A_317 = tpu.memref_slice %arg11[%add3A_272, %dma_wait3A_316] : memref<10240x80xf32, #tpu.memory_space<vmem_shared>> -> memref<80x80xf32, #tpu.memory_space<vmem_shared>>
      %dma_wait3A_318 = arith.constant 0 : i32
      %dma_wait3A_319 = arith.constant 0 : i32
      %dma_wait3A_320 = tpu.memref_slice %arg10[%run_scoped3A_273, %dma_wait3A_318, %dma_wait3A_319] : memref<4x80x80xf32, #tpu.memory_space<vmem>> -> memref<1x80x80xf32, #tpu.memory_space<vmem>>
      %dma_wait3A_321 = tpu.memref_squeeze %dma_wait3A_320 : memref<1x80x80xf32, #tpu.memory_space<vmem>> -> memref<80x80xf32, #tpu.memory_space<vmem>>
      %dma_wait3A_322 = arith.constant 0 : i32
      %dma_wait3A_323 = tpu.memref_slice %arg11[%add3A_272, %dma_wait3A_322] : memref<10240x80xf32, #tpu.memory_space<vmem_shared>> -> memref<80x80xf32, #tpu.memory_space<vmem_shared>>
      tpu.wait_dma2 semaphore(%run_scoped3A_299 : memref<!tpu.dma_semaphore, #tpu.memory_space<semaphore_mem>>) src(%dma_wait3A_323 : memref<80x80xf32, #tpu.memory_space<vmem_shared>>) dst(%dma_wait3A_321 : memref<80x80xf32, #tpu.memory_space<vmem>>)
      tpu.yield
    }) : () -> ()
    %run_scoped3A_274 = arith.constant 0 : i32
    "tpu.region"() ({
      %run_scoped3A_299 = tpu.sem_alloc : memref<!tpu.dma_semaphore, #tpu.memory_space<semaphore_mem>>
      %dma_start3A_300 = arith.constant 0 : i32
      %dma_start3A_301 = arith.constant 0 : i32
      %dma_start3A_302 = tpu.memref_slice %arg10[%run_scoped3A_274, %dma_start3A_300, %dma_start3A_301] : memref<4x80x80xf32, #tpu.memory_space<vmem>> -> memref<1x80x80xf32, #tpu.memory_space<vmem>>
      %dma_start3A_303 = tpu.memref_squeeze %dma_start3A_302 : memref<1x80x80xf32, #tpu.memory_space<vmem>> -> memref<80x80xf32, #tpu.memory_space<vmem>>
      %dma_start3A_304 = arith.constant 0 : i32
      %dma_start3A_305 = tpu.memref_slice %arg5[%arg0, %add3A_272, %dma_start3A_304] : memref<2x10240x80xf32, #tpu.memory_space<hbm>> -> memref<1x80x80xf32, #tpu.memory_space<hbm>>
      %dma_start3A_306 = tpu.memref_squeeze %dma_start3A_305 : memref<1x80x80xf32, #tpu.memory_space<hbm>> -> memref<80x80xf32, #tpu.memory_space<hbm>>
      %dma_start3A_307 = arith.constant 0 : i32
      %dma_start3A_308 = tpu.memref_slice %arg5[%arg0, %add3A_272, %dma_start3A_307] : memref<2x10240x80xf32, #tpu.memory_space<hbm>> -> memref<1x80x80xf32, #tpu.memory_space<hbm>>
      %dma_start3A_309 = tpu.memref_squeeze %dma_start3A_308 : memref<1x80x80xf32, #tpu.memory_space<hbm>> -> memref<80x80xf32, #tpu.memory_space<hbm>>
      %dma_start3A_310 = arith.constant 0 : i32
      %dma_start3A_311 = arith.constant 0 : i32
      %dma_start3A_312 = tpu.memref_slice %arg10[%run_scoped3A_274, %dma_start3A_310, %dma_start3A_311] : memref<4x80x80xf32, #tpu.memory_space<vmem>> -> memref<1x80x80xf32, #tpu.memory_space<vmem>>
      %dma_start3A_313 = tpu.memref_squeeze %dma_start3A_312 : memref<1x80x80xf32, #tpu.memory_space<vmem>> -> memref<80x80xf32, #tpu.memory_space<vmem>>
      tpu.enqueue_dma source(%dma_start3A_313 : memref<80x80xf32, #tpu.memory_space<vmem>>) target(%dma_start3A_309 : memref<80x80xf32, #tpu.memory_space<hbm>>) target_semaphore(%run_scoped3A_299 : memref<!tpu.dma_semaphore, #tpu.memory_space<semaphore_mem>>)
      %dma_wait3A_314 = arith.constant 0 : i32
      %dma_wait3A_315 = arith.constant 0 : i32
      %dma_wait3A_316 = tpu.memref_slice %arg10[%run_scoped3A_274, %dma_wait3A_314, %dma_wait3A_315] : memref<4x80x80xf32, #tpu.memory_space<vmem>> -> memref<1x80x80xf32, #tpu.memory_space<vmem>>
      %dma_wait3A_317 = tpu.memref_squeeze %dma_wait3A_316 : memref<1x80x80xf32, #tpu.memory_space<vmem>> -> memref<80x80xf32, #tpu.memory_space<vmem>>
      %dma_wait3A_318 = arith.constant 0 : i32
      %dma_wait3A_319 = tpu.memref_slice %arg5[%arg0, %add3A_272, %dma_wait3A_318] : memref<2x10240x80xf32, #tpu.memory_space<hbm>> -> memref<1x80x80xf32, #tpu.memory_space<hbm>>
      %dma_wait3A_320 = tpu.memref_squeeze %dma_wait3A_319 : memref<1x80x80xf32, #tpu.memory_space<hbm>> -> memref<80x80xf32, #tpu.memory_space<hbm>>
      %dma_wait3A_321 = arith.constant 0 : i32
      %dma_wait3A_322 = tpu.memref_slice %arg5[%arg0, %add3A_272, %dma_wait3A_321] : memref<2x10240x80xf32, #tpu.memory_space<hbm>> -> memref<1x80x80xf32, #tpu.memory_space<hbm>>
      %dma_wait3A_323 = tpu.memref_squeeze %dma_wait3A_322 : memref<1x80x80xf32, #tpu.memory_space<hbm>> -> memref<80x80xf32, #tpu.memory_space<hbm>>
      %dma_wait3A_324 = arith.constant 0 : i32
      %dma_wait3A_325 = arith.constant 0 : i32
      %dma_wait3A_326 = tpu.memref_slice %arg10[%run_scoped3A_274, %dma_wait3A_324, %dma_wait3A_325] : memref<4x80x80xf32, #tpu.memory_space<vmem>> -> memref<1x80x80xf32, #tpu.memory_space<vmem>>
      %dma_wait3A_327 = tpu.memref_squeeze %dma_wait3A_326 : memref<1x80x80xf32, #tpu.memory_space<vmem>> -> memref<80x80xf32, #tpu.memory_space<vmem>>
      tpu.wait_dma2 semaphore(%run_scoped3A_299 : memref<!tpu.dma_semaphore, #tpu.memory_space<semaphore_mem>>) src(%dma_wait3A_327 : memref<80x80xf32, #tpu.memory_space<vmem>>) dst(%dma_wait3A_323 : memref<80x80xf32, #tpu.memory_space<hbm>>)
      tpu.yield
    }) : () -> ()
    %mul3A_275 = arith.constant 640 : i32
    %mul3A_276 = arith.muli %arg1, %mul3A_275 : i32
    %add3A_277 = arith.constant 320 : i32
    %add3A_278 = arith.addi %mul3A_276, %add3A_277 : i32
    %run_scoped3A_279 = arith.constant 0 : i32
    "tpu.region"() ({
      %run_scoped3A_299 = tpu.sem_alloc : memref<!tpu.dma_semaphore, #tpu.memory_space<semaphore_mem>>
      %dma_start3A_300 = arith.constant 0 : i32
      %dma_start3A_301 = arith.constant 0 : i32
      %dma_start3A_302 = tpu.memref_slice %arg10[%run_scoped3A_279, %dma_start3A_300, %dma_start3A_301] : memref<4x80x80xf32, #tpu.memory_space<vmem>> -> memref<1x80x80xf32, #tpu.memory_space<vmem>>
      %dma_start3A_303 = tpu.memref_squeeze %dma_start3A_302 : memref<1x80x80xf32, #tpu.memory_space<vmem>> -> memref<80x80xf32, #tpu.memory_space<vmem>>
      %dma_start3A_304 = arith.constant 0 : i32
      %dma_start3A_305 = tpu.memref_slice %arg11[%add3A_278, %dma_start3A_304] : memref<10240x80xf32, #tpu.memory_space<vmem_shared>> -> memref<80x80xf32, #tpu.memory_space<vmem_shared>>
      %dma_start3A_306 = arith.constant 0 : i32
      %dma_start3A_307 = arith.constant 0 : i32
      %dma_start3A_308 = tpu.memref_slice %arg10[%run_scoped3A_279, %dma_start3A_306, %dma_start3A_307] : memref<4x80x80xf32, #tpu.memory_space<vmem>> -> memref<1x80x80xf32, #tpu.memory_space<vmem>>
      %dma_start3A_309 = tpu.memref_squeeze %dma_start3A_308 : memref<1x80x80xf32, #tpu.memory_space<vmem>> -> memref<80x80xf32, #tpu.memory_space<vmem>>
      %dma_start3A_310 = arith.constant 0 : i32
      %dma_start3A_311 = tpu.memref_slice %arg11[%add3A_278, %dma_start3A_310] : memref<10240x80xf32, #tpu.memory_space<vmem_shared>> -> memref<80x80xf32, #tpu.memory_space<vmem_shared>>
      tpu.enqueue_dma source(%dma_start3A_311 : memref<80x80xf32, #tpu.memory_space<vmem_shared>>) target(%dma_start3A_309 : memref<80x80xf32, #tpu.memory_space<vmem>>) target_semaphore(%run_scoped3A_299 : memref<!tpu.dma_semaphore, #tpu.memory_space<semaphore_mem>>)
      %dma_wait3A_312 = arith.constant 0 : i32
      %dma_wait3A_313 = arith.constant 0 : i32
      %dma_wait3A_314 = tpu.memref_slice %arg10[%run_scoped3A_279, %dma_wait3A_312, %dma_wait3A_313] : memref<4x80x80xf32, #tpu.memory_space<vmem>> -> memref<1x80x80xf32, #tpu.memory_space<vmem>>
      %dma_wait3A_315 = tpu.memref_squeeze %dma_wait3A_314 : memref<1x80x80xf32, #tpu.memory_space<vmem>> -> memref<80x80xf32, #tpu.memory_space<vmem>>
      %dma_wait3A_316 = arith.constant 0 : i32
      %dma_wait3A_317 = tpu.memref_slice %arg11[%add3A_278, %dma_wait3A_316] : memref<10240x80xf32, #tpu.memory_space<vmem_shared>> -> memref<80x80xf32, #tpu.memory_space<vmem_shared>>
      %dma_wait3A_318 = arith.constant 0 : i32
      %dma_wait3A_319 = arith.constant 0 : i32
      %dma_wait3A_320 = tpu.memref_slice %arg10[%run_scoped3A_279, %dma_wait3A_318, %dma_wait3A_319] : memref<4x80x80xf32, #tpu.memory_space<vmem>> -> memref<1x80x80xf32, #tpu.memory_space<vmem>>
      %dma_wait3A_321 = tpu.memref_squeeze %dma_wait3A_320 : memref<1x80x80xf32, #tpu.memory_space<vmem>> -> memref<80x80xf32, #tpu.memory_space<vmem>>
      %dma_wait3A_322 = arith.constant 0 : i32
      %dma_wait3A_323 = tpu.memref_slice %arg11[%add3A_278, %dma_wait3A_322] : memref<10240x80xf32, #tpu.memory_space<vmem_shared>> -> memref<80x80xf32, #tpu.memory_space<vmem_shared>>
      tpu.wait_dma2 semaphore(%run_scoped3A_299 : memref<!tpu.dma_semaphore, #tpu.memory_space<semaphore_mem>>) src(%dma_wait3A_323 : memref<80x80xf32, #tpu.memory_space<vmem_shared>>) dst(%dma_wait3A_321 : memref<80x80xf32, #tpu.memory_space<vmem>>)
      tpu.yield
    }) : () -> ()
    %run_scoped3A_280 = arith.constant 0 : i32
    "tpu.region"() ({
      %run_scoped3A_299 = tpu.sem_alloc : memref<!tpu.dma_semaphore, #tpu.memory_space<semaphore_mem>>
      %dma_start3A_300 = arith.constant 0 : i32
      %dma_start3A_301 = arith.constant 0 : i32
      %dma_start3A_302 = tpu.memref_slice %arg10[%run_scoped3A_280, %dma_start3A_300, %dma_start3A_301] : memref<4x80x80xf32, #tpu.memory_space<vmem>> -> memref<1x80x80xf32, #tpu.memory_space<vmem>>
      %dma_start3A_303 = tpu.memref_squeeze %dma_start3A_302 : memref<1x80x80xf32, #tpu.memory_space<vmem>> -> memref<80x80xf32, #tpu.memory_space<vmem>>
      %dma_start3A_304 = arith.constant 0 : i32
      %dma_start3A_305 = tpu.memref_slice %arg5[%arg0, %add3A_278, %dma_start3A_304] : memref<2x10240x80xf32, #tpu.memory_space<hbm>> -> memref<1x80x80xf32, #tpu.memory_space<hbm>>
      %dma_start3A_306 = tpu.memref_squeeze %dma_start3A_305 : memref<1x80x80xf32, #tpu.memory_space<hbm>> -> memref<80x80xf32, #tpu.memory_space<hbm>>
      %dma_start3A_307 = arith.constant 0 : i32
      %dma_start3A_308 = tpu.memref_slice %arg5[%arg0, %add3A_278, %dma_start3A_307] : memref<2x10240x80xf32, #tpu.memory_space<hbm>> -> memref<1x80x80xf32, #tpu.memory_space<hbm>>
      %dma_start3A_309 = tpu.memref_squeeze %dma_start3A_308 : memref<1x80x80xf32, #tpu.memory_space<hbm>> -> memref<80x80xf32, #tpu.memory_space<hbm>>
      %dma_start3A_310 = arith.constant 0 : i32
      %dma_start3A_311 = arith.constant 0 : i32
      %dma_start3A_312 = tpu.memref_slice %arg10[%run_scoped3A_280, %dma_start3A_310, %dma_start3A_311] : memref<4x80x80xf32, #tpu.memory_space<vmem>> -> memref<1x80x80xf32, #tpu.memory_space<vmem>>
      %dma_start3A_313 = tpu.memref_squeeze %dma_start3A_312 : memref<1x80x80xf32, #tpu.memory_space<vmem>> -> memref<80x80xf32, #tpu.memory_space<vmem>>
      tpu.enqueue_dma source(%dma_start3A_313 : memref<80x80xf32, #tpu.memory_space<vmem>>) target(%dma_start3A_309 : memref<80x80xf32, #tpu.memory_space<hbm>>) target_semaphore(%run_scoped3A_299 : memref<!tpu.dma_semaphore, #tpu.memory_space<semaphore_mem>>)
      %dma_wait3A_314 = arith.constant 0 : i32
      %dma_wait3A_315 = arith.constant 0 : i32
      %dma_wait3A_316 = tpu.memref_slice %arg10[%run_scoped3A_280, %dma_wait3A_314, %dma_wait3A_315] : memref<4x80x80xf32, #tpu.memory_space<vmem>> -> memref<1x80x80xf32, #tpu.memory_space<vmem>>
      %dma_wait3A_317 = tpu.memref_squeeze %dma_wait3A_316 : memref<1x80x80xf32, #tpu.memory_space<vmem>> -> memref<80x80xf32, #tpu.memory_space<vmem>>
      %dma_wait3A_318 = arith.constant 0 : i32
      %dma_wait3A_319 = tpu.memref_slice %arg5[%arg0, %add3A_278, %dma_wait3A_318] : memref<2x10240x80xf32, #tpu.memory_space<hbm>> -> memref<1x80x80xf32, #tpu.memory_space<hbm>>
      %dma_wait3A_320 = tpu.memref_squeeze %dma_wait3A_319 : memref<1x80x80xf32, #tpu.memory_space<hbm>> -> memref<80x80xf32, #tpu.memory_space<hbm>>
      %dma_wait3A_321 = arith.constant 0 : i32
      %dma_wait3A_322 = tpu.memref_slice %arg5[%arg0, %add3A_278, %dma_wait3A_321] : memref<2x10240x80xf32, #tpu.memory_space<hbm>> -> memref<1x80x80xf32, #tpu.memory_space<hbm>>
      %dma_wait3A_323 = tpu.memref_squeeze %dma_wait3A_322 : memref<1x80x80xf32, #tpu.memory_space<hbm>> -> memref<80x80xf32, #tpu.memory_space<hbm>>
      %dma_wait3A_324 = arith.constant 0 : i32
      %dma_wait3A_325 = arith.constant 0 : i32
      %dma_wait3A_326 = tpu.memref_slice %arg10[%run_scoped3A_280, %dma_wait3A_324, %dma_wait3A_325] : memref<4x80x80xf32, #tpu.memory_space<vmem>> -> memref<1x80x80xf32, #tpu.memory_space<vmem>>
      %dma_wait3A_327 = tpu.memref_squeeze %dma_wait3A_326 : memref<1x80x80xf32, #tpu.memory_space<vmem>> -> memref<80x80xf32, #tpu.memory_space<vmem>>
      tpu.wait_dma2 semaphore(%run_scoped3A_299 : memref<!tpu.dma_semaphore, #tpu.memory_space<semaphore_mem>>) src(%dma_wait3A_327 : memref<80x80xf32, #tpu.memory_space<vmem>>) dst(%dma_wait3A_323 : memref<80x80xf32, #tpu.memory_space<hbm>>)
      tpu.yield
    }) : () -> ()
    %mul3A_281 = arith.constant 640 : i32
    %mul3A_282 = arith.muli %arg1, %mul3A_281 : i32
    %add3A_283 = arith.constant 400 : i32
    %add3A_284 = arith.addi %mul3A_282, %add3A_283 : i32
    %run_scoped3A_285 = arith.constant 0 : i32
    "tpu.region"() ({
      %run_scoped3A_299 = tpu.sem_alloc : memref<!tpu.dma_semaphore, #tpu.memory_space<semaphore_mem>>
      %dma_start3A_300 = arith.constant 0 : i32
      %dma_start3A_301 = arith.constant 0 : i32
      %dma_start3A_302 = tpu.memref_slice %arg10[%run_scoped3A_285, %dma_start3A_300, %dma_start3A_301] : memref<4x80x80xf32, #tpu.memory_space<vmem>> -> memref<1x80x80xf32, #tpu.memory_space<vmem>>
      %dma_start3A_303 = tpu.memref_squeeze %dma_start3A_302 : memref<1x80x80xf32, #tpu.memory_space<vmem>> -> memref<80x80xf32, #tpu.memory_space<vmem>>
      %dma_start3A_304 = arith.constant 0 : i32
      %dma_start3A_305 = tpu.memref_slice %arg11[%add3A_284, %dma_start3A_304] : memref<10240x80xf32, #tpu.memory_space<vmem_shared>> -> memref<80x80xf32, #tpu.memory_space<vmem_shared>>
      %dma_start3A_306 = arith.constant 0 : i32
      %dma_start3A_307 = arith.constant 0 : i32
      %dma_start3A_308 = tpu.memref_slice %arg10[%run_scoped3A_285, %dma_start3A_306, %dma_start3A_307] : memref<4x80x80xf32, #tpu.memory_space<vmem>> -> memref<1x80x80xf32, #tpu.memory_space<vmem>>
      %dma_start3A_309 = tpu.memref_squeeze %dma_start3A_308 : memref<1x80x80xf32, #tpu.memory_space<vmem>> -> memref<80x80xf32, #tpu.memory_space<vmem>>
      %dma_start3A_310 = arith.constant 0 : i32
      %dma_start3A_311 = tpu.memref_slice %arg11[%add3A_284, %dma_start3A_310] : memref<10240x80xf32, #tpu.memory_space<vmem_shared>> -> memref<80x80xf32, #tpu.memory_space<vmem_shared>>
      tpu.enqueue_dma source(%dma_start3A_311 : memref<80x80xf32, #tpu.memory_space<vmem_shared>>) target(%dma_start3A_309 : memref<80x80xf32, #tpu.memory_space<vmem>>) target_semaphore(%run_scoped3A_299 : memref<!tpu.dma_semaphore, #tpu.memory_space<semaphore_mem>>)
      %dma_wait3A_312 = arith.constant 0 : i32
      %dma_wait3A_313 = arith.constant 0 : i32
      %dma_wait3A_314 = tpu.memref_slice %arg10[%run_scoped3A_285, %dma_wait3A_312, %dma_wait3A_313] : memref<4x80x80xf32, #tpu.memory_space<vmem>> -> memref<1x80x80xf32, #tpu.memory_space<vmem>>
      %dma_wait3A_315 = tpu.memref_squeeze %dma_wait3A_314 : memref<1x80x80xf32, #tpu.memory_space<vmem>> -> memref<80x80xf32, #tpu.memory_space<vmem>>
      %dma_wait3A_316 = arith.constant 0 : i32
      %dma_wait3A_317 = tpu.memref_slice %arg11[%add3A_284, %dma_wait3A_316] : memref<10240x80xf32, #tpu.memory_space<vmem_shared>> -> memref<80x80xf32, #tpu.memory_space<vmem_shared>>
      %dma_wait3A_318 = arith.constant 0 : i32
      %dma_wait3A_319 = arith.constant 0 : i32
      %dma_wait3A_320 = tpu.memref_slice %arg10[%run_scoped3A_285, %dma_wait3A_318, %dma_wait3A_319] : memref<4x80x80xf32, #tpu.memory_space<vmem>> -> memref<1x80x80xf32, #tpu.memory_space<vmem>>
      %dma_wait3A_321 = tpu.memref_squeeze %dma_wait3A_320 : memref<1x80x80xf32, #tpu.memory_space<vmem>> -> memref<80x80xf32, #tpu.memory_space<vmem>>
      %dma_wait3A_322 = arith.constant 0 : i32
      %dma_wait3A_323 = tpu.memref_slice %arg11[%add3A_284, %dma_wait3A_322] : memref<10240x80xf32, #tpu.memory_space<vmem_shared>> -> memref<80x80xf32, #tpu.memory_space<vmem_shared>>
      tpu.wait_dma2 semaphore(%run_scoped3A_299 : memref<!tpu.dma_semaphore, #tpu.memory_space<semaphore_mem>>) src(%dma_wait3A_323 : memref<80x80xf32, #tpu.memory_space<vmem_shared>>) dst(%dma_wait3A_321 : memref<80x80xf32, #tpu.memory_space<vmem>>)
      tpu.yield
    }) : () -> ()
    %run_scoped3A_286 = arith.constant 0 : i32
    "tpu.region"() ({
      %run_scoped3A_299 = tpu.sem_alloc : memref<!tpu.dma_semaphore, #tpu.memory_space<semaphore_mem>>
      %dma_start3A_300 = arith.constant 0 : i32
      %dma_start3A_301 = arith.constant 0 : i32
      %dma_start3A_302 = tpu.memref_slice %arg10[%run_scoped3A_286, %dma_start3A_300, %dma_start3A_301] : memref<4x80x80xf32, #tpu.memory_space<vmem>> -> memref<1x80x80xf32, #tpu.memory_space<vmem>>
      %dma_start3A_303 = tpu.memref_squeeze %dma_start3A_302 : memref<1x80x80xf32, #tpu.memory_space<vmem>> -> memref<80x80xf32, #tpu.memory_space<vmem>>
      %dma_start3A_304 = arith.constant 0 : i32
      %dma_start3A_305 = tpu.memref_slice %arg5[%arg0, %add3A_284, %dma_start3A_304] : memref<2x10240x80xf32, #tpu.memory_space<hbm>> -> memref<1x80x80xf32, #tpu.memory_space<hbm>>
      %dma_start3A_306 = tpu.memref_squeeze %dma_start3A_305 : memref<1x80x80xf32, #tpu.memory_space<hbm>> -> memref<80x80xf32, #tpu.memory_space<hbm>>
      %dma_start3A_307 = arith.constant 0 : i32
      %dma_start3A_308 = tpu.memref_slice %arg5[%arg0, %add3A_284, %dma_start3A_307] : memref<2x10240x80xf32, #tpu.memory_space<hbm>> -> memref<1x80x80xf32, #tpu.memory_space<hbm>>
      %dma_start3A_309 = tpu.memref_squeeze %dma_start3A_308 : memref<1x80x80xf32, #tpu.memory_space<hbm>> -> memref<80x80xf32, #tpu.memory_space<hbm>>
      %dma_start3A_310 = arith.constant 0 : i32
      %dma_start3A_311 = arith.constant 0 : i32
      %dma_start3A_312 = tpu.memref_slice %arg10[%run_scoped3A_286, %dma_start3A_310, %dma_start3A_311] : memref<4x80x80xf32, #tpu.memory_space<vmem>> -> memref<1x80x80xf32, #tpu.memory_space<vmem>>
      %dma_start3A_313 = tpu.memref_squeeze %dma_start3A_312 : memref<1x80x80xf32, #tpu.memory_space<vmem>> -> memref<80x80xf32, #tpu.memory_space<vmem>>
      tpu.enqueue_dma source(%dma_start3A_313 : memref<80x80xf32, #tpu.memory_space<vmem>>) target(%dma_start3A_309 : memref<80x80xf32, #tpu.memory_space<hbm>>) target_semaphore(%run_scoped3A_299 : memref<!tpu.dma_semaphore, #tpu.memory_space<semaphore_mem>>)
      %dma_wait3A_314 = arith.constant 0 : i32
      %dma_wait3A_315 = arith.constant 0 : i32
      %dma_wait3A_316 = tpu.memref_slice %arg10[%run_scoped3A_286, %dma_wait3A_314, %dma_wait3A_315] : memref<4x80x80xf32, #tpu.memory_space<vmem>> -> memref<1x80x80xf32, #tpu.memory_space<vmem>>
      %dma_wait3A_317 = tpu.memref_squeeze %dma_wait3A_316 : memref<1x80x80xf32, #tpu.memory_space<vmem>> -> memref<80x80xf32, #tpu.memory_space<vmem>>
      %dma_wait3A_318 = arith.constant 0 : i32
      %dma_wait3A_319 = tpu.memref_slice %arg5[%arg0, %add3A_284, %dma_wait3A_318] : memref<2x10240x80xf32, #tpu.memory_space<hbm>> -> memref<1x80x80xf32, #tpu.memory_space<hbm>>
      %dma_wait3A_320 = tpu.memref_squeeze %dma_wait3A_319 : memref<1x80x80xf32, #tpu.memory_space<hbm>> -> memref<80x80xf32, #tpu.memory_space<hbm>>
      %dma_wait3A_321 = arith.constant 0 : i32
      %dma_wait3A_322 = tpu.memref_slice %arg5[%arg0, %add3A_284, %dma_wait3A_321] : memref<2x10240x80xf32, #tpu.memory_space<hbm>> -> memref<1x80x80xf32, #tpu.memory_space<hbm>>
      %dma_wait3A_323 = tpu.memref_squeeze %dma_wait3A_322 : memref<1x80x80xf32, #tpu.memory_space<hbm>> -> memref<80x80xf32, #tpu.memory_space<hbm>>
      %dma_wait3A_324 = arith.constant 0 : i32
      %dma_wait3A_325 = arith.constant 0 : i32
      %dma_wait3A_326 = tpu.memref_slice %arg10[%run_scoped3A_286, %dma_wait3A_324, %dma_wait3A_325] : memref<4x80x80xf32, #tpu.memory_space<vmem>> -> memref<1x80x80xf32, #tpu.memory_space<vmem>>
      %dma_wait3A_327 = tpu.memref_squeeze %dma_wait3A_326 : memref<1x80x80xf32, #tpu.memory_space<vmem>> -> memref<80x80xf32, #tpu.memory_space<vmem>>
      tpu.wait_dma2 semaphore(%run_scoped3A_299 : memref<!tpu.dma_semaphore, #tpu.memory_space<semaphore_mem>>) src(%dma_wait3A_327 : memref<80x80xf32, #tpu.memory_space<vmem>>) dst(%dma_wait3A_323 : memref<80x80xf32, #tpu.memory_space<hbm>>)
      tpu.yield
    }) : () -> ()
    %mul3A_287 = arith.constant 640 : i32
    %mul3A_288 = arith.muli %arg1, %mul3A_287 : i32
    %add3A_289 = arith.constant 480 : i32
    %add3A_290 = arith.addi %mul3A_288, %add3A_289 : i32
    %run_scoped3A_291 = arith.constant 0 : i32
    "tpu.region"() ({
      %run_scoped3A_299 = tpu.sem_alloc : memref<!tpu.dma_semaphore, #tpu.memory_space<semaphore_mem>>
      %dma_start3A_300 = arith.constant 0 : i32
      %dma_start3A_301 = arith.constant 0 : i32
      %dma_start3A_302 = tpu.memref_slice %arg10[%run_scoped3A_291, %dma_start3A_300, %dma_start3A_301] : memref<4x80x80xf32, #tpu.memory_space<vmem>> -> memref<1x80x80xf32, #tpu.memory_space<vmem>>
      %dma_start3A_303 = tpu.memref_squeeze %dma_start3A_302 : memref<1x80x80xf32, #tpu.memory_space<vmem>> -> memref<80x80xf32, #tpu.memory_space<vmem>>
      %dma_start3A_304 = arith.constant 0 : i32
      %dma_start3A_305 = tpu.memref_slice %arg11[%add3A_290, %dma_start3A_304] : memref<10240x80xf32, #tpu.memory_space<vmem_shared>> -> memref<80x80xf32, #tpu.memory_space<vmem_shared>>
      %dma_start3A_306 = arith.constant 0 : i32
      %dma_start3A_307 = arith.constant 0 : i32
      %dma_start3A_308 = tpu.memref_slice %arg10[%run_scoped3A_291, %dma_start3A_306, %dma_start3A_307] : memref<4x80x80xf32, #tpu.memory_space<vmem>> -> memref<1x80x80xf32, #tpu.memory_space<vmem>>
      %dma_start3A_309 = tpu.memref_squeeze %dma_start3A_308 : memref<1x80x80xf32, #tpu.memory_space<vmem>> -> memref<80x80xf32, #tpu.memory_space<vmem>>
      %dma_start3A_310 = arith.constant 0 : i32
      %dma_start3A_311 = tpu.memref_slice %arg11[%add3A_290, %dma_start3A_310] : memref<10240x80xf32, #tpu.memory_space<vmem_shared>> -> memref<80x80xf32, #tpu.memory_space<vmem_shared>>
      tpu.enqueue_dma source(%dma_start3A_311 : memref<80x80xf32, #tpu.memory_space<vmem_shared>>) target(%dma_start3A_309 : memref<80x80xf32, #tpu.memory_space<vmem>>) target_semaphore(%run_scoped3A_299 : memref<!tpu.dma_semaphore, #tpu.memory_space<semaphore_mem>>)
      %dma_wait3A_312 = arith.constant 0 : i32
      %dma_wait3A_313 = arith.constant 0 : i32
      %dma_wait3A_314 = tpu.memref_slice %arg10[%run_scoped3A_291, %dma_wait3A_312, %dma_wait3A_313] : memref<4x80x80xf32, #tpu.memory_space<vmem>> -> memref<1x80x80xf32, #tpu.memory_space<vmem>>
      %dma_wait3A_315 = tpu.memref_squeeze %dma_wait3A_314 : memref<1x80x80xf32, #tpu.memory_space<vmem>> -> memref<80x80xf32, #tpu.memory_space<vmem>>
      %dma_wait3A_316 = arith.constant 0 : i32
      %dma_wait3A_317 = tpu.memref_slice %arg11[%add3A_290, %dma_wait3A_316] : memref<10240x80xf32, #tpu.memory_space<vmem_shared>> -> memref<80x80xf32, #tpu.memory_space<vmem_shared>>
      %dma_wait3A_318 = arith.constant 0 : i32
      %dma_wait3A_319 = arith.constant 0 : i32
      %dma_wait3A_320 = tpu.memref_slice %arg10[%run_scoped3A_291, %dma_wait3A_318, %dma_wait3A_319] : memref<4x80x80xf32, #tpu.memory_space<vmem>> -> memref<1x80x80xf32, #tpu.memory_space<vmem>>
      %dma_wait3A_321 = tpu.memref_squeeze %dma_wait3A_320 : memref<1x80x80xf32, #tpu.memory_space<vmem>> -> memref<80x80xf32, #tpu.memory_space<vmem>>
      %dma_wait3A_322 = arith.constant 0 : i32
      %dma_wait3A_323 = tpu.memref_slice %arg11[%add3A_290, %dma_wait3A_322] : memref<10240x80xf32, #tpu.memory_space<vmem_shared>> -> memref<80x80xf32, #tpu.memory_space<vmem_shared>>
      tpu.wait_dma2 semaphore(%run_scoped3A_299 : memref<!tpu.dma_semaphore, #tpu.memory_space<semaphore_mem>>) src(%dma_wait3A_323 : memref<80x80xf32, #tpu.memory_space<vmem_shared>>) dst(%dma_wait3A_321 : memref<80x80xf32, #tpu.memory_space<vmem>>)
      tpu.yield
    }) : () -> ()
    %run_scoped3A_292 = arith.constant 0 : i32
    "tpu.region"() ({
      %run_scoped3A_299 = tpu.sem_alloc : memref<!tpu.dma_semaphore, #tpu.memory_space<semaphore_mem>>
      %dma_start3A_300 = arith.constant 0 : i32
      %dma_start3A_301 = arith.constant 0 : i32
      %dma_start3A_302 = tpu.memref_slice %arg10[%run_scoped3A_292, %dma_start3A_300, %dma_start3A_301] : memref<4x80x80xf32, #tpu.memory_space<vmem>> -> memref<1x80x80xf32, #tpu.memory_space<vmem>>
      %dma_start3A_303 = tpu.memref_squeeze %dma_start3A_302 : memref<1x80x80xf32, #tpu.memory_space<vmem>> -> memref<80x80xf32, #tpu.memory_space<vmem>>
      %dma_start3A_304 = arith.constant 0 : i32
      %dma_start3A_305 = tpu.memref_slice %arg5[%arg0, %add3A_290, %dma_start3A_304] : memref<2x10240x80xf32, #tpu.memory_space<hbm>> -> memref<1x80x80xf32, #tpu.memory_space<hbm>>
      %dma_start3A_306 = tpu.memref_squeeze %dma_start3A_305 : memref<1x80x80xf32, #tpu.memory_space<hbm>> -> memref<80x80xf32, #tpu.memory_space<hbm>>
      %dma_start3A_307 = arith.constant 0 : i32
      %dma_start3A_308 = tpu.memref_slice %arg5[%arg0, %add3A_290, %dma_start3A_307] : memref<2x10240x80xf32, #tpu.memory_space<hbm>> -> memref<1x80x80xf32, #tpu.memory_space<hbm>>
      %dma_start3A_309 = tpu.memref_squeeze %dma_start3A_308 : memref<1x80x80xf32, #tpu.memory_space<hbm>> -> memref<80x80xf32, #tpu.memory_space<hbm>>
      %dma_start3A_310 = arith.constant 0 : i32
      %dma_start3A_311 = arith.constant 0 : i32
      %dma_start3A_312 = tpu.memref_slice %arg10[%run_scoped3A_292, %dma_start3A_310, %dma_start3A_311] : memref<4x80x80xf32, #tpu.memory_space<vmem>> -> memref<1x80x80xf32, #tpu.memory_space<vmem>>
      %dma_start3A_313 = tpu.memref_squeeze %dma_start3A_312 : memref<1x80x80xf32, #tpu.memory_space<vmem>> -> memref<80x80xf32, #tpu.memory_space<vmem>>
      tpu.enqueue_dma source(%dma_start3A_313 : memref<80x80xf32, #tpu.memory_space<vmem>>) target(%dma_start3A_309 : memref<80x80xf32, #tpu.memory_space<hbm>>) target_semaphore(%run_scoped3A_299 : memref<!tpu.dma_semaphore, #tpu.memory_space<semaphore_mem>>)
      %dma_wait3A_314 = arith.constant 0 : i32
      %dma_wait3A_315 = arith.constant 0 : i32
      %dma_wait3A_316 = tpu.memref_slice %arg10[%run_scoped3A_292, %dma_wait3A_314, %dma_wait3A_315] : memref<4x80x80xf32, #tpu.memory_space<vmem>> -> memref<1x80x80xf32, #tpu.memory_space<vmem>>
      %dma_wait3A_317 = tpu.memref_squeeze %dma_wait3A_316 : memref<1x80x80xf32, #tpu.memory_space<vmem>> -> memref<80x80xf32, #tpu.memory_space<vmem>>
      %dma_wait3A_318 = arith.constant 0 : i32
      %dma_wait3A_319 = tpu.memref_slice %arg5[%arg0, %add3A_290, %dma_wait3A_318] : memref<2x10240x80xf32, #tpu.memory_space<hbm>> -> memref<1x80x80xf32, #tpu.memory_space<hbm>>
      %dma_wait3A_320 = tpu.memref_squeeze %dma_wait3A_319 : memref<1x80x80xf32, #tpu.memory_space<hbm>> -> memref<80x80xf32, #tpu.memory_space<hbm>>
      %dma_wait3A_321 = arith.constant 0 : i32
      %dma_wait3A_322 = tpu.memref_slice %arg5[%arg0, %add3A_290, %dma_wait3A_321] : memref<2x10240x80xf32, #tpu.memory_space<hbm>> -> memref<1x80x80xf32, #tpu.memory_space<hbm>>
      %dma_wait3A_323 = tpu.memref_squeeze %dma_wait3A_322 : memref<1x80x80xf32, #tpu.memory_space<hbm>> -> memref<80x80xf32, #tpu.memory_space<hbm>>
      %dma_wait3A_324 = arith.constant 0 : i32
      %dma_wait3A_325 = arith.constant 0 : i32
      %dma_wait3A_326 = tpu.memref_slice %arg10[%run_scoped3A_292, %dma_wait3A_324, %dma_wait3A_325] : memref<4x80x80xf32, #tpu.memory_space<vmem>> -> memref<1x80x80xf32, #tpu.memory_space<vmem>>
      %dma_wait3A_327 = tpu.memref_squeeze %dma_wait3A_326 : memref<1x80x80xf32, #tpu.memory_space<vmem>> -> memref<80x80xf32, #tpu.memory_space<vmem>>
      tpu.wait_dma2 semaphore(%run_scoped3A_299 : memref<!tpu.dma_semaphore, #tpu.memory_space<semaphore_mem>>) src(%dma_wait3A_327 : memref<80x80xf32, #tpu.memory_space<vmem>>) dst(%dma_wait3A_323 : memref<80x80xf32, #tpu.memory_space<hbm>>)
      tpu.yield
    }) : () -> ()
    %mul3A_293 = arith.constant 640 : i32
    %mul3A_294 = arith.muli %arg1, %mul3A_293 : i32
    %add3A_295 = arith.constant 560 : i32
    %add3A_296 = arith.addi %mul3A_294, %add3A_295 : i32
    %run_scoped3A_297 = arith.constant 0 : i32
    "tpu.region"() ({
      %run_scoped3A_299 = tpu.sem_alloc : memref<!tpu.dma_semaphore, #tpu.memory_space<semaphore_mem>>
      %dma_start3A_300 = arith.constant 0 : i32
      %dma_start3A_301 = arith.constant 0 : i32
      %dma_start3A_302 = tpu.memref_slice %arg10[%run_scoped3A_297, %dma_start3A_300, %dma_start3A_301] : memref<4x80x80xf32, #tpu.memory_space<vmem>> -> memref<1x80x80xf32, #tpu.memory_space<vmem>>
      %dma_start3A_303 = tpu.memref_squeeze %dma_start3A_302 : memref<1x80x80xf32, #tpu.memory_space<vmem>> -> memref<80x80xf32, #tpu.memory_space<vmem>>
      %dma_start3A_304 = arith.constant 0 : i32
      %dma_start3A_305 = tpu.memref_slice %arg11[%add3A_296, %dma_start3A_304] : memref<10240x80xf32, #tpu.memory_space<vmem_shared>> -> memref<80x80xf32, #tpu.memory_space<vmem_shared>>
      %dma_start3A_306 = arith.constant 0 : i32
      %dma_start3A_307 = arith.constant 0 : i32
      %dma_start3A_308 = tpu.memref_slice %arg10[%run_scoped3A_297, %dma_start3A_306, %dma_start3A_307] : memref<4x80x80xf32, #tpu.memory_space<vmem>> -> memref<1x80x80xf32, #tpu.memory_space<vmem>>
      %dma_start3A_309 = tpu.memref_squeeze %dma_start3A_308 : memref<1x80x80xf32, #tpu.memory_space<vmem>> -> memref<80x80xf32, #tpu.memory_space<vmem>>
      %dma_start3A_310 = arith.constant 0 : i32
      %dma_start3A_311 = tpu.memref_slice %arg11[%add3A_296, %dma_start3A_310] : memref<10240x80xf32, #tpu.memory_space<vmem_shared>> -> memref<80x80xf32, #tpu.memory_space<vmem_shared>>
      tpu.enqueue_dma source(%dma_start3A_311 : memref<80x80xf32, #tpu.memory_space<vmem_shared>>) target(%dma_start3A_309 : memref<80x80xf32, #tpu.memory_space<vmem>>) target_semaphore(%run_scoped3A_299 : memref<!tpu.dma_semaphore, #tpu.memory_space<semaphore_mem>>)
      %dma_wait3A_312 = arith.constant 0 : i32
      %dma_wait3A_313 = arith.constant 0 : i32
      %dma_wait3A_314 = tpu.memref_slice %arg10[%run_scoped3A_297, %dma_wait3A_312, %dma_wait3A_313] : memref<4x80x80xf32, #tpu.memory_space<vmem>> -> memref<1x80x80xf32, #tpu.memory_space<vmem>>
      %dma_wait3A_315 = tpu.memref_squeeze %dma_wait3A_314 : memref<1x80x80xf32, #tpu.memory_space<vmem>> -> memref<80x80xf32, #tpu.memory_space<vmem>>
      %dma_wait3A_316 = arith.constant 0 : i32
      %dma_wait3A_317 = tpu.memref_slice %arg11[%add3A_296, %dma_wait3A_316] : memref<10240x80xf32, #tpu.memory_space<vmem_shared>> -> memref<80x80xf32, #tpu.memory_space<vmem_shared>>
      %dma_wait3A_318 = arith.constant 0 : i32
      %dma_wait3A_319 = arith.constant 0 : i32
      %dma_wait3A_320 = tpu.memref_slice %arg10[%run_scoped3A_297, %dma_wait3A_318, %dma_wait3A_319] : memref<4x80x80xf32, #tpu.memory_space<vmem>> -> memref<1x80x80xf32, #tpu.memory_space<vmem>>
      %dma_wait3A_321 = tpu.memref_squeeze %dma_wait3A_320 : memref<1x80x80xf32, #tpu.memory_space<vmem>> -> memref<80x80xf32, #tpu.memory_space<vmem>>
      %dma_wait3A_322 = arith.constant 0 : i32
      %dma_wait3A_323 = tpu.memref_slice %arg11[%add3A_296, %dma_wait3A_322] : memref<10240x80xf32, #tpu.memory_space<vmem_shared>> -> memref<80x80xf32, #tpu.memory_space<vmem_shared>>
      tpu.wait_dma2 semaphore(%run_scoped3A_299 : memref<!tpu.dma_semaphore, #tpu.memory_space<semaphore_mem>>) src(%dma_wait3A_323 : memref<80x80xf32, #tpu.memory_space<vmem_shared>>) dst(%dma_wait3A_321 : memref<80x80xf32, #tpu.memory_space<vmem>>)
      tpu.yield
    }) : () -> ()
    %run_scoped3A_298 = arith.constant 0 : i32
    "tpu.region"() ({
      %run_scoped3A_299 = tpu.sem_alloc : memref<!tpu.dma_semaphore, #tpu.memory_space<semaphore_mem>>
      %dma_start3A_300 = arith.constant 0 : i32
      %dma_start3A_301 = arith.constant 0 : i32
      %dma_start3A_302 = tpu.memref_slice %arg10[%run_scoped3A_298, %dma_start3A_300, %dma_start3A_301] : memref<4x80x80xf32, #tpu.memory_space<vmem>> -> memref<1x80x80xf32, #tpu.memory_space<vmem>>
      %dma_start3A_303 = tpu.memref_squeeze %dma_start3A_302 : memref<1x80x80xf32, #tpu.memory_space<vmem>> -> memref<80x80xf32, #tpu.memory_space<vmem>>
      %dma_start3A_304 = arith.constant 0 : i32
      %dma_start3A_305 = tpu.memref_slice %arg5[%arg0, %add3A_296, %dma_start3A_304] : memref<2x10240x80xf32, #tpu.memory_space<hbm>> -> memref<1x80x80xf32, #tpu.memory_space<hbm>>
      %dma_start3A_306 = tpu.memref_squeeze %dma_start3A_305 : memref<1x80x80xf32, #tpu.memory_space<hbm>> -> memref<80x80xf32, #tpu.memory_space<hbm>>
      %dma_start3A_307 = arith.constant 0 : i32
      %dma_start3A_308 = tpu.memref_slice %arg5[%arg0, %add3A_296, %dma_start3A_307] : memref<2x10240x80xf32, #tpu.memory_space<hbm>> -> memref<1x80x80xf32, #tpu.memory_space<hbm>>
      %dma_start3A_309 = tpu.memref_squeeze %dma_start3A_308 : memref<1x80x80xf32, #tpu.memory_space<hbm>> -> memref<80x80xf32, #tpu.memory_space<hbm>>
      %dma_start3A_310 = arith.constant 0 : i32
      %dma_start3A_311 = arith.constant 0 : i32
      %dma_start3A_312 = tpu.memref_slice %arg10[%run_scoped3A_298, %dma_start3A_310, %dma_start3A_311] : memref<4x80x80xf32, #tpu.memory_space<vmem>> -> memref<1x80x80xf32, #tpu.memory_space<vmem>>
      %dma_start3A_313 = tpu.memref_squeeze %dma_start3A_312 : memref<1x80x80xf32, #tpu.memory_space<vmem>> -> memref<80x80xf32, #tpu.memory_space<vmem>>
      tpu.enqueue_dma source(%dma_start3A_313 : memref<80x80xf32, #tpu.memory_space<vmem>>) target(%dma_start3A_309 : memref<80x80xf32, #tpu.memory_space<hbm>>) target_semaphore(%run_scoped3A_299 : memref<!tpu.dma_semaphore, #tpu.memory_space<semaphore_mem>>)
      %dma_wait3A_314 = arith.constant 0 : i32
      %dma_wait3A_315 = arith.constant 0 : i32
      %dma_wait3A_316 = tpu.memref_slice %arg10[%run_scoped3A_298, %dma_wait3A_314, %dma_wait3A_315] : memref<4x80x80xf32, #tpu.memory_space<vmem>> -> memref<1x80x80xf32, #tpu.memory_space<vmem>>
      %dma_wait3A_317 = tpu.memref_squeeze %dma_wait3A_316 : memref<1x80x80xf32, #tpu.memory_space<vmem>> -> memref<80x80xf32, #tpu.memory_space<vmem>>
      %dma_wait3A_318 = arith.constant 0 : i32
      %dma_wait3A_319 = tpu.memref_slice %arg5[%arg0, %add3A_296, %dma_wait3A_318] : memref<2x10240x80xf32, #tpu.memory_space<hbm>> -> memref<1x80x80xf32, #tpu.memory_space<hbm>>
      %dma_wait3A_320 = tpu.memref_squeeze %dma_wait3A_319 : memref<1x80x80xf32, #tpu.memory_space<hbm>> -> memref<80x80xf32, #tpu.memory_space<hbm>>
      %dma_wait3A_321 = arith.constant 0 : i32
      %dma_wait3A_322 = tpu.memref_slice %arg5[%arg0, %add3A_296, %dma_wait3A_321] : memref<2x10240x80xf32, #tpu.memory_space<hbm>> -> memref<1x80x80xf32, #tpu.memory_space<hbm>>
      %dma_wait3A_323 = tpu.memref_squeeze %dma_wait3A_322 : memref<1x80x80xf32, #tpu.memory_space<hbm>> -> memref<80x80xf32, #tpu.memory_space<hbm>>
      %dma_wait3A_324 = arith.constant 0 : i32
      %dma_wait3A_325 = arith.constant 0 : i32
      %dma_wait3A_326 = tpu.memref_slice %arg10[%run_scoped3A_298, %dma_wait3A_324, %dma_wait3A_325] : memref<4x80x80xf32, #tpu.memory_space<vmem>> -> memref<1x80x80xf32, #tpu.memory_space<vmem>>
      %dma_wait3A_327 = tpu.memref_squeeze %dma_wait3A_326 : memref<1x80x80xf32, #tpu.memory_space<vmem>> -> memref<80x80xf32, #tpu.memory_space<vmem>>
      tpu.wait_dma2 semaphore(%run_scoped3A_299 : memref<!tpu.dma_semaphore, #tpu.memory_space<semaphore_mem>>) src(%dma_wait3A_327 : memref<80x80xf32, #tpu.memory_space<vmem>>) dst(%dma_wait3A_323 : memref<80x80xf32, #tpu.memory_space<hbm>>)
      tpu.yield
    }) : () -> ()
    return
  }
}

module attributes {stable_mosaic.version = 14 : i64} {
  func.func @_stage_a_body(%arg0: i32, %arg1: memref<1280x128xf32, #tpu.memory_space<vmem>>, %arg2: memref<128x80xf32, #tpu.memory_space<vmem>>, %arg3: memref<128x16xf32, #tpu.memory_space<vmem>>, %arg4: memref<1280x80xf32, #tpu.memory_space<vmem>>, %arg5: memref<1280x16xf32, #tpu.memory_space<vmem>>) attributes {dimension_semantics = [#tpu.dimension_semantics<arbitrary>], iteration_bounds = array<i64: 8>, scalar_prefetch = 0 : i64, scratch_operands = 0 : i64, tpu.core_type = #tpu.core_type<tc>, window_params = [{transform_indices = @transform_0, window_bounds = array<i64: 1280, 128>}, {pipeline_mode = #tpu.pipeline_mode<synchronous>, transform_indices = @transform_1, window_bounds = array<i64: 128, 80>}, {pipeline_mode = #tpu.pipeline_mode<synchronous>, transform_indices = @transform_2, window_bounds = array<i64: 128, 16>}, {transform_indices = @transform_3, window_bounds = array<i64: 1280, 80>}, {transform_indices = @transform_4, window_bounds = array<i64: 1280, 16>}]} {
    %get3A = arith.constant 0 : index
    %get3A_0 = arith.constant 0 : index
    %get3A_1 = vector.load %arg1[%get3A, %get3A_0] : memref<1280x128xf32, #tpu.memory_space<vmem>>, vector<1280x128xf32>
    %get3A_2 = arith.constant 0 : index
    %get3A_3 = arith.constant 0 : index
    %get3A_4 = vector.load %arg2[%get3A_2, %get3A_3] : memref<128x80xf32, #tpu.memory_space<vmem>>, vector<128x80xf32>
    %dot_general3A = arith.constant dense<0.000000e+00> : vector<1280x80xf32>
    %dot_general3A_5 = tpu.matmul %get3A_1, %get3A_4, %dot_general3A {dimension_numbers = #tpu.dot_dimension_numbers<[1], [0], [0], [1], [0, 0, 1, 1], [], []>, transpose_lhs_hint = false} : vector<1280x128xf32>, vector<128x80xf32>, vector<1280x80xf32> -> vector<1280x80xf32>
    %swap3A = arith.constant 0 : index
    %swap3A_6 = arith.constant 0 : index
    %swap3A_7 = vector.load %arg4[%swap3A, %swap3A_6] : memref<1280x80xf32, #tpu.memory_space<vmem>>, vector<1280x80xf32>
    tpu.vector_store %arg4[%swap3A, %swap3A_6], %dot_general3A_5 {strides = array<i32>} : memref<1280x80xf32, #tpu.memory_space<vmem>>, vector<1280x80xf32>,
    %get3A_8 = arith.constant 0 : index
    %get3A_9 = arith.constant 0 : index
    %get3A_10 = vector.load %arg3[%get3A_8, %get3A_9] : memref<128x16xf32, #tpu.memory_space<vmem>>, vector<128x16xf32>
    %dot_general3A_11 = arith.constant dense<0.000000e+00> : vector<1280x16xf32>
    %dot_general3A_12 = tpu.matmul %get3A_1, %get3A_10, %dot_general3A_11 {dimension_numbers = #tpu.dot_dimension_numbers<[1], [0], [0], [1], [0, 0, 1, 1], [], []>, transpose_lhs_hint = false} : vector<1280x128xf32>, vector<128x16xf32>, vector<1280x16xf32> -> vector<1280x16xf32>
    %swap3A_13 = arith.constant 0 : index
    %swap3A_14 = arith.constant 0 : index
    %swap3A_15 = vector.load %arg5[%swap3A_13, %swap3A_14] : memref<1280x16xf32, #tpu.memory_space<vmem>>, vector<1280x16xf32>
    tpu.vector_store %arg5[%swap3A_13, %swap3A_14], %dot_general3A_12 {strides = array<i32>} : memref<1280x16xf32, #tpu.memory_space<vmem>>, vector<1280x16xf32>,
    return
  }
  func.func @transform_0(%arg0: i32) -> (i32, i32) {
    %c0_i32 = arith.constant 0 : i32
    %c0_i32_0 = arith.constant 0 : i32
    return %arg0, %c0_i32 : i32, i32
  }
  func.func @transform_1(%arg0: i32) -> (i32, i32) {
    %c0_i32 = arith.constant 0 : i32
    %c0_i32_0 = arith.constant 0 : i32
    %c0_i32_1 = arith.constant 0 : i32
    return %c0_i32, %c0_i32_0 : i32, i32
  }
  func.func @transform_2(%arg0: i32) -> (i32, i32) {
    %c0_i32 = arith.constant 0 : i32
    %c0_i32_0 = arith.constant 0 : i32
    %c0_i32_1 = arith.constant 0 : i32
    return %c0_i32, %c0_i32_0 : i32, i32
  }
  func.func @transform_3(%arg0: i32) -> (i32, i32) {
    %c0_i32 = arith.constant 0 : i32
    %c0_i32_0 = arith.constant 0 : i32
    return %arg0, %c0_i32 : i32, i32
  }
  func.func @transform_4(%arg0: i32) -> (i32, i32) {
    %c0_i32 = arith.constant 0 : i32
    %c0_i32_0 = arith.constant 0 : i32
    return %arg0, %c0_i32 : i32, i32
  }
}

module attributes {stable_mosaic.version = 14 : i64} {
  func.func @_stage_c_body(%arg0: i32, %arg1: memref<1280x80xf32, #tpu.memory_space<vmem>>, %arg2: memref<1280x80xf32, #tpu.memory_space<vmem>>, %arg3: memref<1280x80xf32, #tpu.memory_space<vmem>>, %arg4: memref<1280x16xf32, #tpu.memory_space<vmem>>, %arg5: memref<1x64xf32, #tpu.memory_space<vmem>>, %arg6: memref<16x128xf32, #tpu.memory_space<vmem>>, %arg7: memref<64x48xf32, #tpu.memory_space<vmem>>, %arg8: memref<64x16xf32, #tpu.memory_space<vmem>>, %arg9: memref<1280x48xf32, #tpu.memory_space<vmem>>, %arg10: memref<1280x16xf32, #tpu.memory_space<vmem>>) attributes {dimension_semantics = [#tpu.dimension_semantics<arbitrary>], iteration_bounds = array<i64: 8>, scalar_prefetch = 0 : i64, scratch_operands = 0 : i64, tpu.core_type = #tpu.core_type<tc>, window_params = [{transform_indices = @transform_0, window_bounds = array<i64: 1280, 80>}, {transform_indices = @transform_1, window_bounds = array<i64: 1280, 80>}, {transform_indices = @transform_2, window_bounds = array<i64: 1280, 80>}, {transform_indices = @transform_3, window_bounds = array<i64: 1280, 16>}, {pipeline_mode = #tpu.pipeline_mode<synchronous>, transform_indices = @transform_4, window_bounds = array<i64: 1, 64>}, {pipeline_mode = #tpu.pipeline_mode<synchronous>, transform_indices = @transform_5, window_bounds = array<i64: 16, 128>}, {pipeline_mode = #tpu.pipeline_mode<synchronous>, transform_indices = @transform_6, window_bounds = array<i64: 64, 48>}, {pipeline_mode = #tpu.pipeline_mode<synchronous>, transform_indices = @transform_7, window_bounds = array<i64: 64, 16>}, {transform_indices = @transform_8, window_bounds = array<i64: 1280, 48>}, {transform_indices = @transform_9, window_bounds = array<i64: 1280, 16>}]} {
    %get3A = arith.constant 0 : index
    %get3A_0 = arith.constant 0 : index
    %get3A_1 = vector.load %arg3[%get3A, %get3A_0] : memref<1280x80xf32, #tpu.memory_space<vmem>>, vector<1280x8xf32>
    %get3A_2 = arith.constant 0 : index
    %get3A_3 = arith.constant 0 : index
    %get3A_4 = vector.load %arg4[%get3A_2, %get3A_3] : memref<1280x16xf32, #tpu.memory_space<vmem>>, vector<1280x8xf32>
    %add3A = arith.addf %get3A_1, %get3A_4 : vector<1280x8xf32>
    %mul3A = arith.constant 2.000000e-01 : f32
    %mul3A_5 = vector.broadcast %mul3A : f32 to vector<1280x8xf32>
    %mul3A_6 = arith.mulf %mul3A_5, %add3A : vector<1280x8xf32>
    %max3A = arith.maximumf %add3A, %mul3A_6 : vector<1280x8xf32>
    %exp3A = math.exp %max3A : vector<1280x8xf32>
    %get3A_7 = arith.constant 0 : index
    %get3A_8 = arith.constant 0 : index
    %get3A_9 = vector.load %arg1[%get3A_7, %get3A_8] : memref<1280x80xf32, #tpu.memory_space<vmem>>, vector<1280x8xf32>
    %get3A_10 = arith.constant 0 : index
    %get3A_11 = arith.constant 0 : index
    %get3A_12 = vector.load %arg2[%get3A_10, %get3A_11] : memref<1280x80xf32, #tpu.memory_space<vmem>>, vector<1280x8xf32>
    %add3A_13 = arith.addf %get3A_9, %get3A_12 : vector<1280x8xf32>
    %add3A_14 = arith.addf %add3A_13, %exp3A : vector<1280x8xf32>
    %concatenate3A = tpu.concatenate %exp3A, %add3A_14 in 1 : vector<1280x8xf32>, vector<1280x8xf32> -> vector<1280x16xf32>
    %get3A_15 = arith.constant 0 : index
    %get3A_16 = arith.constant 0 : index
    %get3A_17 = vector.load %arg6[%get3A_15, %get3A_16] : memref<16x128xf32, #tpu.memory_space<vmem>>, vector<16x128xf32>
    %dot_general3A = arith.constant dense<0.000000e+00> : vector<1280x128xf32>
    %dot_general3A_18 = tpu.matmul %concatenate3A, %get3A_17, %dot_general3A {dimension_numbers = #tpu.dot_dimension_numbers<[1], [0], [0], [1], [0, 0, 1, 1], [], []>, transpose_lhs_hint = false} : vector<1280x16xf32>, vector<16x128xf32>, vector<1280x128xf32> -> vector<1280x128xf32>
    %slice3A = vector.extract_strided_slice %dot_general3A_18 {offsets = [0, 0], sizes = [1280, 64], strides = [1, 1]} : vector<1280x128xf32> to vector<1280x64xf32>
    %slice3A_19 = vector.extract_strided_slice %dot_general3A_18 {offsets = [0, 64], sizes = [1280, 64], strides = [1, 1]} : vector<1280x128xf32> to vector<1280x64xf32>
    %get3A_20 = arith.constant 0 : index
    %get3A_21 = arith.constant 16 : index
    %get3A_22 = vector.load %arg1[%get3A_20, %get3A_21] : memref<1280x80xf32, #tpu.memory_space<vmem>>, vector<1280x64xf32>
    %get3A_23 = arith.constant 0 : index
    %get3A_24 = arith.constant 16 : index
    %get3A_25 = vector.load %arg2[%get3A_23, %get3A_24] : memref<1280x80xf32, #tpu.memory_space<vmem>>, vector<1280x64xf32>
    %add3A_26 = arith.addf %get3A_22, %get3A_25 : vector<1280x64xf32>
    %get3A_27 = arith.constant 0 : index
    %get3A_28 = arith.constant 16 : index
    %get3A_29 = vector.load %arg3[%get3A_27, %get3A_28] : memref<1280x80xf32, #tpu.memory_space<vmem>>, vector<1280x64xf32>
    %mul3A_30 = arith.mulf %get3A_29, %slice3A : vector<1280x64xf32>
    %add3A_31 = arith.addf %add3A_26, %mul3A_30 : vector<1280x64xf32>
    %add3A_32 = arith.constant 1.000000e-16 : f32
    %add3A_33 = vector.broadcast %add3A_32 : f32 to vector<1280x64xf32>
    %add3A_34 = arith.addf %slice3A_19, %add3A_33 : vector<1280x64xf32>
    %div3A = arith.divf %add3A_31, %add3A_34 : vector<1280x64xf32>
    %get3A_35 = arith.constant 0 : index
    %get3A_36 = arith.constant 0 : index
    %get3A_37 = vector.load %arg5[%get3A_35, %get3A_36] : memref<1x64xf32, #tpu.memory_space<vmem>>, vector<1x64xf32>
    %add3A_38 = vector.broadcast %get3A_37 : vector<1x64xf32> to vector<1280x64xf32>
    %add3A_39 = arith.addf %div3A, %add3A_38 : vector<1280x64xf32>
    %gt3A = arith.constant 0.000000e+00 : f32
    %gt3A_40 = vector.broadcast %gt3A : f32 to vector<1280x64xf32>
    %gt3A_41 = arith.cmpf ogt, %add3A_39, %gt3A_40 : vector<1280x64xf32>
    %min3A = arith.constant 0.000000e+00 : f32
    %min3A_42 = vector.broadcast %min3A : f32 to vector<1280x64xf32>
    %min3A_43 = arith.minimumf %add3A_39, %min3A_42 : vector<1280x64xf32>
    %exp3A_44 = math.exp %min3A_43 : vector<1280x64xf32>
    %sub3A = arith.constant 1.000000e+00 : f32
    %sub3A_45 = vector.broadcast %sub3A : f32 to vector<1280x64xf32>
    %sub3A_46 = arith.subf %exp3A_44, %sub3A_45 : vector<1280x64xf32>
    %select_n3A = arith.select %gt3A_41, %add3A_39, %sub3A_46 : vector<1280x64xi1>, vector<1280x64xf32>
    %get3A_47 = arith.constant 0 : index
    %get3A_48 = arith.constant 0 : index
    %get3A_49 = vector.load %arg7[%get3A_47, %get3A_48] : memref<64x48xf32, #tpu.memory_space<vmem>>, vector<64x48xf32>
    %dot_general3A_50 = arith.constant dense<0.000000e+00> : vector<1280x48xf32>
    %dot_general3A_51 = tpu.matmul %select_n3A, %get3A_49, %dot_general3A_50 {dimension_numbers = #tpu.dot_dimension_numbers<[1], [0], [0], [1], [0, 0, 1, 1], [], []>, transpose_lhs_hint = false} : vector<1280x64xf32>, vector<64x48xf32>, vector<1280x48xf32> -> vector<1280x48xf32>
    %swap3A = arith.constant 0 : index
    %swap3A_52 = arith.constant 0 : index
    %swap3A_53 = vector.load %arg9[%swap3A, %swap3A_52] : memref<1280x48xf32, #tpu.memory_space<vmem>>, vector<1280x48xf32>
    tpu.vector_store %arg9[%swap3A, %swap3A_52], %dot_general3A_51 {strides = array<i32>} : memref<1280x48xf32, #tpu.memory_space<vmem>>, vector<1280x48xf32>,
    %get3A_54 = arith.constant 0 : index
    %get3A_55 = arith.constant 0 : index
    %get3A_56 = vector.load %arg8[%get3A_54, %get3A_55] : memref<64x16xf32, #tpu.memory_space<vmem>>, vector<64x16xf32>
    %dot_general3A_57 = arith.constant dense<0.000000e+00> : vector<1280x16xf32>
    %dot_general3A_58 = tpu.matmul %select_n3A, %get3A_56, %dot_general3A_57 {dimension_numbers = #tpu.dot_dimension_numbers<[1], [0], [0], [1], [0, 0, 1, 1], [], []>, transpose_lhs_hint = false} : vector<1280x64xf32>, vector<64x16xf32>, vector<1280x16xf32> -> vector<1280x16xf32>
    %swap3A_59 = arith.constant 0 : index
    %swap3A_60 = arith.constant 0 : index
    %swap3A_61 = vector.load %arg10[%swap3A_59, %swap3A_60] : memref<1280x16xf32, #tpu.memory_space<vmem>>, vector<1280x16xf32>
    tpu.vector_store %arg10[%swap3A_59, %swap3A_60], %dot_general3A_58 {strides = array<i32>} : memref<1280x16xf32, #tpu.memory_space<vmem>>, vector<1280x16xf32>,
    return
  }
  func.func @transform_0(%arg0: i32) -> (i32, i32) {
    %c0_i32 = arith.constant 0 : i32
    %c0_i32_0 = arith.constant 0 : i32
    return %arg0, %c0_i32 : i32, i32
  }
  func.func @transform_1(%arg0: i32) -> (i32, i32) {
    %c0_i32 = arith.constant 0 : i32
    %c0_i32_0 = arith.constant 0 : i32
    return %arg0, %c0_i32 : i32, i32
  }
  func.func @transform_2(%arg0: i32) -> (i32, i32) {
    %c0_i32 = arith.constant 0 : i32
    %c0_i32_0 = arith.constant 0 : i32
    return %arg0, %c0_i32 : i32, i32
  }
  func.func @transform_3(%arg0: i32) -> (i32, i32) {
    %c0_i32 = arith.constant 0 : i32
    %c0_i32_0 = arith.constant 0 : i32
    return %arg0, %c0_i32 : i32, i32
  }
  func.func @transform_4(%arg0: i32) -> (i32, i32) {
    %c0_i32 = arith.constant 0 : i32
    %c0_i32_0 = arith.constant 0 : i32
    %c0_i32_1 = arith.constant 0 : i32
    return %c0_i32, %c0_i32_0 : i32, i32
  }
  func.func @transform_5(%arg0: i32) -> (i32, i32) {
    %c0_i32 = arith.constant 0 : i32
    %c0_i32_0 = arith.constant 0 : i32
    %c0_i32_1 = arith.constant 0 : i32
    return %c0_i32, %c0_i32_0 : i32, i32
  }
  func.func @transform_6(%arg0: i32) -> (i32, i32) {
    %c0_i32 = arith.constant 0 : i32
    %c0_i32_0 = arith.constant 0 : i32
    %c0_i32_1 = arith.constant 0 : i32
    return %c0_i32, %c0_i32_0 : i32, i32
  }
  func.func @transform_7(%arg0: i32) -> (i32, i32) {
    %c0_i32 = arith.constant 0 : i32
    %c0_i32_0 = arith.constant 0 : i32
    %c0_i32_1 = arith.constant 0 : i32
    return %c0_i32, %c0_i32_0 : i32, i32
  }
  func.func @transform_8(%arg0: i32) -> (i32, i32) {
    %c0_i32 = arith.constant 0 : i32
    %c0_i32_0 = arith.constant 0 : i32
    return %arg0, %c0_i32 : i32, i32
  }
  func.func @transform_9(%arg0: i32) -> (i32, i32) {
    %c0_i32 = arith.constant 0 : i32
    %c0_i32_0 = arith.constant 0 : i32
    return %arg0, %c0_i32 : i32, i32
  }
}

module attributes {stable_mosaic.version = 14 : i64} {
  func.func @_stage_e_body(%arg0: i32, %arg1: memref<1280x48xf32, #tpu.memory_space<vmem>>, %arg2: memref<1280x48xf32, #tpu.memory_space<vmem>>, %arg3: memref<1280x48xf32, #tpu.memory_space<vmem>>, %arg4: memref<1280x16xf32, #tpu.memory_space<vmem>>, %arg5: memref<1x40xf32, #tpu.memory_space<vmem>>, %arg6: memref<1280x40xf32, #tpu.memory_space<vmem>>) attributes {dimension_semantics = [#tpu.dimension_semantics<arbitrary>], iteration_bounds = array<i64: 8>, scalar_prefetch = 0 : i64, scratch_operands = 0 : i64, tpu.core_type = #tpu.core_type<tc>, window_params = [{transform_indices = @transform_0, window_bounds = array<i64: 1280, 48>}, {transform_indices = @transform_1, window_bounds = array<i64: 1280, 48>}, {transform_indices = @transform_2, window_bounds = array<i64: 1280, 48>}, {transform_indices = @transform_3, window_bounds = array<i64: 1280, 16>}, {pipeline_mode = #tpu.pipeline_mode<synchronous>, transform_indices = @transform_4, window_bounds = array<i64: 1, 40>}, {transform_indices = @transform_5, window_bounds = array<i64: 1280, 40>}]} {
    %get3A = arith.constant 0 : index
    %get3A_0 = arith.constant 40 : index
    %get3A_1 = vector.load %arg3[%get3A, %get3A_0] : memref<1280x48xf32, #tpu.memory_space<vmem>>, vector<1280x1xf32>
    %get3A_2 = arith.constant 0 : index
    %get3A_3 = arith.constant 0 : index
    %get3A_4 = vector.load %arg4[%get3A_2, %get3A_3] : memref<1280x16xf32, #tpu.memory_space<vmem>>, vector<1280x1xf32>
    %add3A = arith.addf %get3A_1, %get3A_4 : vector<1280x1xf32>
    %mul3A = arith.constant 2.000000e-01 : f32
    %mul3A_5 = vector.broadcast %mul3A : f32 to vector<1280x1xf32>
    %mul3A_6 = arith.mulf %mul3A_5, %add3A : vector<1280x1xf32>
    %max3A = arith.maximumf %add3A, %mul3A_6 : vector<1280x1xf32>
    %exp3A = math.exp %max3A : vector<1280x1xf32>
    %get3A_7 = arith.constant 0 : index
    %get3A_8 = arith.constant 41 : index
    %get3A_9 = vector.load %arg1[%get3A_7, %get3A_8] : memref<1280x48xf32, #tpu.memory_space<vmem>>, vector<1280x1xf32>
    %get3A_10 = arith.constant 0 : index
    %get3A_11 = arith.constant 41 : index
    %get3A_12 = vector.load %arg2[%get3A_10, %get3A_11] : memref<1280x48xf32, #tpu.memory_space<vmem>>, vector<1280x1xf32>
    %add3A_13 = arith.addf %get3A_9, %get3A_12 : vector<1280x1xf32>
    %add3A_14 = arith.addf %add3A_13, %exp3A : vector<1280x1xf32>
    %get3A_15 = arith.constant 0 : index
    %get3A_16 = arith.constant 0 : index
    %get3A_17 = vector.load %arg1[%get3A_15, %get3A_16] : memref<1280x48xf32, #tpu.memory_space<vmem>>, vector<1280x40xf32>
    %get3A_18 = arith.constant 0 : index
    %get3A_19 = arith.constant 0 : index
    %get3A_20 = vector.load %arg2[%get3A_18, %get3A_19] : memref<1280x48xf32, #tpu.memory_space<vmem>>, vector<1280x40xf32>
    %add3A_21 = arith.addf %get3A_17, %get3A_20 : vector<1280x40xf32>
    %get3A_22 = arith.constant 0 : index
    %get3A_23 = arith.constant 0 : index
    %get3A_24 = vector.load %arg3[%get3A_22, %get3A_23] : memref<1280x48xf32, #tpu.memory_space<vmem>>, vector<1280x40xf32>
    %mul3A_25 = vector.broadcast %exp3A : vector<1280x1xf32> to vector<1280x40xf32>
    %mul3A_26 = arith.mulf %get3A_24, %mul3A_25 : vector<1280x40xf32>
    %add3A_27 = arith.addf %add3A_21, %mul3A_26 : vector<1280x40xf32>
    %add3A_28 = arith.constant 1.000000e-16 : f32
    %add3A_29 = vector.broadcast %add3A_28 : f32 to vector<1280x1xf32>
    %add3A_30 = arith.addf %add3A_14, %add3A_29 : vector<1280x1xf32>
    %div3A = vector.broadcast %add3A_30 : vector<1280x1xf32> to vector<1280x40xf32>
    %div3A_31 = arith.divf %add3A_27, %div3A : vector<1280x40xf32>
    %get3A_32 = arith.constant 0 : index
    %get3A_33 = arith.constant 0 : index
    %get3A_34 = vector.load %arg5[%get3A_32, %get3A_33] : memref<1x40xf32, #tpu.memory_space<vmem>>, vector<1x40xf32>
    %add3A_35 = vector.broadcast %get3A_34 : vector<1x40xf32> to vector<1280x40xf32>
    %add3A_36 = arith.addf %div3A_31, %add3A_35 : vector<1280x40xf32>
    %reduce_max3A = arith.constant dense<0xFF800000> : vector<1280xf32>
    %reduce_max3A_37 = vector.multi_reduction <maximumf>, %add3A_36, %reduce_max3A [1] : vector<1280x40xf32> to vector<1280xf32>
    %broadcast_in_dim3A = vector.shape_cast %reduce_max3A_37 : vector<1280xf32> to vector<1280x1xf32>
    %sub3A = vector.broadcast %broadcast_in_dim3A : vector<1280x1xf32> to vector<1280x40xf32>
    %sub3A_38 = arith.subf %add3A_36, %sub3A : vector<1280x40xf32>
    %exp3A_39 = math.exp %sub3A_38 : vector<1280x40xf32>
    %reduce_sum3A = arith.constant dense<0.000000e+00> : vector<1280xf32>
    %reduce_sum3A_40 = vector.multi_reduction <add>, %exp3A_39, %reduce_sum3A [1] : vector<1280x40xf32> to vector<1280xf32>
    %broadcast_in_dim3A_41 = vector.shape_cast %reduce_sum3A_40 : vector<1280xf32> to vector<1280x1xf32>
    %log3A = math.log %broadcast_in_dim3A_41 : vector<1280x1xf32>
    %sub3A_42 = vector.broadcast %log3A : vector<1280x1xf32> to vector<1280x40xf32>
    %sub3A_43 = arith.subf %sub3A_38, %sub3A_42 : vector<1280x40xf32>
    %swap3A = arith.constant 0 : index
    %swap3A_44 = arith.constant 0 : index
    %swap3A_45 = vector.load %arg6[%swap3A, %swap3A_44] : memref<1280x40xf32, #tpu.memory_space<vmem>>, vector<1280x40xf32>
    tpu.vector_store %arg6[%swap3A, %swap3A_44], %sub3A_43 {strides = array<i32>} : memref<1280x40xf32, #tpu.memory_space<vmem>>, vector<1280x40xf32>,
    return
  }
  func.func @transform_0(%arg0: i32) -> (i32, i32) {
    %c0_i32 = arith.constant 0 : i32
    %c0_i32_0 = arith.constant 0 : i32
    return %arg0, %c0_i32 : i32, i32
  }
  func.func @transform_1(%arg0: i32) -> (i32, i32) {
    %c0_i32 = arith.constant 0 : i32
    %c0_i32_0 = arith.constant 0 : i32
    return %arg0, %c0_i32 : i32, i32
  }
  func.func @transform_2(%arg0: i32) -> (i32, i32) {
    %c0_i32 = arith.constant 0 : i32
    %c0_i32_0 = arith.constant 0 : i32
    return %arg0, %c0_i32 : i32, i32
  }
  func.func @transform_3(%arg0: i32) -> (i32, i32) {
    %c0_i32 = arith.constant 0 : i32
    %c0_i32_0 = arith.constant 0 : i32
    return %arg0, %c0_i32 : i32, i32
  }
  func.func @transform_4(%arg0: i32) -> (i32, i32) {
    %c0_i32 = arith.constant 0 : i32
    %c0_i32_0 = arith.constant 0 : i32
    %c0_i32_1 = arith.constant 0 : i32
    return %c0_i32, %c0_i32_0 : i32, i32
  }
  func.func @transform_5(%arg0: i32) -> (i32, i32) {
    %c0_i32 = arith.constant 0 : i32
    %c0_i32_0 = arith.constant 0 : i32
    return %arg0, %c0_i32 : i32, i32
  }
}

</mosaic_0001>

<sc_bundles>
// kernel: kernel.10.cloned.1.call-start
scs
__scs_entry_jumppad:
0x0: {  	(pc) =	sbr.rel $0x88, $3  }
0x1: {  	(tag) =	ssettag $0x0;
	lr =	simm.s32 $0x1  }
0x2: {  	[smem:$0x3F97] =	sst lr;
	_ =	strace $0xD0000000  }
0x3: {  	_ = 	snop  }
0x4: {  	_ = 	snop  }
0x5: {  	_ = 	snop  }
0x6: {  	_ = 	snop  }
0x7: {  	_ = 	snop  }
__scs_overlays_trampoline_lowered:
0x8: {  	[smem:$0x3FA6] =	sst s0  }
0x9: {  	[smem:$0x3FA7] =	sst s1  }
0xa: {  	[smem:$0x3FA8] =	sst s2  }
0xb: {  	[smem:$0x3FA9] =	sst s3  }
0xc: {  	[smem:$0x3FAA] =	sst s4  }
0xd: {  	[smem:$0x3FAB] =	sst s5  }
0xe: {  	[smem:$0x3FAC] =	sst s6  }
0xf: {  	[smem:$0x3FAD] =	sst s7  }
0x10: {  	[smem:$0x3FAE] =	sst s8  }
0x11: {  	[smem:$0x3FAF] =	sst s9;
	s0 =	simm.s32 @!p0 $0x0  }
0x12: {  	s1 =	sld [smem:$0x3F95];
	s0 =	simm.s32 @p0 $0x1  }
0x13: {  	[smem:$0x3FB0] =	sst s0;
	s0 =	simm.s32 @!p1 $0x0  }
0x14: {  	s2 =	sld [smem:$0x3F94];
	s0 =	simm.s32 @p1 $0x1  }
0x15: {  	[smem:$0x3FB1] =	sst s0;
	s0 =	simm.s32 @!p2 $0x0  }
0x16: {  	s3 =	sld [smem:$0x3FDB];
	s0 =	simm.s32 @p2 $0x1  }
0x17: {  	s4 =	simm.s32 $0x1BF5;
	[smem:$0x3FB3] =	sst s0  }
0x18: {  	s0 =	sld [smem:$0x3F96];
	_ =	swait.ge [sflag:s4], $0x0  }
0x19: {  	s7 =	sld [smem:$0x3F97]  }
0x1a: {  	s8 =	sadd.s32 $0xFFFFE003, lr  }
0x1b: {  	s9 =	sadd.s32 $0xFFFFFEF7, lr;
	s5 =	simm.s32 $0xFFFFFFFF;
	p2 =	slt.u32 s8, $0xFFFFF086  }
0x1c: {  	p1 =	slt.u32 s9, $0xF7A;
	s5 =	simm.s32 @!p2 $0x0  }
0x1d: {  	s5 =	simm.s32 @p1 $0x1;
	p0 =	seq.s32 s7, s2  }
0x1e: {  	s7 =	smul.u32 @!p0 $0xF7A, s2;
	p2 =	seq.s32 @!p0 s5, $0x0  }
0x1f: {  	s9 =	smul.u32 $0xF7A, s1;
	s8 =	simm.s32 @!p0 $0x1BF5;
	p2 =	por !p2, p0  }
0x20: {  	[sflag:s8] =	ssyncset.s32 @!p0 $0xFFFFF086;
	s6 =	sadd.s32 @!p0 s3, s7;
	s7 =	simm.s32 @!p0 $0x108  }
0x21: {  	s3 =	sadd.s32 s3, s9;
	s6 =	sadd.s32 @!p0 $0x88, s6;
	s7 =	simm.s32 @p2 $0x1082  }
0x22: {  	[simem:s7], [sflag:s8] =	dma.local @!p0 [hbm:s6], $0xF7A  }
0x23: {  	s9 =	sor.u32 $0xD0000000, s2;
	s6 =	simm.s32 $0x108;
	_ =	swait.ge @!p0 [sflag:s8], $0x0  }
0x24: {  	s3 =	sadd.s32 $0x88, s3;
	s6 =	simm.s32 @!p1 $0x1082;
	[sflag:s4] =	ssyncset.s32 $0xFFFFF086  }
0x25: {  	[simem:s6], [sflag:s4] =	dma.local [hbm:s3], $0xF7A  }
0x26: {  	[smem:$0x3F97] =	sst s1;
	(tag) =	ssettag s2;
	_ =	strace s9  }
0x27: {  	s1 =	sld [smem:$0x3FA7]  }
0x28: {  	s2 =	sld [smem:$0x3FA8]  }
0x29: {  	s4 =	sld [smem:$0x3FAA]  }
0x2a: {  	p0 =	seq.s32 s5, $0x0;
	s5 =	sld [smem:$0x3FAB]  }
0x2b: {  	s6 =	sld [smem:$0x3FAC]  }
0x2c: {  	s7 =	sld [smem:$0x3FAD]  }
0x2d: {  	s3 =	simm.s32 $0x108;
	s8 =	sld [smem:$0x3FAE]  }
0x2e: {  	s3 =	simm.s32 @!p0 $0x1082;
	s9 =	sld [smem:$0x3FAF]  }
0x2f: {  	lr =	sadd.s32 s0, s3;
	s0 =	sld [smem:$0x3FA6]  }
0x30: {  	s3 =	sld [smem:$0x3FA9]  }
0x31: {  	[smem:$0x3FB2] =	sst s10  }
0x32: {  	s10 =	sld [smem:$0x3FB0];
	_ =	sdelay $0x3  }
0x33: {  	p0 =	seq.s32 s10, $0x1;
	s10 =	sld [smem:$0x3FB2];
	_ =	sdelay $0x3  }
0x34: {  	[smem:$0x3FB2] =	sst s10  }
0x35: {  	s10 =	sld [smem:$0x3FB1];
	_ =	sdelay $0x3  }
0x36: {  	p1 =	seq.s32 s10, $0x1;
	s10 =	sld [smem:$0x3FB2];
	_ =	sdelay $0x3  }
0x37: {  	[smem:$0x3FB2] =	sst s10  }
0x38: {  	s10 =	sld [smem:$0x3FB3]  }
0x39: {  	_ = 	snop;
	(pc) =	sbr.ind lr, $3  }
0x3a: {  	_ = 	snop  }
0x3b: {  	_ = 	snop  }
0x3c: {  	p2 =	seq.s32 s10, $0x1;
	s10 =	sld [smem:$0x3FB2]  }
0x3d: {  	_ =	shalt  }
0x3e: {  	_ =	shalt  }
0x3f: {  	_ =	shalt  }
0x40: {  	_ =	shalt  }
0x41: {  	_ =	shalt  }
0x42: {  	_ =	shalt  }
0x43: {  	_ =	shalt  }
0x44: {  	_ =	shalt  }
0x45: {  	_ =	shalt  }
0x46: {  	_ =	shalt  }
0x47: {  	_ =	shalt  }
0x48: {  	_ =	shalt  }
0x49: {  	_ =	shalt  }
0x4a: {  	_ =	shalt  }
0x4b: {  	_ =	shalt  }
0x4c: {  	_ =	shalt  }
0x4d: {  	_ =	shalt  }
0x4e: {  	_ =	shalt  }
0x4f: {  	_ =	shalt  }
0x50: {  	_ =	shalt  }
0x51: {  	_ =	shalt  }
0x52: {  	_ =	shalt  }
0x53: {  	_ =	shalt  }
0x54: {  	_ =	shalt  }
0x55: {  	_ =	shalt  }
0x56: {  	_ =	shalt  }
0x57: {  	_ =	shalt  }
0x58: {  	_ =	shalt  }
0x59: {  	_ =	shalt  }
0x5a: {  	_ =	shalt  }
0x5b: {  	_ =	shalt  }
0x5c: {  	_ =	shalt  }
0x5d: {  	_ =	shalt  }
0x5e: {  	_ =	shalt  }
0x5f: {  	_ =	shalt  }
0x60: {  	_ =	shalt  }
0x61: {  	_ =	shalt  }
0x62: {  	_ =	shalt  }
0x63: {  	_ =	shalt  }
0x64: {  	_ =	shalt  }
0x65: {  	_ =	shalt  }
0x66: {  	_ =	shalt  }
0x67: {  	_ =	shalt  }
0x68: {  	_ =	shalt  }
0x69: {  	_ =	shalt  }
0x6a: {  	_ =	shalt  }
0x6b: {  	_ =	shalt  }
0x6c: {  	_ =	shalt  }
0x6d: {  	_ =	shalt  }
0x6e: {  	_ =	shalt  }
0x6f: {  	_ =	shalt  }
0x70: {  	_ =	shalt  }
0x71: {  	_ =	shalt  }
0x72: {  	_ =	shalt  }
0x73: {  	_ =	shalt  }
0x74: {  	_ =	shalt  }
0x75: {  	_ =	shalt  }
0x76: {  	_ =	shalt  }
0x77: {  	_ =	shalt  }
0x78: {  	_ =	shalt  }
0x79: {  	_ =	shalt  }
0x7a: {  	_ =	shalt  }
0x7b: {  	_ =	shalt  }
0x7c: {  	_ =	shalt  }
0x7d: {  	_ =	shalt  }
0x7e: {  	_ =	shalt  }
0x7f: {  	_ =	shalt  }
0x80: {  	_ =	shalt  }
0x81: {  	_ =	shalt  }
0x82: {  	_ =	shalt  }
0x83: {  	_ =	shalt  }
0x84: {  	_ =	shalt  }
0x85: {  	_ =	shalt  }
0x86: {  	_ =	shalt  }
0x87: {  	_ =	shalt  }
.Lfunc_end0:
.L_simem_size_0:
called_computation.1_lowered:
.L_overlay_start_0:
0x88: {  	s2 =	sld [smem:$0x3FD9]  }
0x89: {  	s3 =	sld [smem:$0x3FFE];
	_ =	sdelay $0x1  }
0x8a: {  	s1 =	srdreg.scid  }
0x8b: {  	s0 =	sand.u32 $0x1, s1  }
0x8c: {  	s17 =	sshll.u32 s0, $0xA;
	s2 =	sadd.s32 s3, s2  }
0x8d: {  	s2 =	sadd.s32 s2, s17  }
0x8e: {  	[smem:$0x3FBE] =	sst s2  }
0x8f: {  	_ = 	snop  }
0x90: {  	s2 =	sld [smem:$0x3FD0];
	(tm) =	ssettm $0x1  }
0x91: {  	s18 =	sld [smem:$0x3FFB];
	_ =	sdelay $0x3  }
0x92: {  	_ =	strace s18  }
0x93: {  	s3 =	sld [smem:$0x3FFC];
	_ =	sdelay $0x3  }
0x94: {  	_ =	strace s3  }
0x95: {  	s3 =	sld [smem:$0x3FFD];
	_ =	sdelay $0x3  }
0x96: {  	_ =	strace s3  }
0x97: {  	_ =	strace $0x8FFFFFFF  }
0x98: {  	s19 =	sld [smem:$0x3FDB];
	_ =	sdelay $0x1  }
0x99: {  	s4 =	simm.s32 $_scs_section_size  }
0x9a: {  	s5 =	simm.s32 $_size__tile_overlayer_lowered;
	s6 =	simm.s32 $_tile_overlayer_lowered  }
0x9b: {  	s22 =	simm.s32 $0x1BFF;
	s21 =	sshll.u32 s6, $0x1;
	s3 =	sadd.s32 s4, s19  }
0x9c: {  	s7 =	simm.s32 $0x0;
	s20 =	sshll.u32 s5, $0x1;
	s5 =	sadd.s32 s21, s3  }
0x9d: {  	[timem:s7], [sflag:s22] =	dma.local [hbm:s5], s20  }
0x9e: {  	_ =	swait.ge [sflag:s22], s20  }
0x9f: {  	s4 =	ssub.s32 $0x0, s20;
	[sflag:s22] =	ssyncset.done $0x0  }
0xa0: {  	[sflag:s22] =	ssyncadd.s32 s4;
	_ =	sdelay $0x1  }
0xa1: {  	s23 =	simm.s32 $0x1B8B  }
0xa2: {  	_ =	swait.ge [sflag:s23], $0x1  }
0xa3: {  	[sflag:s23] =	ssyncset.done $0x0  }
0xa4: {  	s25 =	simm.s32 $0x1B8E;
	s24 =	sld [smem:$0x3FFE];
	[sflag:s23] =	ssyncadd.s32 $0xFFFFFFFF  }
0xa5: {  	s26 =	simm.s32 $execute0_lowered;
	[smem:$0x3FD2] =	sst s25  }
0xa6: {  	s5 =	sshll.u32 s26, $0x1;
	_ =	strace $0x80000049;
	[dreg:$0x1] =	wrdreg $0xFFFFFFFF  }
0xa7: {  	s28 =	simm.s32 $_size_execute0_lowered;
	s3 =	sadd.s32 s3, s5;
	[dreg:$0x0] =	wrdreg $0x0  }
0xa8: {  	s5 =	sshll.u32 s28, $0x1;
	[dreg:$0x2] =	wrdreg s3  }
0xa9: {  	[dreg:$0x3] =	wrdreg s5  }
0xaa: {  	[dreg:$0x4] =	wrdreg $0xC0  }
0xab: {  	_ =	task [dreg:s7], $0x5FFFF  }
0xac: {  	[dreg:$0x1] =	wrdreg $0xFFFFFFFF  }
0xad: {  	[dreg:$0x0] =	wrdreg $0x60  }
0xae: {  	[dreg:$0x2] =	wrdreg s24  }
0xaf: {  	[dreg:$0x3] =	wrdreg s2  }
0xb0: {  	[dreg:$0x4] =	wrdreg $0xDA200  }
0xb1: {  	[dreg:$0x5] =	wrdreg $0x9  }
0xb2: {  	_ =	task.clear_ibuf [dreg:s7], $0x6FFFF;
	_ =	strace $0x90000049  }
0xb3: {  	s29 =	simm.s32 $0x9;
	_ =	strace $0x8000004B  }
0xb4: {  	_ =	swait.ge [sflag:s29], $0x1  }
0xb5: {  	[sflag:s29] =	ssyncadd.s32 $0xFFFFFFFF  }
0xb6: {  	_ =	strace $0x9000004B  }
0xb7: {  	_ =	sfence  }
0xb8: {  	s30 =	sld [smem:$0x0];
	_ =	sdelay $0x2  }
0xb9: {  	s31 =	sshll.u32 s1, $0xD;
	s1 =	sshrl.u32 s1, $0x2  }
0xba: {  	s3 =	sand.u32 $0x4000, s31;
	s1 =	sadd.s32 s1, s30  }
0xbb: {  	s0 =	sor.u32 s3, s0;
	s1 =	sshll.u32 s1, $0x11  }
0xbc: {  	s0 =	sor.u32 s1, s0  }
0xbd: {  	s0 =	sadd.s32 $0x8F2B, s0  }
0xbe: {  	[sflag:s0] =	ssyncadd.remote.s32 $0x1  }
0xbf: {  	_ =	sfence.sel $0xFFFF  }
0xc0: {  	[dreg:$0x0] =	wrdreg $0xFFFFFFFF;
	(pc) =	sbr.abs _section_cstart, $3  }
0xc1: {  	[dreg:$0x1] =	wrdreg $0xFFFFFFFF  }
0xc2: {  	_ =	task.clear_ibuf [dreg:s7], $0x2FFFF;
	_ =	strace $0x9FFFFFFF  }
0xc3: {  	(tm) =	ssettm $0x7FFFFFFF  }
tec
execute0_lowered:
.L_overlay_start_1:
0x0: {  	(tag) =	ssettag $0x1  }
0x1: {  	s0 =	rddreg [dreg:$0x0]  }
0x2: {  	s2 =	rddreg [dreg:$0x1]  }
0x3: {  	s1 =	srdreg.scid;
	s3 =	rddreg [dreg:$0x2]  }
0x4: {  	s7 =	stileid.u32;
	s4 =	simm.s32 $0x0;
	s29 =	simm.s32 $0x50  }
0x5: {  	s30 =	simm.s32 $0x6220;
	s31 =	simm.s32 $0x4E20;
	s1 =	sand.u32 $0x1, s1  }
0x6: {  	s28 =	simm.s32 $0x4;
	[smem:$0x7FF] =	sst s4;
	s5 =	sshll.u32 s1, $0x4  }
0x7: {  	s6 =	ssub.s32 $0x2, s1;
	s5 =	sor.u32 s7, s5;
	s7 =	smul.u32 $0x7800, s7  }
0x8: {  	_ =	strace $0x8000004A;
	s1 =	smul.u32 $0x78000, s1;
	s9 =	sshrl.u32 s6, $0x1  }
0x9: {  	s5 =	smul.u32 $0x2710, s5;
	s6 =	ssub.s32 s6, s9;
	s20 =	sadd.s32 $0xF00, s7  }
0xa: {  	s21 =	sadd.s32 s7, s3;
	s14 =	sadd.s32 $0x1E00, s7;
	s15 =	sadd.s32 $0x2D00, s7  }
0xb: {  	s16 =	sadd.s32 $0x3C00, s7;
	s17 =	sadd.s32 $0x4B00, s7;
	s18 =	sadd.s32 $0x5A00, s7  }
0xc: {  	s19 =	sadd.s32 $0x6900, s7;
	s7 =	sadd.s32 s7, s1;
	s5 =	sshrl.u32 s5, $0x3  }
0xd: {  	s22 =	sadd.s32 s20, s3;
	s10 =	sadd.s32 s14, s3;
	s23 =	sadd.s32 s15, s3  }
0xe: {  	s24 =	sadd.s32 s16, s3;
	s25 =	sadd.s32 s17, s3;
	s12 =	sadd.s32 s18, s3  }
0xf: {  	s13 =	sadd.s32 s19, s3;
	s9 =	sadd.s32 s1, s20;
	s14 =	sadd.s32 s1, s14  }
0x10: {  	s15 =	sadd.s32 s1, s15;
	s16 =	sadd.s32 s1, s16;
	s17 =	sadd.s32 s1, s17  }
0x11: {  	s18 =	sadd.s32 s1, s18;
	s1 =	sadd.s32 s1, s19;
	[dreg:$0x4] =	wrdreg s10  }
0x12: {  	s7 =	sshrl.u32 s7, $0x3;
	s8 =	sadd.s32 s5, s0;
	[dreg:$0x5] =	wrdreg s23  }
0x13: {  	s5 =	sadd.s32 $0x3E000, s0;
	s0 =	sadd.s32 $0x4D000, s0;
	[dreg:$0x6] =	wrdreg s24  }
0x14: {  	[dreg:$0x7] =	wrdreg s25;
	s10 =	sshrl.u32 s9, $0x3;
	s14 =	sshrl.u32 s14, $0x3  }
0x15: {  	s19 =	sshrl.u32 s15, $0x3;
	s20 =	sshrl.u32 s16, $0x3;
	s24 =	sshrl.u32 s17, $0x3  }
0x16: {  	s25 =	sshrl.u32 s18, $0x3;
	s1 =	sshrl.u32 s1, $0x3;
	s26 =	sadd.s32 $0x2600, s8  }
0x17: {  	s15 =	simm.s32 $0x2;
	s8 =	sadd.s32 $0xC240, s8;
	[dreg:$0x8] =	wrdreg s26  }
0x18: {  	s16 =	simm.s32 $0xAD20;
	s7 =	sadd.s32 s0, s7;
	[dreg:$0x9] =	wrdreg s8  }
0x19: {  	s17 =	simm.s32 $0x3;
	s11 =	sadd.s32 s0, s10;
	[dreg:$0xa] =	wrdreg s7  }
0x1a: {  	s18 =	simm.s32 $0xBC20;
	s23 =	sadd.s32 s0, s20;
	[dreg:$0xb] =	wrdreg s11  }
0x1b: {  	s20 =	simm.s32 $0x5;
	s7 =	sadd.s32 s0, s14;
	[dreg:$0xe] =	wrdreg s23  }
0x1c: {  	s26 =	smax.u32 s6, $0x1;
	s14 =	simm.s32 $0x1;
	[dreg:$0xc] =	wrdreg s7  }
0x1d: {  	s7 =	sadd.s32 s0, s19;
	[dreg:$0x12] =	wrdreg s26;
	s26 =	simm.s32 $0x9  }
0x1e: {  	s19 =	simm.s32 $0xCB20;
	[dreg:$0xd] =	wrdreg s7;
	s7 =	sadd.s32 s0, s24  }
0x1f: {  	s24 =	simm.s32 $0x0;
	[dreg:$0xf] =	wrdreg s7;
	s7 =	sadd.s32 s0, s25  }
0x20: {  	s0 =	sadd.s32 s0, s1;
	s25 =	simm.s32 $0x9E20;
	[dreg:$0x10] =	wrdreg s7  }
0x21: {  	v0 =	vimm.f32 $0.0e+00;
	v1 =	vimm.s32 $0x8;
	vm0 =	vcmask $0x2328;
	s1 =	simm.s32 $0x5D20;
	[dreg:$0x11] =	wrdreg s0;
	s0 =	simm.s32 $0x8F20  }
.LBB2_1:
0x22: {  	s6 =	simm.s32 $0xC0;
	s7 =	simm.s32 $0x0  }
.LBB2_2:
0x23: {  	p0 =	sne.s32 s6, $0x3B40;
	[tilespmem:s7+$0x9E40] =	vst v0;
	s8 =	smov.u32 s6;
	s6 =	sadd.s32 $0xC0, s6  }
.Ltmp0:
0x24: {  	[tilespmem:s7+$0x9E20] =	vst v0;
	(pc) =	sbr.rel @p0 .LBB2_2-.Ltmp0, $2  }
0x25: {  	[tilespmem:s7+$0x9E30] =	vst v0;
	_ =	sdelay $0x2  }
0x26: {  	s7 =	sshra.s32 s8, $0x2  }
0x27: {  	[tilespmem:s7+$0x9E40] =	vst v0  }
0x28: {  	[tilespmem:s7+$0x9E20] =	vst v0  }
0x29: {  	[tilespmem:s7+$0x9E30] =	vst v0  }
0x2a: {  	[spmem:s21] =	stream.linear.scatter [tilespmem:s25], [sflag:$0x9], $0xF00, $0x38;
	[tilespmem:$0x15220] =	vst v63  }
0x2b: {  	_ =	swait.ge [sflag:s26], $0xF00  }
0x2c: {  	[sflag:s26] =	ssyncset.done $0x0  }
0x2d: {  	[sflag:s26] =	ssyncadd.s32 $0xFFFFF100  }
0x2e: {  	[spmem:s22] =	stream.linear.scatter [tilespmem:s25], [sflag:$0x9], $0xF00, $0x38;
	[tilespmem:$0x15220] =	vst v63  }
0x2f: {  	_ =	swait.ge [sflag:s26], $0xF00  }
0x30: {  	[sflag:s26] =	ssyncset.done $0x0  }
0x31: {  	s6 =	rddreg [dreg:$0x4];
	[sflag:s26] =	ssyncadd.s32 $0xFFFFF100  }
0x32: {  	[spmem:s6] =	stream.linear.scatter [tilespmem:s25], [sflag:$0x9], $0xF00, $0x38;
	[tilespmem:$0x15220] =	vst v63  }
0x33: {  	_ =	swait.ge [sflag:s26], $0xF00  }
0x34: {  	[sflag:s26] =	ssyncset.done $0x0  }
0x35: {  	s23 =	rddreg [dreg:$0x5];
	[sflag:s26] =	ssyncadd.s32 $0xFFFFF100  }
0x36: {  	[spmem:s23] =	stream.linear.scatter [tilespmem:s25], [sflag:$0x9], $0xF00, $0x38;
	[tilespmem:$0x15220] =	vst v63  }
0x37: {  	_ =	swait.ge [sflag:s26], $0xF00  }
0x38: {  	[sflag:s26] =	ssyncset.done $0x0  }
0x39: {  	s7 =	rddreg [dreg:$0x6];
	[sflag:s26] =	ssyncadd.s32 $0xFFFFF100  }
0x3a: {  	[spmem:s7] =	stream.linear.scatter [tilespmem:s25], [sflag:$0x9], $0xF00, $0x38;
	[tilespmem:$0x15220] =	vst v63  }
0x3b: {  	_ =	swait.ge [sflag:s26], $0xF00  }
0x3c: {  	[sflag:s26] =	ssyncset.done $0x0  }
0x3d: {  	s8 =	rddreg [dreg:$0x7];
	[sflag:s26] =	ssyncadd.s32 $0xFFFFF100  }
0x3e: {  	[spmem:s8] =	stream.linear.scatter [tilespmem:s25], [sflag:$0x9], $0xF00, $0x38;
	[tilespmem:$0x15220] =	vst v63  }
0x3f: {  	_ =	swait.ge [sflag:s26], $0xF00  }
0x40: {  	[sflag:s26] =	ssyncset.done $0x0  }
0x41: {  	[sflag:s26] =	ssyncadd.s32 $0xFFFFF100  }
0x42: {  	[spmem:s12] =	stream.linear.scatter [tilespmem:s25], [sflag:$0x9], $0xF00, $0x38;
	[tilespmem:$0x15220] =	vst v63  }
0x43: {  	_ =	swait.ge [sflag:s26], $0xF00  }
0x44: {  	[sflag:s26] =	ssyncset.done $0x0  }
0x45: {  	[sflag:s26] =	ssyncadd.s32 $0xFFFFF100  }
0x46: {  	[spmem:s13] =	stream.linear.scatter [tilespmem:s25], [sflag:$0x9], $0xF00, $0x38;
	[tilespmem:$0x15220] =	vst v63  }
0x47: {  	_ =	swait.ge [sflag:s26], $0xF00  }
0x48: {  	[sflag:s26] =	ssyncset.done $0x0  }
0x49: {  	[sflag:s26] =	ssyncadd.s32 $0xFFFFF100  }
0x4a: {  	[bflag:$0x0] =	sbarrier.arrive $0xFFFF  }
0x4b: {  	s10 =	smov.u32 s21;
	s21 =	simm.s32 $0x0;
	s9 =	rddreg [dreg:$0x8]  }
0x4c: {  	[tilespmem:s21], [sflag:$0x9] =	stream.linear.gather [hbm4b:s9+s21], $0x2710, $0x38;
	[tilespmem:$0x15220] =	vst v63  }
0x4d: {  	_ =	swait.ge [sflag:s26], $0x2710  }
0x4e: {  	s11 =	smov.u32 s22;
	[sflag:s26] =	ssyncset.done $0x0  }
0x4f: {  	s23 =	simm.s32 $0x2710;
	s22 =	rddreg [dreg:$0x9];
	[sflag:s26] =	ssyncadd.s32 $0xFFFFD8F0  }
0x50: {  	[tilespmem:s23], [sflag:$0x9] =	stream.linear.gather [hbm4b:s22+s21], $0x2710, $0x38;
	[tilespmem:$0x15220] =	vst v63  }
0x51: {  	_ =	swait.ge [sflag:s26], $0x2710  }
0x52: {  	[sflag:s26] =	ssyncset.done $0x0  }
0x53: {  	[sflag:s26] =	ssyncadd.s32 $0xFFFFD8F0  }
0x54: {  	[tilespmem:s30], [sflag:$0x1] =	stream.indirect.gather [hbm4b:s5+s29], $0x30, s21, s29, $0xb8;
	[tilespmem:$0x15220] =	vst v63  }
0x55: {  	_ = 	snop  }
0x56: {  	[tilespmem:s31], [sflag:$0x1] =	stream.indirect.gather [hbm4b:s2+s29], $0x10, s23, s29, $0xb8;
	[tilespmem:$0x15220] =	vst v63  }
0x57: {  	s7 =	simm.s32 $0x7120  }
0x58: {  	[tilespmem:s7], [sflag:$0x2] =	stream.indirect.gather [hbm4b:s5+s29], $0x30, s29, s29, $0xb8;
	[tilespmem:$0x15220] =	vst v63  }
0x59: {  	s8 =	simm.s32 $0x2760;
	s9 =	simm.s32 $0x5320  }
0x5a: {  	[tilespmem:s9], [sflag:$0x2] =	stream.indirect.gather [hbm4b:s2+s29], $0x10, s8, s29, $0xb8;
	[tilespmem:$0x15220] =	vst v63  }
0x5b: {  	s22 =	simm.s32 $0xA0;
	s23 =	simm.s32 $0x8020  }
0x5c: {  	[tilespmem:s23], [sflag:$0x3] =	stream.indirect.gather [hbm4b:s5+s29], $0x30, s22, s29, $0xb8;
	[tilespmem:$0x15220] =	vst v63  }
0x5d: {  	s8 =	simm.s32 $0x27B0;
	s9 =	simm.s32 $0x5820  }
0x5e: {  	[tilespmem:s9], [sflag:$0x3] =	stream.indirect.gather [hbm4b:s2+s29], $0x10, s8, s29, $0xb8;
	[tilespmem:$0x15220] =	vst v63  }
0x5f: {  	s22 =	simm.s32 $0xF0  }
0x60: {  	[tilespmem:s0], [sflag:$0x4] =	stream.indirect.gather [hbm4b:s5+s29], $0x30, s22, s29, $0xb8;
	[tilespmem:$0x15220] =	vst v63  }
0x61: {  	s23 =	simm.s32 $0x2800  }
0x62: {  	[tilespmem:s1], [sflag:$0x4] =	stream.indirect.gather [hbm4b:s2+s29], $0x10, s23, s29, $0xb8;
	[tilespmem:$0x15220] =	vst v63  }
.LBB2_4:
0x63: {  	_ =	swait.ge [sflag:s14], $0xF00  }
0x64: {  	[sflag:s14] =	ssyncset.done $0x0  }
0x65: {  	[sflag:s14] =	ssyncadd.s32 $0xFFFFF100  }
0x66: {  	_ =	swait.ge [sflag:s14], $0x500  }
0x67: {  	p0 =	seq.s32 s21, $0x0;
	[sflag:s14] =	ssyncset.done $0x0  }
0x68: {  	s6 =	simm.s32 @!p0 $0x5;
	[sflag:s14] =	ssyncadd.s32 $0xFFFFFB00  }
0x69: {  	_ =	swait.ge @!p0 [sflag:s6], $0xF00  }
0x6a: {  	[sflag:s6] =	ssyncset.done @!p0 $0x0  }
0x6b: {  	[sflag:s6] =	ssyncadd.s32 @!p0 $0xFFFFF100;
	s6 =	simm.s32 $0x0  }
0x6c: {  	v2 =	vld [tilespmem:s6+$0x6240]  }
0x6d: {  	s22 =	simm.s32 $0x4E20  }
0x6e: {  	v3 =	vld [tilespmem:s22+$0x0];
	_ =	sdelay $0x2  }
0x6f: {  	v4 =	vperm.xlane v2, v1;
	_ =	sdelay $0x1  }
0x70: {  	v3 =	vadd.f32 v3, v4;
	_ =	sdelay $0x1  }
0x71: {  	v4 =	vmul.f32 $2.000000030e-01, v3;
	_ =	sdelay $0x1  }
0x72: {  	v3 =	vmax.f32 v3, v4  }
0x73: {  	v3 =	vmul.f32 $1.442695020e+00, v3;
	_ =	sdelay $0x1  }
0x74: {  	(erf) = vpow2.f32 v3;
	_ =	sdelay $0x4  }
0x75: {  	v3 =	vld [tilespmem:s6+$0x6220];
	_ =	sdelay $0x1  }
0x76: {  	v4 =	vld [tilespmem:s6+$0x6230];
	_ =	sdelay $0x1  }
0x77: {  	v5 =	vpop (erf)  }
0x78: {  	v3 =	vmul.f32 v5, v3;
	v6 =	vmul.f32 v5, v2;
	_ =	sdelay $0x1  }
0x79: {  	s8 =	simm.s32 $0x30;
	s7 =	simm.s32 $0x180;
	v2 =	vmul.f32 v5, v4;
	[tilespmem:s6+$0x9E20] =	vst v3;
	v3 =	vsel vm0, v6, v5  }
.LBB2_5:
0x7a: {  	p1 =	sne.s32 s7, $0x3B40;
	v4 =	vld [tilespmem:s8+$0x6240];
	[tilespmem:s6+$0x9E40] =	vst v3  }
0x7b: {  	s22 =	sadd.s32 $0x10, s22;
	[tilespmem:s6+$0x9E30] =	vst v2;
	s6 =	smov.u32 s8  }
0x7c: {  	v2 =	vld [tilespmem:s22+$0x0];
	_ =	sdelay $0x2  }
0x7d: {  	v3 =	vperm.xlane v4, v1;
	_ =	sdelay $0x1  }
0x7e: {  	v2 =	vadd.f32 v2, v3;
	_ =	sdelay $0x1  }
0x7f: {  	v3 =	vmul.f32 $2.000000030e-01, v2;
	_ =	sdelay $0x1  }
0x80: {  	v2 =	vmax.f32 v2, v3  }
0x81: {  	v2 =	vmul.f32 $1.442695020e+00, v2;
	_ =	sdelay $0x1  }
0x82: {  	(erf) = vpow2.f32 v2;
	_ =	sdelay $0x4  }
0x83: {  	v2 =	vld [tilespmem:s6+$0x6220]  }
0x84: {  	v3 =	vld [tilespmem:s6+$0x6230];
	_ =	sdelay $0x1  }
.Ltmp1:
0x85: {  	(pc) =	sbr.rel @p1 .LBB2_5-.Ltmp1, $4  }
0x86: {  	v5 =	vpop (erf)  }
0x87: {  	v6 =	vmul.f32 v5, v2;
	v4 =	vmul.f32 v5, v4  }
0x88: {  	v2 =	vmul.f32 v5, v3  }
0x89: {  	s8 =	sshra.s32 s7, $0x2;
	s7 =	sadd.s32 $0xC0, s7;
	[tilespmem:s6+$0x9E20] =	vst v6;
	v3 =	vsel vm0, v4, v5  }
0x8a: {  	v4 =	vld [tilespmem:s8+$0x6240];
	[tilespmem:s6+$0x9E40] =	vst v3  }
0x8b: {  	[tilespmem:s6+$0x9E30] =	vst v2;
	s23 =	sadd.s32 $0x10, s22  }
0x8c: {  	v2 =	vld [tilespmem:s23+$0x0];
	_ =	sdelay $0x2  }
0x8d: {  	v3 =	vperm.xlane v4, v1;
	_ =	sdelay $0x1  }
0x8e: {  	v2 =	vadd.f32 v2, v3;
	_ =	sdelay $0x1  }
0x8f: {  	v3 =	vmul.f32 $2.000000030e-01, v2;
	_ =	sdelay $0x1  }
0x90: {  	v2 =	vmax.f32 v2, v3  }
0x91: {  	v2 =	vmul.f32 $1.442695020e+00, v2;
	_ =	sdelay $0x1  }
0x92: {  	(erf) = vpow2.f32 v2;
	_ =	sdelay $0x4  }
0x93: {  	v2 =	vld [tilespmem:s8+$0x6220]  }
0x94: {  	v3 =	vld [tilespmem:s8+$0x6230];
	_ =	sdelay $0x2  }
0x95: {  	v5 =	vpop (erf)  }
0x96: {  	v2 =	vmul.f32 v5, v2  }
0x97: {  	s7 =	smul.u32 $0x500, s21;
	v4 =	vmul.f32 v5, v4;
	v3 =	vmul.f32 v5, v3  }
0x98: {  	[tilespmem:s8+$0x9E20] =	vst v2  }
0x99: {  	s23 =	sshra.s32 s7, $0x2;
	v2 =	vsel vm0, v4, v5;
	[tilespmem:s8+$0x9E30] =	vst v3  }
0x9a: {  	s22 =	smul.u32 $0x140, s21;
	s6 =	sadd.s32 $0x2710, s23;
	[tilespmem:s8+$0x9E40] =	vst v2  }
0x9b: {  	[spmem:s3] =	stream.indirect.scatter.add.f32 [tilespmem:s25], [sflag:$0x5], $0x30, s6, s29, $0xb8;
	[tilespmem:$0x15220] =	vst v63  }
0x9c: {  	s8 =	sadd.s32 $0x140, s22  }
0x9d: {  	[tilespmem:s30], [sflag:$0x1] =	stream.indirect.gather [hbm4b:s5+s29], $0x30, s8, s29, $0xb8;
	[tilespmem:$0x15220] =	vst v63  }
0x9e: {  	s9 =	sadd.s32 $0x2850, s22  }
0x9f: {  	[tilespmem:s31], [sflag:$0x1] =	stream.indirect.gather [hbm4b:s2+s29], $0x10, s9, s29, $0xb8;
	[tilespmem:$0x15220] =	vst v63  }
0xa0: {  	_ =	swait.ge [sflag:s15], $0xF00  }
0xa1: {  	[sflag:s15] =	ssyncset.done $0x0  }
0xa2: {  	[sflag:s15] =	ssyncadd.s32 $0xFFFFF100  }
0xa3: {  	_ =	swait.ge [sflag:s15], $0x500  }
0xa4: {  	[sflag:s15] =	ssyncset.done $0x0  }
0xa5: {  	s6 =	simm.s32 @!p0 $0x6;
	[sflag:s15] =	ssyncadd.s32 $0xFFFFFB00  }
0xa6: {  	_ =	swait.ge @!p0 [sflag:s6], $0xF00  }
0xa7: {  	[sflag:s6] =	ssyncset.done @!p0 $0x0  }
0xa8: {  	s7 =	simm.s32 $0x0;
	[sflag:s6] =	ssyncadd.s32 @!p0 $0xFFFFF100  }
0xa9: {  	v2 =	vld [tilespmem:s7+$0x7140]  }
0xaa: {  	s6 =	simm.s32 $0x5320  }
0xab: {  	v3 =	vld [tilespmem:s6+$0x0];
	_ =	sdelay $0x2  }
0xac: {  	v4 =	vperm.xlane v2, v1;
	_ =	sdelay $0x1  }
0xad: {  	v3 =	vadd.f32 v3, v4;
	_ =	sdelay $0x1  }
0xae: {  	v4 =	vmul.f32 $2.000000030e-01, v3;
	_ =	sdelay $0x1  }
0xaf: {  	v3 =	vmax.f32 v3, v4  }
0xb0: {  	v3 =	vmul.f32 $1.442695020e+00, v3;
	_ =	sdelay $0x1  }
0xb1: {  	(erf) = vpow2.f32 v3;
	_ =	sdelay $0x4  }
0xb2: {  	v3 =	vld [tilespmem:s7+$0x7120];
	_ =	sdelay $0x1  }
0xb3: {  	v4 =	vld [tilespmem:s7+$0x7130];
	_ =	sdelay $0x1  }
0xb4: {  	v5 =	vpop (erf)  }
0xb5: {  	v3 =	vmul.f32 v5, v3;
	v6 =	vmul.f32 v5, v2;
	_ =	sdelay $0x1  }
0xb6: {  	s8 =	simm.s32 $0x180;
	s9 =	simm.s32 $0x30;
	v2 =	vmul.f32 v5, v4;
	[tilespmem:s7+$0xAD20] =	vst v3;
	v3 =	vsel vm0, v6, v5  }
.LBB2_7:
0xb7: {  	p1 =	sne.s32 s8, $0x3B40;
	v4 =	vld [tilespmem:s9+$0x7140];
	[tilespmem:s7+$0xAD40] =	vst v3  }
0xb8: {  	s6 =	sadd.s32 $0x10, s6;
	[tilespmem:s7+$0xAD30] =	vst v2;
	s7 =	smov.u32 s9  }
0xb9: {  	v2 =	vld [tilespmem:s6+$0x0];
	_ =	sdelay $0x2  }
0xba: {  	v3 =	vperm.xlane v4, v1;
	_ =	sdelay $0x1  }
0xbb: {  	v2 =	vadd.f32 v2, v3;
	_ =	sdelay $0x1  }
0xbc: {  	v3 =	vmul.f32 $2.000000030e-01, v2;
	_ =	sdelay $0x1  }
0xbd: {  	v2 =	vmax.f32 v2, v3  }
0xbe: {  	v2 =	vmul.f32 $1.442695020e+00, v2;
	_ =	sdelay $0x1  }
0xbf: {  	(erf) = vpow2.f32 v2;
	_ =	sdelay $0x4  }
0xc0: {  	v2 =	vld [tilespmem:s7+$0x7120]  }
0xc1: {  	v3 =	vld [tilespmem:s7+$0x7130];
	_ =	sdelay $0x1  }
.Ltmp2:
0xc2: {  	(pc) =	sbr.rel @p1 .LBB2_7-.Ltmp2, $4  }
0xc3: {  	v5 =	vpop (erf)  }
0xc4: {  	v6 =	vmul.f32 v5, v2;
	v4 =	vmul.f32 v5, v4  }
0xc5: {  	v2 =	vmul.f32 v5, v3  }
0xc6: {  	s9 =	sshra.s32 s8, $0x2;
	s8 =	sadd.s32 $0xC0, s8;
	[tilespmem:s7+$0xAD20] =	vst v6;
	v3 =	vsel vm0, v4, v5  }
0xc7: {  	v4 =	vld [tilespmem:s9+$0x7140];
	[tilespmem:s7+$0xAD40] =	vst v3  }
0xc8: {  	[tilespmem:s7+$0xAD30] =	vst v2;
	s6 =	sadd.s32 $0x10, s6  }
0xc9: {  	v2 =	vld [tilespmem:s6+$0x0];
	_ =	sdelay $0x2  }
0xca: {  	v3 =	vperm.xlane v4, v1;
	_ =	sdelay $0x1  }
0xcb: {  	v2 =	vadd.f32 v2, v3;
	_ =	sdelay $0x1  }
0xcc: {  	v3 =	vmul.f32 $2.000000030e-01, v2;
	_ =	sdelay $0x1  }
0xcd: {  	v2 =	vmax.f32 v2, v3  }
0xce: {  	v2 =	vmul.f32 $1.442695020e+00, v2;
	_ =	sdelay $0x1  }
0xcf: {  	(erf) = vpow2.f32 v2;
	_ =	sdelay $0x4  }
0xd0: {  	v2 =	vld [tilespmem:s9+$0x7120]  }
0xd1: {  	v3 =	vld [tilespmem:s9+$0x7130];
	_ =	sdelay $0x2  }
0xd2: {  	v5 =	vpop (erf)  }
0xd3: {  	v2 =	vmul.f32 v5, v2  }
0xd4: {  	v4 =	vmul.f32 v5, v4;
	v3 =	vmul.f32 v5, v3  }
0xd5: {  	[tilespmem:s9+$0xAD20] =	vst v2  }
0xd6: {  	v2 =	vsel vm0, v4, v5;
	[tilespmem:s9+$0xAD30] =	vst v3  }
0xd7: {  	p1 =	seq.s32 s21, $0x1E;
	[tilespmem:s9+$0xAD40] =	vst v2;
	s9 =	sadd.s32 $0x2760, s23  }
0xd8: {  	[spmem:s3] =	stream.indirect.scatter.add.f32 [tilespmem:s16], [sflag:$0x6], $0x30, s9, s29, $0xb8;
	[tilespmem:$0x15220] =	vst v63  }
0xd9: {  	s6 =	sadd.s32 @!p1 $0x190, s22;
	s7 =	simm.s32 @!p1 $0x50;
	s8 =	simm.s32 @!p1 $0x7120  }
0xda: {  	[tilespmem:s8], [sflag:$0x2] =	stream.indirect.gather @!p1 [hbm4b:s5+s7], $0x30, s6, s7, $0xb8;
	[tilespmem:$0x15220] =	vst v63  }
0xdb: {  	s6 =	sadd.s32 @!p1 $0x28A0, s22;
	s8 =	simm.s32 @!p1 $0x5320  }
0xdc: {  	[tilespmem:s8], [sflag:$0x2] =	stream.indirect.gather @!p1 [hbm4b:s2+s7], $0x10, s6, s7, $0xb8;
	[tilespmem:$0x15220] =	vst v63  }
0xdd: {  	_ =	swait.ge [sflag:s17], $0xF00  }
0xde: {  	[sflag:s17] =	ssyncset.done $0x0  }
0xdf: {  	[sflag:s17] =	ssyncadd.s32 $0xFFFFF100  }
0xe0: {  	_ =	swait.ge [sflag:s17], $0x500  }
0xe1: {  	[sflag:s17] =	ssyncset.done $0x0  }
0xe2: {  	s6 =	simm.s32 @!p0 $0x7;
	[sflag:s17] =	ssyncadd.s32 $0xFFFFFB00  }
0xe3: {  	_ =	swait.ge @!p0 [sflag:s6], $0xF00  }
0xe4: {  	[sflag:s6] =	ssyncset.done @!p0 $0x0  }
0xe5: {  	s7 =	simm.s32 $0x0;
	[sflag:s6] =	ssyncadd.s32 @!p0 $0xFFFFF100  }
0xe6: {  	v2 =	vld [tilespmem:s7+$0x8040]  }
0xe7: {  	s6 =	simm.s32 $0x5820  }
0xe8: {  	v3 =	vld [tilespmem:s6+$0x0];
	_ =	sdelay $0x2  }
0xe9: {  	v4 =	vperm.xlane v2, v1;
	_ =	sdelay $0x1  }
0xea: {  	v3 =	vadd.f32 v3, v4;
	_ =	sdelay $0x1  }
0xeb: {  	v4 =	vmul.f32 $2.000000030e-01, v3;
	_ =	sdelay $0x1  }
0xec: {  	v3 =	vmax.f32 v3, v4  }
0xed: {  	v3 =	vmul.f32 $1.442695020e+00, v3;
	_ =	sdelay $0x1  }
0xee: {  	(erf) = vpow2.f32 v3;
	_ =	sdelay $0x4  }
0xef: {  	v3 =	vld [tilespmem:s7+$0x8020];
	_ =	sdelay $0x1  }
0xf0: {  	v4 =	vld [tilespmem:s7+$0x8030];
	_ =	sdelay $0x1  }
0xf1: {  	v5 =	vpop (erf)  }
0xf2: {  	v3 =	vmul.f32 v5, v3;
	v6 =	vmul.f32 v5, v2;
	_ =	sdelay $0x1  }
0xf3: {  	s9 =	simm.s32 $0x30;
	s8 =	simm.s32 $0x180;
	v2 =	vmul.f32 v5, v4;
	[tilespmem:s7+$0xBC20] =	vst v3;
	v3 =	vsel vm0, v6, v5  }
.LBB2_9:
0xf4: {  	p2 =	sne.s32 s8, $0x3B40;
	v4 =	vld [tilespmem:s9+$0x8040];
	[tilespmem:s7+$0xBC40] =	vst v3  }
0xf5: {  	s6 =	sadd.s32 $0x10, s6;
	[tilespmem:s7+$0xBC30] =	vst v2;
	s7 =	smov.u32 s9  }
0xf6: {  	v2 =	vld [tilespmem:s6+$0x0];
	_ =	sdelay $0x2  }
0xf7: {  	v3 =	vperm.xlane v4, v1;
	_ =	sdelay $0x1  }
0xf8: {  	v2 =	vadd.f32 v2, v3;
	_ =	sdelay $0x1  }
0xf9: {  	v3 =	vmul.f32 $2.000000030e-01, v2;
	_ =	sdelay $0x1  }
0xfa: {  	v2 =	vmax.f32 v2, v3  }
0xfb: {  	v2 =	vmul.f32 $1.442695020e+00, v2;
	_ =	sdelay $0x1  }
0xfc: {  	(erf) = vpow2.f32 v2;
	_ =	sdelay $0x4  }
0xfd: {  	v2 =	vld [tilespmem:s7+$0x8020]  }
0xfe: {  	v3 =	vld [tilespmem:s7+$0x8030];
	_ =	sdelay $0x1  }
.Ltmp3:
0xff: {  	(pc) =	sbr.rel @p2 .LBB2_9-.Ltmp3, $4  }
0x100: {  	v5 =	vpop (erf)  }
0x101: {  	v6 =	vmul.f32 v5, v2;
	v4 =	vmul.f32 v5, v4  }
0x102: {  	v2 =	vmul.f32 v5, v3  }
0x103: {  	s9 =	sshra.s32 s8, $0x2;
	s8 =	sadd.s32 $0xC0, s8;
	[tilespmem:s7+$0xBC20] =	vst v6;
	v3 =	vsel vm0, v4, v5  }
0x104: {  	v4 =	vld [tilespmem:s9+$0x8040];
	[tilespmem:s7+$0xBC40] =	vst v3  }
0x105: {  	[tilespmem:s7+$0xBC30] =	vst v2;
	s6 =	sadd.s32 $0x10, s6  }
0x106: {  	v2 =	vld [tilespmem:s6+$0x0];
	_ =	sdelay $0x2  }
0x107: {  	v3 =	vperm.xlane v4, v1;
	_ =	sdelay $0x1  }
0x108: {  	v2 =	vadd.f32 v2, v3;
	_ =	sdelay $0x1  }
0x109: {  	v3 =	vmul.f32 $2.000000030e-01, v2;
	_ =	sdelay $0x1  }
0x10a: {  	v2 =	vmax.f32 v2, v3  }
0x10b: {  	v2 =	vmul.f32 $1.442695020e+00, v2;
	_ =	sdelay $0x1  }
0x10c: {  	(erf) = vpow2.f32 v2;
	_ =	sdelay $0x4  }
0x10d: {  	v2 =	vld [tilespmem:s9+$0x8020]  }
0x10e: {  	v3 =	vld [tilespmem:s9+$0x8030];
	_ =	sdelay $0x2  }
0x10f: {  	v5 =	vpop (erf)  }
0x110: {  	v2 =	vmul.f32 v5, v2  }
0x111: {  	v4 =	vmul.f32 v5, v4;
	v3 =	vmul.f32 v5, v3  }
0x112: {  	[tilespmem:s9+$0xBC20] =	vst v2  }
0x113: {  	v2 =	vsel vm0, v4, v5;
	[tilespmem:s9+$0xBC30] =	vst v3  }
0x114: {  	[tilespmem:s9+$0xBC40] =	vst v2;
	s9 =	sadd.s32 $0x27B0, s23  }
0x115: {  	[spmem:s3] =	stream.indirect.scatter.add.f32 [tilespmem:s18], [sflag:$0x7], $0x30, s9, s29, $0xb8;
	[tilespmem:$0x15220] =	vst v63  }
0x116: {  	s7 =	simm.s32 @!p1 $0x50;
	s8 =	simm.s32 @!p1 $0x8020;
	s6 =	sadd.s32 @!p1 $0x1E0, s22  }
0x117: {  	[tilespmem:s8], [sflag:$0x3] =	stream.indirect.gather @!p1 [hbm4b:s5+s7], $0x30, s6, s7, $0xb8;
	[tilespmem:$0x15220] =	vst v63  }
0x118: {  	s6 =	sadd.s32 @!p1 $0x28F0, s22;
	s8 =	simm.s32 @!p1 $0x5820  }
0x119: {  	[tilespmem:s8], [sflag:$0x3] =	stream.indirect.gather @!p1 [hbm4b:s2+s7], $0x10, s6, s7, $0xb8;
	[tilespmem:$0x15220] =	vst v63  }
0x11a: {  	_ =	swait.ge [sflag:s28], $0xF00  }
0x11b: {  	[sflag:s28] =	ssyncset.done $0x0  }
0x11c: {  	[sflag:s28] =	ssyncadd.s32 $0xFFFFF100  }
0x11d: {  	_ =	swait.ge [sflag:s28], $0x500  }
0x11e: {  	[sflag:s28] =	ssyncset.done $0x0  }
0x11f: {  	s6 =	simm.s32 @!p0 $0x8;
	[sflag:s28] =	ssyncadd.s32 $0xFFFFFB00  }
0x120: {  	_ =	swait.ge @!p0 [sflag:s6], $0xF00  }
0x121: {  	[sflag:s6] =	ssyncset.done @!p0 $0x0  }
0x122: {  	s7 =	simm.s32 $0x0;
	[sflag:s6] =	ssyncadd.s32 @!p0 $0xFFFFF100  }
0x123: {  	v2 =	vld [tilespmem:s7+$0x8F40]  }
0x124: {  	s6 =	simm.s32 $0x5D20  }
0x125: {  	v3 =	vld [tilespmem:s6+$0x0];
	_ =	sdelay $0x2  }
0x126: {  	v4 =	vperm.xlane v2, v1;
	_ =	sdelay $0x1  }
0x127: {  	v3 =	vadd.f32 v3, v4;
	_ =	sdelay $0x1  }
0x128: {  	v4 =	vmul.f32 $2.000000030e-01, v3;
	_ =	sdelay $0x1  }
0x129: {  	v3 =	vmax.f32 v3, v4  }
0x12a: {  	v3 =	vmul.f32 $1.442695020e+00, v3;
	_ =	sdelay $0x1  }
0x12b: {  	(erf) = vpow2.f32 v3;
	_ =	sdelay $0x4  }
0x12c: {  	v3 =	vld [tilespmem:s7+$0x8F20];
	_ =	sdelay $0x1  }
0x12d: {  	v4 =	vld [tilespmem:s7+$0x8F30];
	_ =	sdelay $0x1  }
0x12e: {  	v5 =	vpop (erf)  }
0x12f: {  	v3 =	vmul.f32 v5, v3;
	v6 =	vmul.f32 v5, v2;
	_ =	sdelay $0x1  }
0x130: {  	s9 =	simm.s32 $0x30;
	s8 =	simm.s32 $0x180;
	v2 =	vmul.f32 v5, v4;
	[tilespmem:s7+$0xCB20] =	vst v3;
	v3 =	vsel vm0, v6, v5  }
.LBB2_11:
0x131: {  	p0 =	sne.s32 s8, $0x3B40;
	v4 =	vld [tilespmem:s9+$0x8F40];
	[tilespmem:s7+$0xCB40] =	vst v3  }
0x132: {  	s6 =	sadd.s32 $0x10, s6;
	[tilespmem:s7+$0xCB30] =	vst v2;
	s7 =	smov.u32 s9  }
0x133: {  	v2 =	vld [tilespmem:s6+$0x0];
	_ =	sdelay $0x2  }
0x134: {  	v3 =	vperm.xlane v4, v1;
	_ =	sdelay $0x1  }
0x135: {  	v2 =	vadd.f32 v2, v3;
	_ =	sdelay $0x1  }
0x136: {  	v3 =	vmul.f32 $2.000000030e-01, v2;
	_ =	sdelay $0x1  }
0x137: {  	v2 =	vmax.f32 v2, v3  }
0x138: {  	v2 =	vmul.f32 $1.442695020e+00, v2;
	_ =	sdelay $0x1  }
0x139: {  	(erf) = vpow2.f32 v2;
	_ =	sdelay $0x4  }
0x13a: {  	v2 =	vld [tilespmem:s7+$0x8F20]  }
0x13b: {  	v3 =	vld [tilespmem:s7+$0x8F30];
	_ =	sdelay $0x1  }
.Ltmp4:
0x13c: {  	(pc) =	sbr.rel @p0 .LBB2_11-.Ltmp4, $4  }
0x13d: {  	v5 =	vpop (erf)  }
0x13e: {  	v6 =	vmul.f32 v5, v2;
	v4 =	vmul.f32 v5, v4  }
0x13f: {  	v2 =	vmul.f32 v5, v3  }
0x140: {  	s9 =	sshra.s32 s8, $0x2;
	s8 =	sadd.s32 $0xC0, s8;
	[tilespmem:s7+$0xCB20] =	vst v6;
	v3 =	vsel vm0, v4, v5  }
0x141: {  	v4 =	vld [tilespmem:s9+$0x8F40];
	[tilespmem:s7+$0xCB40] =	vst v3  }
0x142: {  	[tilespmem:s7+$0xCB30] =	vst v2;
	s6 =	sadd.s32 $0x10, s6  }
0x143: {  	v2 =	vld [tilespmem:s6+$0x0];
	_ =	sdelay $0x2  }
0x144: {  	v3 =	vperm.xlane v4, v1;
	_ =	sdelay $0x1  }
0x145: {  	v2 =	vadd.f32 v2, v3;
	_ =	sdelay $0x1  }
0x146: {  	v3 =	vmul.f32 $2.000000030e-01, v2;
	_ =	sdelay $0x1  }
0x147: {  	v2 =	vmax.f32 v2, v3  }
0x148: {  	v2 =	vmul.f32 $1.442695020e+00, v2;
	_ =	sdelay $0x1  }
0x149: {  	(erf) = vpow2.f32 v2;
	_ =	sdelay $0x4  }
0x14a: {  	v2 =	vld [tilespmem:s9+$0x8F20]  }
0x14b: {  	v3 =	vld [tilespmem:s9+$0x8F30];
	_ =	sdelay $0x2  }
0x14c: {  	v5 =	vpop (erf)  }
0x14d: {  	v2 =	vmul.f32 v5, v2  }
.Ltmp5:
0x14e: {  	v4 =	vmul.f32 v5, v4;
	v3 =	vmul.f32 v5, v3;
	(pc) =	sbr.rel @p1 .LBB2_14-.Ltmp5, $4  }
0x14f: {  	[tilespmem:s9+$0xCB20] =	vst v2  }
0x150: {  	v2 =	vsel vm0, v4, v5;
	[tilespmem:s9+$0xCB30] =	vst v3  }
0x151: {  	s23 =	sadd.s32 $0x2800, s23;
	[tilespmem:s9+$0xCB40] =	vst v2  }
0x152: {  	[spmem:s3] =	stream.indirect.scatter.add.f32 [tilespmem:s19], [sflag:$0x8], $0x30, s23, s29, $0xb8;
	[tilespmem:$0x15220] =	vst v63  }
.Ltmp6:
0x153: {  	(pc) =	sbr.rel .LBB2_4-.Ltmp6, $4  }
0x154: {  	s6 =	sadd.s32 $0x230, s22  }
0x155: {  	[tilespmem:s0], [sflag:$0x4] =	stream.indirect.gather [hbm4b:s5+s29], $0x30, s6, s29, $0xb8;
	[tilespmem:$0x15220] =	vst v63  }
0x156: {  	s23 =	sadd.s32 $0x2940, s22;
	s21 =	sadd.s32 $0x1, s21  }
0x157: {  	[tilespmem:s1], [sflag:$0x4] =	stream.indirect.gather [hbm4b:s2+s29], $0x10, s23, s29, $0xb8;
	[tilespmem:$0x15220] =	vst v63  }
.LBB2_14:
0x158: {  	_ =	swait.ge [sflag:s14], $0xF00  }
0x159: {  	[sflag:s14] =	ssyncset.done $0x0  }
0x15a: {  	[sflag:s14] =	ssyncadd.s32 $0xFFFFF100  }
0x15b: {  	_ =	swait.ge [sflag:s14], $0x500  }
0x15c: {  	[sflag:s14] =	ssyncset.done $0x0  }
0x15d: {  	[sflag:s14] =	ssyncadd.s32 $0xFFFFFB00  }
0x15e: {  	_ =	swait.ge [sflag:s20], $0xF00  }
0x15f: {  	[sflag:s20] =	ssyncset.done $0x0  }
0x160: {  	s7 =	simm.s32 $0x0;
	[sflag:s20] =	ssyncadd.s32 $0xFFFFF100  }
0x161: {  	v2 =	vld [tilespmem:s7+$0x6240]  }
0x162: {  	s6 =	simm.s32 $0x4E20  }
0x163: {  	v3 =	vld [tilespmem:s6+$0x0];
	_ =	sdelay $0x2  }
0x164: {  	v4 =	vperm.xlane v2, v1;
	_ =	sdelay $0x1  }
0x165: {  	v3 =	vadd.f32 v3, v4;
	_ =	sdelay $0x1  }
0x166: {  	v4 =	vmul.f32 $2.000000030e-01, v3;
	_ =	sdelay $0x1  }
0x167: {  	v3 =	vmax.f32 v3, v4  }
0x168: {  	v3 =	vmul.f32 $1.442695020e+00, v3;
	_ =	sdelay $0x1  }
0x169: {  	(erf) = vpow2.f32 v3;
	_ =	sdelay $0x4  }
0x16a: {  	v3 =	vld [tilespmem:s7+$0x6220];
	_ =	sdelay $0x1  }
0x16b: {  	v4 =	vld [tilespmem:s7+$0x6230];
	_ =	sdelay $0x1  }
0x16c: {  	v5 =	vpop (erf)  }
0x16d: {  	v3 =	vmul.f32 v5, v3;
	v6 =	vmul.f32 v5, v2;
	_ =	sdelay $0x1  }
0x16e: {  	s9 =	simm.s32 $0x30;
	s8 =	simm.s32 $0x180;
	v2 =	vmul.f32 v5, v4;
	[tilespmem:s7+$0x9E20] =	vst v3;
	v3 =	vsel vm0, v6, v5  }
.LBB2_15:
0x16f: {  	p0 =	sne.s32 s8, $0x3B40;
	v4 =	vld [tilespmem:s9+$0x6240];
	[tilespmem:s7+$0x9E40] =	vst v3  }
0x170: {  	s6 =	sadd.s32 $0x10, s6;
	[tilespmem:s7+$0x9E30] =	vst v2;
	s7 =	smov.u32 s9  }
0x171: {  	v2 =	vld [tilespmem:s6+$0x0];
	_ =	sdelay $0x2  }
0x172: {  	v3 =	vperm.xlane v4, v1;
	_ =	sdelay $0x1  }
0x173: {  	v2 =	vadd.f32 v2, v3;
	_ =	sdelay $0x1  }
0x174: {  	v3 =	vmul.f32 $2.000000030e-01, v2;
	_ =	sdelay $0x1  }
0x175: {  	v2 =	vmax.f32 v2, v3  }
0x176: {  	v2 =	vmul.f32 $1.442695020e+00, v2;
	_ =	sdelay $0x1  }
0x177: {  	(erf) = vpow2.f32 v2;
	_ =	sdelay $0x4  }
0x178: {  	v2 =	vld [tilespmem:s7+$0x6220]  }
0x179: {  	v3 =	vld [tilespmem:s7+$0x6230];
	_ =	sdelay $0x1  }
.Ltmp7:
0x17a: {  	(pc) =	sbr.rel @p0 .LBB2_15-.Ltmp7, $4  }
0x17b: {  	v5 =	vpop (erf)  }
0x17c: {  	v6 =	vmul.f32 v5, v2;
	v4 =	vmul.f32 v5, v4  }
0x17d: {  	v2 =	vmul.f32 v5, v3  }
0x17e: {  	s9 =	sshra.s32 s8, $0x2;
	s8 =	sadd.s32 $0xC0, s8;
	[tilespmem:s7+$0x9E20] =	vst v6;
	v3 =	vsel vm0, v4, v5  }
0x17f: {  	v4 =	vld [tilespmem:s9+$0x6240];
	[tilespmem:s7+$0x9E40] =	vst v3  }
0x180: {  	[tilespmem:s7+$0x9E30] =	vst v2;
	s6 =	sadd.s32 $0x10, s6  }
0x181: {  	v2 =	vld [tilespmem:s6+$0x0];
	_ =	sdelay $0x2  }
0x182: {  	v3 =	vperm.xlane v4, v1;
	_ =	sdelay $0x1  }
0x183: {  	v2 =	vadd.f32 v2, v3;
	_ =	sdelay $0x1  }
0x184: {  	v3 =	vmul.f32 $2.000000030e-01, v2;
	_ =	sdelay $0x1  }
0x185: {  	v2 =	vmax.f32 v2, v3  }
0x186: {  	v2 =	vmul.f32 $1.442695020e+00, v2;
	_ =	sdelay $0x1  }
0x187: {  	(erf) = vpow2.f32 v2;
	_ =	sdelay $0x4  }
0x188: {  	v2 =	vld [tilespmem:s9+$0x6220]  }
0x189: {  	v3 =	vld [tilespmem:s9+$0x6230];
	_ =	sdelay $0x2  }
0x18a: {  	v5 =	vpop (erf)  }
0x18b: {  	v2 =	vmul.f32 v5, v2  }
0x18c: {  	v4 =	vmul.f32 v5, v4;
	v3 =	vmul.f32 v5, v3  }
0x18d: {  	[tilespmem:s9+$0x9E20] =	vst v2  }
0x18e: {  	v2 =	vsel vm0, v4, v5;
	[tilespmem:s9+$0x9E30] =	vst v3  }
0x18f: {  	s8 =	simm.s32 $0x4DD0;
	[tilespmem:s9+$0x9E40] =	vst v2  }
0x190: {  	[spmem:s3] =	stream.indirect.scatter.add.f32 [tilespmem:s25], [sflag:$0x5], $0x30, s8, s29, $0xb8;
	[tilespmem:$0x15220] =	vst v63  }
0x191: {  	_ =	swait.ge [sflag:s20], $0xF00  }
0x192: {  	[sflag:s20] =	ssyncset.done $0x0  }
0x193: {  	s9 =	simm.s32 $0x6;
	[sflag:s20] =	ssyncadd.s32 $0xFFFFF100  }
0x194: {  	_ =	swait.ge [sflag:s9], $0xF00  }
0x195: {  	[sflag:s9] =	ssyncset.done $0x0  }
0x196: {  	s21 =	simm.s32 $0x7;
	[sflag:s9] =	ssyncadd.s32 $0xFFFFF100  }
0x197: {  	_ =	swait.ge [sflag:s21], $0xF00  }
0x198: {  	[sflag:s21] =	ssyncset.done $0x0  }
0x199: {  	s22 =	simm.s32 $0x8;
	[sflag:s21] =	ssyncadd.s32 $0xFFFFF100  }
0x19a: {  	_ =	swait.ge [sflag:s22], $0xF00  }
0x19b: {  	[sflag:s22] =	ssyncset.done $0x0  }
0x19c: {  	[sflag:s22] =	ssyncadd.s32 $0xFFFFF100  }
0x19d: {  	[bflag:$0x0] =	sbarrier.arrive $0xFFFF  }
0x19e: {  	[tilespmem:s25], [sflag:$0x9] =	stream.linear.gather [spmem:s10], $0xF00, $0x38;
	[tilespmem:$0x15220] =	vst v63  }
0x19f: {  	_ =	swait.ge [sflag:s26], $0xF00  }
0x1a0: {  	[sflag:s26] =	ssyncset.done $0x0  }
0x1a1: {  	s23 =	rddreg [dreg:$0xa];
	[sflag:s26] =	ssyncadd.s32 $0xFFFFF100  }
0x1a2: {  	[hbm4b:s23+s4] =	stream.linear.scatter [tilespmem:s25], [sflag:$0x9], $0xF00, $0x38;
	[tilespmem:$0x15220] =	vst v63  }
0x1a3: {  	_ =	swait.ge [sflag:s26], $0xF00  }
0x1a4: {  	[sflag:s26] =	ssyncset.done $0x0  }
0x1a5: {  	[sflag:s26] =	ssyncadd.s32 $0xFFFFF100  }
0x1a6: {  	[tilespmem:s25], [sflag:$0x9] =	stream.linear.gather [spmem:s11], $0xF00, $0x38;
	[tilespmem:$0x15220] =	vst v63  }
0x1a7: {  	_ =	swait.ge [sflag:s26], $0xF00  }
0x1a8: {  	[sflag:s26] =	ssyncset.done $0x0  }
0x1a9: {  	s7 =	rddreg [dreg:$0xb];
	[sflag:s26] =	ssyncadd.s32 $0xFFFFF100  }
0x1aa: {  	[hbm4b:s7+s4] =	stream.linear.scatter [tilespmem:s25], [sflag:$0x9], $0xF00, $0x38;
	[tilespmem:$0x15220] =	vst v63  }
0x1ab: {  	_ =	swait.ge [sflag:s26], $0xF00  }
0x1ac: {  	[sflag:s26] =	ssyncset.done $0x0  }
0x1ad: {  	s8 =	rddreg [dreg:$0x4];
	[sflag:s26] =	ssyncadd.s32 $0xFFFFF100  }
0x1ae: {  	[tilespmem:s25], [sflag:$0x9] =	stream.linear.gather [spmem:s8], $0xF00, $0x38;
	[tilespmem:$0x15220] =	vst v63  }
0x1af: {  	_ =	swait.ge [sflag:s26], $0xF00  }
0x1b0: {  	[sflag:s26] =	ssyncset.done $0x0  }
0x1b1: {  	s9 =	rddreg [dreg:$0xc];
	[sflag:s26] =	ssyncadd.s32 $0xFFFFF100  }
0x1b2: {  	[hbm4b:s9+s4] =	stream.linear.scatter [tilespmem:s25], [sflag:$0x9], $0xF00, $0x38;
	[tilespmem:$0x15220] =	vst v63  }
0x1b3: {  	_ =	swait.ge [sflag:s26], $0xF00  }
0x1b4: {  	[sflag:s26] =	ssyncset.done $0x0  }
0x1b5: {  	s21 =	smov.u32 s10;
	s10 =	rddreg [dreg:$0x5];
	[sflag:s26] =	ssyncadd.s32 $0xFFFFF100  }
0x1b6: {  	[tilespmem:s25], [sflag:$0x9] =	stream.linear.gather [spmem:s10], $0xF00, $0x38;
	[tilespmem:$0x15220] =	vst v63  }
0x1b7: {  	_ =	swait.ge [sflag:s26], $0xF00  }
0x1b8: {  	[sflag:s26] =	ssyncset.done $0x0  }
0x1b9: {  	s22 =	smov.u32 s11;
	s11 =	rddreg [dreg:$0xd];
	[sflag:s26] =	ssyncadd.s32 $0xFFFFF100  }
0x1ba: {  	[hbm4b:s11+s4] =	stream.linear.scatter [tilespmem:s25], [sflag:$0x9], $0xF00, $0x38;
	[tilespmem:$0x15220] =	vst v63  }
0x1bb: {  	_ =	swait.ge [sflag:s26], $0xF00  }
0x1bc: {  	[sflag:s26] =	ssyncset.done $0x0  }
0x1bd: {  	s23 =	rddreg [dreg:$0x6];
	[sflag:s26] =	ssyncadd.s32 $0xFFFFF100  }
0x1be: {  	[tilespmem:s25], [sflag:$0x9] =	stream.linear.gather [spmem:s23], $0xF00, $0x38;
	[tilespmem:$0x15220] =	vst v63  }
0x1bf: {  	_ =	swait.ge [sflag:s26], $0xF00  }
0x1c0: {  	[sflag:s26] =	ssyncset.done $0x0  }
0x1c1: {  	s7 =	rddreg [dreg:$0xe];
	[sflag:s26] =	ssyncadd.s32 $0xFFFFF100  }
0x1c2: {  	[hbm4b:s7+s4] =	stream.linear.scatter [tilespmem:s25], [sflag:$0x9], $0xF00, $0x38;
	[tilespmem:$0x15220] =	vst v63  }
0x1c3: {  	_ =	swait.ge [sflag:s26], $0xF00  }
0x1c4: {  	[sflag:s26] =	ssyncset.done $0x0  }
0x1c5: {  	s8 =	rddreg [dreg:$0x7];
	[sflag:s26] =	ssyncadd.s32 $0xFFFFF100  }
0x1c6: {  	[tilespmem:s25], [sflag:$0x9] =	stream.linear.gather [spmem:s8], $0xF00, $0x38;
	[tilespmem:$0x15220] =	vst v63  }
0x1c7: {  	_ =	swait.ge [sflag:s26], $0xF00  }
0x1c8: {  	[sflag:s26] =	ssyncset.done $0x0  }
0x1c9: {  	s9 =	rddreg [dreg:$0xf];
	[sflag:s26] =	ssyncadd.s32 $0xFFFFF100  }
0x1ca: {  	[hbm4b:s9+s4] =	stream.linear.scatter [tilespmem:s25], [sflag:$0x9], $0xF00, $0x38;
	[tilespmem:$0x15220] =	vst v63  }
0x1cb: {  	_ =	swait.ge [sflag:s26], $0xF00  }
0x1cc: {  	[sflag:s26] =	ssyncset.done $0x0  }
0x1cd: {  	[sflag:s26] =	ssyncadd.s32 $0xFFFFF100  }
0x1ce: {  	[tilespmem:s25], [sflag:$0x9] =	stream.linear.gather [spmem:s12], $0xF00, $0x38;
	[tilespmem:$0x15220] =	vst v63  }
0x1cf: {  	_ =	swait.ge [sflag:s26], $0xF00  }
0x1d0: {  	[sflag:s26] =	ssyncset.done $0x0  }
0x1d1: {  	s10 =	rddreg [dreg:$0x10];
	[sflag:s26] =	ssyncadd.s32 $0xFFFFF100  }
0x1d2: {  	[hbm4b:s10+s4] =	stream.linear.scatter [tilespmem:s25], [sflag:$0x9], $0xF00, $0x38;
	[tilespmem:$0x15220] =	vst v63  }
0x1d3: {  	_ =	swait.ge [sflag:s26], $0xF00  }
0x1d4: {  	[sflag:s26] =	ssyncset.done $0x0  }
0x1d5: {  	[sflag:s26] =	ssyncadd.s32 $0xFFFFF100  }
0x1d6: {  	[tilespmem:s25], [sflag:$0x9] =	stream.linear.gather [spmem:s13], $0xF00, $0x38;
	[tilespmem:$0x15220] =	vst v63  }
0x1d7: {  	_ =	swait.ge [sflag:s26], $0xF00  }
0x1d8: {  	[sflag:s26] =	ssyncset.done $0x0  }
0x1d9: {  	s11 =	rddreg [dreg:$0x11];
	[sflag:s26] =	ssyncadd.s32 $0xFFFFF100  }
0x1da: {  	[hbm4b:s11+s4] =	stream.linear.scatter [tilespmem:s25], [sflag:$0x9], $0xF00, $0x38;
	[tilespmem:$0x15220] =	vst v63  }
0x1db: {  	_ =	swait.ge [sflag:s26], $0xF00  }
0x1dc: {  	s24 =	sadd.s32 $0x1, s24;
	s23 =	rddreg [dreg:$0x12]  }
0x1dd: {  	p0 =	sne.s32 s24, s23  }
.Ltmp8:
0x1de: {  	_ = 	snop;
	(pc) =	sbr.rel @p0 .LBB2_1-.Ltmp8, $3  }
0x1df: {  	_ =	sdelay $0x1  }
0x1e0: {  	[sflag:s26] =	ssyncset.done $0x0  }
0x1e1: {  	[sflag:s26] =	ssyncadd.s32 $0xFFFFF100  }
0x1e2: {  	_ =	sfence.sel $0x180000  }
0x1e3: {  	[bflag:$0x0] =	sbarrier.arrive $0xFFFF  }
0x1e4: {  	_ =	strace $0x9000004A  }
0x1e5: {  	s0 =	stileid.u32;
	[bflag:$0x2] =	sbarrier.arrive $0xFFFF  }
0x1e6: {  	p0 =	sne.s32 s0, $0x0;
	s0 =	rddreg [dreg:$0x3]  }
0x1e7: {  	s0 =	sadd.s32 @!p0 $0x100000, s0  }
0x1e8: {  	[sflag:s0] =	ssyncadd.tile.s32 @!p0 $0x1;
	_ =	shalt  }
.Lfunc_end2:
_tile_overlayer_lowered:
.L_overlay_start_2:
0x1e9: {  	(tag) =	ssettag $0x2  }
0x1ea: {  	s0 =	rddreg [dreg:$0x0];
	s2 =	stileid.u32  }
0x1eb: {  	s1 =	rddreg [dreg:$0x1];
	p0 =	sne.s32 s2, $0x0  }
0x1ec: {  	s3 =	rddreg [dreg:$0x2];
	[bflag:$0x3] =	sbarrier.arrive $0xFFFF;
	s2 =	simm.s32 @!p0 $0x1C09  }
0x1ed: {  	[timem:s3], [sflag:s2] =	dma.local @!p0 [hbm:s0], s1  }
0x1ee: {  	s0 =	simm.s32 @!p0 $0x9  }
0x1ef: {  	_ =	swait.ge @!p0 [sflag:s0], s1  }
0x1f0: {  	s1 =	ssub.s32 @!p0 $0x0, s1;
	[sflag:s0] =	ssyncset.done @!p0 $0x0  }
0x1f1: {  	[sflag:s0] =	ssyncadd.s32 @!p0 s1  }
0x1f2: {  	[bflag:$0x3] =	sbarrier.arrive $0xFFFF  }
0x1f3: {  	_ =	shalt  }

// kernel: kernel.7.cloned.1.call-start
scs
__scs_entry_jumppad:
0x0: {  	(pc) =	sbr.rel $0x88, $3  }
0x1: {  	(tag) =	ssettag $0x0;
	lr =	simm.s32 $0x1  }
0x2: {  	[smem:$0x3F97] =	sst lr;
	_ =	strace $0xD0000000  }
0x3: {  	_ = 	snop  }
0x4: {  	_ = 	snop  }
0x5: {  	_ = 	snop  }
0x6: {  	_ = 	snop  }
0x7: {  	_ = 	snop  }
__scs_overlays_trampoline_lowered:
0x8: {  	[smem:$0x3FA6] =	sst s0  }
0x9: {  	[smem:$0x3FA7] =	sst s1  }
0xa: {  	[smem:$0x3FA8] =	sst s2  }
0xb: {  	[smem:$0x3FA9] =	sst s3  }
0xc: {  	[smem:$0x3FAA] =	sst s4  }
0xd: {  	[smem:$0x3FAB] =	sst s5  }
0xe: {  	[smem:$0x3FAC] =	sst s6  }
0xf: {  	[smem:$0x3FAD] =	sst s7  }
0x10: {  	[smem:$0x3FAE] =	sst s8  }
0x11: {  	[smem:$0x3FAF] =	sst s9;
	s0 =	simm.s32 @!p0 $0x0  }
0x12: {  	s1 =	sld [smem:$0x3F95];
	s0 =	simm.s32 @p0 $0x1  }
0x13: {  	[smem:$0x3FB0] =	sst s0;
	s0 =	simm.s32 @!p1 $0x0  }
0x14: {  	s2 =	sld [smem:$0x3F94];
	s0 =	simm.s32 @p1 $0x1  }
0x15: {  	[smem:$0x3FB1] =	sst s0;
	s0 =	simm.s32 @!p2 $0x0  }
0x16: {  	s3 =	sld [smem:$0x3FDB];
	s0 =	simm.s32 @p2 $0x1  }
0x17: {  	s4 =	simm.s32 $0x1BF5;
	[smem:$0x3FB3] =	sst s0  }
0x18: {  	s0 =	sld [smem:$0x3F96];
	_ =	swait.ge [sflag:s4], $0x0  }
0x19: {  	s7 =	sld [smem:$0x3F97]  }
0x1a: {  	s8 =	sadd.s32 $0xFFFFE003, lr  }
0x1b: {  	s9 =	sadd.s32 $0xFFFFFEF7, lr;
	s5 =	simm.s32 $0xFFFFFFFF;
	p2 =	slt.u32 s8, $0xFFFFF086  }
0x1c: {  	p1 =	slt.u32 s9, $0xF7A;
	s5 =	simm.s32 @!p2 $0x0  }
0x1d: {  	s5 =	simm.s32 @p1 $0x1;
	p0 =	seq.s32 s7, s2  }
0x1e: {  	s7 =	smul.u32 @!p0 $0xF7A, s2;
	p2 =	seq.s32 @!p0 s5, $0x0  }
0x1f: {  	s9 =	smul.u32 $0xF7A, s1;
	s8 =	simm.s32 @!p0 $0x1BF5;
	p2 =	por !p2, p0  }
0x20: {  	[sflag:s8] =	ssyncset.s32 @!p0 $0xFFFFF086;
	s6 =	sadd.s32 @!p0 s3, s7;
	s7 =	simm.s32 @!p0 $0x108  }
0x21: {  	s3 =	sadd.s32 s3, s9;
	s6 =	sadd.s32 @!p0 $0x88, s6;
	s7 =	simm.s32 @p2 $0x1082  }
0x22: {  	[simem:s7], [sflag:s8] =	dma.local @!p0 [hbm:s6], $0xF7A  }
0x23: {  	s9 =	sor.u32 $0xD0000000, s2;
	s6 =	simm.s32 $0x108;
	_ =	swait.ge @!p0 [sflag:s8], $0x0  }
0x24: {  	s3 =	sadd.s32 $0x88, s3;
	s6 =	simm.s32 @!p1 $0x1082;
	[sflag:s4] =	ssyncset.s32 $0xFFFFF086  }
0x25: {  	[simem:s6], [sflag:s4] =	dma.local [hbm:s3], $0xF7A  }
0x26: {  	[smem:$0x3F97] =	sst s1;
	(tag) =	ssettag s2;
	_ =	strace s9  }
0x27: {  	s1 =	sld [smem:$0x3FA7]  }
0x28: {  	s2 =	sld [smem:$0x3FA8]  }
0x29: {  	s4 =	sld [smem:$0x3FAA]  }
0x2a: {  	p0 =	seq.s32 s5, $0x0;
	s5 =	sld [smem:$0x3FAB]  }
0x2b: {  	s6 =	sld [smem:$0x3FAC]  }
0x2c: {  	s7 =	sld [smem:$0x3FAD]  }
0x2d: {  	s3 =	simm.s32 $0x108;
	s8 =	sld [smem:$0x3FAE]  }
0x2e: {  	s3 =	simm.s32 @!p0 $0x1082;
	s9 =	sld [smem:$0x3FAF]  }
0x2f: {  	lr =	sadd.s32 s0, s3;
	s0 =	sld [smem:$0x3FA6]  }
0x30: {  	s3 =	sld [smem:$0x3FA9]  }
0x31: {  	[smem:$0x3FB2] =	sst s10  }
0x32: {  	s10 =	sld [smem:$0x3FB0];
	_ =	sdelay $0x3  }
0x33: {  	p0 =	seq.s32 s10, $0x1;
	s10 =	sld [smem:$0x3FB2];
	_ =	sdelay $0x3  }
0x34: {  	[smem:$0x3FB2] =	sst s10  }
0x35: {  	s10 =	sld [smem:$0x3FB1];
	_ =	sdelay $0x3  }
0x36: {  	p1 =	seq.s32 s10, $0x1;
	s10 =	sld [smem:$0x3FB2];
	_ =	sdelay $0x3  }
0x37: {  	[smem:$0x3FB2] =	sst s10  }
0x38: {  	s10 =	sld [smem:$0x3FB3]  }
0x39: {  	_ = 	snop;
	(pc) =	sbr.ind lr, $3  }
0x3a: {  	_ = 	snop  }
0x3b: {  	_ = 	snop  }
0x3c: {  	p2 =	seq.s32 s10, $0x1;
	s10 =	sld [smem:$0x3FB2]  }
0x3d: {  	_ =	shalt  }
0x3e: {  	_ =	shalt  }
0x3f: {  	_ =	shalt  }
0x40: {  	_ =	shalt  }
0x41: {  	_ =	shalt  }
0x42: {  	_ =	shalt  }
0x43: {  	_ =	shalt  }
0x44: {  	_ =	shalt  }
0x45: {  	_ =	shalt  }
0x46: {  	_ =	shalt  }
0x47: {  	_ =	shalt  }
0x48: {  	_ =	shalt  }
0x49: {  	_ =	shalt  }
0x4a: {  	_ =	shalt  }
0x4b: {  	_ =	shalt  }
0x4c: {  	_ =	shalt  }
0x4d: {  	_ =	shalt  }
0x4e: {  	_ =	shalt  }
0x4f: {  	_ =	shalt  }
0x50: {  	_ =	shalt  }
0x51: {  	_ =	shalt  }
0x52: {  	_ =	shalt  }
0x53: {  	_ =	shalt  }
0x54: {  	_ =	shalt  }
0x55: {  	_ =	shalt  }
0x56: {  	_ =	shalt  }
0x57: {  	_ =	shalt  }
0x58: {  	_ =	shalt  }
0x59: {  	_ =	shalt  }
0x5a: {  	_ =	shalt  }
0x5b: {  	_ =	shalt  }
0x5c: {  	_ =	shalt  }
0x5d: {  	_ =	shalt  }
0x5e: {  	_ =	shalt  }
0x5f: {  	_ =	shalt  }
0x60: {  	_ =	shalt  }
0x61: {  	_ =	shalt  }
0x62: {  	_ =	shalt  }
0x63: {  	_ =	shalt  }
0x64: {  	_ =	shalt  }
0x65: {  	_ =	shalt  }
0x66: {  	_ =	shalt  }
0x67: {  	_ =	shalt  }
0x68: {  	_ =	shalt  }
0x69: {  	_ =	shalt  }
0x6a: {  	_ =	shalt  }
0x6b: {  	_ =	shalt  }
0x6c: {  	_ =	shalt  }
0x6d: {  	_ =	shalt  }
0x6e: {  	_ =	shalt  }
0x6f: {  	_ =	shalt  }
0x70: {  	_ =	shalt  }
0x71: {  	_ =	shalt  }
0x72: {  	_ =	shalt  }
0x73: {  	_ =	shalt  }
0x74: {  	_ =	shalt  }
0x75: {  	_ =	shalt  }
0x76: {  	_ =	shalt  }
0x77: {  	_ =	shalt  }
0x78: {  	_ =	shalt  }
0x79: {  	_ =	shalt  }
0x7a: {  	_ =	shalt  }
0x7b: {  	_ =	shalt  }
0x7c: {  	_ =	shalt  }
0x7d: {  	_ =	shalt  }
0x7e: {  	_ =	shalt  }
0x7f: {  	_ =	shalt  }
0x80: {  	_ =	shalt  }
0x81: {  	_ =	shalt  }
0x82: {  	_ =	shalt  }
0x83: {  	_ =	shalt  }
0x84: {  	_ =	shalt  }
0x85: {  	_ =	shalt  }
0x86: {  	_ =	shalt  }
0x87: {  	_ =	shalt  }
.Lfunc_end0:
.L_simem_size_0:
called_computation_lowered:
.L_overlay_start_0:
0x88: {  	s2 =	sld [smem:$0x3FD9]  }
0x89: {  	s3 =	sld [smem:$0x3FFE];
	_ =	sdelay $0x1  }
0x8a: {  	s1 =	srdreg.scid  }
0x8b: {  	s0 =	sand.u32 $0x1, s1  }
0x8c: {  	s17 =	sshll.u32 s0, $0xA;
	s2 =	sadd.s32 s3, s2  }
0x8d: {  	s2 =	sadd.s32 s2, s17  }
0x8e: {  	[smem:$0x3FBE] =	sst s2  }
0x8f: {  	_ = 	snop  }
0x90: {  	s2 =	sld [smem:$0x3FD0];
	(tm) =	ssettm $0x1  }
0x91: {  	s18 =	sld [smem:$0x3FFB];
	_ =	sdelay $0x3  }
0x92: {  	_ =	strace s18  }
0x93: {  	s3 =	sld [smem:$0x3FFC];
	_ =	sdelay $0x3  }
0x94: {  	_ =	strace s3  }
0x95: {  	s3 =	sld [smem:$0x3FFD];
	_ =	sdelay $0x3  }
0x96: {  	_ =	strace s3  }
0x97: {  	_ =	strace $0x8FFFFFFF  }
0x98: {  	s19 =	sld [smem:$0x3FDB];
	_ =	sdelay $0x1  }
0x99: {  	s4 =	simm.s32 $_scs_section_size  }
0x9a: {  	s5 =	simm.s32 $_size__tile_overlayer_lowered;
	s6 =	simm.s32 $_tile_overlayer_lowered  }
0x9b: {  	s22 =	simm.s32 $0x1BFF;
	s21 =	sshll.u32 s6, $0x1;
	s3 =	sadd.s32 s4, s19  }
0x9c: {  	s7 =	simm.s32 $0x0;
	s20 =	sshll.u32 s5, $0x1;
	s5 =	sadd.s32 s21, s3  }
0x9d: {  	[timem:s7], [sflag:s22] =	dma.local [hbm:s5], s20  }
0x9e: {  	_ =	swait.ge [sflag:s22], s20  }
0x9f: {  	s4 =	ssub.s32 $0x0, s20;
	[sflag:s22] =	ssyncset.done $0x0  }
0xa0: {  	[sflag:s22] =	ssyncadd.s32 s4;
	_ =	sdelay $0x1  }
0xa1: {  	s23 =	simm.s32 $0x1B8B  }
0xa2: {  	_ =	swait.ge [sflag:s23], $0x1  }
0xa3: {  	[sflag:s23] =	ssyncset.done $0x0  }
0xa4: {  	s25 =	simm.s32 $0x1B8E;
	s24 =	sld [smem:$0x3FFE];
	[sflag:s23] =	ssyncadd.s32 $0xFFFFFFFF  }
0xa5: {  	s26 =	simm.s32 $execute0_lowered;
	[smem:$0x3FD2] =	sst s25  }
0xa6: {  	s5 =	sshll.u32 s26, $0x1;
	_ =	strace $0x80000046;
	[dreg:$0x1] =	wrdreg $0xFFFFFFFF  }
0xa7: {  	s28 =	simm.s32 $_size_execute0_lowered;
	s3 =	sadd.s32 s3, s5;
	[dreg:$0x0] =	wrdreg $0x0  }
0xa8: {  	s5 =	sshll.u32 s28, $0x1;
	[dreg:$0x2] =	wrdreg s3  }
0xa9: {  	[dreg:$0x3] =	wrdreg s5  }
0xaa: {  	[dreg:$0x4] =	wrdreg $0xC0  }
0xab: {  	_ =	task [dreg:s7], $0x5FFFF  }
0xac: {  	[dreg:$0x1] =	wrdreg $0xFFFFFFFF  }
0xad: {  	[dreg:$0x0] =	wrdreg $0x60  }
0xae: {  	[dreg:$0x2] =	wrdreg s24  }
0xaf: {  	[dreg:$0x3] =	wrdreg s2  }
0xb0: {  	[dreg:$0x4] =	wrdreg $0x12A200  }
0xb1: {  	[dreg:$0x5] =	wrdreg $0x9  }
0xb2: {  	_ =	task.clear_ibuf [dreg:s7], $0x6FFFF;
	_ =	strace $0x90000046  }
0xb3: {  	s29 =	simm.s32 $0x9;
	_ =	strace $0x80000048  }
0xb4: {  	_ =	swait.ge [sflag:s29], $0x1  }
0xb5: {  	[sflag:s29] =	ssyncadd.s32 $0xFFFFFFFF  }
0xb6: {  	_ =	strace $0x90000048  }
0xb7: {  	_ =	sfence  }
0xb8: {  	s30 =	sld [smem:$0x0];
	_ =	sdelay $0x2  }
0xb9: {  	s31 =	sshll.u32 s1, $0xD;
	s1 =	sshrl.u32 s1, $0x2  }
0xba: {  	s3 =	sand.u32 $0x4000, s31;
	s1 =	sadd.s32 s1, s30  }
0xbb: {  	s0 =	sor.u32 s3, s0;
	s1 =	sshll.u32 s1, $0x11  }
0xbc: {  	s0 =	sor.u32 s1, s0  }
0xbd: {  	s0 =	sadd.s32 $0x8F2B, s0  }
0xbe: {  	[sflag:s0] =	ssyncadd.remote.s32 $0x1  }
0xbf: {  	_ =	sfence.sel $0xFFFF  }
0xc0: {  	[dreg:$0x0] =	wrdreg $0xFFFFFFFF;
	(pc) =	sbr.abs _section_cstart, $3  }
0xc1: {  	[dreg:$0x1] =	wrdreg $0xFFFFFFFF  }
0xc2: {  	_ =	task.clear_ibuf [dreg:s7], $0x2FFFF;
	_ =	strace $0x9FFFFFFF  }
0xc3: {  	(tm) =	ssettm $0x7FFFFFFF  }
tec
execute0_lowered:
.L_overlay_start_1:
0x0: {  	(tag) =	ssettag $0x1  }
0x1: {  	s0 =	rddreg [dreg:$0x0]  }
0x2: {  	s2 =	rddreg [dreg:$0x1]  }
0x3: {  	s1 =	srdreg.scid;
	s3 =	rddreg [dreg:$0x2]  }
0x4: {  	s7 =	stileid.u32;
	s4 =	simm.s32 $0x0;
	s29 =	simm.s32 $0x50  }
0x5: {  	s30 =	simm.s32 $0x6220;
	s31 =	simm.s32 $0x4E20;
	s1 =	sand.u32 $0x1, s1  }
0x6: {  	s28 =	simm.s32 $0x11120;
	[smem:$0x7FF] =	sst s4;
	s5 =	sshll.u32 s1, $0x4  }
0x7: {  	s6 =	ssub.s32 $0x2, s1;
	s5 =	sor.u32 s7, s5;
	s7 =	smul.u32 $0xC800, s7  }
0x8: {  	_ =	strace $0x80000047;
	s1 =	smul.u32 $0xC8000, s1;
	s9 =	sshrl.u32 s6, $0x1  }
0x9: {  	s5 =	smul.u32 $0x2710, s5;
	s6 =	ssub.s32 s6, s9;
	s14 =	sadd.s32 $0x1900, s7  }
0xa: {  	s9 =	sadd.s32 s7, s3;
	s15 =	sadd.s32 $0x3200, s7;
	s16 =	sadd.s32 $0x4B00, s7  }
0xb: {  	s17 =	sadd.s32 $0x6400, s7;
	s18 =	sadd.s32 $0x7D00, s7;
	s19 =	sadd.s32 $0x9600, s7  }
0xc: {  	s20 =	sadd.s32 $0xAF00, s7;
	s7 =	sadd.s32 s7, s1;
	s5 =	sshrl.u32 s5, $0x3  }
0xd: {  	s21 =	sadd.s32 s14, s3;
	s22 =	sadd.s32 s15, s3;
	s10 =	sadd.s32 s16, s3  }
0xe: {  	s24 =	sadd.s32 s17, s3;
	s25 =	sadd.s32 s18, s3;
	s26 =	sadd.s32 s19, s3  }
0xf: {  	s13 =	sadd.s32 s20, s3;
	s14 =	sadd.s32 s1, s14;
	s15 =	sadd.s32 s1, s15  }
0x10: {  	s16 =	sadd.s32 s1, s16;
	s17 =	sadd.s32 s1, s17;
	s18 =	sadd.s32 s1, s18  }
0x11: {  	s19 =	sadd.s32 s1, s19;
	s1 =	sadd.s32 s1, s20;
	[dreg:$0x4] =	wrdreg s10  }
0x12: {  	s7 =	sshrl.u32 s7, $0x3;
	s8 =	sadd.s32 s5, s0;
	[dreg:$0x5] =	wrdreg s24  }
0x13: {  	s5 =	sadd.s32 $0x66000, s0;
	s0 =	sadd.s32 $0x7F000, s0;
	[dreg:$0x6] =	wrdreg s25  }
0x14: {  	[dreg:$0x7] =	wrdreg s26;
	s12 =	sshrl.u32 s14, $0x3;
	s15 =	sshrl.u32 s15, $0x3  }
0x15: {  	s16 =	sshrl.u32 s16, $0x3;
	s20 =	sshrl.u32 s17, $0x3;
	s24 =	sshrl.u32 s18, $0x3  }
0x16: {  	s25 =	sshrl.u32 s19, $0x3;
	s1 =	sshrl.u32 s1, $0x3;
	s26 =	smax.u32 s6, $0x1  }
0x17: {  	s17 =	simm.s32 $0x3;
	s11 =	sadd.s32 $0x2600, s8;
	[dreg:$0x12] =	wrdreg s26  }
0x18: {  	s18 =	simm.s32 $0xF820;
	s8 =	sadd.s32 $0xC240, s8;
	[dreg:$0x8] =	wrdreg s11  }
0x19: {  	s19 =	simm.s32 $0x4;
	s7 =	sadd.s32 s0, s7;
	[dreg:$0x9] =	wrdreg s8  }
0x1a: {  	s14 =	sadd.s32 s0, s12;
	s23 =	sadd.s32 s0, s20;
	[dreg:$0xa] =	wrdreg s7  }
0x1b: {  	s26 =	simm.s32 $0x9;
	s20 =	simm.s32 $0x5;
	[dreg:$0xb] =	wrdreg s14  }
0x1c: {  	s7 =	sadd.s32 s0, s15;
	[dreg:$0xe] =	wrdreg s23;
	s14 =	simm.s32 $0x1  }
0x1d: {  	s15 =	simm.s32 $0x2;
	[dreg:$0xc] =	wrdreg s7;
	s7 =	sadd.s32 s0, s16  }
0x1e: {  	s16 =	simm.s32 $0xDF20;
	[dreg:$0xd] =	wrdreg s7;
	s7 =	sadd.s32 s0, s24  }
0x1f: {  	s24 =	simm.s32 $0x0;
	[dreg:$0xf] =	wrdreg s7;
	s7 =	sadd.s32 s0, s25  }
0x20: {  	s0 =	sadd.s32 s0, s1;
	s25 =	simm.s32 $0xC620;
	[dreg:$0x10] =	wrdreg s7  }
0x21: {  	v0 =	vimm.f32 $0.0e+00;
	s1 =	simm.s32 $0x5D20;
	[dreg:$0x11] =	wrdreg s0;
	s0 =	simm.s32 $0xAD20  }
.LBB2_1:
0x22: {  	s7 =	simm.s32 $0x140;
	s6 =	simm.s32 $0x0  }
.LBB2_2:
0x23: {  	p0 =	sne.s32 s7, $0x62C0;
	[tilespmem:s6+$0xC660] =	vst v0;
	s8 =	smov.u32 s7;
	s7 =	sadd.s32 $0x140, s7  }
.Ltmp0:
0x24: {  	[tilespmem:s6+$0xC650] =	vst v0;
	(pc) =	sbr.rel @p0 .LBB2_2-.Ltmp0, $4  }
0x25: {  	[tilespmem:s6+$0xC640] =	vst v0  }
0x26: {  	[tilespmem:s6+$0xC620] =	vst v0  }
0x27: {  	[tilespmem:s6+$0xC630] =	vst v0  }
0x28: {  	s6 =	sshra.s32 s8, $0x2  }
0x29: {  	[tilespmem:s6+$0xC660] =	vst v0  }
0x2a: {  	[tilespmem:s6+$0xC650] =	vst v0  }
0x2b: {  	[tilespmem:s6+$0xC640] =	vst v0  }
0x2c: {  	[tilespmem:s6+$0xC620] =	vst v0  }
0x2d: {  	[tilespmem:s6+$0xC630] =	vst v0  }
0x2e: {  	[spmem:s9] =	stream.linear.scatter [tilespmem:s25], [sflag:$0x9], $0x1900, $0x38;
	[tilespmem:$0x1F220] =	vst v63  }
0x2f: {  	_ =	swait.ge [sflag:s26], $0x1900  }
0x30: {  	[sflag:s26] =	ssyncset.done $0x0  }
0x31: {  	[sflag:s26] =	ssyncadd.s32 $0xFFFFE700  }
0x32: {  	[spmem:s21] =	stream.linear.scatter [tilespmem:s25], [sflag:$0x9], $0x1900, $0x38;
	[tilespmem:$0x1F220] =	vst v63  }
0x33: {  	_ =	swait.ge [sflag:s26], $0x1900  }
0x34: {  	[sflag:s26] =	ssyncset.done $0x0  }
0x35: {  	[sflag:s26] =	ssyncadd.s32 $0xFFFFE700  }
0x36: {  	[spmem:s22] =	stream.linear.scatter [tilespmem:s25], [sflag:$0x9], $0x1900, $0x38;
	[tilespmem:$0x1F220] =	vst v63  }
0x37: {  	_ =	swait.ge [sflag:s26], $0x1900  }
0x38: {  	[sflag:s26] =	ssyncset.done $0x0  }
0x39: {  	s7 =	rddreg [dreg:$0x4];
	[sflag:s26] =	ssyncadd.s32 $0xFFFFE700  }
0x3a: {  	[spmem:s7] =	stream.linear.scatter [tilespmem:s25], [sflag:$0x9], $0x1900, $0x38;
	[tilespmem:$0x1F220] =	vst v63  }
0x3b: {  	_ =	swait.ge [sflag:s26], $0x1900  }
0x3c: {  	[sflag:s26] =	ssyncset.done $0x0  }
0x3d: {  	s8 =	rddreg [dreg:$0x5];
	[sflag:s26] =	ssyncadd.s32 $0xFFFFE700  }
0x3e: {  	[spmem:s8] =	stream.linear.scatter [tilespmem:s25], [sflag:$0x9], $0x1900, $0x38;
	[tilespmem:$0x1F220] =	vst v63  }
0x3f: {  	_ =	swait.ge [sflag:s26], $0x1900  }
0x40: {  	[sflag:s26] =	ssyncset.done $0x0  }
0x41: {  	s10 =	smov.u32 s9;
	s9 =	rddreg [dreg:$0x6];
	[sflag:s26] =	ssyncadd.s32 $0xFFFFE700  }
0x42: {  	[spmem:s9] =	stream.linear.scatter [tilespmem:s25], [sflag:$0x9], $0x1900, $0x38;
	[tilespmem:$0x1F220] =	vst v63  }
0x43: {  	_ =	swait.ge [sflag:s26], $0x1900  }
0x44: {  	[sflag:s26] =	ssyncset.done $0x0  }
0x45: {  	s11 =	smov.u32 s21;
	s21 =	rddreg [dreg:$0x7];
	[sflag:s26] =	ssyncadd.s32 $0xFFFFE700  }
0x46: {  	[spmem:s21] =	stream.linear.scatter [tilespmem:s25], [sflag:$0x9], $0x1900, $0x38;
	[tilespmem:$0x1F220] =	vst v63  }
0x47: {  	_ =	swait.ge [sflag:s26], $0x1900  }
0x48: {  	[sflag:s26] =	ssyncset.done $0x0  }
0x49: {  	[sflag:s26] =	ssyncadd.s32 $0xFFFFE700  }
0x4a: {  	[spmem:s13] =	stream.linear.scatter [tilespmem:s25], [sflag:$0x9], $0x1900, $0x38;
	[tilespmem:$0x1F220] =	vst v63  }
0x4b: {  	_ =	swait.ge [sflag:s26], $0x1900  }
0x4c: {  	[sflag:s26] =	ssyncset.done $0x0  }
0x4d: {  	[sflag:s26] =	ssyncadd.s32 $0xFFFFE700  }
0x4e: {  	[bflag:$0x0] =	sbarrier.arrive $0xFFFF  }
0x4f: {  	s12 =	smov.u32 s22;
	s21 =	simm.s32 $0x0;
	s22 =	rddreg [dreg:$0x8]  }
0x50: {  	[tilespmem:s21], [sflag:$0x9] =	stream.linear.gather [hbm4b:s22+s21], $0x2710, $0x38;
	[tilespmem:$0x1F220] =	vst v63  }
0x51: {  	_ =	swait.ge [sflag:s26], $0x2710  }
0x52: {  	[sflag:s26] =	ssyncset.done $0x0  }
0x53: {  	s7 =	simm.s32 $0x2710;
	s23 =	rddreg [dreg:$0x9];
	[sflag:s26] =	ssyncadd.s32 $0xFFFFD8F0  }
0x54: {  	[tilespmem:s7], [sflag:$0x9] =	stream.linear.gather [hbm4b:s23+s21], $0x2710, $0x38;
	[tilespmem:$0x1F220] =	vst v63  }
0x55: {  	_ =	swait.ge [sflag:s26], $0x2710  }
0x56: {  	[sflag:s26] =	ssyncset.done $0x0  }
0x57: {  	[sflag:s26] =	ssyncadd.s32 $0xFFFFD8F0  }
0x58: {  	[tilespmem:s30], [sflag:$0x1] =	stream.indirect.gather [hbm4b:s5+s29], $0x50, s21, s29, $0xb8;
	[tilespmem:$0x1F220] =	vst v63  }
0x59: {  	_ = 	snop  }
0x5a: {  	[tilespmem:s31], [sflag:$0x1] =	stream.indirect.gather [hbm4b:s2+s29], $0x10, s7, s29, $0xb8;
	[tilespmem:$0x1F220] =	vst v63  }
0x5b: {  	s7 =	simm.s32 $0x7B20  }
0x5c: {  	[tilespmem:s7], [sflag:$0x2] =	stream.indirect.gather [hbm4b:s5+s29], $0x50, s29, s29, $0xb8;
	[tilespmem:$0x1F220] =	vst v63  }
0x5d: {  	s8 =	simm.s32 $0x2760;
	s9 =	simm.s32 $0x5320  }
0x5e: {  	[tilespmem:s9], [sflag:$0x2] =	stream.indirect.gather [hbm4b:s2+s29], $0x10, s8, s29, $0xb8;
	[tilespmem:$0x1F220] =	vst v63  }
0x5f: {  	s22 =	simm.s32 $0xA0;
	s23 =	simm.s32 $0x9420  }
0x60: {  	[tilespmem:s23], [sflag:$0x3] =	stream.indirect.gather [hbm4b:s5+s29], $0x50, s22, s29, $0xb8;
	[tilespmem:$0x1F220] =	vst v63  }
0x61: {  	s8 =	simm.s32 $0x27B0;
	s9 =	simm.s32 $0x5820  }
0x62: {  	[tilespmem:s9], [sflag:$0x3] =	stream.indirect.gather [hbm4b:s2+s29], $0x10, s8, s29, $0xb8;
	[tilespmem:$0x1F220] =	vst v63  }
0x63: {  	s22 =	simm.s32 $0xF0  }
0x64: {  	[tilespmem:s0], [sflag:$0x4] =	stream.indirect.gather [hbm4b:s5+s29], $0x50, s22, s29, $0xb8;
	[tilespmem:$0x1F220] =	vst v63  }
0x65: {  	s23 =	simm.s32 $0x2800  }
0x66: {  	[tilespmem:s1], [sflag:$0x4] =	stream.indirect.gather [hbm4b:s2+s29], $0x10, s23, s29, $0xb8;
	[tilespmem:$0x1F220] =	vst v63  }
.LBB2_4:
0x67: {  	_ =	swait.ge [sflag:s14], $0x1900  }
0x68: {  	[sflag:s14] =	ssyncset.done $0x0  }
0x69: {  	[sflag:s14] =	ssyncadd.s32 $0xFFFFE700  }
0x6a: {  	_ =	swait.ge [sflag:s14], $0x500  }
0x6b: {  	p0 =	seq.s32 s21, $0x0;
	[sflag:s14] =	ssyncset.done $0x0  }
0x6c: {  	s6 =	simm.s32 @!p0 $0x5;
	[sflag:s14] =	ssyncadd.s32 $0xFFFFFB00  }
0x6d: {  	_ =	swait.ge @!p0 [sflag:s6], $0x1900  }
0x6e: {  	[sflag:s6] =	ssyncset.done @!p0 $0x0  }
0x6f: {  	s22 =	simm.s32 $0x0;
	[sflag:s6] =	ssyncadd.s32 @!p0 $0xFFFFE700  }
0x70: {  	s7 =	simm.s32 $0x140;
	s6 =	simm.s32 $0x4E20;
	v1 =	vld [tilespmem:s22+$0x6220]  }
.LBB2_5:
0x71: {  	p1 =	sne.s32 s7, $0x62C0;
	v2 =	vld [tilespmem:s6+$0x0];
	_ =	sdelay $0x4  }
0x72: {  	v1 =	vadd.f32 v2, v1;
	_ =	sdelay $0x1  }
0x73: {  	v2 =	vmul.f32 $2.000000030e-01, v1;
	_ =	sdelay $0x1  }
0x74: {  	v1 =	vmax.f32 v1, v2  }
0x75: {  	v1 =	vmul.f32 $1.442695020e+00, v1;
	_ =	sdelay $0x1  }
0x76: {  	(erf) = vpow2.f32 v1;
	_ =	sdelay $0x2  }
0x77: {  	v1 =	vld [tilespmem:s22+$0x6230]  }
0x78: {  	v2 =	vld [tilespmem:s22+$0x6240]  }
0x79: {  	v3 =	vld [tilespmem:s22+$0x6250]  }
0x7a: {  	v4 =	vld [tilespmem:s22+$0x6260];
	_ =	sdelay $0x2  }
0x7b: {  	v5 =	vpop (erf)  }
0x7c: {  	[tilespmem:s22+$0xC620] =	vst v5;
	v1 =	vmul.f32 v5, v1;
	v2 =	vmul.f32 v5, v2  }
.Ltmp1:
0x7d: {  	v3 =	vmul.f32 v3, v5;
	v4 =	vmul.f32 v4, v5;
	(pc) =	sbr.rel @p1 .LBB2_5-.Ltmp1, $4  }
0x7e: {  	[tilespmem:s22+$0xC630] =	vst v1  }
0x7f: {  	[tilespmem:s22+$0xC640] =	vst v2  }
0x80: {  	s8 =	sshra.s32 s7, $0x2;
	[tilespmem:s22+$0xC650] =	vst v3  }
0x81: {  	s7 =	sadd.s32 $0x140, s7;
	s6 =	sadd.s32 $0x10, s6;
	v1 =	vld [tilespmem:s8+$0x6220];
	[tilespmem:s22+$0xC660] =	vst v4;
	s22 =	smov.u32 s8  }
0x82: {  	v2 =	vld [tilespmem:s6+$0x0];
	_ =	sdelay $0x4  }
0x83: {  	v1 =	vadd.f32 v2, v1;
	_ =	sdelay $0x1  }
0x84: {  	v2 =	vmul.f32 $2.000000030e-01, v1;
	_ =	sdelay $0x1  }
0x85: {  	v1 =	vmax.f32 v1, v2  }
0x86: {  	v1 =	vmul.f32 $1.442695020e+00, v1;
	_ =	sdelay $0x1  }
0x87: {  	(erf) = vpow2.f32 v1;
	_ =	sdelay $0x4  }
0x88: {  	v1 =	vld [tilespmem:s22+$0x6230]  }
0x89: {  	v2 =	vld [tilespmem:s22+$0x6240]  }
0x8a: {  	v3 =	vld [tilespmem:s22+$0x6250]  }
0x8b: {  	v4 =	vld [tilespmem:s22+$0x6260]  }
0x8c: {  	v5 =	vpop (erf)  }
0x8d: {  	v1 =	vmul.f32 v5, v1  }
0x8e: {  	[tilespmem:s22+$0xC620] =	vst v5;
	v2 =	vmul.f32 v5, v2  }
0x8f: {  	s7 =	smul.u32 $0x500, s21;
	v3 =	vmul.f32 v3, v5;
	[tilespmem:s22+$0xC630] =	vst v1  }
0x90: {  	v1 =	vmul.f32 v4, v5;
	[tilespmem:s22+$0xC640] =	vst v2  }
0x91: {  	s23 =	sshra.s32 s7, $0x2;
	[tilespmem:s22+$0xC650] =	vst v3  }
0x92: {  	s6 =	sadd.s32 $0x2710, s23;
	[tilespmem:s22+$0xC660] =	vst v1;
	s22 =	smul.u32 $0x140, s21  }
0x93: {  	[spmem:s3] =	stream.indirect.scatter.add.f32 [tilespmem:s25], [sflag:$0x5], $0x50, s6, s29, $0xb8;
	[tilespmem:$0x1F220] =	vst v63  }
0x94: {  	s8 =	sadd.s32 $0x140, s22  }
0x95: {  	[tilespmem:s30], [sflag:$0x1] =	stream.indirect.gather [hbm4b:s5+s29], $0x50, s8, s29, $0xb8;
	[tilespmem:$0x1F220] =	vst v63  }
0x96: {  	s9 =	sadd.s32 $0x2850, s22  }
0x97: {  	[tilespmem:s31], [sflag:$0x1] =	stream.indirect.gather [hbm4b:s2+s29], $0x10, s9, s29, $0xb8;
	[tilespmem:$0x1F220] =	vst v63  }
0x98: {  	_ =	swait.ge [sflag:s15], $0x1900  }
0x99: {  	[sflag:s15] =	ssyncset.done $0x0  }
0x9a: {  	[sflag:s15] =	ssyncadd.s32 $0xFFFFE700  }
0x9b: {  	_ =	swait.ge [sflag:s15], $0x500  }
0x9c: {  	[sflag:s15] =	ssyncset.done $0x0  }
0x9d: {  	s6 =	simm.s32 @!p0 $0x6;
	[sflag:s15] =	ssyncadd.s32 $0xFFFFFB00  }
0x9e: {  	_ =	swait.ge @!p0 [sflag:s6], $0x1900  }
0x9f: {  	[sflag:s6] =	ssyncset.done @!p0 $0x0  }
0xa0: {  	[sflag:s6] =	ssyncadd.s32 @!p0 $0xFFFFE700;
	s6 =	simm.s32 $0x0  }
0xa1: {  	s7 =	simm.s32 $0x5320;
	s8 =	simm.s32 $0x140;
	v1 =	vld [tilespmem:s6+$0x7B20]  }
.LBB2_7:
0xa2: {  	p1 =	sne.s32 s8, $0x62C0;
	v2 =	vld [tilespmem:s7+$0x0];
	_ =	sdelay $0x4  }
0xa3: {  	v1 =	vadd.f32 v2, v1;
	_ =	sdelay $0x1  }
0xa4: {  	v2 =	vmul.f32 $2.000000030e-01, v1;
	_ =	sdelay $0x1  }
0xa5: {  	v1 =	vmax.f32 v1, v2  }
0xa6: {  	v1 =	vmul.f32 $1.442695020e+00, v1;
	_ =	sdelay $0x1  }
0xa7: {  	(erf) = vpow2.f32 v1;
	_ =	sdelay $0x2  }
0xa8: {  	v1 =	vld [tilespmem:s6+$0x7B30]  }
0xa9: {  	v2 =	vld [tilespmem:s6+$0x7B40]  }
0xaa: {  	v3 =	vld [tilespmem:s6+$0x7B50]  }
0xab: {  	v4 =	vld [tilespmem:s6+$0x7B60];
	_ =	sdelay $0x2  }
0xac: {  	v5 =	vpop (erf)  }
0xad: {  	[tilespmem:s6+$0xDF20] =	vst v5;
	v1 =	vmul.f32 v5, v1;
	v2 =	vmul.f32 v5, v2  }
.Ltmp2:
0xae: {  	v3 =	vmul.f32 v3, v5;
	v4 =	vmul.f32 v4, v5;
	(pc) =	sbr.rel @p1 .LBB2_7-.Ltmp2, $4  }
0xaf: {  	[tilespmem:s6+$0xDF30] =	vst v1  }
0xb0: {  	[tilespmem:s6+$0xDF40] =	vst v2  }
0xb1: {  	s9 =	sshra.s32 s8, $0x2;
	[tilespmem:s6+$0xDF50] =	vst v3  }
0xb2: {  	s8 =	sadd.s32 $0x140, s8;
	s7 =	sadd.s32 $0x10, s7;
	v1 =	vld [tilespmem:s9+$0x7B20];
	[tilespmem:s6+$0xDF60] =	vst v4;
	s6 =	smov.u32 s9  }
0xb3: {  	v2 =	vld [tilespmem:s7+$0x0];
	_ =	sdelay $0x4  }
0xb4: {  	v1 =	vadd.f32 v2, v1;
	_ =	sdelay $0x1  }
0xb5: {  	v2 =	vmul.f32 $2.000000030e-01, v1;
	_ =	sdelay $0x1  }
0xb6: {  	v1 =	vmax.f32 v1, v2  }
0xb7: {  	v1 =	vmul.f32 $1.442695020e+00, v1;
	_ =	sdelay $0x1  }
0xb8: {  	(erf) = vpow2.f32 v1;
	_ =	sdelay $0x4  }
0xb9: {  	v1 =	vld [tilespmem:s6+$0x7B30]  }
0xba: {  	v2 =	vld [tilespmem:s6+$0x7B40]  }
0xbb: {  	v3 =	vld [tilespmem:s6+$0x7B50]  }
0xbc: {  	v4 =	vld [tilespmem:s6+$0x7B60]  }
0xbd: {  	v5 =	vpop (erf)  }
0xbe: {  	v1 =	vmul.f32 v5, v1  }
0xbf: {  	[tilespmem:s6+$0xDF20] =	vst v5;
	v2 =	vmul.f32 v5, v2  }
0xc0: {  	v3 =	vmul.f32 v3, v5;
	[tilespmem:s6+$0xDF30] =	vst v1  }
0xc1: {  	v1 =	vmul.f32 v4, v5;
	[tilespmem:s6+$0xDF40] =	vst v2  }
0xc2: {  	[tilespmem:s6+$0xDF50] =	vst v3  }
0xc3: {  	s9 =	sadd.s32 $0x2760, s23;
	p1 =	seq.s32 s21, $0x1E;
	[tilespmem:s6+$0xDF60] =	vst v1  }
0xc4: {  	[spmem:s3] =	stream.indirect.scatter.add.f32 [tilespmem:s16], [sflag:$0x6], $0x50, s9, s29, $0xb8;
	[tilespmem:$0x1F220] =	vst v63  }
0xc5: {  	s7 =	simm.s32 @!p1 $0x50;
	s8 =	simm.s32 @!p1 $0x7B20;
	s6 =	sadd.s32 @!p1 $0x190, s22  }
0xc6: {  	[tilespmem:s8], [sflag:$0x2] =	stream.indirect.gather @!p1 [hbm4b:s5+s7], $0x50, s6, s7, $0xb8;
	[tilespmem:$0x1F220] =	vst v63  }
0xc7: {  	s6 =	sadd.s32 @!p1 $0x28A0, s22;
	s8 =	simm.s32 @!p1 $0x5320  }
0xc8: {  	[tilespmem:s8], [sflag:$0x2] =	stream.indirect.gather @!p1 [hbm4b:s2+s7], $0x10, s6, s7, $0xb8;
	[tilespmem:$0x1F220] =	vst v63  }
0xc9: {  	_ =	swait.ge [sflag:s17], $0x1900  }
0xca: {  	[sflag:s17] =	ssyncset.done $0x0  }
0xcb: {  	[sflag:s17] =	ssyncadd.s32 $0xFFFFE700  }
0xcc: {  	_ =	swait.ge [sflag:s17], $0x500  }
0xcd: {  	[sflag:s17] =	ssyncset.done $0x0  }
0xce: {  	s6 =	simm.s32 @!p0 $0x7;
	[sflag:s17] =	ssyncadd.s32 $0xFFFFFB00  }
0xcf: {  	_ =	swait.ge @!p0 [sflag:s6], $0x1900  }
0xd0: {  	[sflag:s6] =	ssyncset.done @!p0 $0x0  }
0xd1: {  	[sflag:s6] =	ssyncadd.s32 @!p0 $0xFFFFE700;
	s6 =	simm.s32 $0x0  }
0xd2: {  	s7 =	simm.s32 $0x5820;
	s8 =	simm.s32 $0x140;
	v1 =	vld [tilespmem:s6+$0x9420]  }
.LBB2_9:
0xd3: {  	p2 =	sne.s32 s8, $0x62C0;
	v2 =	vld [tilespmem:s7+$0x0];
	_ =	sdelay $0x4  }
0xd4: {  	v1 =	vadd.f32 v2, v1;
	_ =	sdelay $0x1  }
0xd5: {  	v2 =	vmul.f32 $2.000000030e-01, v1;
	_ =	sdelay $0x1  }
0xd6: {  	v1 =	vmax.f32 v1, v2  }
0xd7: {  	v1 =	vmul.f32 $1.442695020e+00, v1;
	_ =	sdelay $0x1  }
0xd8: {  	(erf) = vpow2.f32 v1;
	_ =	sdelay $0x2  }
0xd9: {  	v1 =	vld [tilespmem:s6+$0x9430]  }
0xda: {  	v2 =	vld [tilespmem:s6+$0x9440]  }
0xdb: {  	v3 =	vld [tilespmem:s6+$0x9450]  }
0xdc: {  	v4 =	vld [tilespmem:s6+$0x9460];
	_ =	sdelay $0x2  }
0xdd: {  	v5 =	vpop (erf)  }
0xde: {  	[tilespmem:s6+$0xF820] =	vst v5;
	v1 =	vmul.f32 v5, v1;
	v2 =	vmul.f32 v5, v2  }
.Ltmp3:
0xdf: {  	v3 =	vmul.f32 v3, v5;
	v4 =	vmul.f32 v4, v5;
	(pc) =	sbr.rel @p2 .LBB2_9-.Ltmp3, $4  }
0xe0: {  	[tilespmem:s6+$0xF830] =	vst v1  }
0xe1: {  	[tilespmem:s6+$0xF840] =	vst v2  }
0xe2: {  	s9 =	sshra.s32 s8, $0x2;
	[tilespmem:s6+$0xF850] =	vst v3  }
0xe3: {  	s8 =	sadd.s32 $0x140, s8;
	s7 =	sadd.s32 $0x10, s7;
	v1 =	vld [tilespmem:s9+$0x9420];
	[tilespmem:s6+$0xF860] =	vst v4;
	s6 =	smov.u32 s9  }
0xe4: {  	v2 =	vld [tilespmem:s7+$0x0];
	_ =	sdelay $0x4  }
0xe5: {  	v1 =	vadd.f32 v2, v1;
	_ =	sdelay $0x1  }
0xe6: {  	v2 =	vmul.f32 $2.000000030e-01, v1;
	_ =	sdelay $0x1  }
0xe7: {  	v1 =	vmax.f32 v1, v2  }
0xe8: {  	v1 =	vmul.f32 $1.442695020e+00, v1;
	_ =	sdelay $0x1  }
0xe9: {  	(erf) = vpow2.f32 v1;
	_ =	sdelay $0x4  }
0xea: {  	v1 =	vld [tilespmem:s6+$0x9430]  }
0xeb: {  	v2 =	vld [tilespmem:s6+$0x9440]  }
0xec: {  	v3 =	vld [tilespmem:s6+$0x9450]  }
0xed: {  	v4 =	vld [tilespmem:s6+$0x9460]  }
0xee: {  	v5 =	vpop (erf)  }
0xef: {  	v1 =	vmul.f32 v5, v1  }
0xf0: {  	[tilespmem:s6+$0xF820] =	vst v5;
	v2 =	vmul.f32 v5, v2  }
0xf1: {  	v3 =	vmul.f32 v3, v5;
	[tilespmem:s6+$0xF830] =	vst v1  }
0xf2: {  	v1 =	vmul.f32 v4, v5;
	[tilespmem:s6+$0xF840] =	vst v2  }
0xf3: {  	[tilespmem:s6+$0xF850] =	vst v3  }
0xf4: {  	s9 =	sadd.s32 $0x27B0, s23;
	[tilespmem:s6+$0xF860] =	vst v1  }
0xf5: {  	[spmem:s3] =	stream.indirect.scatter.add.f32 [tilespmem:s18], [sflag:$0x7], $0x50, s9, s29, $0xb8;
	[tilespmem:$0x1F220] =	vst v63  }
0xf6: {  	s7 =	simm.s32 @!p1 $0x50;
	s8 =	simm.s32 @!p1 $0x9420;
	s6 =	sadd.s32 @!p1 $0x1E0, s22  }
0xf7: {  	[tilespmem:s8], [sflag:$0x3] =	stream.indirect.gather @!p1 [hbm4b:s5+s7], $0x50, s6, s7, $0xb8;
	[tilespmem:$0x1F220] =	vst v63  }
0xf8: {  	s6 =	sadd.s32 @!p1 $0x28F0, s22;
	s8 =	simm.s32 @!p1 $0x5820  }
0xf9: {  	[tilespmem:s8], [sflag:$0x3] =	stream.indirect.gather @!p1 [hbm4b:s2+s7], $0x10, s6, s7, $0xb8;
	[tilespmem:$0x1F220] =	vst v63  }
0xfa: {  	_ =	swait.ge [sflag:s19], $0x1900  }
0xfb: {  	[sflag:s19] =	ssyncset.done $0x0  }
0xfc: {  	[sflag:s19] =	ssyncadd.s32 $0xFFFFE700  }
0xfd: {  	_ =	swait.ge [sflag:s19], $0x500  }
0xfe: {  	[sflag:s19] =	ssyncset.done $0x0  }
0xff: {  	s6 =	simm.s32 @!p0 $0x8;
	[sflag:s19] =	ssyncadd.s32 $0xFFFFFB00  }
0x100: {  	_ =	swait.ge @!p0 [sflag:s6], $0x1900  }
0x101: {  	[sflag:s6] =	ssyncset.done @!p0 $0x0  }
0x102: {  	[sflag:s6] =	ssyncadd.s32 @!p0 $0xFFFFE700;
	s6 =	simm.s32 $0x0  }
0x103: {  	s7 =	simm.s32 $0x5D20;
	s8 =	simm.s32 $0x140;
	v1 =	vld [tilespmem:s6+$0xAD20]  }
.LBB2_11:
0x104: {  	p0 =	sne.s32 s8, $0x62C0;
	v2 =	vld [tilespmem:s7+$0x0];
	_ =	sdelay $0x4  }
0x105: {  	v1 =	vadd.f32 v2, v1;
	_ =	sdelay $0x1  }
0x106: {  	v2 =	vmul.f32 $2.000000030e-01, v1;
	_ =	sdelay $0x1  }
0x107: {  	v1 =	vmax.f32 v1, v2  }
0x108: {  	v1 =	vmul.f32 $1.442695020e+00, v1;
	_ =	sdelay $0x1  }
0x109: {  	(erf) = vpow2.f32 v1;
	_ =	sdelay $0x2  }
0x10a: {  	v1 =	vld [tilespmem:s6+$0xAD30]  }
0x10b: {  	v2 =	vld [tilespmem:s6+$0xAD40]  }
0x10c: {  	v3 =	vld [tilespmem:s6+$0xAD50]  }
0x10d: {  	v4 =	vld [tilespmem:s6+$0xAD60];
	_ =	sdelay $0x2  }
0x10e: {  	v5 =	vpop (erf)  }
0x10f: {  	[tilespmem:s6+$0x11120] =	vst v5;
	v1 =	vmul.f32 v5, v1;
	v2 =	vmul.f32 v5, v2  }
.Ltmp4:
0x110: {  	v3 =	vmul.f32 v3, v5;
	v4 =	vmul.f32 v4, v5;
	(pc) =	sbr.rel @p0 .LBB2_11-.Ltmp4, $4  }
0x111: {  	[tilespmem:s6+$0x11130] =	vst v1  }
0x112: {  	[tilespmem:s6+$0x11140] =	vst v2  }
0x113: {  	s9 =	sshra.s32 s8, $0x2;
	[tilespmem:s6+$0x11150] =	vst v3  }
0x114: {  	s8 =	sadd.s32 $0x140, s8;
	s7 =	sadd.s32 $0x10, s7;
	v1 =	vld [tilespmem:s9+$0xAD20];
	[tilespmem:s6+$0x11160] =	vst v4;
	s6 =	smov.u32 s9  }
0x115: {  	v2 =	vld [tilespmem:s7+$0x0];
	_ =	sdelay $0x4  }
0x116: {  	v1 =	vadd.f32 v2, v1;
	_ =	sdelay $0x1  }
0x117: {  	v2 =	vmul.f32 $2.000000030e-01, v1;
	_ =	sdelay $0x1  }
0x118: {  	v1 =	vmax.f32 v1, v2  }
0x119: {  	v1 =	vmul.f32 $1.442695020e+00, v1;
	_ =	sdelay $0x1  }
0x11a: {  	(erf) = vpow2.f32 v1;
	_ =	sdelay $0x4  }
0x11b: {  	v1 =	vld [tilespmem:s6+$0xAD30]  }
0x11c: {  	v2 =	vld [tilespmem:s6+$0xAD40]  }
0x11d: {  	v3 =	vld [tilespmem:s6+$0xAD50]  }
0x11e: {  	v4 =	vld [tilespmem:s6+$0xAD60]  }
0x11f: {  	v5 =	vpop (erf)  }
0x120: {  	v1 =	vmul.f32 v5, v1  }
0x121: {  	[tilespmem:s6+$0x11120] =	vst v5;
	v2 =	vmul.f32 v5, v2  }
.Ltmp5:
0x122: {  	v3 =	vmul.f32 v3, v5;
	[tilespmem:s6+$0x11130] =	vst v1;
	(pc) =	sbr.rel @p1 .LBB2_14-.Ltmp5, $4  }
0x123: {  	v1 =	vmul.f32 v4, v5;
	[tilespmem:s6+$0x11140] =	vst v2  }
0x124: {  	[tilespmem:s6+$0x11150] =	vst v3  }
0x125: {  	s23 =	sadd.s32 $0x2800, s23;
	[tilespmem:s6+$0x11160] =	vst v1  }
0x126: {  	[spmem:s3] =	stream.indirect.scatter.add.f32 [tilespmem:s28], [sflag:$0x8], $0x50, s23, s29, $0xb8;
	[tilespmem:$0x1F220] =	vst v63  }
.Ltmp6:
0x127: {  	(pc) =	sbr.rel .LBB2_4-.Ltmp6, $4  }
0x128: {  	s6 =	sadd.s32 $0x230, s22  }
0x129: {  	[tilespmem:s0], [sflag:$0x4] =	stream.indirect.gather [hbm4b:s5+s29], $0x50, s6, s29, $0xb8;
	[tilespmem:$0x1F220] =	vst v63  }
0x12a: {  	s23 =	sadd.s32 $0x2940, s22;
	s21 =	sadd.s32 $0x1, s21  }
0x12b: {  	[tilespmem:s1], [sflag:$0x4] =	stream.indirect.gather [hbm4b:s2+s29], $0x10, s23, s29, $0xb8;
	[tilespmem:$0x1F220] =	vst v63  }
.LBB2_14:
0x12c: {  	_ =	swait.ge [sflag:s14], $0x1900  }
0x12d: {  	[sflag:s14] =	ssyncset.done $0x0  }
0x12e: {  	[sflag:s14] =	ssyncadd.s32 $0xFFFFE700  }
0x12f: {  	_ =	swait.ge [sflag:s14], $0x500  }
0x130: {  	[sflag:s14] =	ssyncset.done $0x0  }
0x131: {  	[sflag:s14] =	ssyncadd.s32 $0xFFFFFB00  }
0x132: {  	_ =	swait.ge [sflag:s20], $0x1900  }
0x133: {  	[sflag:s20] =	ssyncset.done $0x0  }
0x134: {  	s6 =	simm.s32 $0x0;
	[sflag:s20] =	ssyncadd.s32 $0xFFFFE700  }
0x135: {  	s7 =	simm.s32 $0x4E20;
	s8 =	simm.s32 $0x140;
	v1 =	vld [tilespmem:s6+$0x6220]  }
.LBB2_15:
0x136: {  	p0 =	sne.s32 s8, $0x62C0;
	v2 =	vld [tilespmem:s7+$0x0];
	_ =	sdelay $0x4  }
0x137: {  	v1 =	vadd.f32 v2, v1;
	_ =	sdelay $0x1  }
0x138: {  	v2 =	vmul.f32 $2.000000030e-01, v1;
	_ =	sdelay $0x1  }
0x139: {  	v1 =	vmax.f32 v1, v2  }
0x13a: {  	v1 =	vmul.f32 $1.442695020e+00, v1;
	_ =	sdelay $0x1  }
0x13b: {  	(erf) = vpow2.f32 v1;
	_ =	sdelay $0x2  }
0x13c: {  	v1 =	vld [tilespmem:s6+$0x6230]  }
0x13d: {  	v2 =	vld [tilespmem:s6+$0x6240]  }
0x13e: {  	v3 =	vld [tilespmem:s6+$0x6250]  }
0x13f: {  	v4 =	vld [tilespmem:s6+$0x6260];
	_ =	sdelay $0x2  }
0x140: {  	v5 =	vpop (erf)  }
0x141: {  	[tilespmem:s6+$0xC620] =	vst v5;
	v1 =	vmul.f32 v5, v1;
	v2 =	vmul.f32 v5, v2  }
.Ltmp7:
0x142: {  	v3 =	vmul.f32 v3, v5;
	v4 =	vmul.f32 v4, v5;
	(pc) =	sbr.rel @p0 .LBB2_15-.Ltmp7, $4  }
0x143: {  	[tilespmem:s6+$0xC630] =	vst v1  }
0x144: {  	[tilespmem:s6+$0xC640] =	vst v2  }
0x145: {  	s9 =	sshra.s32 s8, $0x2;
	[tilespmem:s6+$0xC650] =	vst v3  }
0x146: {  	s8 =	sadd.s32 $0x140, s8;
	s7 =	sadd.s32 $0x10, s7;
	v1 =	vld [tilespmem:s9+$0x6220];
	[tilespmem:s6+$0xC660] =	vst v4;
	s6 =	smov.u32 s9  }
0x147: {  	v2 =	vld [tilespmem:s7+$0x0];
	_ =	sdelay $0x4  }
0x148: {  	v1 =	vadd.f32 v2, v1;
	_ =	sdelay $0x1  }
0x149: {  	v2 =	vmul.f32 $2.000000030e-01, v1;
	_ =	sdelay $0x1  }
0x14a: {  	v1 =	vmax.f32 v1, v2  }
0x14b: {  	v1 =	vmul.f32 $1.442695020e+00, v1;
	_ =	sdelay $0x1  }
0x14c: {  	(erf) = vpow2.f32 v1;
	_ =	sdelay $0x4  }
0x14d: {  	v1 =	vld [tilespmem:s6+$0x6230]  }
0x14e: {  	v2 =	vld [tilespmem:s6+$0x6240]  }
0x14f: {  	v3 =	vld [tilespmem:s6+$0x6250]  }
0x150: {  	v4 =	vld [tilespmem:s6+$0x6260]  }
0x151: {  	v5 =	vpop (erf)  }
0x152: {  	v1 =	vmul.f32 v5, v1  }
0x153: {  	[tilespmem:s6+$0xC620] =	vst v5;
	v2 =	vmul.f32 v5, v2  }
0x154: {  	v3 =	vmul.f32 v3, v5;
	[tilespmem:s6+$0xC630] =	vst v1  }
0x155: {  	v1 =	vmul.f32 v4, v5;
	[tilespmem:s6+$0xC640] =	vst v2  }
0x156: {  	[tilespmem:s6+$0xC650] =	vst v3  }
0x157: {  	s8 =	simm.s32 $0x4DD0;
	[tilespmem:s6+$0xC660] =	vst v1  }
0x158: {  	[spmem:s3] =	stream.indirect.scatter.add.f32 [tilespmem:s25], [sflag:$0x5], $0x50, s8, s29, $0xb8;
	[tilespmem:$0x1F220] =	vst v63  }
0x159: {  	_ =	swait.ge [sflag:s20], $0x1900  }
0x15a: {  	[sflag:s20] =	ssyncset.done $0x0  }
0x15b: {  	s9 =	simm.s32 $0x6;
	[sflag:s20] =	ssyncadd.s32 $0xFFFFE700  }
0x15c: {  	_ =	swait.ge [sflag:s9], $0x1900  }
0x15d: {  	[sflag:s9] =	ssyncset.done $0x0  }
0x15e: {  	s21 =	simm.s32 $0x7;
	[sflag:s9] =	ssyncadd.s32 $0xFFFFE700  }
0x15f: {  	_ =	swait.ge [sflag:s21], $0x1900  }
0x160: {  	[sflag:s21] =	ssyncset.done $0x0  }
0x161: {  	s22 =	simm.s32 $0x8;
	[sflag:s21] =	ssyncadd.s32 $0xFFFFE700  }
0x162: {  	_ =	swait.ge [sflag:s22], $0x1900  }
0x163: {  	[sflag:s22] =	ssyncset.done $0x0  }
0x164: {  	[sflag:s22] =	ssyncadd.s32 $0xFFFFE700  }
0x165: {  	[bflag:$0x0] =	sbarrier.arrive $0xFFFF  }
0x166: {  	[tilespmem:s25], [sflag:$0x9] =	stream.linear.gather [spmem:s10], $0x1900, $0x38;
	[tilespmem:$0x1F220] =	vst v63  }
0x167: {  	_ =	swait.ge [sflag:s26], $0x1900  }
0x168: {  	[sflag:s26] =	ssyncset.done $0x0  }
0x169: {  	s23 =	rddreg [dreg:$0xa];
	[sflag:s26] =	ssyncadd.s32 $0xFFFFE700  }
0x16a: {  	[hbm4b:s23+s4] =	stream.linear.scatter [tilespmem:s25], [sflag:$0x9], $0x1900, $0x38;
	[tilespmem:$0x1F220] =	vst v63  }
0x16b: {  	_ =	swait.ge [sflag:s26], $0x1900  }
0x16c: {  	[sflag:s26] =	ssyncset.done $0x0  }
0x16d: {  	[sflag:s26] =	ssyncadd.s32 $0xFFFFE700  }
0x16e: {  	[tilespmem:s25], [sflag:$0x9] =	stream.linear.gather [spmem:s11], $0x1900, $0x38;
	[tilespmem:$0x1F220] =	vst v63  }
0x16f: {  	_ =	swait.ge [sflag:s26], $0x1900  }
0x170: {  	[sflag:s26] =	ssyncset.done $0x0  }
0x171: {  	s7 =	rddreg [dreg:$0xb];
	[sflag:s26] =	ssyncadd.s32 $0xFFFFE700  }
0x172: {  	[hbm4b:s7+s4] =	stream.linear.scatter [tilespmem:s25], [sflag:$0x9], $0x1900, $0x38;
	[tilespmem:$0x1F220] =	vst v63  }
0x173: {  	_ =	swait.ge [sflag:s26], $0x1900  }
0x174: {  	[sflag:s26] =	ssyncset.done $0x0  }
0x175: {  	[sflag:s26] =	ssyncadd.s32 $0xFFFFE700  }
0x176: {  	[tilespmem:s25], [sflag:$0x9] =	stream.linear.gather [spmem:s12], $0x1900, $0x38;
	[tilespmem:$0x1F220] =	vst v63  }
0x177: {  	_ =	swait.ge [sflag:s26], $0x1900  }
0x178: {  	[sflag:s26] =	ssyncset.done $0x0  }
0x179: {  	s8 =	rddreg [dreg:$0xc];
	[sflag:s26] =	ssyncadd.s32 $0xFFFFE700  }
0x17a: {  	[hbm4b:s8+s4] =	stream.linear.scatter [tilespmem:s25], [sflag:$0x9], $0x1900, $0x38;
	[tilespmem:$0x1F220] =	vst v63  }
0x17b: {  	_ =	swait.ge [sflag:s26], $0x1900  }
0x17c: {  	[sflag:s26] =	ssyncset.done $0x0  }
0x17d: {  	s9 =	smov.u32 s10;
	s10 =	rddreg [dreg:$0x4];
	[sflag:s26] =	ssyncadd.s32 $0xFFFFE700  }
0x17e: {  	[tilespmem:s25], [sflag:$0x9] =	stream.linear.gather [spmem:s10], $0x1900, $0x38;
	[tilespmem:$0x1F220] =	vst v63  }
0x17f: {  	_ =	swait.ge [sflag:s26], $0x1900  }
0x180: {  	[sflag:s26] =	ssyncset.done $0x0  }
0x181: {  	s21 =	smov.u32 s11;
	s11 =	rddreg [dreg:$0xd];
	[sflag:s26] =	ssyncadd.s32 $0xFFFFE700  }
0x182: {  	[hbm4b:s11+s4] =	stream.linear.scatter [tilespmem:s25], [sflag:$0x9], $0x1900, $0x38;
	[tilespmem:$0x1F220] =	vst v63  }
0x183: {  	_ =	swait.ge [sflag:s26], $0x1900  }
0x184: {  	[sflag:s26] =	ssyncset.done $0x0  }
0x185: {  	s22 =	smov.u32 s12;
	s12 =	rddreg [dreg:$0x5];
	[sflag:s26] =	ssyncadd.s32 $0xFFFFE700  }
0x186: {  	[tilespmem:s25], [sflag:$0x9] =	stream.linear.gather [spmem:s12], $0x1900, $0x38;
	[tilespmem:$0x1F220] =	vst v63  }
0x187: {  	_ =	swait.ge [sflag:s26], $0x1900  }
0x188: {  	[sflag:s26] =	ssyncset.done $0x0  }
0x189: {  	s23 =	rddreg [dreg:$0xe];
	[sflag:s26] =	ssyncadd.s32 $0xFFFFE700  }
0x18a: {  	[hbm4b:s23+s4] =	stream.linear.scatter [tilespmem:s25], [sflag:$0x9], $0x1900, $0x38;
	[tilespmem:$0x1F220] =	vst v63  }
0x18b: {  	_ =	swait.ge [sflag:s26], $0x1900  }
0x18c: {  	[sflag:s26] =	ssyncset.done $0x0  }
0x18d: {  	s7 =	rddreg [dreg:$0x6];
	[sflag:s26] =	ssyncadd.s32 $0xFFFFE700  }
0x18e: {  	[tilespmem:s25], [sflag:$0x9] =	stream.linear.gather [spmem:s7], $0x1900, $0x38;
	[tilespmem:$0x1F220] =	vst v63  }
0x18f: {  	_ =	swait.ge [sflag:s26], $0x1900  }
0x190: {  	[sflag:s26] =	ssyncset.done $0x0  }
0x191: {  	s8 =	rddreg [dreg:$0xf];
	[sflag:s26] =	ssyncadd.s32 $0xFFFFE700  }
0x192: {  	[hbm4b:s8+s4] =	stream.linear.scatter [tilespmem:s25], [sflag:$0x9], $0x1900, $0x38;
	[tilespmem:$0x1F220] =	vst v63  }
0x193: {  	_ =	swait.ge [sflag:s26], $0x1900  }
0x194: {  	[sflag:s26] =	ssyncset.done $0x0  }
0x195: {  	s10 =	rddreg [dreg:$0x7];
	[sflag:s26] =	ssyncadd.s32 $0xFFFFE700  }
0x196: {  	[tilespmem:s25], [sflag:$0x9] =	stream.linear.gather [spmem:s10], $0x1900, $0x38;
	[tilespmem:$0x1F220] =	vst v63  }
0x197: {  	_ =	swait.ge [sflag:s26], $0x1900  }
0x198: {  	[sflag:s26] =	ssyncset.done $0x0  }
0x199: {  	s11 =	rddreg [dreg:$0x10];
	[sflag:s26] =	ssyncadd.s32 $0xFFFFE700  }
0x19a: {  	[hbm4b:s11+s4] =	stream.linear.scatter [tilespmem:s25], [sflag:$0x9], $0x1900, $0x38;
	[tilespmem:$0x1F220] =	vst v63  }
0x19b: {  	_ =	swait.ge [sflag:s26], $0x1900  }
0x19c: {  	[sflag:s26] =	ssyncset.done $0x0  }
0x19d: {  	[sflag:s26] =	ssyncadd.s32 $0xFFFFE700  }
0x19e: {  	[tilespmem:s25], [sflag:$0x9] =	stream.linear.gather [spmem:s13], $0x1900, $0x38;
	[tilespmem:$0x1F220] =	vst v63  }
0x19f: {  	_ =	swait.ge [sflag:s26], $0x1900  }
0x1a0: {  	[sflag:s26] =	ssyncset.done $0x0  }
0x1a1: {  	s12 =	rddreg [dreg:$0x11];
	[sflag:s26] =	ssyncadd.s32 $0xFFFFE700  }
0x1a2: {  	[hbm4b:s12+s4] =	stream.linear.scatter [tilespmem:s25], [sflag:$0x9], $0x1900, $0x38;
	[tilespmem:$0x1F220] =	vst v63  }
0x1a3: {  	_ =	swait.ge [sflag:s26], $0x1900  }
0x1a4: {  	s24 =	sadd.s32 $0x1, s24;
	s23 =	rddreg [dreg:$0x12]  }
0x1a5: {  	p0 =	sne.s32 s24, s23  }
.Ltmp8:
0x1a6: {  	_ = 	snop;
	(pc) =	sbr.rel @p0 .LBB2_1-.Ltmp8, $3  }
0x1a7: {  	_ =	sdelay $0x1  }
0x1a8: {  	[sflag:s26] =	ssyncset.done $0x0  }
0x1a9: {  	[sflag:s26] =	ssyncadd.s32 $0xFFFFE700  }
0x1aa: {  	_ =	sfence.sel $0x180000  }
0x1ab: {  	[bflag:$0x0] =	sbarrier.arrive $0xFFFF  }
0x1ac: {  	_ =	strace $0x90000047  }
0x1ad: {  	s0 =	stileid.u32;
	[bflag:$0x2] =	sbarrier.arrive $0xFFFF  }
0x1ae: {  	p0 =	sne.s32 s0, $0x0;
	s0 =	rddreg [dreg:$0x3]  }
0x1af: {  	s0 =	sadd.s32 @!p0 $0x100000, s0  }
0x1b0: {  	[sflag:s0] =	ssyncadd.tile.s32 @!p0 $0x1;
	_ =	shalt  }
.Lfunc_end2:
_tile_overlayer_lowered:
.L_overlay_start_2:
0x1b1: {  	(tag) =	ssettag $0x2  }
0x1b2: {  	s0 =	rddreg [dreg:$0x0];
	s2 =	stileid.u32  }
0x1b3: {  	s1 =	rddreg [dreg:$0x1];
	p0 =	sne.s32 s2, $0x0  }
0x1b4: {  	s3 =	rddreg [dreg:$0x2];
	[bflag:$0x3] =	sbarrier.arrive $0xFFFF;
	s2 =	simm.s32 @!p0 $0x1C09  }
0x1b5: {  	[timem:s3], [sflag:s2] =	dma.local @!p0 [hbm:s0], s1  }
0x1b6: {  	s0 =	simm.s32 @!p0 $0x9  }
0x1b7: {  	_ =	swait.ge @!p0 [sflag:s0], s1  }
0x1b8: {  	s1 =	ssub.s32 @!p0 $0x0, s1;
	[sflag:s0] =	ssyncset.done @!p0 $0x0  }
0x1b9: {  	[sflag:s0] =	ssyncadd.s32 @!p0 s1  }
0x1ba: {  	[bflag:$0x3] =	sbarrier.arrive $0xFFFF  }
0x1bb: {  	_ =	shalt  }

</sc_bundles>
